<compile_context>
chip_gen: v7x
topology: tpu7x:2x2x1
jax: 0.10.2.dev20260603
libtpu: 0.0.44.dev20260713+nightly
codegen_flags: <defaults>
</compile_context>

<pallas_src>
import functools

import jax
import jax.numpy as jnp
from jax import lax
from jax.experimental import pallas as pl
from jax.experimental.pallas import tpu as pltpu
from jax.experimental.pallas import tpu_sc as plsc

NC = 2
NS = 16
K = 128


def _sc_mesh():
    return plsc.VectorSubcoreMesh(core_axis_name="c", subcore_axis_name="s")


def _make_deg_kernel(npad, epad, nbatch, wd):
    rpt = npad // NS
    ept = epad // NS

    @functools.partial(
        pl.kernel,
        out_type=jax.ShapeDtypeStruct((NC, npad, wd), jnp.float32),
        mesh=_sc_mesh(),
        scratch_types=[
            pltpu.VMEM_SHARED((npad, wd), jnp.float32),
            pltpu.VMEM((nbatch, K), jnp.int32),
            pltpu.VMEM((K, wd), jnp.float32),
            pltpu.SemaphoreType.DMA,
        ],
    )
    def deg_kernel(dst_hbm, zeros_hbm, ones_hbm, out_hbm,
                   acc, dstb, ones_v, sem):
        c = lax.axis_index("c")
        s = lax.axis_index("s")

        pltpu.sync_copy(zeros_hbm.at[pl.ds(s * rpt, rpt)],
                        acc.at[pl.ds(s * rpt, rpt)])
        pltpu.sync_copy(ones_hbm, ones_v)
        pltpu.sync_copy(dst_hbm.at[c, s], dstb)
        plsc.subcore_barrier()

        grp = 8

        @pl.loop(0, nbatch, step=grp)
        def _(i):
            for b in range(grp):
                @pl.when(i + b < nbatch)
                def _():
                    pltpu.async_copy(ones_v, acc.at[dstb.at[i + b]], sem,
                                     add=True)
            for b in range(grp):
                @pl.when(i + b < nbatch)
                def _():
                    pltpu.make_async_copy(ones_v, acc.at[dstb.at[i + b]],
                                          sem).wait()

        plsc.subcore_barrier()
        pltpu.sync_copy(acc.at[pl.ds(s * rpt, rpt)],
                        out_hbm.at[c].at[pl.ds(s * rpt, rpt)])

    return deg_kernel


def _make_edge_kernel(npad, epad, nbatch, d):
    rpt = npad // NS
    nrow = 2
    nidx = 4

    @functools.partial(
        pl.kernel,
        out_type=jax.ShapeDtypeStruct((NC * npad, d), jnp.float32),
        mesh=_sc_mesh(),
        scratch_types=[pltpu.VMEM_SHARED((npad, d), jnp.float32)]
        + [pltpu.VMEM((K,), jnp.int32)] * (2 * nidx)
        + [pltpu.VMEM((K, d), jnp.float32)] * nrow
        + [pltpu.SemaphoreType.DMA] * (nidx + 2 * nrow),
    )
    def edge_kernel(hp_hbm, src_hbm, dst_hbm, out_hbm, acc, *scr):
        srci = scr[:nidx]
        dsti = scr[nidx:2 * nidx]
        rows = scr[2 * nidx:2 * nidx + nrow]
        sem_i = scr[2 * nidx + nrow:2 * nidx + nrow + nidx]
        sem_g = scr[2 * nidx + nrow + nidx:2 * nidx + nrow + nidx + nrow]
        sem_s = scr[2 * nidx + nrow + nidx + nrow:]
        c = lax.axis_index("c")
        s = lax.axis_index("s")

        pltpu.sync_copy(hp_hbm.at[pl.ds(c * npad + s * rpt, rpt)],
                        acc.at[pl.ds(s * rpt, rpt)])

        srcc = src_hbm.at[c, s]
        dstc = dst_hbm.at[c, s]

        def load_idx(j, isl):
            pltpu.async_copy(srcc.at[j], srci[isl], sem_i[isl])
            pltpu.async_copy(dstc.at[j], dsti[isl], sem_i[isl])

        def wait_idx(j, isl):
            pltpu.make_async_copy(srcc.at[j], srci[isl], sem_i[isl]).wait()
            pltpu.make_async_copy(dstc.at[j], dsti[isl], sem_i[isl]).wait()

        def gather(isl, rb):
            pltpu.async_copy(hp_hbm.at[srci[isl]], rows[rb], sem_g[rb])

        def wait_gather(isl, rb):
            pltpu.make_async_copy(hp_hbm.at[srci[isl]], rows[rb],
                                  sem_g[rb]).wait()

        def scatter(isl, rb):
            pltpu.async_copy(rows[rb], acc.at[dsti[isl]], sem_s[rb],
                             add=True)

        def wait_scatter(isl, rb):
            pltpu.make_async_copy(rows[rb], acc.at[dsti[isl]],
                                  sem_s[rb]).wait()

        for j in range(min(3, nbatch)):
            load_idx(j, j)
        plsc.subcore_barrier()
        wait_idx(0, 0)
        gather(0, 0)

        @pl.loop(0, nbatch, step=nidx)
        def _(i):
            for b in range(nidx):
                j = i + b

                @pl.when(j < nbatch)
                def _():
                    @pl.when(j + 1 < nbatch)
                    def _():
                        wait_idx(j + 1, (b + 1) % nidx)

                        @pl.when(j >= 1)
                        def _():
                            wait_scatter((b + 3) % nidx, (b + 1) % nrow)

                        gather((b + 1) % nidx, (b + 1) % nrow)

                    @pl.when(j + 3 < nbatch)
                    def _():
                        load_idx(j + 3, (b + 3) % nidx)

                    wait_gather(b, b % nrow)
                    scatter(b, b % nrow)

        for j in (nbatch - 2, nbatch - 1):
            if j >= 0:
                wait_scatter(j % nidx, j % nrow)
        plsc.subcore_barrier()
        pltpu.sync_copy(acc.at[pl.ds(s * rpt, rpt)],
                        out_hbm.at[pl.ds(c * npad + s * rpt, rpt)])

    return edge_kernel


def _h0_tc(x_blk, w0_blk, h0_ref):
    for b in range(2):
        h0_ref[b] = jnp.dot(x_blk[b], w0_blk[b],
                            preferred_element_type=jnp.float32)


def _scale_tc(h0_blk, deg_blk, dinvb_ref, hp_ref, *, bn, n):
    i = pl.program_id(0)
    rows = lax.broadcasted_iota(jnp.int32, (bn, 1), 0) + i * bn
    valid = (rows < n).astype(jnp.float32)
    for b in range(2):
        deg = deg_blk[b, :, 0:1] + 1.0
        dinv = valid * lax.rsqrt(deg)
        dinvb = jnp.broadcast_to(dinv, (bn, h0_blk.shape[2]))
        dinvb_ref[b] = dinvb
        hp_ref[b] = h0_blk[b] * dinvb


def _layer_tc(x_blk, acc_blk, dinvb_blk, b_blk, g_blk, be_blk, wn_blk,
              xn_ref, hp_ref):
    for b in range(2):
        c = acc_blk[b] * dinvb_blk[b] + b_blk[b][None, :]
        mu = jnp.mean(c, axis=-1, keepdims=True)
        var = jnp.mean((c - mu) ** 2, axis=-1, keepdims=True)
        cn = (c - mu) * lax.rsqrt(var + 1e-5) * g_blk[b][None, :] \
            + be_blk[b][None, :]
        xn = x_blk[b] + jnp.maximum(cn, 0.0)
        xn_ref[b] = xn
        hp_ref[b] = jnp.dot(xn, wn_blk[b],
                            preferred_element_type=jnp.float32) * dinvb_blk[b]


def _final_tc(x_blk, acc_blk, dinvb_blk, b_blk, g_blk, be_blk, wc_blk,
              bc_blk, out_ref):
    xs = []
    for b in range(2):
        c = acc_blk[b] * dinvb_blk[b] + b_blk[b][None, :]
        mu = jnp.mean(c, axis=-1, keepdims=True)
        var = jnp.mean((c - mu) ** 2, axis=-1, keepdims=True)
        cn = (c - mu) * lax.rsqrt(var + 1e-5) * g_blk[b][None, :] \
            + be_blk[b][None, :]
        xs.append(x_blk[b] + jnp.maximum(cn, 0.0))
    out = jnp.dot(xs[0], wc_blk[0], preferred_element_type=jnp.float32)
    out = out + jnp.dot(xs[1], wc_blk[1], preferred_element_type=jnp.float32)
    out_ref[...] = out + bc_blk[0][None, :]


def kernel(x_renormalized, edge_index_renormalized, x_vanilla,
           edge_index_vanilla, W_r, b_r, g_r, be_r, W_v, b_v, g_v, be_v,
           Wc, bc):
    n, d = x_renormalized.shape
    e = edge_index_renormalized.shape[1]
    nlayers = W_r.shape[0]
    nclass = Wc.shape[1]

    bn = 640
    npad = -(-n // bn) * bn
    nb = npad // bn
    epad = -(-e // (NS * K)) * (NS * K)
    nbatch = epad // (NS * K)

    f32 = jnp.float32

    def pad_edges(ei):
        src = jnp.pad(ei[0], (0, epad - e), constant_values=n)
        dst = jnp.pad(ei[1], (0, epad - e), constant_values=n)
        return src, dst

    src_r, dst_r = pad_edges(edge_index_renormalized)
    src_v, dst_v = pad_edges(edge_index_vanilla)
    src2 = jnp.stack([src_r, src_v + npad]).reshape(NC, NS, nbatch, K)
    dst2 = jnp.stack([dst_r, dst_v]).reshape(NC, NS, nbatch, K)

    x2 = jnp.stack([
        jnp.pad(x_renormalized, ((0, npad - n), (0, 0))),
        jnp.pad(x_vanilla, ((0, npad - n), (0, 0))),
    ])
    Ws = jnp.stack([W_r, W_v])
    bs = jnp.stack([b_r, b_v])
    gs = jnp.stack([g_r, g_v])
    bes = jnp.stack([be_r, be_v])
    Wc2 = jnp.stack([Wc[:d], Wc[d:]])
    bc2 = bc[None, :]

    deg_kernel = _make_deg_kernel(npad, epad, nbatch, d)
    edge_kernel = _make_edge_kernel(npad, epad, nbatch, d)

    full2 = pl.BlockSpec((2, bn, d), lambda i: (0, i, 0))
    wfull = pl.BlockSpec((2, d, d), lambda i: (0, 0, 0))
    vec2 = pl.BlockSpec((2, d), lambda i: (0, 0))

    deg16 = deg_kernel(dst2, jnp.zeros((npad, d), f32),
                       jnp.ones((K, d), f32))

    h0 = pl.pallas_call(
        _h0_tc,
        grid=(nb,),
        in_specs=[full2, wfull],
        out_specs=full2,
        out_shape=jax.ShapeDtypeStruct((2, npad, d), f32),
    )(x2, Ws[:, 0])

    dinvb, hp = pl.pallas_call(
        functools.partial(_scale_tc, bn=bn, n=n),
        grid=(nb,),
        in_specs=[full2, full2],
        out_specs=[full2, full2],
        out_shape=[jax.ShapeDtypeStruct((2, npad, d), f32),
                   jax.ShapeDtypeStruct((2, npad, d), f32)],
    )(h0, deg16)

    for l in range(nlayers):
        acc = edge_kernel(hp.reshape(2 * npad, d), src2, dst2)
        acc = acc.reshape(2, npad, d)
        if l + 1 < nlayers:
            x2, hp = pl.pallas_call(
                _layer_tc,
                grid=(nb,),
                in_specs=[full2, full2, full2, vec2, vec2, vec2, wfull],
                out_specs=[full2, full2],
                out_shape=[jax.ShapeDtypeStruct((2, npad, d), f32),
                           jax.ShapeDtypeStruct((2, npad, d), f32)],
            )(x2, acc, dinvb, bs[:, l], gs[:, l], bes[:, l], Ws[:, l + 1])
        else:
            out = pl.pallas_call(
                _final_tc,
                grid=(nb,),
                in_specs=[full2, full2, full2, vec2, vec2, vec2,
                          pl.BlockSpec((2, d, nclass), lambda i: (0, 0, 0)),
                          pl.BlockSpec((1, nclass), lambda i: (0, 0))],
                out_specs=pl.BlockSpec((bn, nclass), lambda i: (i, 0)),
                out_shape=jax.ShapeDtypeStruct((npad, nclass), f32),
            )(x2, acc, dinvb, bs[:, l], gs[:, l], bes[:, l], Wc2, bc2)

    return out[:n]

# --- scband reference (transcript-rebuilt; emitter-appended) ---
"""Pipeline reference for scband-dual-graph-model-2241972928706 (READ-ONLY COPY).

The authoritative reference and input builder live on the scoring server;
editing this copy changes nothing except your own understanding.
"""

import jax, jax.numpy as jnp
import numpy as np

N = 10000
E = 320000
D = 128
L = 3
C = 10

def _gcn(x, src, dst, W, b):
    si = jnp.concatenate([src, jnp.arange(N, dtype=src.dtype)])
    di = jnp.concatenate([dst, jnp.arange(N, dtype=dst.dtype)])
    deg = jnp.zeros((N,), x.dtype).at[di].add(1.0)
    dinv = jnp.where(deg > 0, jax.lax.rsqrt(deg), 0.0)
    norm = dinv[si] * dinv[di]
    h = x @ W
    msg = h[si] * norm[:, None]
    out = jnp.zeros((N, h.shape[1]), x.dtype).at[di].add(msg)
    return out + b

def _ln(x, g, b):
    mu = jnp.mean(x, axis=-1, keepdims=True)
    var = jnp.var(x, axis=-1, keepdims=True)
    return (x - mu) * jax.lax.rsqrt(var + 1e-5) * g + b

def _branch(x, ei, Ws, bs, gs, bes):
    src, dst = ei[0], ei[1]
    for l in range(L):
        c = _gcn(x, src, dst, Ws[l], bs[l])
        c = _ln(c, gs[l], bes[l])
        x = x + jax.nn.relu(c)
    return x

def setup_inputs(seed: int = 0):
    key = jax.random.key(seed)
    ks = jax.random.split(key, 16)
    s = 1.0 / np.sqrt(D)
    return {
        "x_renormalized": jax.random.normal(ks[0], (N, D), dtype=jnp.float32),
        "edge_index_renormalized": jax.random.randint(ks[1], (2, E), 0, N, dtype=jnp.int32),
        "x_vanilla": jax.random.normal(ks[2], (N, D), dtype=jnp.float32),
        "edge_index_vanilla": jax.random.randint(ks[3], (2, E), 0, N, dtype=jnp.int32),
        "W_r": jax.random.normal(ks[4], (L, D, D), dtype=jnp.float32) * s,
        "b_r": jnp.zeros((L, D), dtype=jnp.float32),
        "g_r": jnp.ones((L, D), dtype=jnp.float32),
        "be_r": jnp.zeros((L, D), dtype=jnp.float32),
        "W_v": jax.random.normal(ks[5], (L, D, D), dtype=jnp.float32) * s,
        "b_v": jnp.zeros((L, D), dtype=jnp.float32),
        "g_v": jnp.ones((L, D), dtype=jnp.float32),
        "be_v": jnp.zeros((L, D), dtype=jnp.float32),
        "Wc": jax.random.normal(ks[6], (2 * D, C), dtype=jnp.float32) * (1.0 / np.sqrt(2 * D)),
        "bc": jnp.zeros((C,), dtype=jnp.float32),
    }

def reference(x_renormalized, edge_index_renormalized, x_vanilla, edge_index_vanilla, W_r, b_r, g_r, be_r, W_v, b_v, g_v, be_v, Wc, bc):
    xr = _branch(x_renormalized, edge_index_renormalized, W_r, b_r, g_r, be_r)
    xv = _branch(x_vanilla, edge_index_vanilla, W_v, b_v, g_v, be_v)
    x = jnp.concatenate([xr, xv], axis=-1)
    return x @ Wc + bc

if __name__ == "__main__":
    import jax
    _d = setup_inputs()
    print(jax.jit(kernel)(*tuple(_d.values())))

</pallas_src>

<mosaic_0001>
#map = affine_map<(d0, d1) -> (0, 0, 0, 0)>
#map1 = affine_map<(d0, d1) -> (0, 0)>
#map2 = affine_map<(d0, d1) -> (0, 0, 0)>
module attributes {stable_mosaic.version = 14 : i64} {
  func.func @deg_kernel(%arg0: i32, %arg1: i32, %arg2: memref<2x16x157x128xi32, #tpu.memory_space<hbm>>, %arg3: memref<10240x128xf32, #tpu.memory_space<hbm>>, %arg4: memref<128x128xf32, #tpu.memory_space<hbm>>, %arg5: memref<2x10240x128xf32, #tpu.memory_space<hbm>>, %arg6: memref<10240x128xf32, #tpu.memory_space<vmem_shared>>, %arg7: memref<157x128xi32, #tpu.memory_space<vmem>>, %arg8: memref<128x128xf32, #tpu.memory_space<vmem>>, %arg9: memref<!tpu.dma_semaphore, #tpu.memory_space<semaphore_mem>>) attributes {dimension_semantics = [#tpu.dimension_semantics<core_parallel>, #tpu.dimension_semantics<subcore_parallel>], iteration_bounds = array<i64: 2, 16>, scalar_prefetch = 0 : i64, scratch_operands = 4 : i64, tpu.core_type = #tpu.core_type<sc_vector_subcore>, window_params = [{transform_indices = #map}, {transform_indices = #map1}, {transform_indices = #map1}, {transform_indices = #map2}]} {
    %mul3A = arith.constant 640 : i32
    %mul3A_0 = arith.muli %arg1, %mul3A : i32
    %mul3A_1 = arith.constant 640 : i32
    %mul3A_2 = arith.muli %arg1, %mul3A_1 : i32
    "tpu.region"() ({
      %run_scoped3A = tpu.sem_alloc : memref<!tpu.dma_semaphore, #tpu.memory_space<semaphore_mem>>
      %dma_start3A = arith.constant 0 : i32
      %dma_start3A_12 = tpu.memref_slice %arg6[%mul3A_2, %dma_start3A] : memref<10240x128xf32, #tpu.memory_space<vmem_shared>> -> memref<640x128xf32, #tpu.memory_space<vmem_shared>>
      %dma_start3A_13 = arith.constant 0 : i32
      %dma_start3A_14 = tpu.memref_slice %arg3[%mul3A_0, %dma_start3A_13] : memref<10240x128xf32, #tpu.memory_space<hbm>> -> memref<640x128xf32, #tpu.memory_space<hbm>>
      tpu.enqueue_dma source(%dma_start3A_14 : memref<640x128xf32, #tpu.memory_space<hbm>>) target(%dma_start3A_12 : memref<640x128xf32, #tpu.memory_space<vmem_shared>>) target_semaphore(%run_scoped3A : memref<!tpu.dma_semaphore, #tpu.memory_space<semaphore_mem>>)
      %dma_wait3A = arith.constant 0 : i32
      %dma_wait3A_15 = tpu.memref_slice %arg6[%mul3A_2, %dma_wait3A] : memref<10240x128xf32, #tpu.memory_space<vmem_shared>> -> memref<640x128xf32, #tpu.memory_space<vmem_shared>>
      %dma_wait3A_16 = arith.constant 0 : i32
      %dma_wait3A_17 = tpu.memref_slice %arg3[%mul3A_0, %dma_wait3A_16] : memref<10240x128xf32, #tpu.memory_space<hbm>> -> memref<640x128xf32, #tpu.memory_space<hbm>>
      tpu.wait_dma2 semaphore(%run_scoped3A : memref<!tpu.dma_semaphore, #tpu.memory_space<semaphore_mem>>) src(%dma_wait3A_17 : memref<640x128xf32, #tpu.memory_space<hbm>>) dst(%dma_wait3A_15 : memref<640x128xf32, #tpu.memory_space<vmem_shared>>)
      tpu.yield
    }) : () -> ()
    "tpu.region"() ({
      %run_scoped3A = tpu.sem_alloc : memref<!tpu.dma_semaphore, #tpu.memory_space<semaphore_mem>>
      tpu.enqueue_dma source(%arg4 : memref<128x128xf32, #tpu.memory_space<hbm>>) target(%arg8 : memref<128x128xf32, #tpu.memory_space<vmem>>) target_semaphore(%run_scoped3A : memref<!tpu.dma_semaphore, #tpu.memory_space<semaphore_mem>>)
      tpu.wait_dma2 semaphore(%run_scoped3A : memref<!tpu.dma_semaphore, #tpu.memory_space<semaphore_mem>>) src(%arg4 : memref<128x128xf32, #tpu.memory_space<hbm>>) dst(%arg8 : memref<128x128xf32, #tpu.memory_space<vmem>>)
      tpu.yield
    }) : () -> ()
    "tpu.region"() ({
      %run_scoped3A = tpu.sem_alloc : memref<!tpu.dma_semaphore, #tpu.memory_space<semaphore_mem>>
      %dma_start3A = arith.constant 0 : i32
      %dma_start3A_12 = arith.constant 0 : i32
      %dma_start3A_13 = tpu.memref_slice %arg2[%arg0, %arg1, %dma_start3A, %dma_start3A_12] : memref<2x16x157x128xi32, #tpu.memory_space<hbm>> -> memref<1x1x157x128xi32, #tpu.memory_space<hbm>>
      %dma_start3A_14 = tpu.memref_squeeze %dma_start3A_13 : memref<1x1x157x128xi32, #tpu.memory_space<hbm>> -> memref<157x128xi32, #tpu.memory_space<hbm>>
      %dma_start3A_15 = arith.constant 0 : i32
      %dma_start3A_16 = arith.constant 0 : i32
      %dma_start3A_17 = tpu.memref_slice %arg2[%arg0, %arg1, %dma_start3A_15, %dma_start3A_16] : memref<2x16x157x128xi32, #tpu.memory_space<hbm>> -> memref<1x1x157x128xi32, #tpu.memory_space<hbm>>
      %dma_start3A_18 = tpu.memref_squeeze %dma_start3A_17 : memref<1x1x157x128xi32, #tpu.memory_space<hbm>> -> memref<157x128xi32, #tpu.memory_space<hbm>>
      tpu.enqueue_dma source(%dma_start3A_18 : memref<157x128xi32, #tpu.memory_space<hbm>>) target(%arg7 : memref<157x128xi32, #tpu.memory_space<vmem>>) target_semaphore(%run_scoped3A : memref<!tpu.dma_semaphore, #tpu.memory_space<semaphore_mem>>)
      %dma_wait3A = arith.constant 0 : i32
      %dma_wait3A_19 = arith.constant 0 : i32
      %dma_wait3A_20 = tpu.memref_slice %arg2[%arg0, %arg1, %dma_wait3A, %dma_wait3A_19] : memref<2x16x157x128xi32, #tpu.memory_space<hbm>> -> memref<1x1x157x128xi32, #tpu.memory_space<hbm>>
      %dma_wait3A_21 = tpu.memref_squeeze %dma_wait3A_20 : memref<1x1x157x128xi32, #tpu.memory_space<hbm>> -> memref<157x128xi32, #tpu.memory_space<hbm>>
      %dma_wait3A_22 = arith.constant 0 : i32
      %dma_wait3A_23 = arith.constant 0 : i32
      %dma_wait3A_24 = tpu.memref_slice %arg2[%arg0, %arg1, %dma_wait3A_22, %dma_wait3A_23] : memref<2x16x157x128xi32, #tpu.memory_space<hbm>> -> memref<1x1x157x128xi32, #tpu.memory_space<hbm>>
      %dma_wait3A_25 = tpu.memref_squeeze %dma_wait3A_24 : memref<1x1x157x128xi32, #tpu.memory_space<hbm>> -> memref<157x128xi32, #tpu.memory_space<hbm>>
      tpu.wait_dma2 semaphore(%run_scoped3A : memref<!tpu.dma_semaphore, #tpu.memory_space<semaphore_mem>>) src(%dma_wait3A_25 : memref<157x128xi32, #tpu.memory_space<hbm>>) dst(%arg7 : memref<157x128xi32, #tpu.memory_space<vmem>>)
      tpu.yield
    }) : () -> ()
    %barrier3A = arith.constant 0 : index
    tpu.barrier barrier_id(%barrier3A)
    %scan3A = arith.constant 0 : i32
    %scan3A_3 = arith.constant 20 : i32
    %scan3A_4 = arith.addi %scan3A, %scan3A_3 : i32
    %scan3A_5 = arith.constant 1 : i32
    scf.for %scan3A_12 = %scan3A to %scan3A_4 step %scan3A_5  : i32 {
      %mul3A_13 = arith.constant 8 : i32
      %mul3A_14 = arith.muli %scan3A_12, %mul3A_13 : i32
      %add3A = arith.constant 0 : i32
      %add3A_15 = arith.addi %add3A, %mul3A_14 : i32
      %add3A_16 = arith.constant 0 : i32
      %add3A_17 = arith.addi %add3A_15, %add3A_16 : i32
      %lt3A = arith.constant 157 : i32
      %lt3A_18 = arith.cmpi slt, %add3A_17, %lt3A : i32
      %convert_element_type3A = arith.extui %lt3A_18 : i1 to i32
      %cond3A = arith.constant 0 : i32
      %cond3A_19 = arith.cmpi ne, %convert_element_type3A, %cond3A : i32
      scf.if %cond3A_19 {
        %add3A_125 = arith.constant 0 : i32
        %add3A_126 = arith.addi %add3A_15, %add3A_125 : i32
        %dma_start3A = arith.constant 0 : i32
        %dma_start3A_127 = tpu.memref_slice %arg7[%add3A_126, %dma_start3A] : memref<157x128xi32, #tpu.memory_space<vmem>> -> memref<1x128xi32, #tpu.memory_space<vmem>>
        %dma_start3A_128 = tpu.memref_squeeze %dma_start3A_127 : memref<1x128xi32, #tpu.memory_space<vmem>> -> memref<128xi32, #tpu.memory_space<vmem>>
        %dma_start3A_129 = arith.constant 0 : i32
        %dma_start3A_130 = arith.constant 0 : i32
        %dma_start3A_131 = tpu.memref_slice %arg6[%dma_start3A_129, %dma_start3A_130] : memref<10240x128xf32, #tpu.memory_space<vmem_shared>> -> memref<10240x128xf32, #tpu.memory_space<vmem_shared>>
        tpu.enqueue_indirect_dma source(%arg8 : memref<128x128xf32, #tpu.memory_space<vmem>>) target(%dma_start3A_131 : memref<10240x128xf32, #tpu.memory_space<vmem_shared>>) offsets(%dma_start3A_128 : memref<128xi32, #tpu.memory_space<vmem>>) semaphore(%arg9 : memref<!tpu.dma_semaphore, #tpu.memory_space<semaphore_mem>>) {add = true}
      } else {
      }
      %add3A_20 = arith.constant 1 : i32
      %add3A_21 = arith.addi %add3A_15, %add3A_20 : i32
      %lt3A_22 = arith.constant 157 : i32
      %lt3A_23 = arith.cmpi slt, %add3A_21, %lt3A_22 : i32
      %convert_element_type3A_24 = arith.extui %lt3A_23 : i1 to i32
      %cond3A_25 = arith.constant 0 : i32
      %cond3A_26 = arith.cmpi ne, %convert_element_type3A_24, %cond3A_25 : i32
      scf.if %cond3A_26 {
        %add3A_125 = arith.constant 1 : i32
        %add3A_126 = arith.addi %add3A_15, %add3A_125 : i32
        %dma_start3A = arith.constant 0 : i32
        %dma_start3A_127 = tpu.memref_slice %arg7[%add3A_126, %dma_start3A] : memref<157x128xi32, #tpu.memory_space<vmem>> -> memref<1x128xi32, #tpu.memory_space<vmem>>
        %dma_start3A_128 = tpu.memref_squeeze %dma_start3A_127 : memref<1x128xi32, #tpu.memory_space<vmem>> -> memref<128xi32, #tpu.memory_space<vmem>>
        %dma_start3A_129 = arith.constant 0 : i32
        %dma_start3A_130 = arith.constant 0 : i32
        %dma_start3A_131 = tpu.memref_slice %arg6[%dma_start3A_129, %dma_start3A_130] : memref<10240x128xf32, #tpu.memory_space<vmem_shared>> -> memref<10240x128xf32, #tpu.memory_space<vmem_shared>>
        tpu.enqueue_indirect_dma source(%arg8 : memref<128x128xf32, #tpu.memory_space<vmem>>) target(%dma_start3A_131 : memref<10240x128xf32, #tpu.memory_space<vmem_shared>>) offsets(%dma_start3A_128 : memref<128xi32, #tpu.memory_space<vmem>>) semaphore(%arg9 : memref<!tpu.dma_semaphore, #tpu.memory_space<semaphore_mem>>) {add = true}
      } else {
      }
      %add3A_27 = arith.constant 2 : i32
      %add3A_28 = arith.addi %add3A_15, %add3A_27 : i32
      %lt3A_29 = arith.constant 157 : i32
      %lt3A_30 = arith.cmpi slt, %add3A_28, %lt3A_29 : i32
      %convert_element_type3A_31 = arith.extui %lt3A_30 : i1 to i32
      %cond3A_32 = arith.constant 0 : i32
      %cond3A_33 = arith.cmpi ne, %convert_element_type3A_31, %cond3A_32 : i32
      scf.if %cond3A_33 {
        %add3A_125 = arith.constant 2 : i32
        %add3A_126 = arith.addi %add3A_15, %add3A_125 : i32
        %dma_start3A = arith.constant 0 : i32
        %dma_start3A_127 = tpu.memref_slice %arg7[%add3A_126, %dma_start3A] : memref<157x128xi32, #tpu.memory_space<vmem>> -> memref<1x128xi32, #tpu.memory_space<vmem>>
        %dma_start3A_128 = tpu.memref_squeeze %dma_start3A_127 : memref<1x128xi32, #tpu.memory_space<vmem>> -> memref<128xi32, #tpu.memory_space<vmem>>
        %dma_start3A_129 = arith.constant 0 : i32
        %dma_start3A_130 = arith.constant 0 : i32
        %dma_start3A_131 = tpu.memref_slice %arg6[%dma_start3A_129, %dma_start3A_130] : memref<10240x128xf32, #tpu.memory_space<vmem_shared>> -> memref<10240x128xf32, #tpu.memory_space<vmem_shared>>
        tpu.enqueue_indirect_dma source(%arg8 : memref<128x128xf32, #tpu.memory_space<vmem>>) target(%dma_start3A_131 : memref<10240x128xf32, #tpu.memory_space<vmem_shared>>) offsets(%dma_start3A_128 : memref<128xi32, #tpu.memory_space<vmem>>) semaphore(%arg9 : memref<!tpu.dma_semaphore, #tpu.memory_space<semaphore_mem>>) {add = true}
      } else {
      }
      %add3A_34 = arith.constant 3 : i32
      %add3A_35 = arith.addi %add3A_15, %add3A_34 : i32
      %lt3A_36 = arith.constant 157 : i32
      %lt3A_37 = arith.cmpi slt, %add3A_35, %lt3A_36 : i32
      %convert_element_type3A_38 = arith.extui %lt3A_37 : i1 to i32
      %cond3A_39 = arith.constant 0 : i32
      %cond3A_40 = arith.cmpi ne, %convert_element_type3A_38, %cond3A_39 : i32
      scf.if %cond3A_40 {
        %add3A_125 = arith.constant 3 : i32
        %add3A_126 = arith.addi %add3A_15, %add3A_125 : i32
        %dma_start3A = arith.constant 0 : i32
        %dma_start3A_127 = tpu.memref_slice %arg7[%add3A_126, %dma_start3A] : memref<157x128xi32, #tpu.memory_space<vmem>> -> memref<1x128xi32, #tpu.memory_space<vmem>>
        %dma_start3A_128 = tpu.memref_squeeze %dma_start3A_127 : memref<1x128xi32, #tpu.memory_space<vmem>> -> memref<128xi32, #tpu.memory_space<vmem>>
        %dma_start3A_129 = arith.constant 0 : i32
        %dma_start3A_130 = arith.constant 0 : i32
        %dma_start3A_131 = tpu.memref_slice %arg6[%dma_start3A_129, %dma_start3A_130] : memref<10240x128xf32, #tpu.memory_space<vmem_shared>> -> memref<10240x128xf32, #tpu.memory_space<vmem_shared>>
        tpu.enqueue_indirect_dma source(%arg8 : memref<128x128xf32, #tpu.memory_space<vmem>>) target(%dma_start3A_131 : memref<10240x128xf32, #tpu.memory_space<vmem_shared>>) offsets(%dma_start3A_128 : memref<128xi32, #tpu.memory_space<vmem>>) semaphore(%arg9 : memref<!tpu.dma_semaphore, #tpu.memory_space<semaphore_mem>>) {add = true}
      } else {
      }
      %add3A_41 = arith.constant 4 : i32
      %add3A_42 = arith.addi %add3A_15, %add3A_41 : i32
      %lt3A_43 = arith.constant 157 : i32
      %lt3A_44 = arith.cmpi slt, %add3A_42, %lt3A_43 : i32
      %convert_element_type3A_45 = arith.extui %lt3A_44 : i1 to i32
      %cond3A_46 = arith.constant 0 : i32
      %cond3A_47 = arith.cmpi ne, %convert_element_type3A_45, %cond3A_46 : i32
      scf.if %cond3A_47 {
        %add3A_125 = arith.constant 4 : i32
        %add3A_126 = arith.addi %add3A_15, %add3A_125 : i32
        %dma_start3A = arith.constant 0 : i32
        %dma_start3A_127 = tpu.memref_slice %arg7[%add3A_126, %dma_start3A] : memref<157x128xi32, #tpu.memory_space<vmem>> -> memref<1x128xi32, #tpu.memory_space<vmem>>
        %dma_start3A_128 = tpu.memref_squeeze %dma_start3A_127 : memref<1x128xi32, #tpu.memory_space<vmem>> -> memref<128xi32, #tpu.memory_space<vmem>>
        %dma_start3A_129 = arith.constant 0 : i32
        %dma_start3A_130 = arith.constant 0 : i32
        %dma_start3A_131 = tpu.memref_slice %arg6[%dma_start3A_129, %dma_start3A_130] : memref<10240x128xf32, #tpu.memory_space<vmem_shared>> -> memref<10240x128xf32, #tpu.memory_space<vmem_shared>>
        tpu.enqueue_indirect_dma source(%arg8 : memref<128x128xf32, #tpu.memory_space<vmem>>) target(%dma_start3A_131 : memref<10240x128xf32, #tpu.memory_space<vmem_shared>>) offsets(%dma_start3A_128 : memref<128xi32, #tpu.memory_space<vmem>>) semaphore(%arg9 : memref<!tpu.dma_semaphore, #tpu.memory_space<semaphore_mem>>) {add = true}
      } else {
      }
      %add3A_48 = arith.constant 5 : i32
      %add3A_49 = arith.addi %add3A_15, %add3A_48 : i32
      %lt3A_50 = arith.constant 157 : i32
      %lt3A_51 = arith.cmpi slt, %add3A_49, %lt3A_50 : i32
      %convert_element_type3A_52 = arith.extui %lt3A_51 : i1 to i32
      %cond3A_53 = arith.constant 0 : i32
      %cond3A_54 = arith.cmpi ne, %convert_element_type3A_52, %cond3A_53 : i32
      scf.if %cond3A_54 {
        %add3A_125 = arith.constant 5 : i32
        %add3A_126 = arith.addi %add3A_15, %add3A_125 : i32
        %dma_start3A = arith.constant 0 : i32
        %dma_start3A_127 = tpu.memref_slice %arg7[%add3A_126, %dma_start3A] : memref<157x128xi32, #tpu.memory_space<vmem>> -> memref<1x128xi32, #tpu.memory_space<vmem>>
        %dma_start3A_128 = tpu.memref_squeeze %dma_start3A_127 : memref<1x128xi32, #tpu.memory_space<vmem>> -> memref<128xi32, #tpu.memory_space<vmem>>
        %dma_start3A_129 = arith.constant 0 : i32
        %dma_start3A_130 = arith.constant 0 : i32
        %dma_start3A_131 = tpu.memref_slice %arg6[%dma_start3A_129, %dma_start3A_130] : memref<10240x128xf32, #tpu.memory_space<vmem_shared>> -> memref<10240x128xf32, #tpu.memory_space<vmem_shared>>
        tpu.enqueue_indirect_dma source(%arg8 : memref<128x128xf32, #tpu.memory_space<vmem>>) target(%dma_start3A_131 : memref<10240x128xf32, #tpu.memory_space<vmem_shared>>) offsets(%dma_start3A_128 : memref<128xi32, #tpu.memory_space<vmem>>) semaphore(%arg9 : memref<!tpu.dma_semaphore, #tpu.memory_space<semaphore_mem>>) {add = true}
      } else {
      }
      %add3A_55 = arith.constant 6 : i32
      %add3A_56 = arith.addi %add3A_15, %add3A_55 : i32
      %lt3A_57 = arith.constant 157 : i32
      %lt3A_58 = arith.cmpi slt, %add3A_56, %lt3A_57 : i32
      %convert_element_type3A_59 = arith.extui %lt3A_58 : i1 to i32
      %cond3A_60 = arith.constant 0 : i32
      %cond3A_61 = arith.cmpi ne, %convert_element_type3A_59, %cond3A_60 : i32
      scf.if %cond3A_61 {
        %add3A_125 = arith.constant 6 : i32
        %add3A_126 = arith.addi %add3A_15, %add3A_125 : i32
        %dma_start3A = arith.constant 0 : i32
        %dma_start3A_127 = tpu.memref_slice %arg7[%add3A_126, %dma_start3A] : memref<157x128xi32, #tpu.memory_space<vmem>> -> memref<1x128xi32, #tpu.memory_space<vmem>>
        %dma_start3A_128 = tpu.memref_squeeze %dma_start3A_127 : memref<1x128xi32, #tpu.memory_space<vmem>> -> memref<128xi32, #tpu.memory_space<vmem>>
        %dma_start3A_129 = arith.constant 0 : i32
        %dma_start3A_130 = arith.constant 0 : i32
        %dma_start3A_131 = tpu.memref_slice %arg6[%dma_start3A_129, %dma_start3A_130] : memref<10240x128xf32, #tpu.memory_space<vmem_shared>> -> memref<10240x128xf32, #tpu.memory_space<vmem_shared>>
        tpu.enqueue_indirect_dma source(%arg8 : memref<128x128xf32, #tpu.memory_space<vmem>>) target(%dma_start3A_131 : memref<10240x128xf32, #tpu.memory_space<vmem_shared>>) offsets(%dma_start3A_128 : memref<128xi32, #tpu.memory_space<vmem>>) semaphore(%arg9 : memref<!tpu.dma_semaphore, #tpu.memory_space<semaphore_mem>>) {add = true}
      } else {
      }
      %add3A_62 = arith.constant 7 : i32
      %add3A_63 = arith.addi %add3A_15, %add3A_62 : i32
      %lt3A_64 = arith.constant 157 : i32
      %lt3A_65 = arith.cmpi slt, %add3A_63, %lt3A_64 : i32
      %convert_element_type3A_66 = arith.extui %lt3A_65 : i1 to i32
      %cond3A_67 = arith.constant 0 : i32
      %cond3A_68 = arith.cmpi ne, %convert_element_type3A_66, %cond3A_67 : i32
      scf.if %cond3A_68 {
        %add3A_125 = arith.constant 7 : i32
        %add3A_126 = arith.addi %add3A_15, %add3A_125 : i32
        %dma_start3A = arith.constant 0 : i32
        %dma_start3A_127 = tpu.memref_slice %arg7[%add3A_126, %dma_start3A] : memref<157x128xi32, #tpu.memory_space<vmem>> -> memref<1x128xi32, #tpu.memory_space<vmem>>
        %dma_start3A_128 = tpu.memref_squeeze %dma_start3A_127 : memref<1x128xi32, #tpu.memory_space<vmem>> -> memref<128xi32, #tpu.memory_space<vmem>>
        %dma_start3A_129 = arith.constant 0 : i32
        %dma_start3A_130 = arith.constant 0 : i32
        %dma_start3A_131 = tpu.memref_slice %arg6[%dma_start3A_129, %dma_start3A_130] : memref<10240x128xf32, #tpu.memory_space<vmem_shared>> -> memref<10240x128xf32, #tpu.memory_space<vmem_shared>>
        tpu.enqueue_indirect_dma source(%arg8 : memref<128x128xf32, #tpu.memory_space<vmem>>) target(%dma_start3A_131 : memref<10240x128xf32, #tpu.memory_space<vmem_shared>>) offsets(%dma_start3A_128 : memref<128xi32, #tpu.memory_space<vmem>>) semaphore(%arg9 : memref<!tpu.dma_semaphore, #tpu.memory_space<semaphore_mem>>) {add = true}
      } else {
      }
      %add3A_69 = arith.constant 0 : i32
      %add3A_70 = arith.addi %add3A_15, %add3A_69 : i32
      %lt3A_71 = arith.constant 157 : i32
      %lt3A_72 = arith.cmpi slt, %add3A_70, %lt3A_71 : i32
      %convert_element_type3A_73 = arith.extui %lt3A_72 : i1 to i32
      %cond3A_74 = arith.constant 0 : i32
      %cond3A_75 = arith.cmpi ne, %convert_element_type3A_73, %cond3A_74 : i32
      scf.if %cond3A_75 {
        %add3A_125 = arith.constant 0 : i32
        %add3A_126 = arith.addi %add3A_15, %add3A_125 : i32
        %dma_wait3A = arith.constant 0 : i32
        %dma_wait3A_127 = tpu.memref_slice %arg7[%add3A_126, %dma_wait3A] : memref<157x128xi32, #tpu.memory_space<vmem>> -> memref<1x128xi32, #tpu.memory_space<vmem>>
        %dma_wait3A_128 = tpu.memref_squeeze %dma_wait3A_127 : memref<1x128xi32, #tpu.memory_space<vmem>> -> memref<128xi32, #tpu.memory_space<vmem>>
        %dma_wait3A_129 = arith.constant 0 : i32
        %dma_wait3A_130 = arith.constant 0 : i32
        %dma_wait3A_131 = tpu.memref_slice %arg6[%dma_wait3A_129, %dma_wait3A_130] : memref<10240x128xf32, #tpu.memory_space<vmem_shared>> -> memref<10240x128xf32, #tpu.memory_space<vmem_shared>>
        tpu.wait_indirect_dma semaphore(%arg9 : memref<!tpu.dma_semaphore, #tpu.memory_space<semaphore_mem>>) src(%arg8 : memref<128x128xf32, #tpu.memory_space<vmem>>) dst(%dma_wait3A_131 : memref<10240x128xf32, #tpu.memory_space<vmem_shared>>)
      } else {
      }
      %add3A_76 = arith.constant 1 : i32
      %add3A_77 = arith.addi %add3A_15, %add3A_76 : i32
      %lt3A_78 = arith.constant 157 : i32
      %lt3A_79 = arith.cmpi slt, %add3A_77, %lt3A_78 : i32
      %convert_element_type3A_80 = arith.extui %lt3A_79 : i1 to i32
      %cond3A_81 = arith.constant 0 : i32
      %cond3A_82 = arith.cmpi ne, %convert_element_type3A_80, %cond3A_81 : i32
      scf.if %cond3A_82 {
        %add3A_125 = arith.constant 1 : i32
        %add3A_126 = arith.addi %add3A_15, %add3A_125 : i32
        %dma_wait3A = arith.constant 0 : i32
        %dma_wait3A_127 = tpu.memref_slice %arg7[%add3A_126, %dma_wait3A] : memref<157x128xi32, #tpu.memory_space<vmem>> -> memref<1x128xi32, #tpu.memory_space<vmem>>
        %dma_wait3A_128 = tpu.memref_squeeze %dma_wait3A_127 : memref<1x128xi32, #tpu.memory_space<vmem>> -> memref<128xi32, #tpu.memory_space<vmem>>
        %dma_wait3A_129 = arith.constant 0 : i32
        %dma_wait3A_130 = arith.constant 0 : i32
        %dma_wait3A_131 = tpu.memref_slice %arg6[%dma_wait3A_129, %dma_wait3A_130] : memref<10240x128xf32, #tpu.memory_space<vmem_shared>> -> memref<10240x128xf32, #tpu.memory_space<vmem_shared>>
        tpu.wait_indirect_dma semaphore(%arg9 : memref<!tpu.dma_semaphore, #tpu.memory_space<semaphore_mem>>) src(%arg8 : memref<128x128xf32, #tpu.memory_space<vmem>>) dst(%dma_wait3A_131 : memref<10240x128xf32, #tpu.memory_space<vmem_shared>>)
      } else {
      }
      %add3A_83 = arith.constant 2 : i32
      %add3A_84 = arith.addi %add3A_15, %add3A_83 : i32
      %lt3A_85 = arith.constant 157 : i32
      %lt3A_86 = arith.cmpi slt, %add3A_84, %lt3A_85 : i32
      %convert_element_type3A_87 = arith.extui %lt3A_86 : i1 to i32
      %cond3A_88 = arith.constant 0 : i32
      %cond3A_89 = arith.cmpi ne, %convert_element_type3A_87, %cond3A_88 : i32
      scf.if %cond3A_89 {
        %add3A_125 = arith.constant 2 : i32
        %add3A_126 = arith.addi %add3A_15, %add3A_125 : i32
        %dma_wait3A = arith.constant 0 : i32
        %dma_wait3A_127 = tpu.memref_slice %arg7[%add3A_126, %dma_wait3A] : memref<157x128xi32, #tpu.memory_space<vmem>> -> memref<1x128xi32, #tpu.memory_space<vmem>>
        %dma_wait3A_128 = tpu.memref_squeeze %dma_wait3A_127 : memref<1x128xi32, #tpu.memory_space<vmem>> -> memref<128xi32, #tpu.memory_space<vmem>>
        %dma_wait3A_129 = arith.constant 0 : i32
        %dma_wait3A_130 = arith.constant 0 : i32
        %dma_wait3A_131 = tpu.memref_slice %arg6[%dma_wait3A_129, %dma_wait3A_130] : memref<10240x128xf32, #tpu.memory_space<vmem_shared>> -> memref<10240x128xf32, #tpu.memory_space<vmem_shared>>
        tpu.wait_indirect_dma semaphore(%arg9 : memref<!tpu.dma_semaphore, #tpu.memory_space<semaphore_mem>>) src(%arg8 : memref<128x128xf32, #tpu.memory_space<vmem>>) dst(%dma_wait3A_131 : memref<10240x128xf32, #tpu.memory_space<vmem_shared>>)
      } else {
      }
      %add3A_90 = arith.constant 3 : i32
      %add3A_91 = arith.addi %add3A_15, %add3A_90 : i32
      %lt3A_92 = arith.constant 157 : i32
      %lt3A_93 = arith.cmpi slt, %add3A_91, %lt3A_92 : i32
      %convert_element_type3A_94 = arith.extui %lt3A_93 : i1 to i32
      %cond3A_95 = arith.constant 0 : i32
      %cond3A_96 = arith.cmpi ne, %convert_element_type3A_94, %cond3A_95 : i32
      scf.if %cond3A_96 {
        %add3A_125 = arith.constant 3 : i32
        %add3A_126 = arith.addi %add3A_15, %add3A_125 : i32
        %dma_wait3A = arith.constant 0 : i32
        %dma_wait3A_127 = tpu.memref_slice %arg7[%add3A_126, %dma_wait3A] : memref<157x128xi32, #tpu.memory_space<vmem>> -> memref<1x128xi32, #tpu.memory_space<vmem>>
        %dma_wait3A_128 = tpu.memref_squeeze %dma_wait3A_127 : memref<1x128xi32, #tpu.memory_space<vmem>> -> memref<128xi32, #tpu.memory_space<vmem>>
        %dma_wait3A_129 = arith.constant 0 : i32
        %dma_wait3A_130 = arith.constant 0 : i32
        %dma_wait3A_131 = tpu.memref_slice %arg6[%dma_wait3A_129, %dma_wait3A_130] : memref<10240x128xf32, #tpu.memory_space<vmem_shared>> -> memref<10240x128xf32, #tpu.memory_space<vmem_shared>>
        tpu.wait_indirect_dma semaphore(%arg9 : memref<!tpu.dma_semaphore, #tpu.memory_space<semaphore_mem>>) src(%arg8 : memref<128x128xf32, #tpu.memory_space<vmem>>) dst(%dma_wait3A_131 : memref<10240x128xf32, #tpu.memory_space<vmem_shared>>)
      } else {
      }
      %add3A_97 = arith.constant 4 : i32
      %add3A_98 = arith.addi %add3A_15, %add3A_97 : i32
      %lt3A_99 = arith.constant 157 : i32
      %lt3A_100 = arith.cmpi slt, %add3A_98, %lt3A_99 : i32
      %convert_element_type3A_101 = arith.extui %lt3A_100 : i1 to i32
      %cond3A_102 = arith.constant 0 : i32
      %cond3A_103 = arith.cmpi ne, %convert_element_type3A_101, %cond3A_102 : i32
      scf.if %cond3A_103 {
        %add3A_125 = arith.constant 4 : i32
        %add3A_126 = arith.addi %add3A_15, %add3A_125 : i32
        %dma_wait3A = arith.constant 0 : i32
        %dma_wait3A_127 = tpu.memref_slice %arg7[%add3A_126, %dma_wait3A] : memref<157x128xi32, #tpu.memory_space<vmem>> -> memref<1x128xi32, #tpu.memory_space<vmem>>
        %dma_wait3A_128 = tpu.memref_squeeze %dma_wait3A_127 : memref<1x128xi32, #tpu.memory_space<vmem>> -> memref<128xi32, #tpu.memory_space<vmem>>
        %dma_wait3A_129 = arith.constant 0 : i32
        %dma_wait3A_130 = arith.constant 0 : i32
        %dma_wait3A_131 = tpu.memref_slice %arg6[%dma_wait3A_129, %dma_wait3A_130] : memref<10240x128xf32, #tpu.memory_space<vmem_shared>> -> memref<10240x128xf32, #tpu.memory_space<vmem_shared>>
        tpu.wait_indirect_dma semaphore(%arg9 : memref<!tpu.dma_semaphore, #tpu.memory_space<semaphore_mem>>) src(%arg8 : memref<128x128xf32, #tpu.memory_space<vmem>>) dst(%dma_wait3A_131 : memref<10240x128xf32, #tpu.memory_space<vmem_shared>>)
      } else {
      }
      %add3A_104 = arith.constant 5 : i32
      %add3A_105 = arith.addi %add3A_15, %add3A_104 : i32
      %lt3A_106 = arith.constant 157 : i32
      %lt3A_107 = arith.cmpi slt, %add3A_105, %lt3A_106 : i32
      %convert_element_type3A_108 = arith.extui %lt3A_107 : i1 to i32
      %cond3A_109 = arith.constant 0 : i32
      %cond3A_110 = arith.cmpi ne, %convert_element_type3A_108, %cond3A_109 : i32
      scf.if %cond3A_110 {
        %add3A_125 = arith.constant 5 : i32
        %add3A_126 = arith.addi %add3A_15, %add3A_125 : i32
        %dma_wait3A = arith.constant 0 : i32
        %dma_wait3A_127 = tpu.memref_slice %arg7[%add3A_126, %dma_wait3A] : memref<157x128xi32, #tpu.memory_space<vmem>> -> memref<1x128xi32, #tpu.memory_space<vmem>>
        %dma_wait3A_128 = tpu.memref_squeeze %dma_wait3A_127 : memref<1x128xi32, #tpu.memory_space<vmem>> -> memref<128xi32, #tpu.memory_space<vmem>>
        %dma_wait3A_129 = arith.constant 0 : i32
        %dma_wait3A_130 = arith.constant 0 : i32
        %dma_wait3A_131 = tpu.memref_slice %arg6[%dma_wait3A_129, %dma_wait3A_130] : memref<10240x128xf32, #tpu.memory_space<vmem_shared>> -> memref<10240x128xf32, #tpu.memory_space<vmem_shared>>
        tpu.wait_indirect_dma semaphore(%arg9 : memref<!tpu.dma_semaphore, #tpu.memory_space<semaphore_mem>>) src(%arg8 : memref<128x128xf32, #tpu.memory_space<vmem>>) dst(%dma_wait3A_131 : memref<10240x128xf32, #tpu.memory_space<vmem_shared>>)
      } else {
      }
      %add3A_111 = arith.constant 6 : i32
      %add3A_112 = arith.addi %add3A_15, %add3A_111 : i32
      %lt3A_113 = arith.constant 157 : i32
      %lt3A_114 = arith.cmpi slt, %add3A_112, %lt3A_113 : i32
      %convert_element_type3A_115 = arith.extui %lt3A_114 : i1 to i32
      %cond3A_116 = arith.constant 0 : i32
      %cond3A_117 = arith.cmpi ne, %convert_element_type3A_115, %cond3A_116 : i32
      scf.if %cond3A_117 {
        %add3A_125 = arith.constant 6 : i32
        %add3A_126 = arith.addi %add3A_15, %add3A_125 : i32
        %dma_wait3A = arith.constant 0 : i32
        %dma_wait3A_127 = tpu.memref_slice %arg7[%add3A_126, %dma_wait3A] : memref<157x128xi32, #tpu.memory_space<vmem>> -> memref<1x128xi32, #tpu.memory_space<vmem>>
        %dma_wait3A_128 = tpu.memref_squeeze %dma_wait3A_127 : memref<1x128xi32, #tpu.memory_space<vmem>> -> memref<128xi32, #tpu.memory_space<vmem>>
        %dma_wait3A_129 = arith.constant 0 : i32
        %dma_wait3A_130 = arith.constant 0 : i32
        %dma_wait3A_131 = tpu.memref_slice %arg6[%dma_wait3A_129, %dma_wait3A_130] : memref<10240x128xf32, #tpu.memory_space<vmem_shared>> -> memref<10240x128xf32, #tpu.memory_space<vmem_shared>>
        tpu.wait_indirect_dma semaphore(%arg9 : memref<!tpu.dma_semaphore, #tpu.memory_space<semaphore_mem>>) src(%arg8 : memref<128x128xf32, #tpu.memory_space<vmem>>) dst(%dma_wait3A_131 : memref<10240x128xf32, #tpu.memory_space<vmem_shared>>)
      } else {
      }
      %add3A_118 = arith.constant 7 : i32
      %add3A_119 = arith.addi %add3A_15, %add3A_118 : i32
      %lt3A_120 = arith.constant 157 : i32
      %lt3A_121 = arith.cmpi slt, %add3A_119, %lt3A_120 : i32
      %convert_element_type3A_122 = arith.extui %lt3A_121 : i1 to i32
      %cond3A_123 = arith.constant 0 : i32
      %cond3A_124 = arith.cmpi ne, %convert_element_type3A_122, %cond3A_123 : i32
      scf.if %cond3A_124 {
        %add3A_125 = arith.constant 7 : i32
        %add3A_126 = arith.addi %add3A_15, %add3A_125 : i32
        %dma_wait3A = arith.constant 0 : i32
        %dma_wait3A_127 = tpu.memref_slice %arg7[%add3A_126, %dma_wait3A] : memref<157x128xi32, #tpu.memory_space<vmem>> -> memref<1x128xi32, #tpu.memory_space<vmem>>
        %dma_wait3A_128 = tpu.memref_squeeze %dma_wait3A_127 : memref<1x128xi32, #tpu.memory_space<vmem>> -> memref<128xi32, #tpu.memory_space<vmem>>
        %dma_wait3A_129 = arith.constant 0 : i32
        %dma_wait3A_130 = arith.constant 0 : i32
        %dma_wait3A_131 = tpu.memref_slice %arg6[%dma_wait3A_129, %dma_wait3A_130] : memref<10240x128xf32, #tpu.memory_space<vmem_shared>> -> memref<10240x128xf32, #tpu.memory_space<vmem_shared>>
        tpu.wait_indirect_dma semaphore(%arg9 : memref<!tpu.dma_semaphore, #tpu.memory_space<semaphore_mem>>) src(%arg8 : memref<128x128xf32, #tpu.memory_space<vmem>>) dst(%dma_wait3A_131 : memref<10240x128xf32, #tpu.memory_space<vmem_shared>>)
      } else {
      }
    }
    %scan3A_6 = arith.constant 20 : i32
    %barrier3A_7 = arith.constant 0 : index
    tpu.barrier barrier_id(%barrier3A_7)
    %mul3A_8 = arith.constant 640 : i32
    %mul3A_9 = arith.muli %arg1, %mul3A_8 : i32
    %mul3A_10 = arith.constant 640 : i32
    %mul3A_11 = arith.muli %arg1, %mul3A_10 : i32
    "tpu.region"() ({
      %run_scoped3A = tpu.sem_alloc : memref<!tpu.dma_semaphore, #tpu.memory_space<semaphore_mem>>
      %dma_start3A = arith.constant 0 : i32
      %dma_start3A_12 = arith.constant 0 : i32
      %dma_start3A_13 = tpu.memref_slice %arg5[%arg0, %dma_start3A, %dma_start3A_12] : memref<2x10240x128xf32, #tpu.memory_space<hbm>> -> memref<1x10240x128xf32, #tpu.memory_space<hbm>>
      %dma_start3A_14 = tpu.memref_squeeze %dma_start3A_13 : memref<1x10240x128xf32, #tpu.memory_space<hbm>> -> memref<10240x128xf32, #tpu.memory_space<hbm>>
      %dma_start3A_15 = arith.constant 0 : i32
      %dma_start3A_16 = tpu.memref_slice %dma_start3A_14[%mul3A_11, %dma_start3A_15] : memref<10240x128xf32, #tpu.memory_space<hbm>> -> memref<640x128xf32, #tpu.memory_space<hbm>>
      %dma_start3A_17 = arith.constant 0 : i32
      %dma_start3A_18 = tpu.memref_slice %arg6[%mul3A_9, %dma_start3A_17] : memref<10240x128xf32, #tpu.memory_space<vmem_shared>> -> memref<640x128xf32, #tpu.memory_space<vmem_shared>>
      tpu.enqueue_dma source(%dma_start3A_18 : memref<640x128xf32, #tpu.memory_space<vmem_shared>>) target(%dma_start3A_16 : memref<640x128xf32, #tpu.memory_space<hbm>>) target_semaphore(%run_scoped3A : memref<!tpu.dma_semaphore, #tpu.memory_space<semaphore_mem>>)
      %dma_wait3A = arith.constant 0 : i32
      %dma_wait3A_19 = arith.constant 0 : i32
      %dma_wait3A_20 = tpu.memref_slice %arg5[%arg0, %dma_wait3A, %dma_wait3A_19] : memref<2x10240x128xf32, #tpu.memory_space<hbm>> -> memref<1x10240x128xf32, #tpu.memory_space<hbm>>
      %dma_wait3A_21 = tpu.memref_squeeze %dma_wait3A_20 : memref<1x10240x128xf32, #tpu.memory_space<hbm>> -> memref<10240x128xf32, #tpu.memory_space<hbm>>
      %dma_wait3A_22 = arith.constant 0 : i32
      %dma_wait3A_23 = tpu.memref_slice %dma_wait3A_21[%mul3A_11, %dma_wait3A_22] : memref<10240x128xf32, #tpu.memory_space<hbm>> -> memref<640x128xf32, #tpu.memory_space<hbm>>
      %dma_wait3A_24 = arith.constant 0 : i32
      %dma_wait3A_25 = tpu.memref_slice %arg6[%mul3A_9, %dma_wait3A_24] : memref<10240x128xf32, #tpu.memory_space<vmem_shared>> -> memref<640x128xf32, #tpu.memory_space<vmem_shared>>
      tpu.wait_dma2 semaphore(%run_scoped3A : memref<!tpu.dma_semaphore, #tpu.memory_space<semaphore_mem>>) src(%dma_wait3A_25 : memref<640x128xf32, #tpu.memory_space<vmem_shared>>) dst(%dma_wait3A_23 : memref<640x128xf32, #tpu.memory_space<hbm>>)
      tpu.yield
    }) : () -> ()
    return
  }
}

#map = affine_map<(d0, d1) -> (0, 0)>
#map1 = affine_map<(d0, d1) -> (0, 0, 0, 0)>
module attributes {stable_mosaic.version = 14 : i64} {
  func.func @edge_kernel(%arg0: i32, %arg1: i32, %arg2: memref<20480x128xf32, #tpu.memory_space<hbm>>, %arg3: memref<2x16x157x128xi32, #tpu.memory_space<hbm>>, %arg4: memref<2x16x157x128xi32, #tpu.memory_space<hbm>>, %arg5: memref<20480x128xf32, #tpu.memory_space<hbm>>, %arg6: memref<10240x128xf32, #tpu.memory_space<vmem_shared>>, %arg7: memref<128xi32, #tpu.memory_space<vmem>>, %arg8: memref<128xi32, #tpu.memory_space<vmem>>, %arg9: memref<128xi32, #tpu.memory_space<vmem>>, %arg10: memref<128xi32, #tpu.memory_space<vmem>>, %arg11: memref<128xi32, #tpu.memory_space<vmem>>, %arg12: memref<128xi32, #tpu.memory_space<vmem>>, %arg13: memref<128xi32, #tpu.memory_space<vmem>>, %arg14: memref<128xi32, #tpu.memory_space<vmem>>, %arg15: memref<128x128xf32, #tpu.memory_space<vmem>>, %arg16: memref<128x128xf32, #tpu.memory_space<vmem>>, %arg17: memref<!tpu.dma_semaphore, #tpu.memory_space<semaphore_mem>>, %arg18: memref<!tpu.dma_semaphore, #tpu.memory_space<semaphore_mem>>, %arg19: memref<!tpu.dma_semaphore, #tpu.memory_space<semaphore_mem>>, %arg20: memref<!tpu.dma_semaphore, #tpu.memory_space<semaphore_mem>>, %arg21: memref<!tpu.dma_semaphore, #tpu.memory_space<semaphore_mem>>, %arg22: memref<!tpu.dma_semaphore, #tpu.memory_space<semaphore_mem>>, %arg23: memref<!tpu.dma_semaphore, #tpu.memory_space<semaphore_mem>>, %arg24: memref<!tpu.dma_semaphore, #tpu.memory_space<semaphore_mem>>) attributes {dimension_semantics = [#tpu.dimension_semantics<core_parallel>, #tpu.dimension_semantics<subcore_parallel>], iteration_bounds = array<i64: 2, 16>, scalar_prefetch = 0 : i64, scratch_operands = 19 : i64, tpu.core_type = #tpu.core_type<sc_vector_subcore>, window_params = [{transform_indices = #map}, {transform_indices = #map1}, {transform_indices = #map1}, {transform_indices = #map}]} {
    %mul3A = arith.constant 10240 : i32
    %mul3A_0 = arith.muli %arg0, %mul3A : i32
    %mul3A_1 = arith.constant 640 : i32
    %mul3A_2 = arith.muli %arg1, %mul3A_1 : i32
    %add3A = arith.addi %mul3A_0, %mul3A_2 : i32
    %mul3A_3 = arith.constant 640 : i32
    %mul3A_4 = arith.muli %arg1, %mul3A_3 : i32
    "tpu.region"() ({
      %run_scoped3A = tpu.sem_alloc : memref<!tpu.dma_semaphore, #tpu.memory_space<semaphore_mem>>
      %dma_start3A_144 = arith.constant 0 : i32
      %dma_start3A_145 = tpu.memref_slice %arg6[%mul3A_4, %dma_start3A_144] : memref<10240x128xf32, #tpu.memory_space<vmem_shared>> -> memref<640x128xf32, #tpu.memory_space<vmem_shared>>
      %dma_start3A_146 = arith.constant 0 : i32
      %dma_start3A_147 = tpu.memref_slice %arg2[%add3A, %dma_start3A_146] : memref<20480x128xf32, #tpu.memory_space<hbm>> -> memref<640x128xf32, #tpu.memory_space<hbm>>
      tpu.enqueue_dma source(%dma_start3A_147 : memref<640x128xf32, #tpu.memory_space<hbm>>) target(%dma_start3A_145 : memref<640x128xf32, #tpu.memory_space<vmem_shared>>) target_semaphore(%run_scoped3A : memref<!tpu.dma_semaphore, #tpu.memory_space<semaphore_mem>>)
      %dma_wait3A_148 = arith.constant 0 : i32
      %dma_wait3A_149 = tpu.memref_slice %arg6[%mul3A_4, %dma_wait3A_148] : memref<10240x128xf32, #tpu.memory_space<vmem_shared>> -> memref<640x128xf32, #tpu.memory_space<vmem_shared>>
      %dma_wait3A_150 = arith.constant 0 : i32
      %dma_wait3A_151 = tpu.memref_slice %arg2[%add3A, %dma_wait3A_150] : memref<20480x128xf32, #tpu.memory_space<hbm>> -> memref<640x128xf32, #tpu.memory_space<hbm>>
      tpu.wait_dma2 semaphore(%run_scoped3A : memref<!tpu.dma_semaphore, #tpu.memory_space<semaphore_mem>>) src(%dma_wait3A_151 : memref<640x128xf32, #tpu.memory_space<hbm>>) dst(%dma_wait3A_149 : memref<640x128xf32, #tpu.memory_space<vmem_shared>>)
      tpu.yield
    }) : () -> ()
    %dma_start3A = arith.constant 0 : i32
    %dma_start3A_5 = arith.constant 0 : i32
    %dma_start3A_6 = arith.constant 0 : i32
    %dma_start3A_7 = tpu.memref_slice %arg3[%arg0, %arg1, %dma_start3A_5, %dma_start3A_6] : memref<2x16x157x128xi32, #tpu.memory_space<hbm>> -> memref<1x1x157x128xi32, #tpu.memory_space<hbm>>
    %dma_start3A_8 = tpu.memref_squeeze %dma_start3A_7 : memref<1x1x157x128xi32, #tpu.memory_space<hbm>> -> memref<157x128xi32, #tpu.memory_space<hbm>>
    %dma_start3A_9 = arith.constant 0 : i32
    %dma_start3A_10 = tpu.memref_slice %dma_start3A_8[%dma_start3A, %dma_start3A_9] : memref<157x128xi32, #tpu.memory_space<hbm>> -> memref<1x128xi32, #tpu.memory_space<hbm>>
    %dma_start3A_11 = tpu.memref_squeeze %dma_start3A_10 : memref<1x128xi32, #tpu.memory_space<hbm>> -> memref<128xi32, #tpu.memory_space<hbm>>
    %dma_start3A_12 = arith.constant 0 : i32
    %dma_start3A_13 = arith.constant 0 : i32
    %dma_start3A_14 = tpu.memref_slice %arg3[%arg0, %arg1, %dma_start3A_12, %dma_start3A_13] : memref<2x16x157x128xi32, #tpu.memory_space<hbm>> -> memref<1x1x157x128xi32, #tpu.memory_space<hbm>>
    %dma_start3A_15 = tpu.memref_squeeze %dma_start3A_14 : memref<1x1x157x128xi32, #tpu.memory_space<hbm>> -> memref<157x128xi32, #tpu.memory_space<hbm>>
    %dma_start3A_16 = arith.constant 0 : i32
    %dma_start3A_17 = tpu.memref_slice %dma_start3A_15[%dma_start3A, %dma_start3A_16] : memref<157x128xi32, #tpu.memory_space<hbm>> -> memref<1x128xi32, #tpu.memory_space<hbm>>
    %dma_start3A_18 = tpu.memref_squeeze %dma_start3A_17 : memref<1x128xi32, #tpu.memory_space<hbm>> -> memref<128xi32, #tpu.memory_space<hbm>>
    tpu.enqueue_dma source(%dma_start3A_18 : memref<128xi32, #tpu.memory_space<hbm>>) target(%arg7 : memref<128xi32, #tpu.memory_space<vmem>>) target_semaphore(%arg17 : memref<!tpu.dma_semaphore, #tpu.memory_space<semaphore_mem>>)
    %dma_start3A_19 = arith.constant 0 : i32
    %dma_start3A_20 = arith.constant 0 : i32
    %dma_start3A_21 = arith.constant 0 : i32
    %dma_start3A_22 = tpu.memref_slice %arg4[%arg0, %arg1, %dma_start3A_20, %dma_start3A_21] : memref<2x16x157x128xi32, #tpu.memory_space<hbm>> -> memref<1x1x157x128xi32, #tpu.memory_space<hbm>>
    %dma_start3A_23 = tpu.memref_squeeze %dma_start3A_22 : memref<1x1x157x128xi32, #tpu.memory_space<hbm>> -> memref<157x128xi32, #tpu.memory_space<hbm>>
    %dma_start3A_24 = arith.constant 0 : i32
    %dma_start3A_25 = tpu.memref_slice %dma_start3A_23[%dma_start3A_19, %dma_start3A_24] : memref<157x128xi32, #tpu.memory_space<hbm>> -> memref<1x128xi32, #tpu.memory_space<hbm>>
    %dma_start3A_26 = tpu.memref_squeeze %dma_start3A_25 : memref<1x128xi32, #tpu.memory_space<hbm>> -> memref<128xi32, #tpu.memory_space<hbm>>
    %dma_start3A_27 = arith.constant 0 : i32
    %dma_start3A_28 = arith.constant 0 : i32
    %dma_start3A_29 = tpu.memref_slice %arg4[%arg0, %arg1, %dma_start3A_27, %dma_start3A_28] : memref<2x16x157x128xi32, #tpu.memory_space<hbm>> -> memref<1x1x157x128xi32, #tpu.memory_space<hbm>>
    %dma_start3A_30 = tpu.memref_squeeze %dma_start3A_29 : memref<1x1x157x128xi32, #tpu.memory_space<hbm>> -> memref<157x128xi32, #tpu.memory_space<hbm>>
    %dma_start3A_31 = arith.constant 0 : i32
    %dma_start3A_32 = tpu.memref_slice %dma_start3A_30[%dma_start3A_19, %dma_start3A_31] : memref<157x128xi32, #tpu.memory_space<hbm>> -> memref<1x128xi32, #tpu.memory_space<hbm>>
    %dma_start3A_33 = tpu.memref_squeeze %dma_start3A_32 : memref<1x128xi32, #tpu.memory_space<hbm>> -> memref<128xi32, #tpu.memory_space<hbm>>
    tpu.enqueue_dma source(%dma_start3A_33 : memref<128xi32, #tpu.memory_space<hbm>>) target(%arg11 : memref<128xi32, #tpu.memory_space<vmem>>) target_semaphore(%arg17 : memref<!tpu.dma_semaphore, #tpu.memory_space<semaphore_mem>>)
    %dma_start3A_34 = arith.constant 1 : i32
    %dma_start3A_35 = arith.constant 0 : i32
    %dma_start3A_36 = arith.constant 0 : i32
    %dma_start3A_37 = tpu.memref_slice %arg3[%arg0, %arg1, %dma_start3A_35, %dma_start3A_36] : memref<2x16x157x128xi32, #tpu.memory_space<hbm>> -> memref<1x1x157x128xi32, #tpu.memory_space<hbm>>
    %dma_start3A_38 = tpu.memref_squeeze %dma_start3A_37 : memref<1x1x157x128xi32, #tpu.memory_space<hbm>> -> memref<157x128xi32, #tpu.memory_space<hbm>>
    %dma_start3A_39 = arith.constant 0 : i32
    %dma_start3A_40 = tpu.memref_slice %dma_start3A_38[%dma_start3A_34, %dma_start3A_39] : memref<157x128xi32, #tpu.memory_space<hbm>> -> memref<1x128xi32, #tpu.memory_space<hbm>>
    %dma_start3A_41 = tpu.memref_squeeze %dma_start3A_40 : memref<1x128xi32, #tpu.memory_space<hbm>> -> memref<128xi32, #tpu.memory_space<hbm>>
    %dma_start3A_42 = arith.constant 0 : i32
    %dma_start3A_43 = arith.constant 0 : i32
    %dma_start3A_44 = tpu.memref_slice %arg3[%arg0, %arg1, %dma_start3A_42, %dma_start3A_43] : memref<2x16x157x128xi32, #tpu.memory_space<hbm>> -> memref<1x1x157x128xi32, #tpu.memory_space<hbm>>
    %dma_start3A_45 = tpu.memref_squeeze %dma_start3A_44 : memref<1x1x157x128xi32, #tpu.memory_space<hbm>> -> memref<157x128xi32, #tpu.memory_space<hbm>>
    %dma_start3A_46 = arith.constant 0 : i32
    %dma_start3A_47 = tpu.memref_slice %dma_start3A_45[%dma_start3A_34, %dma_start3A_46] : memref<157x128xi32, #tpu.memory_space<hbm>> -> memref<1x128xi32, #tpu.memory_space<hbm>>
    %dma_start3A_48 = tpu.memref_squeeze %dma_start3A_47 : memref<1x128xi32, #tpu.memory_space<hbm>> -> memref<128xi32, #tpu.memory_space<hbm>>
    tpu.enqueue_dma source(%dma_start3A_48 : memref<128xi32, #tpu.memory_space<hbm>>) target(%arg8 : memref<128xi32, #tpu.memory_space<vmem>>) target_semaphore(%arg18 : memref<!tpu.dma_semaphore, #tpu.memory_space<semaphore_mem>>)
    %dma_start3A_49 = arith.constant 1 : i32
    %dma_start3A_50 = arith.constant 0 : i32
    %dma_start3A_51 = arith.constant 0 : i32
    %dma_start3A_52 = tpu.memref_slice %arg4[%arg0, %arg1, %dma_start3A_50, %dma_start3A_51] : memref<2x16x157x128xi32, #tpu.memory_space<hbm>> -> memref<1x1x157x128xi32, #tpu.memory_space<hbm>>
    %dma_start3A_53 = tpu.memref_squeeze %dma_start3A_52 : memref<1x1x157x128xi32, #tpu.memory_space<hbm>> -> memref<157x128xi32, #tpu.memory_space<hbm>>
    %dma_start3A_54 = arith.constant 0 : i32
    %dma_start3A_55 = tpu.memref_slice %dma_start3A_53[%dma_start3A_49, %dma_start3A_54] : memref<157x128xi32, #tpu.memory_space<hbm>> -> memref<1x128xi32, #tpu.memory_space<hbm>>
    %dma_start3A_56 = tpu.memref_squeeze %dma_start3A_55 : memref<1x128xi32, #tpu.memory_space<hbm>> -> memref<128xi32, #tpu.memory_space<hbm>>
    %dma_start3A_57 = arith.constant 0 : i32
    %dma_start3A_58 = arith.constant 0 : i32
    %dma_start3A_59 = tpu.memref_slice %arg4[%arg0, %arg1, %dma_start3A_57, %dma_start3A_58] : memref<2x16x157x128xi32, #tpu.memory_space<hbm>> -> memref<1x1x157x128xi32, #tpu.memory_space<hbm>>
    %dma_start3A_60 = tpu.memref_squeeze %dma_start3A_59 : memref<1x1x157x128xi32, #tpu.memory_space<hbm>> -> memref<157x128xi32, #tpu.memory_space<hbm>>
    %dma_start3A_61 = arith.constant 0 : i32
    %dma_start3A_62 = tpu.memref_slice %dma_start3A_60[%dma_start3A_49, %dma_start3A_61] : memref<157x128xi32, #tpu.memory_space<hbm>> -> memref<1x128xi32, #tpu.memory_space<hbm>>
    %dma_start3A_63 = tpu.memref_squeeze %dma_start3A_62 : memref<1x128xi32, #tpu.memory_space<hbm>> -> memref<128xi32, #tpu.memory_space<hbm>>
    tpu.enqueue_dma source(%dma_start3A_63 : memref<128xi32, #tpu.memory_space<hbm>>) target(%arg12 : memref<128xi32, #tpu.memory_space<vmem>>) target_semaphore(%arg18 : memref<!tpu.dma_semaphore, #tpu.memory_space<semaphore_mem>>)
    %dma_start3A_64 = arith.constant 2 : i32
    %dma_start3A_65 = arith.constant 0 : i32
    %dma_start3A_66 = arith.constant 0 : i32
    %dma_start3A_67 = tpu.memref_slice %arg3[%arg0, %arg1, %dma_start3A_65, %dma_start3A_66] : memref<2x16x157x128xi32, #tpu.memory_space<hbm>> -> memref<1x1x157x128xi32, #tpu.memory_space<hbm>>
    %dma_start3A_68 = tpu.memref_squeeze %dma_start3A_67 : memref<1x1x157x128xi32, #tpu.memory_space<hbm>> -> memref<157x128xi32, #tpu.memory_space<hbm>>
    %dma_start3A_69 = arith.constant 0 : i32
    %dma_start3A_70 = tpu.memref_slice %dma_start3A_68[%dma_start3A_64, %dma_start3A_69] : memref<157x128xi32, #tpu.memory_space<hbm>> -> memref<1x128xi32, #tpu.memory_space<hbm>>
    %dma_start3A_71 = tpu.memref_squeeze %dma_start3A_70 : memref<1x128xi32, #tpu.memory_space<hbm>> -> memref<128xi32, #tpu.memory_space<hbm>>
    %dma_start3A_72 = arith.constant 0 : i32
    %dma_start3A_73 = arith.constant 0 : i32
    %dma_start3A_74 = tpu.memref_slice %arg3[%arg0, %arg1, %dma_start3A_72, %dma_start3A_73] : memref<2x16x157x128xi32, #tpu.memory_space<hbm>> -> memref<1x1x157x128xi32, #tpu.memory_space<hbm>>
    %dma_start3A_75 = tpu.memref_squeeze %dma_start3A_74 : memref<1x1x157x128xi32, #tpu.memory_space<hbm>> -> memref<157x128xi32, #tpu.memory_space<hbm>>
    %dma_start3A_76 = arith.constant 0 : i32
    %dma_start3A_77 = tpu.memref_slice %dma_start3A_75[%dma_start3A_64, %dma_start3A_76] : memref<157x128xi32, #tpu.memory_space<hbm>> -> memref<1x128xi32, #tpu.memory_space<hbm>>
    %dma_start3A_78 = tpu.memref_squeeze %dma_start3A_77 : memref<1x128xi32, #tpu.memory_space<hbm>> -> memref<128xi32, #tpu.memory_space<hbm>>
    tpu.enqueue_dma source(%dma_start3A_78 : memref<128xi32, #tpu.memory_space<hbm>>) target(%arg9 : memref<128xi32, #tpu.memory_space<vmem>>) target_semaphore(%arg19 : memref<!tpu.dma_semaphore, #tpu.memory_space<semaphore_mem>>)
    %dma_start3A_79 = arith.constant 2 : i32
    %dma_start3A_80 = arith.constant 0 : i32
    %dma_start3A_81 = arith.constant 0 : i32
    %dma_start3A_82 = tpu.memref_slice %arg4[%arg0, %arg1, %dma_start3A_80, %dma_start3A_81] : memref<2x16x157x128xi32, #tpu.memory_space<hbm>> -> memref<1x1x157x128xi32, #tpu.memory_space<hbm>>
    %dma_start3A_83 = tpu.memref_squeeze %dma_start3A_82 : memref<1x1x157x128xi32, #tpu.memory_space<hbm>> -> memref<157x128xi32, #tpu.memory_space<hbm>>
    %dma_start3A_84 = arith.constant 0 : i32
    %dma_start3A_85 = tpu.memref_slice %dma_start3A_83[%dma_start3A_79, %dma_start3A_84] : memref<157x128xi32, #tpu.memory_space<hbm>> -> memref<1x128xi32, #tpu.memory_space<hbm>>
    %dma_start3A_86 = tpu.memref_squeeze %dma_start3A_85 : memref<1x128xi32, #tpu.memory_space<hbm>> -> memref<128xi32, #tpu.memory_space<hbm>>
    %dma_start3A_87 = arith.constant 0 : i32
    %dma_start3A_88 = arith.constant 0 : i32
    %dma_start3A_89 = tpu.memref_slice %arg4[%arg0, %arg1, %dma_start3A_87, %dma_start3A_88] : memref<2x16x157x128xi32, #tpu.memory_space<hbm>> -> memref<1x1x157x128xi32, #tpu.memory_space<hbm>>
    %dma_start3A_90 = tpu.memref_squeeze %dma_start3A_89 : memref<1x1x157x128xi32, #tpu.memory_space<hbm>> -> memref<157x128xi32, #tpu.memory_space<hbm>>
    %dma_start3A_91 = arith.constant 0 : i32
    %dma_start3A_92 = tpu.memref_slice %dma_start3A_90[%dma_start3A_79, %dma_start3A_91] : memref<157x128xi32, #tpu.memory_space<hbm>> -> memref<1x128xi32, #tpu.memory_space<hbm>>
    %dma_start3A_93 = tpu.memref_squeeze %dma_start3A_92 : memref<1x128xi32, #tpu.memory_space<hbm>> -> memref<128xi32, #tpu.memory_space<hbm>>
    tpu.enqueue_dma source(%dma_start3A_93 : memref<128xi32, #tpu.memory_space<hbm>>) target(%arg13 : memref<128xi32, #tpu.memory_space<vmem>>) target_semaphore(%arg19 : memref<!tpu.dma_semaphore, #tpu.memory_space<semaphore_mem>>)
    %barrier3A = arith.constant 0 : index
    tpu.barrier barrier_id(%barrier3A)
    %dma_wait3A = arith.constant 0 : i32
    %dma_wait3A_94 = arith.constant 0 : i32
    %dma_wait3A_95 = arith.constant 0 : i32
    %dma_wait3A_96 = tpu.memref_slice %arg3[%arg0, %arg1, %dma_wait3A_94, %dma_wait3A_95] : memref<2x16x157x128xi32, #tpu.memory_space<hbm>> -> memref<1x1x157x128xi32, #tpu.memory_space<hbm>>
    %dma_wait3A_97 = tpu.memref_squeeze %dma_wait3A_96 : memref<1x1x157x128xi32, #tpu.memory_space<hbm>> -> memref<157x128xi32, #tpu.memory_space<hbm>>
    %dma_wait3A_98 = arith.constant 0 : i32
    %dma_wait3A_99 = tpu.memref_slice %dma_wait3A_97[%dma_wait3A, %dma_wait3A_98] : memref<157x128xi32, #tpu.memory_space<hbm>> -> memref<1x128xi32, #tpu.memory_space<hbm>>
    %dma_wait3A_100 = tpu.memref_squeeze %dma_wait3A_99 : memref<1x128xi32, #tpu.memory_space<hbm>> -> memref<128xi32, #tpu.memory_space<hbm>>
    %dma_wait3A_101 = arith.constant 0 : i32
    %dma_wait3A_102 = arith.constant 0 : i32
    %dma_wait3A_103 = tpu.memref_slice %arg3[%arg0, %arg1, %dma_wait3A_101, %dma_wait3A_102] : memref<2x16x157x128xi32, #tpu.memory_space<hbm>> -> memref<1x1x157x128xi32, #tpu.memory_space<hbm>>
    %dma_wait3A_104 = tpu.memref_squeeze %dma_wait3A_103 : memref<1x1x157x128xi32, #tpu.memory_space<hbm>> -> memref<157x128xi32, #tpu.memory_space<hbm>>
    %dma_wait3A_105 = arith.constant 0 : i32
    %dma_wait3A_106 = tpu.memref_slice %dma_wait3A_104[%dma_wait3A, %dma_wait3A_105] : memref<157x128xi32, #tpu.memory_space<hbm>> -> memref<1x128xi32, #tpu.memory_space<hbm>>
    %dma_wait3A_107 = tpu.memref_squeeze %dma_wait3A_106 : memref<1x128xi32, #tpu.memory_space<hbm>> -> memref<128xi32, #tpu.memory_space<hbm>>
    tpu.wait_dma2 semaphore(%arg17 : memref<!tpu.dma_semaphore, #tpu.memory_space<semaphore_mem>>) src(%dma_wait3A_107 : memref<128xi32, #tpu.memory_space<hbm>>) dst(%arg7 : memref<128xi32, #tpu.memory_space<vmem>>)
    %dma_wait3A_108 = arith.constant 0 : i32
    %dma_wait3A_109 = arith.constant 0 : i32
    %dma_wait3A_110 = arith.constant 0 : i32
    %dma_wait3A_111 = tpu.memref_slice %arg4[%arg0, %arg1, %dma_wait3A_109, %dma_wait3A_110] : memref<2x16x157x128xi32, #tpu.memory_space<hbm>> -> memref<1x1x157x128xi32, #tpu.memory_space<hbm>>
    %dma_wait3A_112 = tpu.memref_squeeze %dma_wait3A_111 : memref<1x1x157x128xi32, #tpu.memory_space<hbm>> -> memref<157x128xi32, #tpu.memory_space<hbm>>
    %dma_wait3A_113 = arith.constant 0 : i32
    %dma_wait3A_114 = tpu.memref_slice %dma_wait3A_112[%dma_wait3A_108, %dma_wait3A_113] : memref<157x128xi32, #tpu.memory_space<hbm>> -> memref<1x128xi32, #tpu.memory_space<hbm>>
    %dma_wait3A_115 = tpu.memref_squeeze %dma_wait3A_114 : memref<1x128xi32, #tpu.memory_space<hbm>> -> memref<128xi32, #tpu.memory_space<hbm>>
    %dma_wait3A_116 = arith.constant 0 : i32
    %dma_wait3A_117 = arith.constant 0 : i32
    %dma_wait3A_118 = tpu.memref_slice %arg4[%arg0, %arg1, %dma_wait3A_116, %dma_wait3A_117] : memref<2x16x157x128xi32, #tpu.memory_space<hbm>> -> memref<1x1x157x128xi32, #tpu.memory_space<hbm>>
    %dma_wait3A_119 = tpu.memref_squeeze %dma_wait3A_118 : memref<1x1x157x128xi32, #tpu.memory_space<hbm>> -> memref<157x128xi32, #tpu.memory_space<hbm>>
    %dma_wait3A_120 = arith.constant 0 : i32
    %dma_wait3A_121 = tpu.memref_slice %dma_wait3A_119[%dma_wait3A_108, %dma_wait3A_120] : memref<157x128xi32, #tpu.memory_space<hbm>> -> memref<1x128xi32, #tpu.memory_space<hbm>>
    %dma_wait3A_122 = tpu.memref_squeeze %dma_wait3A_121 : memref<1x128xi32, #tpu.memory_space<hbm>> -> memref<128xi32, #tpu.memory_space<hbm>>
    tpu.wait_dma2 semaphore(%arg17 : memref<!tpu.dma_semaphore, #tpu.memory_space<semaphore_mem>>) src(%dma_wait3A_122 : memref<128xi32, #tpu.memory_space<hbm>>) dst(%arg11 : memref<128xi32, #tpu.memory_space<vmem>>)
    %dma_start3A_123 = arith.constant 0 : i32
    %dma_start3A_124 = arith.constant 0 : i32
    %dma_start3A_125 = tpu.memref_slice %arg2[%dma_start3A_123, %dma_start3A_124] : memref<20480x128xf32, #tpu.memory_space<hbm>> -> memref<20480x128xf32, #tpu.memory_space<hbm>>
    tpu.enqueue_indirect_dma source(%dma_start3A_125 : memref<20480x128xf32, #tpu.memory_space<hbm>>) target(%arg15 : memref<128x128xf32, #tpu.memory_space<vmem>>) offsets(%arg7 : memref<128xi32, #tpu.memory_space<vmem>>) semaphore(%arg21 : memref<!tpu.dma_semaphore, #tpu.memory_space<semaphore_mem>>)
    %scan3A = arith.constant 0 : i32
    %scan3A_126 = arith.constant 40 : i32
    %scan3A_127 = arith.addi %scan3A, %scan3A_126 : i32
    %scan3A_128 = arith.constant 1 : i32
    scf.for %scan3A_144 = %scan3A to %scan3A_127 step %scan3A_128  : i32 {
      %mul3A_145 = arith.constant 4 : i32
      %mul3A_146 = arith.muli %scan3A_144, %mul3A_145 : i32
      %add3A_147 = arith.constant 0 : i32
      %add3A_148 = arith.addi %add3A_147, %mul3A_146 : i32
      %add3A_149 = arith.constant 0 : i32
      %add3A_150 = arith.addi %add3A_148, %add3A_149 : i32
      %lt3A = arith.constant 157 : i32
      %lt3A_151 = arith.cmpi slt, %add3A_150, %lt3A : i32
      %convert_element_type3A = arith.extui %lt3A_151 : i1 to i32
      %cond3A = arith.constant 0 : i32
      %cond3A_152 = arith.cmpi ne, %convert_element_type3A, %cond3A : i32
      scf.if %cond3A_152 {
        %add3A_174 = arith.constant 1 : i32
        %add3A_175 = arith.addi %add3A_150, %add3A_174 : i32
        %lt3A_176 = arith.constant 157 : i32
        %lt3A_177 = arith.cmpi slt, %add3A_175, %lt3A_176 : i32
        %convert_element_type3A_178 = arith.extui %lt3A_177 : i1 to i32
        %cond3A_179 = arith.constant 0 : i32
        %cond3A_180 = arith.cmpi ne, %convert_element_type3A_178, %cond3A_179 : i32
        scf.if %cond3A_180 {
          %add3A_194 = arith.constant 1 : i32
          %add3A_195 = arith.addi %add3A_150, %add3A_194 : i32
          %dma_wait3A_196 = arith.constant 0 : i32
          %dma_wait3A_197 = arith.constant 0 : i32
          %dma_wait3A_198 = tpu.memref_slice %arg3[%arg0, %arg1, %dma_wait3A_196, %dma_wait3A_197] : memref<2x16x157x128xi32, #tpu.memory_space<hbm>> -> memref<1x1x157x128xi32, #tpu.memory_space<hbm>>
          %dma_wait3A_199 = tpu.memref_squeeze %dma_wait3A_198 : memref<1x1x157x128xi32, #tpu.memory_space<hbm>> -> memref<157x128xi32, #tpu.memory_space<hbm>>
          %dma_wait3A_200 = arith.constant 0 : i32
          %dma_wait3A_201 = tpu.memref_slice %dma_wait3A_199[%add3A_195, %dma_wait3A_200] : memref<157x128xi32, #tpu.memory_space<hbm>> -> memref<1x128xi32, #tpu.memory_space<hbm>>
          %dma_wait3A_202 = tpu.memref_squeeze %dma_wait3A_201 : memref<1x128xi32, #tpu.memory_space<hbm>> -> memref<128xi32, #tpu.memory_space<hbm>>
          %dma_wait3A_203 = arith.constant 0 : i32
          %dma_wait3A_204 = arith.constant 0 : i32
          %dma_wait3A_205 = tpu.memref_slice %arg3[%arg0, %arg1, %dma_wait3A_203, %dma_wait3A_204] : memref<2x16x157x128xi32, #tpu.memory_space<hbm>> -> memref<1x1x157x128xi32, #tpu.memory_space<hbm>>
          %dma_wait3A_206 = tpu.memref_squeeze %dma_wait3A_205 : memref<1x1x157x128xi32, #tpu.memory_space<hbm>> -> memref<157x128xi32, #tpu.memory_space<hbm>>
          %dma_wait3A_207 = arith.constant 0 : i32
          %dma_wait3A_208 = tpu.memref_slice %dma_wait3A_206[%add3A_195, %dma_wait3A_207] : memref<157x128xi32, #tpu.memory_space<hbm>> -> memref<1x128xi32, #tpu.memory_space<hbm>>
          %dma_wait3A_209 = tpu.memref_squeeze %dma_wait3A_208 : memref<1x128xi32, #tpu.memory_space<hbm>> -> memref<128xi32, #tpu.memory_space<hbm>>
          tpu.wait_dma2 semaphore(%arg18 : memref<!tpu.dma_semaphore, #tpu.memory_space<semaphore_mem>>) src(%dma_wait3A_209 : memref<128xi32, #tpu.memory_space<hbm>>) dst(%arg8 : memref<128xi32, #tpu.memory_space<vmem>>)
          %dma_wait3A_210 = arith.constant 0 : i32
          %dma_wait3A_211 = arith.constant 0 : i32
          %dma_wait3A_212 = tpu.memref_slice %arg4[%arg0, %arg1, %dma_wait3A_210, %dma_wait3A_211] : memref<2x16x157x128xi32, #tpu.memory_space<hbm>> -> memref<1x1x157x128xi32, #tpu.memory_space<hbm>>
          %dma_wait3A_213 = tpu.memref_squeeze %dma_wait3A_212 : memref<1x1x157x128xi32, #tpu.memory_space<hbm>> -> memref<157x128xi32, #tpu.memory_space<hbm>>
          %dma_wait3A_214 = arith.constant 0 : i32
          %dma_wait3A_215 = tpu.memref_slice %dma_wait3A_213[%add3A_195, %dma_wait3A_214] : memref<157x128xi32, #tpu.memory_space<hbm>> -> memref<1x128xi32, #tpu.memory_space<hbm>>
          %dma_wait3A_216 = tpu.memref_squeeze %dma_wait3A_215 : memref<1x128xi32, #tpu.memory_space<hbm>> -> memref<128xi32, #tpu.memory_space<hbm>>
          %dma_wait3A_217 = arith.constant 0 : i32
          %dma_wait3A_218 = arith.constant 0 : i32
          %dma_wait3A_219 = tpu.memref_slice %arg4[%arg0, %arg1, %dma_wait3A_217, %dma_wait3A_218] : memref<2x16x157x128xi32, #tpu.memory_space<hbm>> -> memref<1x1x157x128xi32, #tpu.memory_space<hbm>>
          %dma_wait3A_220 = tpu.memref_squeeze %dma_wait3A_219 : memref<1x1x157x128xi32, #tpu.memory_space<hbm>> -> memref<157x128xi32, #tpu.memory_space<hbm>>
          %dma_wait3A_221 = arith.constant 0 : i32
          %dma_wait3A_222 = tpu.memref_slice %dma_wait3A_220[%add3A_195, %dma_wait3A_221] : memref<157x128xi32, #tpu.memory_space<hbm>> -> memref<1x128xi32, #tpu.memory_space<hbm>>
          %dma_wait3A_223 = tpu.memref_squeeze %dma_wait3A_222 : memref<1x128xi32, #tpu.memory_space<hbm>> -> memref<128xi32, #tpu.memory_space<hbm>>
          tpu.wait_dma2 semaphore(%arg18 : memref<!tpu.dma_semaphore, #tpu.memory_space<semaphore_mem>>) src(%dma_wait3A_223 : memref<128xi32, #tpu.memory_space<hbm>>) dst(%arg12 : memref<128xi32, #tpu.memory_space<vmem>>)
          %ge3A = arith.constant 1 : i32
          %ge3A_224 = arith.cmpi sge, %add3A_150, %ge3A : i32
          %convert_element_type3A_225 = arith.extui %ge3A_224 : i1 to i32
          %cond3A_226 = arith.constant 0 : i32
          %cond3A_227 = arith.cmpi ne, %convert_element_type3A_225, %cond3A_226 : i32
          scf.if %cond3A_227 {
            %dma_wait3A_231 = arith.constant 0 : i32
            %dma_wait3A_232 = arith.constant 0 : i32
            %dma_wait3A_233 = tpu.memref_slice %arg6[%dma_wait3A_231, %dma_wait3A_232] : memref<10240x128xf32, #tpu.memory_space<vmem_shared>> -> memref<10240x128xf32, #tpu.memory_space<vmem_shared>>
            tpu.wait_indirect_dma semaphore(%arg24 : memref<!tpu.dma_semaphore, #tpu.memory_space<semaphore_mem>>) src(%arg16 : memref<128x128xf32, #tpu.memory_space<vmem>>) dst(%dma_wait3A_233 : memref<10240x128xf32, #tpu.memory_space<vmem_shared>>)
          } else {
          }
          %dma_start3A_228 = arith.constant 0 : i32
          %dma_start3A_229 = arith.constant 0 : i32
          %dma_start3A_230 = tpu.memref_slice %arg2[%dma_start3A_228, %dma_start3A_229] : memref<20480x128xf32, #tpu.memory_space<hbm>> -> memref<20480x128xf32, #tpu.memory_space<hbm>>
          tpu.enqueue_indirect_dma source(%dma_start3A_230 : memref<20480x128xf32, #tpu.memory_space<hbm>>) target(%arg16 : memref<128x128xf32, #tpu.memory_space<vmem>>) offsets(%arg8 : memref<128xi32, #tpu.memory_space<vmem>>) semaphore(%arg22 : memref<!tpu.dma_semaphore, #tpu.memory_space<semaphore_mem>>)
        } else {
        }
        %add3A_181 = arith.constant 3 : i32
        %add3A_182 = arith.addi %add3A_150, %add3A_181 : i32
        %lt3A_183 = arith.constant 157 : i32
        %lt3A_184 = arith.cmpi slt, %add3A_182, %lt3A_183 : i32
        %convert_element_type3A_185 = arith.extui %lt3A_184 : i1 to i32
        %cond3A_186 = arith.constant 0 : i32
        %cond3A_187 = arith.cmpi ne, %convert_element_type3A_185, %cond3A_186 : i32
        scf.if %cond3A_187 {
          %add3A_194 = arith.constant 3 : i32
          %add3A_195 = arith.addi %add3A_150, %add3A_194 : i32
          %dma_start3A_196 = arith.constant 0 : i32
          %dma_start3A_197 = arith.constant 0 : i32
          %dma_start3A_198 = tpu.memref_slice %arg3[%arg0, %arg1, %dma_start3A_196, %dma_start3A_197] : memref<2x16x157x128xi32, #tpu.memory_space<hbm>> -> memref<1x1x157x128xi32, #tpu.memory_space<hbm>>
          %dma_start3A_199 = tpu.memref_squeeze %dma_start3A_198 : memref<1x1x157x128xi32, #tpu.memory_space<hbm>> -> memref<157x128xi32, #tpu.memory_space<hbm>>
          %dma_start3A_200 = arith.constant 0 : i32
          %dma_start3A_201 = tpu.memref_slice %dma_start3A_199[%add3A_195, %dma_start3A_200] : memref<157x128xi32, #tpu.memory_space<hbm>> -> memref<1x128xi32, #tpu.memory_space<hbm>>
          %dma_start3A_202 = tpu.memref_squeeze %dma_start3A_201 : memref<1x128xi32, #tpu.memory_space<hbm>> -> memref<128xi32, #tpu.memory_space<hbm>>
          %dma_start3A_203 = arith.constant 0 : i32
          %dma_start3A_204 = arith.constant 0 : i32
          %dma_start3A_205 = tpu.memref_slice %arg3[%arg0, %arg1, %dma_start3A_203, %dma_start3A_204] : memref<2x16x157x128xi32, #tpu.memory_space<hbm>> -> memref<1x1x157x128xi32, #tpu.memory_space<hbm>>
          %dma_start3A_206 = tpu.memref_squeeze %dma_start3A_205 : memref<1x1x157x128xi32, #tpu.memory_space<hbm>> -> memref<157x128xi32, #tpu.memory_space<hbm>>
          %dma_start3A_207 = arith.constant 0 : i32
          %dma_start3A_208 = tpu.memref_slice %dma_start3A_206[%add3A_195, %dma_start3A_207] : memref<157x128xi32, #tpu.memory_space<hbm>> -> memref<1x128xi32, #tpu.memory_space<hbm>>
          %dma_start3A_209 = tpu.memref_squeeze %dma_start3A_208 : memref<1x128xi32, #tpu.memory_space<hbm>> -> memref<128xi32, #tpu.memory_space<hbm>>
          tpu.enqueue_dma source(%dma_start3A_209 : memref<128xi32, #tpu.memory_space<hbm>>) target(%arg10 : memref<128xi32, #tpu.memory_space<vmem>>) target_semaphore(%arg20 : memref<!tpu.dma_semaphore, #tpu.memory_space<semaphore_mem>>)
          %dma_start3A_210 = arith.constant 0 : i32
          %dma_start3A_211 = arith.constant 0 : i32
          %dma_start3A_212 = tpu.memref_slice %arg4[%arg0, %arg1, %dma_start3A_210, %dma_start3A_211] : memref<2x16x157x128xi32, #tpu.memory_space<hbm>> -> memref<1x1x157x128xi32, #tpu.memory_space<hbm>>
          %dma_start3A_213 = tpu.memref_squeeze %dma_start3A_212 : memref<1x1x157x128xi32, #tpu.memory_space<hbm>> -> memref<157x128xi32, #tpu.memory_space<hbm>>
          %dma_start3A_214 = arith.constant 0 : i32
          %dma_start3A_215 = tpu.memref_slice %dma_start3A_213[%add3A_195, %dma_start3A_214] : memref<157x128xi32, #tpu.memory_space<hbm>> -> memref<1x128xi32, #tpu.memory_space<hbm>>
          %dma_start3A_216 = tpu.memref_squeeze %dma_start3A_215 : memref<1x128xi32, #tpu.memory_space<hbm>> -> memref<128xi32, #tpu.memory_space<hbm>>
          %dma_start3A_217 = arith.constant 0 : i32
          %dma_start3A_218 = arith.constant 0 : i32
          %dma_start3A_219 = tpu.memref_slice %arg4[%arg0, %arg1, %dma_start3A_217, %dma_start3A_218] : memref<2x16x157x128xi32, #tpu.memory_space<hbm>> -> memref<1x1x157x128xi32, #tpu.memory_space<hbm>>
          %dma_start3A_220 = tpu.memref_squeeze %dma_start3A_219 : memref<1x1x157x128xi32, #tpu.memory_space<hbm>> -> memref<157x128xi32, #tpu.memory_space<hbm>>
          %dma_start3A_221 = arith.constant 0 : i32
          %dma_start3A_222 = tpu.memref_slice %dma_start3A_220[%add3A_195, %dma_start3A_221] : memref<157x128xi32, #tpu.memory_space<hbm>> -> memref<1x128xi32, #tpu.memory_space<hbm>>
          %dma_start3A_223 = tpu.memref_squeeze %dma_start3A_222 : memref<1x128xi32, #tpu.memory_space<hbm>> -> memref<128xi32, #tpu.memory_space<hbm>>
          tpu.enqueue_dma source(%dma_start3A_223 : memref<128xi32, #tpu.memory_space<hbm>>) target(%arg14 : memref<128xi32, #tpu.memory_space<vmem>>) target_semaphore(%arg20 : memref<!tpu.dma_semaphore, #tpu.memory_space<semaphore_mem>>)
        } else {
        }
        %dma_wait3A_188 = arith.constant 0 : i32
        %dma_wait3A_189 = arith.constant 0 : i32
        %dma_wait3A_190 = tpu.memref_slice %arg2[%dma_wait3A_188, %dma_wait3A_189] : memref<20480x128xf32, #tpu.memory_space<hbm>> -> memref<20480x128xf32, #tpu.memory_space<hbm>>
        tpu.wait_indirect_dma semaphore(%arg21 : memref<!tpu.dma_semaphore, #tpu.memory_space<semaphore_mem>>) src(%dma_wait3A_190 : memref<20480x128xf32, #tpu.memory_space<hbm>>) dst(%arg15 : memref<128x128xf32, #tpu.memory_space<vmem>>)
        %dma_start3A_191 = arith.constant 0 : i32
        %dma_start3A_192 = arith.constant 0 : i32
        %dma_start3A_193 = tpu.memref_slice %arg6[%dma_start3A_191, %dma_start3A_192] : memref<10240x128xf32, #tpu.memory_space<vmem_shared>> -> memref<10240x128xf32, #tpu.memory_space<vmem_shared>>
        tpu.enqueue_indirect_dma source(%arg15 : memref<128x128xf32, #tpu.memory_space<vmem>>) target(%dma_start3A_193 : memref<10240x128xf32, #tpu.memory_space<vmem_shared>>) offsets(%arg11 : memref<128xi32, #tpu.memory_space<vmem>>) semaphore(%arg23 : memref<!tpu.dma_semaphore, #tpu.memory_space<semaphore_mem>>) {add = true}
      } else {
      }
      %add3A_153 = arith.constant 1 : i32
      %add3A_154 = arith.addi %add3A_148, %add3A_153 : i32
      %lt3A_155 = arith.constant 157 : i32
      %lt3A_156 = arith.cmpi slt, %add3A_154, %lt3A_155 : i32
      %convert_element_type3A_157 = arith.extui %lt3A_156 : i1 to i32
      %cond3A_158 = arith.constant 0 : i32
      %cond3A_159 = arith.cmpi ne, %convert_element_type3A_157, %cond3A_158 : i32
      scf.if %cond3A_159 {
        %add3A_174 = arith.constant 1 : i32
        %add3A_175 = arith.addi %add3A_154, %add3A_174 : i32
        %lt3A_176 = arith.constant 157 : i32
        %lt3A_177 = arith.cmpi slt, %add3A_175, %lt3A_176 : i32
        %convert_element_type3A_178 = arith.extui %lt3A_177 : i1 to i32
        %cond3A_179 = arith.constant 0 : i32
        %cond3A_180 = arith.cmpi ne, %convert_element_type3A_178, %cond3A_179 : i32
        scf.if %cond3A_180 {
          %add3A_194 = arith.constant 1 : i32
          %add3A_195 = arith.addi %add3A_154, %add3A_194 : i32
          %dma_wait3A_196 = arith.constant 0 : i32
          %dma_wait3A_197 = arith.constant 0 : i32
          %dma_wait3A_198 = tpu.memref_slice %arg3[%arg0, %arg1, %dma_wait3A_196, %dma_wait3A_197] : memref<2x16x157x128xi32, #tpu.memory_space<hbm>> -> memref<1x1x157x128xi32, #tpu.memory_space<hbm>>
          %dma_wait3A_199 = tpu.memref_squeeze %dma_wait3A_198 : memref<1x1x157x128xi32, #tpu.memory_space<hbm>> -> memref<157x128xi32, #tpu.memory_space<hbm>>
          %dma_wait3A_200 = arith.constant 0 : i32
          %dma_wait3A_201 = tpu.memref_slice %dma_wait3A_199[%add3A_195, %dma_wait3A_200] : memref<157x128xi32, #tpu.memory_space<hbm>> -> memref<1x128xi32, #tpu.memory_space<hbm>>
          %dma_wait3A_202 = tpu.memref_squeeze %dma_wait3A_201 : memref<1x128xi32, #tpu.memory_space<hbm>> -> memref<128xi32, #tpu.memory_space<hbm>>
          %dma_wait3A_203 = arith.constant 0 : i32
          %dma_wait3A_204 = arith.constant 0 : i32
          %dma_wait3A_205 = tpu.memref_slice %arg3[%arg0, %arg1, %dma_wait3A_203, %dma_wait3A_204] : memref<2x16x157x128xi32, #tpu.memory_space<hbm>> -> memref<1x1x157x128xi32, #tpu.memory_space<hbm>>
          %dma_wait3A_206 = tpu.memref_squeeze %dma_wait3A_205 : memref<1x1x157x128xi32, #tpu.memory_space<hbm>> -> memref<157x128xi32, #tpu.memory_space<hbm>>
          %dma_wait3A_207 = arith.constant 0 : i32
          %dma_wait3A_208 = tpu.memref_slice %dma_wait3A_206[%add3A_195, %dma_wait3A_207] : memref<157x128xi32, #tpu.memory_space<hbm>> -> memref<1x128xi32, #tpu.memory_space<hbm>>
          %dma_wait3A_209 = tpu.memref_squeeze %dma_wait3A_208 : memref<1x128xi32, #tpu.memory_space<hbm>> -> memref<128xi32, #tpu.memory_space<hbm>>
          tpu.wait_dma2 semaphore(%arg19 : memref<!tpu.dma_semaphore, #tpu.memory_space<semaphore_mem>>) src(%dma_wait3A_209 : memref<128xi32, #tpu.memory_space<hbm>>) dst(%arg9 : memref<128xi32, #tpu.memory_space<vmem>>)
          %dma_wait3A_210 = arith.constant 0 : i32
          %dma_wait3A_211 = arith.constant 0 : i32
          %dma_wait3A_212 = tpu.memref_slice %arg4[%arg0, %arg1, %dma_wait3A_210, %dma_wait3A_211] : memref<2x16x157x128xi32, #tpu.memory_space<hbm>> -> memref<1x1x157x128xi32, #tpu.memory_space<hbm>>
          %dma_wait3A_213 = tpu.memref_squeeze %dma_wait3A_212 : memref<1x1x157x128xi32, #tpu.memory_space<hbm>> -> memref<157x128xi32, #tpu.memory_space<hbm>>
          %dma_wait3A_214 = arith.constant 0 : i32
          %dma_wait3A_215 = tpu.memref_slice %dma_wait3A_213[%add3A_195, %dma_wait3A_214] : memref<157x128xi32, #tpu.memory_space<hbm>> -> memref<1x128xi32, #tpu.memory_space<hbm>>
          %dma_wait3A_216 = tpu.memref_squeeze %dma_wait3A_215 : memref<1x128xi32, #tpu.memory_space<hbm>> -> memref<128xi32, #tpu.memory_space<hbm>>
          %dma_wait3A_217 = arith.constant 0 : i32
          %dma_wait3A_218 = arith.constant 0 : i32
          %dma_wait3A_219 = tpu.memref_slice %arg4[%arg0, %arg1, %dma_wait3A_217, %dma_wait3A_218] : memref<2x16x157x128xi32, #tpu.memory_space<hbm>> -> memref<1x1x157x128xi32, #tpu.memory_space<hbm>>
          %dma_wait3A_220 = tpu.memref_squeeze %dma_wait3A_219 : memref<1x1x157x128xi32, #tpu.memory_space<hbm>> -> memref<157x128xi32, #tpu.memory_space<hbm>>
          %dma_wait3A_221 = arith.constant 0 : i32
          %dma_wait3A_222 = tpu.memref_slice %dma_wait3A_220[%add3A_195, %dma_wait3A_221] : memref<157x128xi32, #tpu.memory_space<hbm>> -> memref<1x128xi32, #tpu.memory_space<hbm>>
          %dma_wait3A_223 = tpu.memref_squeeze %dma_wait3A_222 : memref<1x128xi32, #tpu.memory_space<hbm>> -> memref<128xi32, #tpu.memory_space<hbm>>
          tpu.wait_dma2 semaphore(%arg19 : memref<!tpu.dma_semaphore, #tpu.memory_space<semaphore_mem>>) src(%dma_wait3A_223 : memref<128xi32, #tpu.memory_space<hbm>>) dst(%arg13 : memref<128xi32, #tpu.memory_space<vmem>>)
          %ge3A = arith.constant 1 : i32
          %ge3A_224 = arith.cmpi sge, %add3A_154, %ge3A : i32
          %convert_element_type3A_225 = arith.extui %ge3A_224 : i1 to i32
          %cond3A_226 = arith.constant 0 : i32
          %cond3A_227 = arith.cmpi ne, %convert_element_type3A_225, %cond3A_226 : i32
          scf.if %cond3A_227 {
            %dma_wait3A_231 = arith.constant 0 : i32
            %dma_wait3A_232 = arith.constant 0 : i32
            %dma_wait3A_233 = tpu.memref_slice %arg6[%dma_wait3A_231, %dma_wait3A_232] : memref<10240x128xf32, #tpu.memory_space<vmem_shared>> -> memref<10240x128xf32, #tpu.memory_space<vmem_shared>>
            tpu.wait_indirect_dma semaphore(%arg23 : memref<!tpu.dma_semaphore, #tpu.memory_space<semaphore_mem>>) src(%arg15 : memref<128x128xf32, #tpu.memory_space<vmem>>) dst(%dma_wait3A_233 : memref<10240x128xf32, #tpu.memory_space<vmem_shared>>)
          } else {
          }
          %dma_start3A_228 = arith.constant 0 : i32
          %dma_start3A_229 = arith.constant 0 : i32
          %dma_start3A_230 = tpu.memref_slice %arg2[%dma_start3A_228, %dma_start3A_229] : memref<20480x128xf32, #tpu.memory_space<hbm>> -> memref<20480x128xf32, #tpu.memory_space<hbm>>
          tpu.enqueue_indirect_dma source(%dma_start3A_230 : memref<20480x128xf32, #tpu.memory_space<hbm>>) target(%arg15 : memref<128x128xf32, #tpu.memory_space<vmem>>) offsets(%arg9 : memref<128xi32, #tpu.memory_space<vmem>>) semaphore(%arg21 : memref<!tpu.dma_semaphore, #tpu.memory_space<semaphore_mem>>)
        } else {
        }
        %add3A_181 = arith.constant 3 : i32
        %add3A_182 = arith.addi %add3A_154, %add3A_181 : i32
        %lt3A_183 = arith.constant 157 : i32
        %lt3A_184 = arith.cmpi slt, %add3A_182, %lt3A_183 : i32
        %convert_element_type3A_185 = arith.extui %lt3A_184 : i1 to i32
        %cond3A_186 = arith.constant 0 : i32
        %cond3A_187 = arith.cmpi ne, %convert_element_type3A_185, %cond3A_186 : i32
        scf.if %cond3A_187 {
          %add3A_194 = arith.constant 3 : i32
          %add3A_195 = arith.addi %add3A_154, %add3A_194 : i32
          %dma_start3A_196 = arith.constant 0 : i32
          %dma_start3A_197 = arith.constant 0 : i32
          %dma_start3A_198 = tpu.memref_slice %arg3[%arg0, %arg1, %dma_start3A_196, %dma_start3A_197] : memref<2x16x157x128xi32, #tpu.memory_space<hbm>> -> memref<1x1x157x128xi32, #tpu.memory_space<hbm>>
          %dma_start3A_199 = tpu.memref_squeeze %dma_start3A_198 : memref<1x1x157x128xi32, #tpu.memory_space<hbm>> -> memref<157x128xi32, #tpu.memory_space<hbm>>
          %dma_start3A_200 = arith.constant 0 : i32
          %dma_start3A_201 = tpu.memref_slice %dma_start3A_199[%add3A_195, %dma_start3A_200] : memref<157x128xi32, #tpu.memory_space<hbm>> -> memref<1x128xi32, #tpu.memory_space<hbm>>
          %dma_start3A_202 = tpu.memref_squeeze %dma_start3A_201 : memref<1x128xi32, #tpu.memory_space<hbm>> -> memref<128xi32, #tpu.memory_space<hbm>>
          %dma_start3A_203 = arith.constant 0 : i32
          %dma_start3A_204 = arith.constant 0 : i32
          %dma_start3A_205 = tpu.memref_slice %arg3[%arg0, %arg1, %dma_start3A_203, %dma_start3A_204] : memref<2x16x157x128xi32, #tpu.memory_space<hbm>> -> memref<1x1x157x128xi32, #tpu.memory_space<hbm>>
          %dma_start3A_206 = tpu.memref_squeeze %dma_start3A_205 : memref<1x1x157x128xi32, #tpu.memory_space<hbm>> -> memref<157x128xi32, #tpu.memory_space<hbm>>
          %dma_start3A_207 = arith.constant 0 : i32
          %dma_start3A_208 = tpu.memref_slice %dma_start3A_206[%add3A_195, %dma_start3A_207] : memref<157x128xi32, #tpu.memory_space<hbm>> -> memref<1x128xi32, #tpu.memory_space<hbm>>
          %dma_start3A_209 = tpu.memref_squeeze %dma_start3A_208 : memref<1x128xi32, #tpu.memory_space<hbm>> -> memref<128xi32, #tpu.memory_space<hbm>>
          tpu.enqueue_dma source(%dma_start3A_209 : memref<128xi32, #tpu.memory_space<hbm>>) target(%arg7 : memref<128xi32, #tpu.memory_space<vmem>>) target_semaphore(%arg17 : memref<!tpu.dma_semaphore, #tpu.memory_space<semaphore_mem>>)
          %dma_start3A_210 = arith.constant 0 : i32
          %dma_start3A_211 = arith.constant 0 : i32
          %dma_start3A_212 = tpu.memref_slice %arg4[%arg0, %arg1, %dma_start3A_210, %dma_start3A_211] : memref<2x16x157x128xi32, #tpu.memory_space<hbm>> -> memref<1x1x157x128xi32, #tpu.memory_space<hbm>>
          %dma_start3A_213 = tpu.memref_squeeze %dma_start3A_212 : memref<1x1x157x128xi32, #tpu.memory_space<hbm>> -> memref<157x128xi32, #tpu.memory_space<hbm>>
          %dma_start3A_214 = arith.constant 0 : i32
          %dma_start3A_215 = tpu.memref_slice %dma_start3A_213[%add3A_195, %dma_start3A_214] : memref<157x128xi32, #tpu.memory_space<hbm>> -> memref<1x128xi32, #tpu.memory_space<hbm>>
          %dma_start3A_216 = tpu.memref_squeeze %dma_start3A_215 : memref<1x128xi32, #tpu.memory_space<hbm>> -> memref<128xi32, #tpu.memory_space<hbm>>
          %dma_start3A_217 = arith.constant 0 : i32
          %dma_start3A_218 = arith.constant 0 : i32
          %dma_start3A_219 = tpu.memref_slice %arg4[%arg0, %arg1, %dma_start3A_217, %dma_start3A_218] : memref<2x16x157x128xi32, #tpu.memory_space<hbm>> -> memref<1x1x157x128xi32, #tpu.memory_space<hbm>>
          %dma_start3A_220 = tpu.memref_squeeze %dma_start3A_219 : memref<1x1x157x128xi32, #tpu.memory_space<hbm>> -> memref<157x128xi32, #tpu.memory_space<hbm>>
          %dma_start3A_221 = arith.constant 0 : i32
          %dma_start3A_222 = tpu.memref_slice %dma_start3A_220[%add3A_195, %dma_start3A_221] : memref<157x128xi32, #tpu.memory_space<hbm>> -> memref<1x128xi32, #tpu.memory_space<hbm>>
          %dma_start3A_223 = tpu.memref_squeeze %dma_start3A_222 : memref<1x128xi32, #tpu.memory_space<hbm>> -> memref<128xi32, #tpu.memory_space<hbm>>
          tpu.enqueue_dma source(%dma_start3A_223 : memref<128xi32, #tpu.memory_space<hbm>>) target(%arg11 : memref<128xi32, #tpu.memory_space<vmem>>) target_semaphore(%arg17 : memref<!tpu.dma_semaphore, #tpu.memory_space<semaphore_mem>>)
        } else {
        }
        %dma_wait3A_188 = arith.constant 0 : i32
        %dma_wait3A_189 = arith.constant 0 : i32
        %dma_wait3A_190 = tpu.memref_slice %arg2[%dma_wait3A_188, %dma_wait3A_189] : memref<20480x128xf32, #tpu.memory_space<hbm>> -> memref<20480x128xf32, #tpu.memory_space<hbm>>
        tpu.wait_indirect_dma semaphore(%arg22 : memref<!tpu.dma_semaphore, #tpu.memory_space<semaphore_mem>>) src(%dma_wait3A_190 : memref<20480x128xf32, #tpu.memory_space<hbm>>) dst(%arg16 : memref<128x128xf32, #tpu.memory_space<vmem>>)
        %dma_start3A_191 = arith.constant 0 : i32
        %dma_start3A_192 = arith.constant 0 : i32
        %dma_start3A_193 = tpu.memref_slice %arg6[%dma_start3A_191, %dma_start3A_192] : memref<10240x128xf32, #tpu.memory_space<vmem_shared>> -> memref<10240x128xf32, #tpu.memory_space<vmem_shared>>
        tpu.enqueue_indirect_dma source(%arg16 : memref<128x128xf32, #tpu.memory_space<vmem>>) target(%dma_start3A_193 : memref<10240x128xf32, #tpu.memory_space<vmem_shared>>) offsets(%arg12 : memref<128xi32, #tpu.memory_space<vmem>>) semaphore(%arg24 : memref<!tpu.dma_semaphore, #tpu.memory_space<semaphore_mem>>) {add = true}
      } else {
      }
      %add3A_160 = arith.constant 2 : i32
      %add3A_161 = arith.addi %add3A_148, %add3A_160 : i32
      %lt3A_162 = arith.constant 157 : i32
      %lt3A_163 = arith.cmpi slt, %add3A_161, %lt3A_162 : i32
      %convert_element_type3A_164 = arith.extui %lt3A_163 : i1 to i32
      %cond3A_165 = arith.constant 0 : i32
      %cond3A_166 = arith.cmpi ne, %convert_element_type3A_164, %cond3A_165 : i32
      scf.if %cond3A_166 {
        %add3A_174 = arith.constant 1 : i32
        %add3A_175 = arith.addi %add3A_161, %add3A_174 : i32
        %lt3A_176 = arith.constant 157 : i32
        %lt3A_177 = arith.cmpi slt, %add3A_175, %lt3A_176 : i32
        %convert_element_type3A_178 = arith.extui %lt3A_177 : i1 to i32
        %cond3A_179 = arith.constant 0 : i32
        %cond3A_180 = arith.cmpi ne, %convert_element_type3A_178, %cond3A_179 : i32
        scf.if %cond3A_180 {
          %add3A_194 = arith.constant 1 : i32
          %add3A_195 = arith.addi %add3A_161, %add3A_194 : i32
          %dma_wait3A_196 = arith.constant 0 : i32
          %dma_wait3A_197 = arith.constant 0 : i32
          %dma_wait3A_198 = tpu.memref_slice %arg3[%arg0, %arg1, %dma_wait3A_196, %dma_wait3A_197] : memref<2x16x157x128xi32, #tpu.memory_space<hbm>> -> memref<1x1x157x128xi32, #tpu.memory_space<hbm>>
          %dma_wait3A_199 = tpu.memref_squeeze %dma_wait3A_198 : memref<1x1x157x128xi32, #tpu.memory_space<hbm>> -> memref<157x128xi32, #tpu.memory_space<hbm>>
          %dma_wait3A_200 = arith.constant 0 : i32
          %dma_wait3A_201 = tpu.memref_slice %dma_wait3A_199[%add3A_195, %dma_wait3A_200] : memref<157x128xi32, #tpu.memory_space<hbm>> -> memref<1x128xi32, #tpu.memory_space<hbm>>
          %dma_wait3A_202 = tpu.memref_squeeze %dma_wait3A_201 : memref<1x128xi32, #tpu.memory_space<hbm>> -> memref<128xi32, #tpu.memory_space<hbm>>
          %dma_wait3A_203 = arith.constant 0 : i32
          %dma_wait3A_204 = arith.constant 0 : i32
          %dma_wait3A_205 = tpu.memref_slice %arg3[%arg0, %arg1, %dma_wait3A_203, %dma_wait3A_204] : memref<2x16x157x128xi32, #tpu.memory_space<hbm>> -> memref<1x1x157x128xi32, #tpu.memory_space<hbm>>
          %dma_wait3A_206 = tpu.memref_squeeze %dma_wait3A_205 : memref<1x1x157x128xi32, #tpu.memory_space<hbm>> -> memref<157x128xi32, #tpu.memory_space<hbm>>
          %dma_wait3A_207 = arith.constant 0 : i32
          %dma_wait3A_208 = tpu.memref_slice %dma_wait3A_206[%add3A_195, %dma_wait3A_207] : memref<157x128xi32, #tpu.memory_space<hbm>> -> memref<1x128xi32, #tpu.memory_space<hbm>>
          %dma_wait3A_209 = tpu.memref_squeeze %dma_wait3A_208 : memref<1x128xi32, #tpu.memory_space<hbm>> -> memref<128xi32, #tpu.memory_space<hbm>>
          tpu.wait_dma2 semaphore(%arg20 : memref<!tpu.dma_semaphore, #tpu.memory_space<semaphore_mem>>) src(%dma_wait3A_209 : memref<128xi32, #tpu.memory_space<hbm>>) dst(%arg10 : memref<128xi32, #tpu.memory_space<vmem>>)
          %dma_wait3A_210 = arith.constant 0 : i32
          %dma_wait3A_211 = arith.constant 0 : i32
          %dma_wait3A_212 = tpu.memref_slice %arg4[%arg0, %arg1, %dma_wait3A_210, %dma_wait3A_211] : memref<2x16x157x128xi32, #tpu.memory_space<hbm>> -> memref<1x1x157x128xi32, #tpu.memory_space<hbm>>
          %dma_wait3A_213 = tpu.memref_squeeze %dma_wait3A_212 : memref<1x1x157x128xi32, #tpu.memory_space<hbm>> -> memref<157x128xi32, #tpu.memory_space<hbm>>
          %dma_wait3A_214 = arith.constant 0 : i32
          %dma_wait3A_215 = tpu.memref_slice %dma_wait3A_213[%add3A_195, %dma_wait3A_214] : memref<157x128xi32, #tpu.memory_space<hbm>> -> memref<1x128xi32, #tpu.memory_space<hbm>>
          %dma_wait3A_216 = tpu.memref_squeeze %dma_wait3A_215 : memref<1x128xi32, #tpu.memory_space<hbm>> -> memref<128xi32, #tpu.memory_space<hbm>>
          %dma_wait3A_217 = arith.constant 0 : i32
          %dma_wait3A_218 = arith.constant 0 : i32
          %dma_wait3A_219 = tpu.memref_slice %arg4[%arg0, %arg1, %dma_wait3A_217, %dma_wait3A_218] : memref<2x16x157x128xi32, #tpu.memory_space<hbm>> -> memref<1x1x157x128xi32, #tpu.memory_space<hbm>>
          %dma_wait3A_220 = tpu.memref_squeeze %dma_wait3A_219 : memref<1x1x157x128xi32, #tpu.memory_space<hbm>> -> memref<157x128xi32, #tpu.memory_space<hbm>>
          %dma_wait3A_221 = arith.constant 0 : i32
          %dma_wait3A_222 = tpu.memref_slice %dma_wait3A_220[%add3A_195, %dma_wait3A_221] : memref<157x128xi32, #tpu.memory_space<hbm>> -> memref<1x128xi32, #tpu.memory_space<hbm>>
          %dma_wait3A_223 = tpu.memref_squeeze %dma_wait3A_222 : memref<1x128xi32, #tpu.memory_space<hbm>> -> memref<128xi32, #tpu.memory_space<hbm>>
          tpu.wait_dma2 semaphore(%arg20 : memref<!tpu.dma_semaphore, #tpu.memory_space<semaphore_mem>>) src(%dma_wait3A_223 : memref<128xi32, #tpu.memory_space<hbm>>) dst(%arg14 : memref<128xi32, #tpu.memory_space<vmem>>)
          %ge3A = arith.constant 1 : i32
          %ge3A_224 = arith.cmpi sge, %add3A_161, %ge3A : i32
          %convert_element_type3A_225 = arith.extui %ge3A_224 : i1 to i32
          %cond3A_226 = arith.constant 0 : i32
          %cond3A_227 = arith.cmpi ne, %convert_element_type3A_225, %cond3A_226 : i32
          scf.if %cond3A_227 {
            %dma_wait3A_231 = arith.constant 0 : i32
            %dma_wait3A_232 = arith.constant 0 : i32
            %dma_wait3A_233 = tpu.memref_slice %arg6[%dma_wait3A_231, %dma_wait3A_232] : memref<10240x128xf32, #tpu.memory_space<vmem_shared>> -> memref<10240x128xf32, #tpu.memory_space<vmem_shared>>
            tpu.wait_indirect_dma semaphore(%arg24 : memref<!tpu.dma_semaphore, #tpu.memory_space<semaphore_mem>>) src(%arg16 : memref<128x128xf32, #tpu.memory_space<vmem>>) dst(%dma_wait3A_233 : memref<10240x128xf32, #tpu.memory_space<vmem_shared>>)
          } else {
          }
          %dma_start3A_228 = arith.constant 0 : i32
          %dma_start3A_229 = arith.constant 0 : i32
          %dma_start3A_230 = tpu.memref_slice %arg2[%dma_start3A_228, %dma_start3A_229] : memref<20480x128xf32, #tpu.memory_space<hbm>> -> memref<20480x128xf32, #tpu.memory_space<hbm>>
          tpu.enqueue_indirect_dma source(%dma_start3A_230 : memref<20480x128xf32, #tpu.memory_space<hbm>>) target(%arg16 : memref<128x128xf32, #tpu.memory_space<vmem>>) offsets(%arg10 : memref<128xi32, #tpu.memory_space<vmem>>) semaphore(%arg22 : memref<!tpu.dma_semaphore, #tpu.memory_space<semaphore_mem>>)
        } else {
        }
        %add3A_181 = arith.constant 3 : i32
        %add3A_182 = arith.addi %add3A_161, %add3A_181 : i32
        %lt3A_183 = arith.constant 157 : i32
        %lt3A_184 = arith.cmpi slt, %add3A_182, %lt3A_183 : i32
        %convert_element_type3A_185 = arith.extui %lt3A_184 : i1 to i32
        %cond3A_186 = arith.constant 0 : i32
        %cond3A_187 = arith.cmpi ne, %convert_element_type3A_185, %cond3A_186 : i32
        scf.if %cond3A_187 {
          %add3A_194 = arith.constant 3 : i32
          %add3A_195 = arith.addi %add3A_161, %add3A_194 : i32
          %dma_start3A_196 = arith.constant 0 : i32
          %dma_start3A_197 = arith.constant 0 : i32
          %dma_start3A_198 = tpu.memref_slice %arg3[%arg0, %arg1, %dma_start3A_196, %dma_start3A_197] : memref<2x16x157x128xi32, #tpu.memory_space<hbm>> -> memref<1x1x157x128xi32, #tpu.memory_space<hbm>>
          %dma_start3A_199 = tpu.memref_squeeze %dma_start3A_198 : memref<1x1x157x128xi32, #tpu.memory_space<hbm>> -> memref<157x128xi32, #tpu.memory_space<hbm>>
          %dma_start3A_200 = arith.constant 0 : i32
          %dma_start3A_201 = tpu.memref_slice %dma_start3A_199[%add3A_195, %dma_start3A_200] : memref<157x128xi32, #tpu.memory_space<hbm>> -> memref<1x128xi32, #tpu.memory_space<hbm>>
          %dma_start3A_202 = tpu.memref_squeeze %dma_start3A_201 : memref<1x128xi32, #tpu.memory_space<hbm>> -> memref<128xi32, #tpu.memory_space<hbm>>
          %dma_start3A_203 = arith.constant 0 : i32
          %dma_start3A_204 = arith.constant 0 : i32
          %dma_start3A_205 = tpu.memref_slice %arg3[%arg0, %arg1, %dma_start3A_203, %dma_start3A_204] : memref<2x16x157x128xi32, #tpu.memory_space<hbm>> -> memref<1x1x157x128xi32, #tpu.memory_space<hbm>>
          %dma_start3A_206 = tpu.memref_squeeze %dma_start3A_205 : memref<1x1x157x128xi32, #tpu.memory_space<hbm>> -> memref<157x128xi32, #tpu.memory_space<hbm>>
          %dma_start3A_207 = arith.constant 0 : i32
          %dma_start3A_208 = tpu.memref_slice %dma_start3A_206[%add3A_195, %dma_start3A_207] : memref<157x128xi32, #tpu.memory_space<hbm>> -> memref<1x128xi32, #tpu.memory_space<hbm>>
          %dma_start3A_209 = tpu.memref_squeeze %dma_start3A_208 : memref<1x128xi32, #tpu.memory_space<hbm>> -> memref<128xi32, #tpu.memory_space<hbm>>
          tpu.enqueue_dma source(%dma_start3A_209 : memref<128xi32, #tpu.memory_space<hbm>>) target(%arg8 : memref<128xi32, #tpu.memory_space<vmem>>) target_semaphore(%arg18 : memref<!tpu.dma_semaphore, #tpu.memory_space<semaphore_mem>>)
          %dma_start3A_210 = arith.constant 0 : i32
          %dma_start3A_211 = arith.constant 0 : i32
          %dma_start3A_212 = tpu.memref_slice %arg4[%arg0, %arg1, %dma_start3A_210, %dma_start3A_211] : memref<2x16x157x128xi32, #tpu.memory_space<hbm>> -> memref<1x1x157x128xi32, #tpu.memory_space<hbm>>
          %dma_start3A_213 = tpu.memref_squeeze %dma_start3A_212 : memref<1x1x157x128xi32, #tpu.memory_space<hbm>> -> memref<157x128xi32, #tpu.memory_space<hbm>>
          %dma_start3A_214 = arith.constant 0 : i32
          %dma_start3A_215 = tpu.memref_slice %dma_start3A_213[%add3A_195, %dma_start3A_214] : memref<157x128xi32, #tpu.memory_space<hbm>> -> memref<1x128xi32, #tpu.memory_space<hbm>>
          %dma_start3A_216 = tpu.memref_squeeze %dma_start3A_215 : memref<1x128xi32, #tpu.memory_space<hbm>> -> memref<128xi32, #tpu.memory_space<hbm>>
          %dma_start3A_217 = arith.constant 0 : i32
          %dma_start3A_218 = arith.constant 0 : i32
          %dma_start3A_219 = tpu.memref_slice %arg4[%arg0, %arg1, %dma_start3A_217, %dma_start3A_218] : memref<2x16x157x128xi32, #tpu.memory_space<hbm>> -> memref<1x1x157x128xi32, #tpu.memory_space<hbm>>
          %dma_start3A_220 = tpu.memref_squeeze %dma_start3A_219 : memref<1x1x157x128xi32, #tpu.memory_space<hbm>> -> memref<157x128xi32, #tpu.memory_space<hbm>>
          %dma_start3A_221 = arith.constant 0 : i32
          %dma_start3A_222 = tpu.memref_slice %dma_start3A_220[%add3A_195, %dma_start3A_221] : memref<157x128xi32, #tpu.memory_space<hbm>> -> memref<1x128xi32, #tpu.memory_space<hbm>>
          %dma_start3A_223 = tpu.memref_squeeze %dma_start3A_222 : memref<1x128xi32, #tpu.memory_space<hbm>> -> memref<128xi32, #tpu.memory_space<hbm>>
          tpu.enqueue_dma source(%dma_start3A_223 : memref<128xi32, #tpu.memory_space<hbm>>) target(%arg12 : memref<128xi32, #tpu.memory_space<vmem>>) target_semaphore(%arg18 : memref<!tpu.dma_semaphore, #tpu.memory_space<semaphore_mem>>)
        } else {
        }
        %dma_wait3A_188 = arith.constant 0 : i32
        %dma_wait3A_189 = arith.constant 0 : i32
        %dma_wait3A_190 = tpu.memref_slice %arg2[%dma_wait3A_188, %dma_wait3A_189] : memref<20480x128xf32, #tpu.memory_space<hbm>> -> memref<20480x128xf32, #tpu.memory_space<hbm>>
        tpu.wait_indirect_dma semaphore(%arg21 : memref<!tpu.dma_semaphore, #tpu.memory_space<semaphore_mem>>) src(%dma_wait3A_190 : memref<20480x128xf32, #tpu.memory_space<hbm>>) dst(%arg15 : memref<128x128xf32, #tpu.memory_space<vmem>>)
        %dma_start3A_191 = arith.constant 0 : i32
        %dma_start3A_192 = arith.constant 0 : i32
        %dma_start3A_193 = tpu.memref_slice %arg6[%dma_start3A_191, %dma_start3A_192] : memref<10240x128xf32, #tpu.memory_space<vmem_shared>> -> memref<10240x128xf32, #tpu.memory_space<vmem_shared>>
        tpu.enqueue_indirect_dma source(%arg15 : memref<128x128xf32, #tpu.memory_space<vmem>>) target(%dma_start3A_193 : memref<10240x128xf32, #tpu.memory_space<vmem_shared>>) offsets(%arg13 : memref<128xi32, #tpu.memory_space<vmem>>) semaphore(%arg23 : memref<!tpu.dma_semaphore, #tpu.memory_space<semaphore_mem>>) {add = true}
      } else {
      }
      %add3A_167 = arith.constant 3 : i32
      %add3A_168 = arith.addi %add3A_148, %add3A_167 : i32
      %lt3A_169 = arith.constant 157 : i32
      %lt3A_170 = arith.cmpi slt, %add3A_168, %lt3A_169 : i32
      %convert_element_type3A_171 = arith.extui %lt3A_170 : i1 to i32
      %cond3A_172 = arith.constant 0 : i32
      %cond3A_173 = arith.cmpi ne, %convert_element_type3A_171, %cond3A_172 : i32
      scf.if %cond3A_173 {
        %add3A_174 = arith.constant 1 : i32
        %add3A_175 = arith.addi %add3A_168, %add3A_174 : i32
        %lt3A_176 = arith.constant 157 : i32
        %lt3A_177 = arith.cmpi slt, %add3A_175, %lt3A_176 : i32
        %convert_element_type3A_178 = arith.extui %lt3A_177 : i1 to i32
        %cond3A_179 = arith.constant 0 : i32
        %cond3A_180 = arith.cmpi ne, %convert_element_type3A_178, %cond3A_179 : i32
        scf.if %cond3A_180 {
          %add3A_194 = arith.constant 1 : i32
          %add3A_195 = arith.addi %add3A_168, %add3A_194 : i32
          %dma_wait3A_196 = arith.constant 0 : i32
          %dma_wait3A_197 = arith.constant 0 : i32
          %dma_wait3A_198 = tpu.memref_slice %arg3[%arg0, %arg1, %dma_wait3A_196, %dma_wait3A_197] : memref<2x16x157x128xi32, #tpu.memory_space<hbm>> -> memref<1x1x157x128xi32, #tpu.memory_space<hbm>>
          %dma_wait3A_199 = tpu.memref_squeeze %dma_wait3A_198 : memref<1x1x157x128xi32, #tpu.memory_space<hbm>> -> memref<157x128xi32, #tpu.memory_space<hbm>>
          %dma_wait3A_200 = arith.constant 0 : i32
          %dma_wait3A_201 = tpu.memref_slice %dma_wait3A_199[%add3A_195, %dma_wait3A_200] : memref<157x128xi32, #tpu.memory_space<hbm>> -> memref<1x128xi32, #tpu.memory_space<hbm>>
          %dma_wait3A_202 = tpu.memref_squeeze %dma_wait3A_201 : memref<1x128xi32, #tpu.memory_space<hbm>> -> memref<128xi32, #tpu.memory_space<hbm>>
          %dma_wait3A_203 = arith.constant 0 : i32
          %dma_wait3A_204 = arith.constant 0 : i32
          %dma_wait3A_205 = tpu.memref_slice %arg3[%arg0, %arg1, %dma_wait3A_203, %dma_wait3A_204] : memref<2x16x157x128xi32, #tpu.memory_space<hbm>> -> memref<1x1x157x128xi32, #tpu.memory_space<hbm>>
          %dma_wait3A_206 = tpu.memref_squeeze %dma_wait3A_205 : memref<1x1x157x128xi32, #tpu.memory_space<hbm>> -> memref<157x128xi32, #tpu.memory_space<hbm>>
          %dma_wait3A_207 = arith.constant 0 : i32
          %dma_wait3A_208 = tpu.memref_slice %dma_wait3A_206[%add3A_195, %dma_wait3A_207] : memref<157x128xi32, #tpu.memory_space<hbm>> -> memref<1x128xi32, #tpu.memory_space<hbm>>
          %dma_wait3A_209 = tpu.memref_squeeze %dma_wait3A_208 : memref<1x128xi32, #tpu.memory_space<hbm>> -> memref<128xi32, #tpu.memory_space<hbm>>
          tpu.wait_dma2 semaphore(%arg17 : memref<!tpu.dma_semaphore, #tpu.memory_space<semaphore_mem>>) src(%dma_wait3A_209 : memref<128xi32, #tpu.memory_space<hbm>>) dst(%arg7 : memref<128xi32, #tpu.memory_space<vmem>>)
          %dma_wait3A_210 = arith.constant 0 : i32
          %dma_wait3A_211 = arith.constant 0 : i32
          %dma_wait3A_212 = tpu.memref_slice %arg4[%arg0, %arg1, %dma_wait3A_210, %dma_wait3A_211] : memref<2x16x157x128xi32, #tpu.memory_space<hbm>> -> memref<1x1x157x128xi32, #tpu.memory_space<hbm>>
          %dma_wait3A_213 = tpu.memref_squeeze %dma_wait3A_212 : memref<1x1x157x128xi32, #tpu.memory_space<hbm>> -> memref<157x128xi32, #tpu.memory_space<hbm>>
          %dma_wait3A_214 = arith.constant 0 : i32
          %dma_wait3A_215 = tpu.memref_slice %dma_wait3A_213[%add3A_195, %dma_wait3A_214] : memref<157x128xi32, #tpu.memory_space<hbm>> -> memref<1x128xi32, #tpu.memory_space<hbm>>
          %dma_wait3A_216 = tpu.memref_squeeze %dma_wait3A_215 : memref<1x128xi32, #tpu.memory_space<hbm>> -> memref<128xi32, #tpu.memory_space<hbm>>
          %dma_wait3A_217 = arith.constant 0 : i32
          %dma_wait3A_218 = arith.constant 0 : i32
          %dma_wait3A_219 = tpu.memref_slice %arg4[%arg0, %arg1, %dma_wait3A_217, %dma_wait3A_218] : memref<2x16x157x128xi32, #tpu.memory_space<hbm>> -> memref<1x1x157x128xi32, #tpu.memory_space<hbm>>
          %dma_wait3A_220 = tpu.memref_squeeze %dma_wait3A_219 : memref<1x1x157x128xi32, #tpu.memory_space<hbm>> -> memref<157x128xi32, #tpu.memory_space<hbm>>
          %dma_wait3A_221 = arith.constant 0 : i32
          %dma_wait3A_222 = tpu.memref_slice %dma_wait3A_220[%add3A_195, %dma_wait3A_221] : memref<157x128xi32, #tpu.memory_space<hbm>> -> memref<1x128xi32, #tpu.memory_space<hbm>>
          %dma_wait3A_223 = tpu.memref_squeeze %dma_wait3A_222 : memref<1x128xi32, #tpu.memory_space<hbm>> -> memref<128xi32, #tpu.memory_space<hbm>>
          tpu.wait_dma2 semaphore(%arg17 : memref<!tpu.dma_semaphore, #tpu.memory_space<semaphore_mem>>) src(%dma_wait3A_223 : memref<128xi32, #tpu.memory_space<hbm>>) dst(%arg11 : memref<128xi32, #tpu.memory_space<vmem>>)
          %ge3A = arith.constant 1 : i32
          %ge3A_224 = arith.cmpi sge, %add3A_168, %ge3A : i32
          %convert_element_type3A_225 = arith.extui %ge3A_224 : i1 to i32
          %cond3A_226 = arith.constant 0 : i32
          %cond3A_227 = arith.cmpi ne, %convert_element_type3A_225, %cond3A_226 : i32
          scf.if %cond3A_227 {
            %dma_wait3A_231 = arith.constant 0 : i32
            %dma_wait3A_232 = arith.constant 0 : i32
            %dma_wait3A_233 = tpu.memref_slice %arg6[%dma_wait3A_231, %dma_wait3A_232] : memref<10240x128xf32, #tpu.memory_space<vmem_shared>> -> memref<10240x128xf32, #tpu.memory_space<vmem_shared>>
            tpu.wait_indirect_dma semaphore(%arg23 : memref<!tpu.dma_semaphore, #tpu.memory_space<semaphore_mem>>) src(%arg15 : memref<128x128xf32, #tpu.memory_space<vmem>>) dst(%dma_wait3A_233 : memref<10240x128xf32, #tpu.memory_space<vmem_shared>>)
          } else {
          }
          %dma_start3A_228 = arith.constant 0 : i32
          %dma_start3A_229 = arith.constant 0 : i32
          %dma_start3A_230 = tpu.memref_slice %arg2[%dma_start3A_228, %dma_start3A_229] : memref<20480x128xf32, #tpu.memory_space<hbm>> -> memref<20480x128xf32, #tpu.memory_space<hbm>>
          tpu.enqueue_indirect_dma source(%dma_start3A_230 : memref<20480x128xf32, #tpu.memory_space<hbm>>) target(%arg15 : memref<128x128xf32, #tpu.memory_space<vmem>>) offsets(%arg7 : memref<128xi32, #tpu.memory_space<vmem>>) semaphore(%arg21 : memref<!tpu.dma_semaphore, #tpu.memory_space<semaphore_mem>>)
        } else {
        }
        %add3A_181 = arith.constant 3 : i32
        %add3A_182 = arith.addi %add3A_168, %add3A_181 : i32
        %lt3A_183 = arith.constant 157 : i32
        %lt3A_184 = arith.cmpi slt, %add3A_182, %lt3A_183 : i32
        %convert_element_type3A_185 = arith.extui %lt3A_184 : i1 to i32
        %cond3A_186 = arith.constant 0 : i32
        %cond3A_187 = arith.cmpi ne, %convert_element_type3A_185, %cond3A_186 : i32
        scf.if %cond3A_187 {
          %add3A_194 = arith.constant 3 : i32
          %add3A_195 = arith.addi %add3A_168, %add3A_194 : i32
          %dma_start3A_196 = arith.constant 0 : i32
          %dma_start3A_197 = arith.constant 0 : i32
          %dma_start3A_198 = tpu.memref_slice %arg3[%arg0, %arg1, %dma_start3A_196, %dma_start3A_197] : memref<2x16x157x128xi32, #tpu.memory_space<hbm>> -> memref<1x1x157x128xi32, #tpu.memory_space<hbm>>
          %dma_start3A_199 = tpu.memref_squeeze %dma_start3A_198 : memref<1x1x157x128xi32, #tpu.memory_space<hbm>> -> memref<157x128xi32, #tpu.memory_space<hbm>>
          %dma_start3A_200 = arith.constant 0 : i32
          %dma_start3A_201 = tpu.memref_slice %dma_start3A_199[%add3A_195, %dma_start3A_200] : memref<157x128xi32, #tpu.memory_space<hbm>> -> memref<1x128xi32, #tpu.memory_space<hbm>>
          %dma_start3A_202 = tpu.memref_squeeze %dma_start3A_201 : memref<1x128xi32, #tpu.memory_space<hbm>> -> memref<128xi32, #tpu.memory_space<hbm>>
          %dma_start3A_203 = arith.constant 0 : i32
          %dma_start3A_204 = arith.constant 0 : i32
          %dma_start3A_205 = tpu.memref_slice %arg3[%arg0, %arg1, %dma_start3A_203, %dma_start3A_204] : memref<2x16x157x128xi32, #tpu.memory_space<hbm>> -> memref<1x1x157x128xi32, #tpu.memory_space<hbm>>
          %dma_start3A_206 = tpu.memref_squeeze %dma_start3A_205 : memref<1x1x157x128xi32, #tpu.memory_space<hbm>> -> memref<157x128xi32, #tpu.memory_space<hbm>>
          %dma_start3A_207 = arith.constant 0 : i32
          %dma_start3A_208 = tpu.memref_slice %dma_start3A_206[%add3A_195, %dma_start3A_207] : memref<157x128xi32, #tpu.memory_space<hbm>> -> memref<1x128xi32, #tpu.memory_space<hbm>>
          %dma_start3A_209 = tpu.memref_squeeze %dma_start3A_208 : memref<1x128xi32, #tpu.memory_space<hbm>> -> memref<128xi32, #tpu.memory_space<hbm>>
          tpu.enqueue_dma source(%dma_start3A_209 : memref<128xi32, #tpu.memory_space<hbm>>) target(%arg9 : memref<128xi32, #tpu.memory_space<vmem>>) target_semaphore(%arg19 : memref<!tpu.dma_semaphore, #tpu.memory_space<semaphore_mem>>)
          %dma_start3A_210 = arith.constant 0 : i32
          %dma_start3A_211 = arith.constant 0 : i32
          %dma_start3A_212 = tpu.memref_slice %arg4[%arg0, %arg1, %dma_start3A_210, %dma_start3A_211] : memref<2x16x157x128xi32, #tpu.memory_space<hbm>> -> memref<1x1x157x128xi32, #tpu.memory_space<hbm>>
          %dma_start3A_213 = tpu.memref_squeeze %dma_start3A_212 : memref<1x1x157x128xi32, #tpu.memory_space<hbm>> -> memref<157x128xi32, #tpu.memory_space<hbm>>
          %dma_start3A_214 = arith.constant 0 : i32
          %dma_start3A_215 = tpu.memref_slice %dma_start3A_213[%add3A_195, %dma_start3A_214] : memref<157x128xi32, #tpu.memory_space<hbm>> -> memref<1x128xi32, #tpu.memory_space<hbm>>
          %dma_start3A_216 = tpu.memref_squeeze %dma_start3A_215 : memref<1x128xi32, #tpu.memory_space<hbm>> -> memref<128xi32, #tpu.memory_space<hbm>>
          %dma_start3A_217 = arith.constant 0 : i32
          %dma_start3A_218 = arith.constant 0 : i32
          %dma_start3A_219 = tpu.memref_slice %arg4[%arg0, %arg1, %dma_start3A_217, %dma_start3A_218] : memref<2x16x157x128xi32, #tpu.memory_space<hbm>> -> memref<1x1x157x128xi32, #tpu.memory_space<hbm>>
          %dma_start3A_220 = tpu.memref_squeeze %dma_start3A_219 : memref<1x1x157x128xi32, #tpu.memory_space<hbm>> -> memref<157x128xi32, #tpu.memory_space<hbm>>
          %dma_start3A_221 = arith.constant 0 : i32
          %dma_start3A_222 = tpu.memref_slice %dma_start3A_220[%add3A_195, %dma_start3A_221] : memref<157x128xi32, #tpu.memory_space<hbm>> -> memref<1x128xi32, #tpu.memory_space<hbm>>
          %dma_start3A_223 = tpu.memref_squeeze %dma_start3A_222 : memref<1x128xi32, #tpu.memory_space<hbm>> -> memref<128xi32, #tpu.memory_space<hbm>>
          tpu.enqueue_dma source(%dma_start3A_223 : memref<128xi32, #tpu.memory_space<hbm>>) target(%arg13 : memref<128xi32, #tpu.memory_space<vmem>>) target_semaphore(%arg19 : memref<!tpu.dma_semaphore, #tpu.memory_space<semaphore_mem>>)
        } else {
        }
        %dma_wait3A_188 = arith.constant 0 : i32
        %dma_wait3A_189 = arith.constant 0 : i32
        %dma_wait3A_190 = tpu.memref_slice %arg2[%dma_wait3A_188, %dma_wait3A_189] : memref<20480x128xf32, #tpu.memory_space<hbm>> -> memref<20480x128xf32, #tpu.memory_space<hbm>>
        tpu.wait_indirect_dma semaphore(%arg22 : memref<!tpu.dma_semaphore, #tpu.memory_space<semaphore_mem>>) src(%dma_wait3A_190 : memref<20480x128xf32, #tpu.memory_space<hbm>>) dst(%arg16 : memref<128x128xf32, #tpu.memory_space<vmem>>)
        %dma_start3A_191 = arith.constant 0 : i32
        %dma_start3A_192 = arith.constant 0 : i32
        %dma_start3A_193 = tpu.memref_slice %arg6[%dma_start3A_191, %dma_start3A_192] : memref<10240x128xf32, #tpu.memory_space<vmem_shared>> -> memref<10240x128xf32, #tpu.memory_space<vmem_shared>>
        tpu.enqueue_indirect_dma source(%arg16 : memref<128x128xf32, #tpu.memory_space<vmem>>) target(%dma_start3A_193 : memref<10240x128xf32, #tpu.memory_space<vmem_shared>>) offsets(%arg14 : memref<128xi32, #tpu.memory_space<vmem>>) semaphore(%arg24 : memref<!tpu.dma_semaphore, #tpu.memory_space<semaphore_mem>>) {add = true}
      } else {
      }
    }
    %scan3A_129 = arith.constant 40 : i32
    %dma_wait3A_130 = arith.constant 0 : i32
    %dma_wait3A_131 = arith.constant 0 : i32
    %dma_wait3A_132 = tpu.memref_slice %arg6[%dma_wait3A_130, %dma_wait3A_131] : memref<10240x128xf32, #tpu.memory_space<vmem_shared>> -> memref<10240x128xf32, #tpu.memory_space<vmem_shared>>
    tpu.wait_indirect_dma semaphore(%arg24 : memref<!tpu.dma_semaphore, #tpu.memory_space<semaphore_mem>>) src(%arg16 : memref<128x128xf32, #tpu.memory_space<vmem>>) dst(%dma_wait3A_132 : memref<10240x128xf32, #tpu.memory_space<vmem_shared>>)
    %dma_wait3A_133 = arith.constant 0 : i32
    %dma_wait3A_134 = arith.constant 0 : i32
    %dma_wait3A_135 = tpu.memref_slice %arg6[%dma_wait3A_133, %dma_wait3A_134] : memref<10240x128xf32, #tpu.memory_space<vmem_shared>> -> memref<10240x128xf32, #tpu.memory_space<vmem_shared>>
    tpu.wait_indirect_dma semaphore(%arg23 : memref<!tpu.dma_semaphore, #tpu.memory_space<semaphore_mem>>) src(%arg15 : memref<128x128xf32, #tpu.memory_space<vmem>>) dst(%dma_wait3A_135 : memref<10240x128xf32, #tpu.memory_space<vmem_shared>>)
    %barrier3A_136 = arith.constant 0 : index
    tpu.barrier barrier_id(%barrier3A_136)
    %mul3A_137 = arith.constant 640 : i32
    %mul3A_138 = arith.muli %arg1, %mul3A_137 : i32
    %mul3A_139 = arith.constant 10240 : i32
    %mul3A_140 = arith.muli %arg0, %mul3A_139 : i32
    %mul3A_141 = arith.constant 640 : i32
    %mul3A_142 = arith.muli %arg1, %mul3A_141 : i32
    %add3A_143 = arith.addi %mul3A_140, %mul3A_142 : i32
    "tpu.region"() ({
      %run_scoped3A = tpu.sem_alloc : memref<!tpu.dma_semaphore, #tpu.memory_space<semaphore_mem>>
      %dma_start3A_144 = arith.constant 0 : i32
      %dma_start3A_145 = tpu.memref_slice %arg5[%add3A_143, %dma_start3A_144] : memref<20480x128xf32, #tpu.memory_space<hbm>> -> memref<640x128xf32, #tpu.memory_space<hbm>>
      %dma_start3A_146 = arith.constant 0 : i32
      %dma_start3A_147 = tpu.memref_slice %arg6[%mul3A_138, %dma_start3A_146] : memref<10240x128xf32, #tpu.memory_space<vmem_shared>> -> memref<640x128xf32, #tpu.memory_space<vmem_shared>>
      tpu.enqueue_dma source(%dma_start3A_147 : memref<640x128xf32, #tpu.memory_space<vmem_shared>>) target(%dma_start3A_145 : memref<640x128xf32, #tpu.memory_space<hbm>>) target_semaphore(%run_scoped3A : memref<!tpu.dma_semaphore, #tpu.memory_space<semaphore_mem>>)
      %dma_wait3A_148 = arith.constant 0 : i32
      %dma_wait3A_149 = tpu.memref_slice %arg5[%add3A_143, %dma_wait3A_148] : memref<20480x128xf32, #tpu.memory_space<hbm>> -> memref<640x128xf32, #tpu.memory_space<hbm>>
      %dma_wait3A_150 = arith.constant 0 : i32
      %dma_wait3A_151 = tpu.memref_slice %arg6[%mul3A_138, %dma_wait3A_150] : memref<10240x128xf32, #tpu.memory_space<vmem_shared>> -> memref<640x128xf32, #tpu.memory_space<vmem_shared>>
      tpu.wait_dma2 semaphore(%run_scoped3A : memref<!tpu.dma_semaphore, #tpu.memory_space<semaphore_mem>>) src(%dma_wait3A_151 : memref<640x128xf32, #tpu.memory_space<vmem_shared>>) dst(%dma_wait3A_149 : memref<640x128xf32, #tpu.memory_space<hbm>>)
      tpu.yield
    }) : () -> ()
    return
  }
}

#map = affine_map<(d0, d1) -> (0, 0)>
#map1 = affine_map<(d0, d1) -> (0, 0, 0, 0)>
module attributes {stable_mosaic.version = 14 : i64} {
  func.func @edge_kernel(%arg0: i32, %arg1: i32, %arg2: memref<20480x128xf32, #tpu.memory_space<hbm>>, %arg3: memref<2x16x157x128xi32, #tpu.memory_space<hbm>>, %arg4: memref<2x16x157x128xi32, #tpu.memory_space<hbm>>, %arg5: memref<20480x128xf32, #tpu.memory_space<hbm>>, %arg6: memref<10240x128xf32, #tpu.memory_space<vmem_shared>>, %arg7: memref<128xi32, #tpu.memory_space<vmem>>, %arg8: memref<128xi32, #tpu.memory_space<vmem>>, %arg9: memref<128xi32, #tpu.memory_space<vmem>>, %arg10: memref<128xi32, #tpu.memory_space<vmem>>, %arg11: memref<128xi32, #tpu.memory_space<vmem>>, %arg12: memref<128xi32, #tpu.memory_space<vmem>>, %arg13: memref<128xi32, #tpu.memory_space<vmem>>, %arg14: memref<128xi32, #tpu.memory_space<vmem>>, %arg15: memref<128x128xf32, #tpu.memory_space<vmem>>, %arg16: memref<128x128xf32, #tpu.memory_space<vmem>>, %arg17: memref<!tpu.dma_semaphore, #tpu.memory_space<semaphore_mem>>, %arg18: memref<!tpu.dma_semaphore, #tpu.memory_space<semaphore_mem>>, %arg19: memref<!tpu.dma_semaphore, #tpu.memory_space<semaphore_mem>>, %arg20: memref<!tpu.dma_semaphore, #tpu.memory_space<semaphore_mem>>, %arg21: memref<!tpu.dma_semaphore, #tpu.memory_space<semaphore_mem>>, %arg22: memref<!tpu.dma_semaphore, #tpu.memory_space<semaphore_mem>>, %arg23: memref<!tpu.dma_semaphore, #tpu.memory_space<semaphore_mem>>, %arg24: memref<!tpu.dma_semaphore, #tpu.memory_space<semaphore_mem>>) attributes {dimension_semantics = [#tpu.dimension_semantics<core_parallel>, #tpu.dimension_semantics<subcore_parallel>], iteration_bounds = array<i64: 2, 16>, scalar_prefetch = 0 : i64, scratch_operands = 19 : i64, tpu.core_type = #tpu.core_type<sc_vector_subcore>, window_params = [{transform_indices = #map}, {transform_indices = #map1}, {transform_indices = #map1}, {transform_indices = #map}]} {
    %mul3A = arith.constant 10240 : i32
    %mul3A_0 = arith.muli %arg0, %mul3A : i32
    %mul3A_1 = arith.constant 640 : i32
    %mul3A_2 = arith.muli %arg1, %mul3A_1 : i32
    %add3A = arith.addi %mul3A_0, %mul3A_2 : i32
    %mul3A_3 = arith.constant 640 : i32
    %mul3A_4 = arith.muli %arg1, %mul3A_3 : i32
    "tpu.region"() ({
      %run_scoped3A = tpu.sem_alloc : memref<!tpu.dma_semaphore, #tpu.memory_space<semaphore_mem>>
      %dma_start3A_144 = arith.constant 0 : i32
      %dma_start3A_145 = tpu.memref_slice %arg6[%mul3A_4, %dma_start3A_144] : memref<10240x128xf32, #tpu.memory_space<vmem_shared>> -> memref<640x128xf32, #tpu.memory_space<vmem_shared>>
      %dma_start3A_146 = arith.constant 0 : i32
      %dma_start3A_147 = tpu.memref_slice %arg2[%add3A, %dma_start3A_146] : memref<20480x128xf32, #tpu.memory_space<hbm>> -> memref<640x128xf32, #tpu.memory_space<hbm>>
      tpu.enqueue_dma source(%dma_start3A_147 : memref<640x128xf32, #tpu.memory_space<hbm>>) target(%dma_start3A_145 : memref<640x128xf32, #tpu.memory_space<vmem_shared>>) target_semaphore(%run_scoped3A : memref<!tpu.dma_semaphore, #tpu.memory_space<semaphore_mem>>)
      %dma_wait3A_148 = arith.constant 0 : i32
      %dma_wait3A_149 = tpu.memref_slice %arg6[%mul3A_4, %dma_wait3A_148] : memref<10240x128xf32, #tpu.memory_space<vmem_shared>> -> memref<640x128xf32, #tpu.memory_space<vmem_shared>>
      %dma_wait3A_150 = arith.constant 0 : i32
      %dma_wait3A_151 = tpu.memref_slice %arg2[%add3A, %dma_wait3A_150] : memref<20480x128xf32, #tpu.memory_space<hbm>> -> memref<640x128xf32, #tpu.memory_space<hbm>>
      tpu.wait_dma2 semaphore(%run_scoped3A : memref<!tpu.dma_semaphore, #tpu.memory_space<semaphore_mem>>) src(%dma_wait3A_151 : memref<640x128xf32, #tpu.memory_space<hbm>>) dst(%dma_wait3A_149 : memref<640x128xf32, #tpu.memory_space<vmem_shared>>)
      tpu.yield
    }) : () -> ()
    %dma_start3A = arith.constant 0 : i32
    %dma_start3A_5 = arith.constant 0 : i32
    %dma_start3A_6 = arith.constant 0 : i32
    %dma_start3A_7 = tpu.memref_slice %arg3[%arg0, %arg1, %dma_start3A_5, %dma_start3A_6] : memref<2x16x157x128xi32, #tpu.memory_space<hbm>> -> memref<1x1x157x128xi32, #tpu.memory_space<hbm>>
    %dma_start3A_8 = tpu.memref_squeeze %dma_start3A_7 : memref<1x1x157x128xi32, #tpu.memory_space<hbm>> -> memref<157x128xi32, #tpu.memory_space<hbm>>
    %dma_start3A_9 = arith.constant 0 : i32
    %dma_start3A_10 = tpu.memref_slice %dma_start3A_8[%dma_start3A, %dma_start3A_9] : memref<157x128xi32, #tpu.memory_space<hbm>> -> memref<1x128xi32, #tpu.memory_space<hbm>>
    %dma_start3A_11 = tpu.memref_squeeze %dma_start3A_10 : memref<1x128xi32, #tpu.memory_space<hbm>> -> memref<128xi32, #tpu.memory_space<hbm>>
    %dma_start3A_12 = arith.constant 0 : i32
    %dma_start3A_13 = arith.constant 0 : i32
    %dma_start3A_14 = tpu.memref_slice %arg3[%arg0, %arg1, %dma_start3A_12, %dma_start3A_13] : memref<2x16x157x128xi32, #tpu.memory_space<hbm>> -> memref<1x1x157x128xi32, #tpu.memory_space<hbm>>
    %dma_start3A_15 = tpu.memref_squeeze %dma_start3A_14 : memref<1x1x157x128xi32, #tpu.memory_space<hbm>> -> memref<157x128xi32, #tpu.memory_space<hbm>>
    %dma_start3A_16 = arith.constant 0 : i32
    %dma_start3A_17 = tpu.memref_slice %dma_start3A_15[%dma_start3A, %dma_start3A_16] : memref<157x128xi32, #tpu.memory_space<hbm>> -> memref<1x128xi32, #tpu.memory_space<hbm>>
    %dma_start3A_18 = tpu.memref_squeeze %dma_start3A_17 : memref<1x128xi32, #tpu.memory_space<hbm>> -> memref<128xi32, #tpu.memory_space<hbm>>
    tpu.enqueue_dma source(%dma_start3A_18 : memref<128xi32, #tpu.memory_space<hbm>>) target(%arg7 : memref<128xi32, #tpu.memory_space<vmem>>) target_semaphore(%arg17 : memref<!tpu.dma_semaphore, #tpu.memory_space<semaphore_mem>>)
    %dma_start3A_19 = arith.constant 0 : i32
    %dma_start3A_20 = arith.constant 0 : i32
    %dma_start3A_21 = arith.constant 0 : i32
    %dma_start3A_22 = tpu.memref_slice %arg4[%arg0, %arg1, %dma_start3A_20, %dma_start3A_21] : memref<2x16x157x128xi32, #tpu.memory_space<hbm>> -> memref<1x1x157x128xi32, #tpu.memory_space<hbm>>
    %dma_start3A_23 = tpu.memref_squeeze %dma_start3A_22 : memref<1x1x157x128xi32, #tpu.memory_space<hbm>> -> memref<157x128xi32, #tpu.memory_space<hbm>>
    %dma_start3A_24 = arith.constant 0 : i32
    %dma_start3A_25 = tpu.memref_slice %dma_start3A_23[%dma_start3A_19, %dma_start3A_24] : memref<157x128xi32, #tpu.memory_space<hbm>> -> memref<1x128xi32, #tpu.memory_space<hbm>>
    %dma_start3A_26 = tpu.memref_squeeze %dma_start3A_25 : memref<1x128xi32, #tpu.memory_space<hbm>> -> memref<128xi32, #tpu.memory_space<hbm>>
    %dma_start3A_27 = arith.constant 0 : i32
    %dma_start3A_28 = arith.constant 0 : i32
    %dma_start3A_29 = tpu.memref_slice %arg4[%arg0, %arg1, %dma_start3A_27, %dma_start3A_28] : memref<2x16x157x128xi32, #tpu.memory_space<hbm>> -> memref<1x1x157x128xi32, #tpu.memory_space<hbm>>
    %dma_start3A_30 = tpu.memref_squeeze %dma_start3A_29 : memref<1x1x157x128xi32, #tpu.memory_space<hbm>> -> memref<157x128xi32, #tpu.memory_space<hbm>>
    %dma_start3A_31 = arith.constant 0 : i32
    %dma_start3A_32 = tpu.memref_slice %dma_start3A_30[%dma_start3A_19, %dma_start3A_31] : memref<157x128xi32, #tpu.memory_space<hbm>> -> memref<1x128xi32, #tpu.memory_space<hbm>>
    %dma_start3A_33 = tpu.memref_squeeze %dma_start3A_32 : memref<1x128xi32, #tpu.memory_space<hbm>> -> memref<128xi32, #tpu.memory_space<hbm>>
    tpu.enqueue_dma source(%dma_start3A_33 : memref<128xi32, #tpu.memory_space<hbm>>) target(%arg11 : memref<128xi32, #tpu.memory_space<vmem>>) target_semaphore(%arg17 : memref<!tpu.dma_semaphore, #tpu.memory_space<semaphore_mem>>)
    %dma_start3A_34 = arith.constant 1 : i32
    %dma_start3A_35 = arith.constant 0 : i32
    %dma_start3A_36 = arith.constant 0 : i32
    %dma_start3A_37 = tpu.memref_slice %arg3[%arg0, %arg1, %dma_start3A_35, %dma_start3A_36] : memref<2x16x157x128xi32, #tpu.memory_space<hbm>> -> memref<1x1x157x128xi32, #tpu.memory_space<hbm>>
    %dma_start3A_38 = tpu.memref_squeeze %dma_start3A_37 : memref<1x1x157x128xi32, #tpu.memory_space<hbm>> -> memref<157x128xi32, #tpu.memory_space<hbm>>
    %dma_start3A_39 = arith.constant 0 : i32
    %dma_start3A_40 = tpu.memref_slice %dma_start3A_38[%dma_start3A_34, %dma_start3A_39] : memref<157x128xi32, #tpu.memory_space<hbm>> -> memref<1x128xi32, #tpu.memory_space<hbm>>
    %dma_start3A_41 = tpu.memref_squeeze %dma_start3A_40 : memref<1x128xi32, #tpu.memory_space<hbm>> -> memref<128xi32, #tpu.memory_space<hbm>>
    %dma_start3A_42 = arith.constant 0 : i32
    %dma_start3A_43 = arith.constant 0 : i32
    %dma_start3A_44 = tpu.memref_slice %arg3[%arg0, %arg1, %dma_start3A_42, %dma_start3A_43] : memref<2x16x157x128xi32, #tpu.memory_space<hbm>> -> memref<1x1x157x128xi32, #tpu.memory_space<hbm>>
    %dma_start3A_45 = tpu.memref_squeeze %dma_start3A_44 : memref<1x1x157x128xi32, #tpu.memory_space<hbm>> -> memref<157x128xi32, #tpu.memory_space<hbm>>
    %dma_start3A_46 = arith.constant 0 : i32
    %dma_start3A_47 = tpu.memref_slice %dma_start3A_45[%dma_start3A_34, %dma_start3A_46] : memref<157x128xi32, #tpu.memory_space<hbm>> -> memref<1x128xi32, #tpu.memory_space<hbm>>
    %dma_start3A_48 = tpu.memref_squeeze %dma_start3A_47 : memref<1x128xi32, #tpu.memory_space<hbm>> -> memref<128xi32, #tpu.memory_space<hbm>>
    tpu.enqueue_dma source(%dma_start3A_48 : memref<128xi32, #tpu.memory_space<hbm>>) target(%arg8 : memref<128xi32, #tpu.memory_space<vmem>>) target_semaphore(%arg18 : memref<!tpu.dma_semaphore, #tpu.memory_space<semaphore_mem>>)
    %dma_start3A_49 = arith.constant 1 : i32
    %dma_start3A_50 = arith.constant 0 : i32
    %dma_start3A_51 = arith.constant 0 : i32
    %dma_start3A_52 = tpu.memref_slice %arg4[%arg0, %arg1, %dma_start3A_50, %dma_start3A_51] : memref<2x16x157x128xi32, #tpu.memory_space<hbm>> -> memref<1x1x157x128xi32, #tpu.memory_space<hbm>>
    %dma_start3A_53 = tpu.memref_squeeze %dma_start3A_52 : memref<1x1x157x128xi32, #tpu.memory_space<hbm>> -> memref<157x128xi32, #tpu.memory_space<hbm>>
    %dma_start3A_54 = arith.constant 0 : i32
    %dma_start3A_55 = tpu.memref_slice %dma_start3A_53[%dma_start3A_49, %dma_start3A_54] : memref<157x128xi32, #tpu.memory_space<hbm>> -> memref<1x128xi32, #tpu.memory_space<hbm>>
    %dma_start3A_56 = tpu.memref_squeeze %dma_start3A_55 : memref<1x128xi32, #tpu.memory_space<hbm>> -> memref<128xi32, #tpu.memory_space<hbm>>
    %dma_start3A_57 = arith.constant 0 : i32
    %dma_start3A_58 = arith.constant 0 : i32
    %dma_start3A_59 = tpu.memref_slice %arg4[%arg0, %arg1, %dma_start3A_57, %dma_start3A_58] : memref<2x16x157x128xi32, #tpu.memory_space<hbm>> -> memref<1x1x157x128xi32, #tpu.memory_space<hbm>>
    %dma_start3A_60 = tpu.memref_squeeze %dma_start3A_59 : memref<1x1x157x128xi32, #tpu.memory_space<hbm>> -> memref<157x128xi32, #tpu.memory_space<hbm>>
    %dma_start3A_61 = arith.constant 0 : i32
    %dma_start3A_62 = tpu.memref_slice %dma_start3A_60[%dma_start3A_49, %dma_start3A_61] : memref<157x128xi32, #tpu.memory_space<hbm>> -> memref<1x128xi32, #tpu.memory_space<hbm>>
    %dma_start3A_63 = tpu.memref_squeeze %dma_start3A_62 : memref<1x128xi32, #tpu.memory_space<hbm>> -> memref<128xi32, #tpu.memory_space<hbm>>
    tpu.enqueue_dma source(%dma_start3A_63 : memref<128xi32, #tpu.memory_space<hbm>>) target(%arg12 : memref<128xi32, #tpu.memory_space<vmem>>) target_semaphore(%arg18 : memref<!tpu.dma_semaphore, #tpu.memory_space<semaphore_mem>>)
    %dma_start3A_64 = arith.constant 2 : i32
    %dma_start3A_65 = arith.constant 0 : i32
    %dma_start3A_66 = arith.constant 0 : i32
    %dma_start3A_67 = tpu.memref_slice %arg3[%arg0, %arg1, %dma_start3A_65, %dma_start3A_66] : memref<2x16x157x128xi32, #tpu.memory_space<hbm>> -> memref<1x1x157x128xi32, #tpu.memory_space<hbm>>
    %dma_start3A_68 = tpu.memref_squeeze %dma_start3A_67 : memref<1x1x157x128xi32, #tpu.memory_space<hbm>> -> memref<157x128xi32, #tpu.memory_space<hbm>>
    %dma_start3A_69 = arith.constant 0 : i32
    %dma_start3A_70 = tpu.memref_slice %dma_start3A_68[%dma_start3A_64, %dma_start3A_69] : memref<157x128xi32, #tpu.memory_space<hbm>> -> memref<1x128xi32, #tpu.memory_space<hbm>>
    %dma_start3A_71 = tpu.memref_squeeze %dma_start3A_70 : memref<1x128xi32, #tpu.memory_space<hbm>> -> memref<128xi32, #tpu.memory_space<hbm>>
    %dma_start3A_72 = arith.constant 0 : i32
    %dma_start3A_73 = arith.constant 0 : i32
    %dma_start3A_74 = tpu.memref_slice %arg3[%arg0, %arg1, %dma_start3A_72, %dma_start3A_73] : memref<2x16x157x128xi32, #tpu.memory_space<hbm>> -> memref<1x1x157x128xi32, #tpu.memory_space<hbm>>
    %dma_start3A_75 = tpu.memref_squeeze %dma_start3A_74 : memref<1x1x157x128xi32, #tpu.memory_space<hbm>> -> memref<157x128xi32, #tpu.memory_space<hbm>>
    %dma_start3A_76 = arith.constant 0 : i32
    %dma_start3A_77 = tpu.memref_slice %dma_start3A_75[%dma_start3A_64, %dma_start3A_76] : memref<157x128xi32, #tpu.memory_space<hbm>> -> memref<1x128xi32, #tpu.memory_space<hbm>>
    %dma_start3A_78 = tpu.memref_squeeze %dma_start3A_77 : memref<1x128xi32, #tpu.memory_space<hbm>> -> memref<128xi32, #tpu.memory_space<hbm>>
    tpu.enqueue_dma source(%dma_start3A_78 : memref<128xi32, #tpu.memory_space<hbm>>) target(%arg9 : memref<128xi32, #tpu.memory_space<vmem>>) target_semaphore(%arg19 : memref<!tpu.dma_semaphore, #tpu.memory_space<semaphore_mem>>)
    %dma_start3A_79 = arith.constant 2 : i32
    %dma_start3A_80 = arith.constant 0 : i32
    %dma_start3A_81 = arith.constant 0 : i32
    %dma_start3A_82 = tpu.memref_slice %arg4[%arg0, %arg1, %dma_start3A_80, %dma_start3A_81] : memref<2x16x157x128xi32, #tpu.memory_space<hbm>> -> memref<1x1x157x128xi32, #tpu.memory_space<hbm>>
    %dma_start3A_83 = tpu.memref_squeeze %dma_start3A_82 : memref<1x1x157x128xi32, #tpu.memory_space<hbm>> -> memref<157x128xi32, #tpu.memory_space<hbm>>
    %dma_start3A_84 = arith.constant 0 : i32
    %dma_start3A_85 = tpu.memref_slice %dma_start3A_83[%dma_start3A_79, %dma_start3A_84] : memref<157x128xi32, #tpu.memory_space<hbm>> -> memref<1x128xi32, #tpu.memory_space<hbm>>
    %dma_start3A_86 = tpu.memref_squeeze %dma_start3A_85 : memref<1x128xi32, #tpu.memory_space<hbm>> -> memref<128xi32, #tpu.memory_space<hbm>>
    %dma_start3A_87 = arith.constant 0 : i32
    %dma_start3A_88 = arith.constant 0 : i32
    %dma_start3A_89 = tpu.memref_slice %arg4[%arg0, %arg1, %dma_start3A_87, %dma_start3A_88] : memref<2x16x157x128xi32, #tpu.memory_space<hbm>> -> memref<1x1x157x128xi32, #tpu.memory_space<hbm>>
    %dma_start3A_90 = tpu.memref_squeeze %dma_start3A_89 : memref<1x1x157x128xi32, #tpu.memory_space<hbm>> -> memref<157x128xi32, #tpu.memory_space<hbm>>
    %dma_start3A_91 = arith.constant 0 : i32
    %dma_start3A_92 = tpu.memref_slice %dma_start3A_90[%dma_start3A_79, %dma_start3A_91] : memref<157x128xi32, #tpu.memory_space<hbm>> -> memref<1x128xi32, #tpu.memory_space<hbm>>
    %dma_start3A_93 = tpu.memref_squeeze %dma_start3A_92 : memref<1x128xi32, #tpu.memory_space<hbm>> -> memref<128xi32, #tpu.memory_space<hbm>>
    tpu.enqueue_dma source(%dma_start3A_93 : memref<128xi32, #tpu.memory_space<hbm>>) target(%arg13 : memref<128xi32, #tpu.memory_space<vmem>>) target_semaphore(%arg19 : memref<!tpu.dma_semaphore, #tpu.memory_space<semaphore_mem>>)
    %barrier3A = arith.constant 0 : index
    tpu.barrier barrier_id(%barrier3A)
    %dma_wait3A = arith.constant 0 : i32
    %dma_wait3A_94 = arith.constant 0 : i32
    %dma_wait3A_95 = arith.constant 0 : i32
    %dma_wait3A_96 = tpu.memref_slice %arg3[%arg0, %arg1, %dma_wait3A_94, %dma_wait3A_95] : memref<2x16x157x128xi32, #tpu.memory_space<hbm>> -> memref<1x1x157x128xi32, #tpu.memory_space<hbm>>
    %dma_wait3A_97 = tpu.memref_squeeze %dma_wait3A_96 : memref<1x1x157x128xi32, #tpu.memory_space<hbm>> -> memref<157x128xi32, #tpu.memory_space<hbm>>
    %dma_wait3A_98 = arith.constant 0 : i32
    %dma_wait3A_99 = tpu.memref_slice %dma_wait3A_97[%dma_wait3A, %dma_wait3A_98] : memref<157x128xi32, #tpu.memory_space<hbm>> -> memref<1x128xi32, #tpu.memory_space<hbm>>
    %dma_wait3A_100 = tpu.memref_squeeze %dma_wait3A_99 : memref<1x128xi32, #tpu.memory_space<hbm>> -> memref<128xi32, #tpu.memory_space<hbm>>
    %dma_wait3A_101 = arith.constant 0 : i32
    %dma_wait3A_102 = arith.constant 0 : i32
    %dma_wait3A_103 = tpu.memref_slice %arg3[%arg0, %arg1, %dma_wait3A_101, %dma_wait3A_102] : memref<2x16x157x128xi32, #tpu.memory_space<hbm>> -> memref<1x1x157x128xi32, #tpu.memory_space<hbm>>
    %dma_wait3A_104 = tpu.memref_squeeze %dma_wait3A_103 : memref<1x1x157x128xi32, #tpu.memory_space<hbm>> -> memref<157x128xi32, #tpu.memory_space<hbm>>
    %dma_wait3A_105 = arith.constant 0 : i32
    %dma_wait3A_106 = tpu.memref_slice %dma_wait3A_104[%dma_wait3A, %dma_wait3A_105] : memref<157x128xi32, #tpu.memory_space<hbm>> -> memref<1x128xi32, #tpu.memory_space<hbm>>
    %dma_wait3A_107 = tpu.memref_squeeze %dma_wait3A_106 : memref<1x128xi32, #tpu.memory_space<hbm>> -> memref<128xi32, #tpu.memory_space<hbm>>
    tpu.wait_dma2 semaphore(%arg17 : memref<!tpu.dma_semaphore, #tpu.memory_space<semaphore_mem>>) src(%dma_wait3A_107 : memref<128xi32, #tpu.memory_space<hbm>>) dst(%arg7 : memref<128xi32, #tpu.memory_space<vmem>>)
    %dma_wait3A_108 = arith.constant 0 : i32
    %dma_wait3A_109 = arith.constant 0 : i32
    %dma_wait3A_110 = arith.constant 0 : i32
    %dma_wait3A_111 = tpu.memref_slice %arg4[%arg0, %arg1, %dma_wait3A_109, %dma_wait3A_110] : memref<2x16x157x128xi32, #tpu.memory_space<hbm>> -> memref<1x1x157x128xi32, #tpu.memory_space<hbm>>
    %dma_wait3A_112 = tpu.memref_squeeze %dma_wait3A_111 : memref<1x1x157x128xi32, #tpu.memory_space<hbm>> -> memref<157x128xi32, #tpu.memory_space<hbm>>
    %dma_wait3A_113 = arith.constant 0 : i32
    %dma_wait3A_114 = tpu.memref_slice %dma_wait3A_112[%dma_wait3A_108, %dma_wait3A_113] : memref<157x128xi32, #tpu.memory_space<hbm>> -> memref<1x128xi32, #tpu.memory_space<hbm>>
    %dma_wait3A_115 = tpu.memref_squeeze %dma_wait3A_114 : memref<1x128xi32, #tpu.memory_space<hbm>> -> memref<128xi32, #tpu.memory_space<hbm>>
    %dma_wait3A_116 = arith.constant 0 : i32
    %dma_wait3A_117 = arith.constant 0 : i32
    %dma_wait3A_118 = tpu.memref_slice %arg4[%arg0, %arg1, %dma_wait3A_116, %dma_wait3A_117] : memref<2x16x157x128xi32, #tpu.memory_space<hbm>> -> memref<1x1x157x128xi32, #tpu.memory_space<hbm>>
    %dma_wait3A_119 = tpu.memref_squeeze %dma_wait3A_118 : memref<1x1x157x128xi32, #tpu.memory_space<hbm>> -> memref<157x128xi32, #tpu.memory_space<hbm>>
    %dma_wait3A_120 = arith.constant 0 : i32
    %dma_wait3A_121 = tpu.memref_slice %dma_wait3A_119[%dma_wait3A_108, %dma_wait3A_120] : memref<157x128xi32, #tpu.memory_space<hbm>> -> memref<1x128xi32, #tpu.memory_space<hbm>>
    %dma_wait3A_122 = tpu.memref_squeeze %dma_wait3A_121 : memref<1x128xi32, #tpu.memory_space<hbm>> -> memref<128xi32, #tpu.memory_space<hbm>>
    tpu.wait_dma2 semaphore(%arg17 : memref<!tpu.dma_semaphore, #tpu.memory_space<semaphore_mem>>) src(%dma_wait3A_122 : memref<128xi32, #tpu.memory_space<hbm>>) dst(%arg11 : memref<128xi32, #tpu.memory_space<vmem>>)
    %dma_start3A_123 = arith.constant 0 : i32
    %dma_start3A_124 = arith.constant 0 : i32
    %dma_start3A_125 = tpu.memref_slice %arg2[%dma_start3A_123, %dma_start3A_124] : memref<20480x128xf32, #tpu.memory_space<hbm>> -> memref<20480x128xf32, #tpu.memory_space<hbm>>
    tpu.enqueue_indirect_dma source(%dma_start3A_125 : memref<20480x128xf32, #tpu.memory_space<hbm>>) target(%arg15 : memref<128x128xf32, #tpu.memory_space<vmem>>) offsets(%arg7 : memref<128xi32, #tpu.memory_space<vmem>>) semaphore(%arg21 : memref<!tpu.dma_semaphore, #tpu.memory_space<semaphore_mem>>)
    %scan3A = arith.constant 0 : i32
    %scan3A_126 = arith.constant 40 : i32
    %scan3A_127 = arith.addi %scan3A, %scan3A_126 : i32
    %scan3A_128 = arith.constant 1 : i32
    scf.for %scan3A_144 = %scan3A to %scan3A_127 step %scan3A_128  : i32 {
      %mul3A_145 = arith.constant 4 : i32
      %mul3A_146 = arith.muli %scan3A_144, %mul3A_145 : i32
      %add3A_147 = arith.constant 0 : i32
      %add3A_148 = arith.addi %add3A_147, %mul3A_146 : i32
      %add3A_149 = arith.constant 0 : i32
      %add3A_150 = arith.addi %add3A_148, %add3A_149 : i32
      %lt3A = arith.constant 157 : i32
      %lt3A_151 = arith.cmpi slt, %add3A_150, %lt3A : i32
      %convert_element_type3A = arith.extui %lt3A_151 : i1 to i32
      %cond3A = arith.constant 0 : i32
      %cond3A_152 = arith.cmpi ne, %convert_element_type3A, %cond3A : i32
      scf.if %cond3A_152 {
        %add3A_174 = arith.constant 1 : i32
        %add3A_175 = arith.addi %add3A_150, %add3A_174 : i32
        %lt3A_176 = arith.constant 157 : i32
        %lt3A_177 = arith.cmpi slt, %add3A_175, %lt3A_176 : i32
        %convert_element_type3A_178 = arith.extui %lt3A_177 : i1 to i32
        %cond3A_179 = arith.constant 0 : i32
        %cond3A_180 = arith.cmpi ne, %convert_element_type3A_178, %cond3A_179 : i32
        scf.if %cond3A_180 {
          %add3A_194 = arith.constant 1 : i32
          %add3A_195 = arith.addi %add3A_150, %add3A_194 : i32
          %dma_wait3A_196 = arith.constant 0 : i32
          %dma_wait3A_197 = arith.constant 0 : i32
          %dma_wait3A_198 = tpu.memref_slice %arg3[%arg0, %arg1, %dma_wait3A_196, %dma_wait3A_197] : memref<2x16x157x128xi32, #tpu.memory_space<hbm>> -> memref<1x1x157x128xi32, #tpu.memory_space<hbm>>
          %dma_wait3A_199 = tpu.memref_squeeze %dma_wait3A_198 : memref<1x1x157x128xi32, #tpu.memory_space<hbm>> -> memref<157x128xi32, #tpu.memory_space<hbm>>
          %dma_wait3A_200 = arith.constant 0 : i32
          %dma_wait3A_201 = tpu.memref_slice %dma_wait3A_199[%add3A_195, %dma_wait3A_200] : memref<157x128xi32, #tpu.memory_space<hbm>> -> memref<1x128xi32, #tpu.memory_space<hbm>>
          %dma_wait3A_202 = tpu.memref_squeeze %dma_wait3A_201 : memref<1x128xi32, #tpu.memory_space<hbm>> -> memref<128xi32, #tpu.memory_space<hbm>>
          %dma_wait3A_203 = arith.constant 0 : i32
          %dma_wait3A_204 = arith.constant 0 : i32
          %dma_wait3A_205 = tpu.memref_slice %arg3[%arg0, %arg1, %dma_wait3A_203, %dma_wait3A_204] : memref<2x16x157x128xi32, #tpu.memory_space<hbm>> -> memref<1x1x157x128xi32, #tpu.memory_space<hbm>>
          %dma_wait3A_206 = tpu.memref_squeeze %dma_wait3A_205 : memref<1x1x157x128xi32, #tpu.memory_space<hbm>> -> memref<157x128xi32, #tpu.memory_space<hbm>>
          %dma_wait3A_207 = arith.constant 0 : i32
          %dma_wait3A_208 = tpu.memref_slice %dma_wait3A_206[%add3A_195, %dma_wait3A_207] : memref<157x128xi32, #tpu.memory_space<hbm>> -> memref<1x128xi32, #tpu.memory_space<hbm>>
          %dma_wait3A_209 = tpu.memref_squeeze %dma_wait3A_208 : memref<1x128xi32, #tpu.memory_space<hbm>> -> memref<128xi32, #tpu.memory_space<hbm>>
          tpu.wait_dma2 semaphore(%arg18 : memref<!tpu.dma_semaphore, #tpu.memory_space<semaphore_mem>>) src(%dma_wait3A_209 : memref<128xi32, #tpu.memory_space<hbm>>) dst(%arg8 : memref<128xi32, #tpu.memory_space<vmem>>)
          %dma_wait3A_210 = arith.constant 0 : i32
          %dma_wait3A_211 = arith.constant 0 : i32
          %dma_wait3A_212 = tpu.memref_slice %arg4[%arg0, %arg1, %dma_wait3A_210, %dma_wait3A_211] : memref<2x16x157x128xi32, #tpu.memory_space<hbm>> -> memref<1x1x157x128xi32, #tpu.memory_space<hbm>>
          %dma_wait3A_213 = tpu.memref_squeeze %dma_wait3A_212 : memref<1x1x157x128xi32, #tpu.memory_space<hbm>> -> memref<157x128xi32, #tpu.memory_space<hbm>>
          %dma_wait3A_214 = arith.constant 0 : i32
          %dma_wait3A_215 = tpu.memref_slice %dma_wait3A_213[%add3A_195, %dma_wait3A_214] : memref<157x128xi32, #tpu.memory_space<hbm>> -> memref<1x128xi32, #tpu.memory_space<hbm>>
          %dma_wait3A_216 = tpu.memref_squeeze %dma_wait3A_215 : memref<1x128xi32, #tpu.memory_space<hbm>> -> memref<128xi32, #tpu.memory_space<hbm>>
          %dma_wait3A_217 = arith.constant 0 : i32
          %dma_wait3A_218 = arith.constant 0 : i32
          %dma_wait3A_219 = tpu.memref_slice %arg4[%arg0, %arg1, %dma_wait3A_217, %dma_wait3A_218] : memref<2x16x157x128xi32, #tpu.memory_space<hbm>> -> memref<1x1x157x128xi32, #tpu.memory_space<hbm>>
          %dma_wait3A_220 = tpu.memref_squeeze %dma_wait3A_219 : memref<1x1x157x128xi32, #tpu.memory_space<hbm>> -> memref<157x128xi32, #tpu.memory_space<hbm>>
          %dma_wait3A_221 = arith.constant 0 : i32
          %dma_wait3A_222 = tpu.memref_slice %dma_wait3A_220[%add3A_195, %dma_wait3A_221] : memref<157x128xi32, #tpu.memory_space<hbm>> -> memref<1x128xi32, #tpu.memory_space<hbm>>
          %dma_wait3A_223 = tpu.memref_squeeze %dma_wait3A_222 : memref<1x128xi32, #tpu.memory_space<hbm>> -> memref<128xi32, #tpu.memory_space<hbm>>
          tpu.wait_dma2 semaphore(%arg18 : memref<!tpu.dma_semaphore, #tpu.memory_space<semaphore_mem>>) src(%dma_wait3A_223 : memref<128xi32, #tpu.memory_space<hbm>>) dst(%arg12 : memref<128xi32, #tpu.memory_space<vmem>>)
          %ge3A = arith.constant 1 : i32
          %ge3A_224 = arith.cmpi sge, %add3A_150, %ge3A : i32
          %convert_element_type3A_225 = arith.extui %ge3A_224 : i1 to i32
          %cond3A_226 = arith.constant 0 : i32
          %cond3A_227 = arith.cmpi ne, %convert_element_type3A_225, %cond3A_226 : i32
          scf.if %cond3A_227 {
            %dma_wait3A_231 = arith.constant 0 : i32
            %dma_wait3A_232 = arith.constant 0 : i32
            %dma_wait3A_233 = tpu.memref_slice %arg6[%dma_wait3A_231, %dma_wait3A_232] : memref<10240x128xf32, #tpu.memory_space<vmem_shared>> -> memref<10240x128xf32, #tpu.memory_space<vmem_shared>>
            tpu.wait_indirect_dma semaphore(%arg24 : memref<!tpu.dma_semaphore, #tpu.memory_space<semaphore_mem>>) src(%arg16 : memref<128x128xf32, #tpu.memory_space<vmem>>) dst(%dma_wait3A_233 : memref<10240x128xf32, #tpu.memory_space<vmem_shared>>)
          } else {
          }
          %dma_start3A_228 = arith.constant 0 : i32
          %dma_start3A_229 = arith.constant 0 : i32
          %dma_start3A_230 = tpu.memref_slice %arg2[%dma_start3A_228, %dma_start3A_229] : memref<20480x128xf32, #tpu.memory_space<hbm>> -> memref<20480x128xf32, #tpu.memory_space<hbm>>
          tpu.enqueue_indirect_dma source(%dma_start3A_230 : memref<20480x128xf32, #tpu.memory_space<hbm>>) target(%arg16 : memref<128x128xf32, #tpu.memory_space<vmem>>) offsets(%arg8 : memref<128xi32, #tpu.memory_space<vmem>>) semaphore(%arg22 : memref<!tpu.dma_semaphore, #tpu.memory_space<semaphore_mem>>)
        } else {
        }
        %add3A_181 = arith.constant 3 : i32
        %add3A_182 = arith.addi %add3A_150, %add3A_181 : i32
        %lt3A_183 = arith.constant 157 : i32
        %lt3A_184 = arith.cmpi slt, %add3A_182, %lt3A_183 : i32
        %convert_element_type3A_185 = arith.extui %lt3A_184 : i1 to i32
        %cond3A_186 = arith.constant 0 : i32
        %cond3A_187 = arith.cmpi ne, %convert_element_type3A_185, %cond3A_186 : i32
        scf.if %cond3A_187 {
          %add3A_194 = arith.constant 3 : i32
          %add3A_195 = arith.addi %add3A_150, %add3A_194 : i32
          %dma_start3A_196 = arith.constant 0 : i32
          %dma_start3A_197 = arith.constant 0 : i32
          %dma_start3A_198 = tpu.memref_slice %arg3[%arg0, %arg1, %dma_start3A_196, %dma_start3A_197] : memref<2x16x157x128xi32, #tpu.memory_space<hbm>> -> memref<1x1x157x128xi32, #tpu.memory_space<hbm>>
          %dma_start3A_199 = tpu.memref_squeeze %dma_start3A_198 : memref<1x1x157x128xi32, #tpu.memory_space<hbm>> -> memref<157x128xi32, #tpu.memory_space<hbm>>
          %dma_start3A_200 = arith.constant 0 : i32
          %dma_start3A_201 = tpu.memref_slice %dma_start3A_199[%add3A_195, %dma_start3A_200] : memref<157x128xi32, #tpu.memory_space<hbm>> -> memref<1x128xi32, #tpu.memory_space<hbm>>
          %dma_start3A_202 = tpu.memref_squeeze %dma_start3A_201 : memref<1x128xi32, #tpu.memory_space<hbm>> -> memref<128xi32, #tpu.memory_space<hbm>>
          %dma_start3A_203 = arith.constant 0 : i32
          %dma_start3A_204 = arith.constant 0 : i32
          %dma_start3A_205 = tpu.memref_slice %arg3[%arg0, %arg1, %dma_start3A_203, %dma_start3A_204] : memref<2x16x157x128xi32, #tpu.memory_space<hbm>> -> memref<1x1x157x128xi32, #tpu.memory_space<hbm>>
          %dma_start3A_206 = tpu.memref_squeeze %dma_start3A_205 : memref<1x1x157x128xi32, #tpu.memory_space<hbm>> -> memref<157x128xi32, #tpu.memory_space<hbm>>
          %dma_start3A_207 = arith.constant 0 : i32
          %dma_start3A_208 = tpu.memref_slice %dma_start3A_206[%add3A_195, %dma_start3A_207] : memref<157x128xi32, #tpu.memory_space<hbm>> -> memref<1x128xi32, #tpu.memory_space<hbm>>
          %dma_start3A_209 = tpu.memref_squeeze %dma_start3A_208 : memref<1x128xi32, #tpu.memory_space<hbm>> -> memref<128xi32, #tpu.memory_space<hbm>>
          tpu.enqueue_dma source(%dma_start3A_209 : memref<128xi32, #tpu.memory_space<hbm>>) target(%arg10 : memref<128xi32, #tpu.memory_space<vmem>>) target_semaphore(%arg20 : memref<!tpu.dma_semaphore, #tpu.memory_space<semaphore_mem>>)
          %dma_start3A_210 = arith.constant 0 : i32
          %dma_start3A_211 = arith.constant 0 : i32
          %dma_start3A_212 = tpu.memref_slice %arg4[%arg0, %arg1, %dma_start3A_210, %dma_start3A_211] : memref<2x16x157x128xi32, #tpu.memory_space<hbm>> -> memref<1x1x157x128xi32, #tpu.memory_space<hbm>>
          %dma_start3A_213 = tpu.memref_squeeze %dma_start3A_212 : memref<1x1x157x128xi32, #tpu.memory_space<hbm>> -> memref<157x128xi32, #tpu.memory_space<hbm>>
          %dma_start3A_214 = arith.constant 0 : i32
          %dma_start3A_215 = tpu.memref_slice %dma_start3A_213[%add3A_195, %dma_start3A_214] : memref<157x128xi32, #tpu.memory_space<hbm>> -> memref<1x128xi32, #tpu.memory_space<hbm>>
          %dma_start3A_216 = tpu.memref_squeeze %dma_start3A_215 : memref<1x128xi32, #tpu.memory_space<hbm>> -> memref<128xi32, #tpu.memory_space<hbm>>
          %dma_start3A_217 = arith.constant 0 : i32
          %dma_start3A_218 = arith.constant 0 : i32
          %dma_start3A_219 = tpu.memref_slice %arg4[%arg0, %arg1, %dma_start3A_217, %dma_start3A_218] : memref<2x16x157x128xi32, #tpu.memory_space<hbm>> -> memref<1x1x157x128xi32, #tpu.memory_space<hbm>>
          %dma_start3A_220 = tpu.memref_squeeze %dma_start3A_219 : memref<1x1x157x128xi32, #tpu.memory_space<hbm>> -> memref<157x128xi32, #tpu.memory_space<hbm>>
          %dma_start3A_221 = arith.constant 0 : i32
          %dma_start3A_222 = tpu.memref_slice %dma_start3A_220[%add3A_195, %dma_start3A_221] : memref<157x128xi32, #tpu.memory_space<hbm>> -> memref<1x128xi32, #tpu.memory_space<hbm>>
          %dma_start3A_223 = tpu.memref_squeeze %dma_start3A_222 : memref<1x128xi32, #tpu.memory_space<hbm>> -> memref<128xi32, #tpu.memory_space<hbm>>
          tpu.enqueue_dma source(%dma_start3A_223 : memref<128xi32, #tpu.memory_space<hbm>>) target(%arg14 : memref<128xi32, #tpu.memory_space<vmem>>) target_semaphore(%arg20 : memref<!tpu.dma_semaphore, #tpu.memory_space<semaphore_mem>>)
        } else {
        }
        %dma_wait3A_188 = arith.constant 0 : i32
        %dma_wait3A_189 = arith.constant 0 : i32
        %dma_wait3A_190 = tpu.memref_slice %arg2[%dma_wait3A_188, %dma_wait3A_189] : memref<20480x128xf32, #tpu.memory_space<hbm>> -> memref<20480x128xf32, #tpu.memory_space<hbm>>
        tpu.wait_indirect_dma semaphore(%arg21 : memref<!tpu.dma_semaphore, #tpu.memory_space<semaphore_mem>>) src(%dma_wait3A_190 : memref<20480x128xf32, #tpu.memory_space<hbm>>) dst(%arg15 : memref<128x128xf32, #tpu.memory_space<vmem>>)
        %dma_start3A_191 = arith.constant 0 : i32
        %dma_start3A_192 = arith.constant 0 : i32
        %dma_start3A_193 = tpu.memref_slice %arg6[%dma_start3A_191, %dma_start3A_192] : memref<10240x128xf32, #tpu.memory_space<vmem_shared>> -> memref<10240x128xf32, #tpu.memory_space<vmem_shared>>
        tpu.enqueue_indirect_dma source(%arg15 : memref<128x128xf32, #tpu.memory_space<vmem>>) target(%dma_start3A_193 : memref<10240x128xf32, #tpu.memory_space<vmem_shared>>) offsets(%arg11 : memref<128xi32, #tpu.memory_space<vmem>>) semaphore(%arg23 : memref<!tpu.dma_semaphore, #tpu.memory_space<semaphore_mem>>) {add = true}
      } else {
      }
      %add3A_153 = arith.constant 1 : i32
      %add3A_154 = arith.addi %add3A_148, %add3A_153 : i32
      %lt3A_155 = arith.constant 157 : i32
      %lt3A_156 = arith.cmpi slt, %add3A_154, %lt3A_155 : i32
      %convert_element_type3A_157 = arith.extui %lt3A_156 : i1 to i32
      %cond3A_158 = arith.constant 0 : i32
      %cond3A_159 = arith.cmpi ne, %convert_element_type3A_157, %cond3A_158 : i32
      scf.if %cond3A_159 {
        %add3A_174 = arith.constant 1 : i32
        %add3A_175 = arith.addi %add3A_154, %add3A_174 : i32
        %lt3A_176 = arith.constant 157 : i32
        %lt3A_177 = arith.cmpi slt, %add3A_175, %lt3A_176 : i32
        %convert_element_type3A_178 = arith.extui %lt3A_177 : i1 to i32
        %cond3A_179 = arith.constant 0 : i32
        %cond3A_180 = arith.cmpi ne, %convert_element_type3A_178, %cond3A_179 : i32
        scf.if %cond3A_180 {
          %add3A_194 = arith.constant 1 : i32
          %add3A_195 = arith.addi %add3A_154, %add3A_194 : i32
          %dma_wait3A_196 = arith.constant 0 : i32
          %dma_wait3A_197 = arith.constant 0 : i32
          %dma_wait3A_198 = tpu.memref_slice %arg3[%arg0, %arg1, %dma_wait3A_196, %dma_wait3A_197] : memref<2x16x157x128xi32, #tpu.memory_space<hbm>> -> memref<1x1x157x128xi32, #tpu.memory_space<hbm>>
          %dma_wait3A_199 = tpu.memref_squeeze %dma_wait3A_198 : memref<1x1x157x128xi32, #tpu.memory_space<hbm>> -> memref<157x128xi32, #tpu.memory_space<hbm>>
          %dma_wait3A_200 = arith.constant 0 : i32
          %dma_wait3A_201 = tpu.memref_slice %dma_wait3A_199[%add3A_195, %dma_wait3A_200] : memref<157x128xi32, #tpu.memory_space<hbm>> -> memref<1x128xi32, #tpu.memory_space<hbm>>
          %dma_wait3A_202 = tpu.memref_squeeze %dma_wait3A_201 : memref<1x128xi32, #tpu.memory_space<hbm>> -> memref<128xi32, #tpu.memory_space<hbm>>
          %dma_wait3A_203 = arith.constant 0 : i32
          %dma_wait3A_204 = arith.constant 0 : i32
          %dma_wait3A_205 = tpu.memref_slice %arg3[%arg0, %arg1, %dma_wait3A_203, %dma_wait3A_204] : memref<2x16x157x128xi32, #tpu.memory_space<hbm>> -> memref<1x1x157x128xi32, #tpu.memory_space<hbm>>
          %dma_wait3A_206 = tpu.memref_squeeze %dma_wait3A_205 : memref<1x1x157x128xi32, #tpu.memory_space<hbm>> -> memref<157x128xi32, #tpu.memory_space<hbm>>
          %dma_wait3A_207 = arith.constant 0 : i32
          %dma_wait3A_208 = tpu.memref_slice %dma_wait3A_206[%add3A_195, %dma_wait3A_207] : memref<157x128xi32, #tpu.memory_space<hbm>> -> memref<1x128xi32, #tpu.memory_space<hbm>>
          %dma_wait3A_209 = tpu.memref_squeeze %dma_wait3A_208 : memref<1x128xi32, #tpu.memory_space<hbm>> -> memref<128xi32, #tpu.memory_space<hbm>>
          tpu.wait_dma2 semaphore(%arg19 : memref<!tpu.dma_semaphore, #tpu.memory_space<semaphore_mem>>) src(%dma_wait3A_209 : memref<128xi32, #tpu.memory_space<hbm>>) dst(%arg9 : memref<128xi32, #tpu.memory_space<vmem>>)
          %dma_wait3A_210 = arith.constant 0 : i32
          %dma_wait3A_211 = arith.constant 0 : i32
          %dma_wait3A_212 = tpu.memref_slice %arg4[%arg0, %arg1, %dma_wait3A_210, %dma_wait3A_211] : memref<2x16x157x128xi32, #tpu.memory_space<hbm>> -> memref<1x1x157x128xi32, #tpu.memory_space<hbm>>
          %dma_wait3A_213 = tpu.memref_squeeze %dma_wait3A_212 : memref<1x1x157x128xi32, #tpu.memory_space<hbm>> -> memref<157x128xi32, #tpu.memory_space<hbm>>
          %dma_wait3A_214 = arith.constant 0 : i32
          %dma_wait3A_215 = tpu.memref_slice %dma_wait3A_213[%add3A_195, %dma_wait3A_214] : memref<157x128xi32, #tpu.memory_space<hbm>> -> memref<1x128xi32, #tpu.memory_space<hbm>>
          %dma_wait3A_216 = tpu.memref_squeeze %dma_wait3A_215 : memref<1x128xi32, #tpu.memory_space<hbm>> -> memref<128xi32, #tpu.memory_space<hbm>>
          %dma_wait3A_217 = arith.constant 0 : i32
          %dma_wait3A_218 = arith.constant 0 : i32
          %dma_wait3A_219 = tpu.memref_slice %arg4[%arg0, %arg1, %dma_wait3A_217, %dma_wait3A_218] : memref<2x16x157x128xi32, #tpu.memory_space<hbm>> -> memref<1x1x157x128xi32, #tpu.memory_space<hbm>>
          %dma_wait3A_220 = tpu.memref_squeeze %dma_wait3A_219 : memref<1x1x157x128xi32, #tpu.memory_space<hbm>> -> memref<157x128xi32, #tpu.memory_space<hbm>>
          %dma_wait3A_221 = arith.constant 0 : i32
          %dma_wait3A_222 = tpu.memref_slice %dma_wait3A_220[%add3A_195, %dma_wait3A_221] : memref<157x128xi32, #tpu.memory_space<hbm>> -> memref<1x128xi32, #tpu.memory_space<hbm>>
          %dma_wait3A_223 = tpu.memref_squeeze %dma_wait3A_222 : memref<1x128xi32, #tpu.memory_space<hbm>> -> memref<128xi32, #tpu.memory_space<hbm>>
          tpu.wait_dma2 semaphore(%arg19 : memref<!tpu.dma_semaphore, #tpu.memory_space<semaphore_mem>>) src(%dma_wait3A_223 : memref<128xi32, #tpu.memory_space<hbm>>) dst(%arg13 : memref<128xi32, #tpu.memory_space<vmem>>)
          %ge3A = arith.constant 1 : i32
          %ge3A_224 = arith.cmpi sge, %add3A_154, %ge3A : i32
          %convert_element_type3A_225 = arith.extui %ge3A_224 : i1 to i32
          %cond3A_226 = arith.constant 0 : i32
          %cond3A_227 = arith.cmpi ne, %convert_element_type3A_225, %cond3A_226 : i32
          scf.if %cond3A_227 {
            %dma_wait3A_231 = arith.constant 0 : i32
            %dma_wait3A_232 = arith.constant 0 : i32
            %dma_wait3A_233 = tpu.memref_slice %arg6[%dma_wait3A_231, %dma_wait3A_232] : memref<10240x128xf32, #tpu.memory_space<vmem_shared>> -> memref<10240x128xf32, #tpu.memory_space<vmem_shared>>
            tpu.wait_indirect_dma semaphore(%arg23 : memref<!tpu.dma_semaphore, #tpu.memory_space<semaphore_mem>>) src(%arg15 : memref<128x128xf32, #tpu.memory_space<vmem>>) dst(%dma_wait3A_233 : memref<10240x128xf32, #tpu.memory_space<vmem_shared>>)
          } else {
          }
          %dma_start3A_228 = arith.constant 0 : i32
          %dma_start3A_229 = arith.constant 0 : i32
          %dma_start3A_230 = tpu.memref_slice %arg2[%dma_start3A_228, %dma_start3A_229] : memref<20480x128xf32, #tpu.memory_space<hbm>> -> memref<20480x128xf32, #tpu.memory_space<hbm>>
          tpu.enqueue_indirect_dma source(%dma_start3A_230 : memref<20480x128xf32, #tpu.memory_space<hbm>>) target(%arg15 : memref<128x128xf32, #tpu.memory_space<vmem>>) offsets(%arg9 : memref<128xi32, #tpu.memory_space<vmem>>) semaphore(%arg21 : memref<!tpu.dma_semaphore, #tpu.memory_space<semaphore_mem>>)
        } else {
        }
        %add3A_181 = arith.constant 3 : i32
        %add3A_182 = arith.addi %add3A_154, %add3A_181 : i32
        %lt3A_183 = arith.constant 157 : i32
        %lt3A_184 = arith.cmpi slt, %add3A_182, %lt3A_183 : i32
        %convert_element_type3A_185 = arith.extui %lt3A_184 : i1 to i32
        %cond3A_186 = arith.constant 0 : i32
        %cond3A_187 = arith.cmpi ne, %convert_element_type3A_185, %cond3A_186 : i32
        scf.if %cond3A_187 {
          %add3A_194 = arith.constant 3 : i32
          %add3A_195 = arith.addi %add3A_154, %add3A_194 : i32
          %dma_start3A_196 = arith.constant 0 : i32
          %dma_start3A_197 = arith.constant 0 : i32
          %dma_start3A_198 = tpu.memref_slice %arg3[%arg0, %arg1, %dma_start3A_196, %dma_start3A_197] : memref<2x16x157x128xi32, #tpu.memory_space<hbm>> -> memref<1x1x157x128xi32, #tpu.memory_space<hbm>>
          %dma_start3A_199 = tpu.memref_squeeze %dma_start3A_198 : memref<1x1x157x128xi32, #tpu.memory_space<hbm>> -> memref<157x128xi32, #tpu.memory_space<hbm>>
          %dma_start3A_200 = arith.constant 0 : i32
          %dma_start3A_201 = tpu.memref_slice %dma_start3A_199[%add3A_195, %dma_start3A_200] : memref<157x128xi32, #tpu.memory_space<hbm>> -> memref<1x128xi32, #tpu.memory_space<hbm>>
          %dma_start3A_202 = tpu.memref_squeeze %dma_start3A_201 : memref<1x128xi32, #tpu.memory_space<hbm>> -> memref<128xi32, #tpu.memory_space<hbm>>
          %dma_start3A_203 = arith.constant 0 : i32
          %dma_start3A_204 = arith.constant 0 : i32
          %dma_start3A_205 = tpu.memref_slice %arg3[%arg0, %arg1, %dma_start3A_203, %dma_start3A_204] : memref<2x16x157x128xi32, #tpu.memory_space<hbm>> -> memref<1x1x157x128xi32, #tpu.memory_space<hbm>>
          %dma_start3A_206 = tpu.memref_squeeze %dma_start3A_205 : memref<1x1x157x128xi32, #tpu.memory_space<hbm>> -> memref<157x128xi32, #tpu.memory_space<hbm>>
          %dma_start3A_207 = arith.constant 0 : i32
          %dma_start3A_208 = tpu.memref_slice %dma_start3A_206[%add3A_195, %dma_start3A_207] : memref<157x128xi32, #tpu.memory_space<hbm>> -> memref<1x128xi32, #tpu.memory_space<hbm>>
          %dma_start3A_209 = tpu.memref_squeeze %dma_start3A_208 : memref<1x128xi32, #tpu.memory_space<hbm>> -> memref<128xi32, #tpu.memory_space<hbm>>
          tpu.enqueue_dma source(%dma_start3A_209 : memref<128xi32, #tpu.memory_space<hbm>>) target(%arg7 : memref<128xi32, #tpu.memory_space<vmem>>) target_semaphore(%arg17 : memref<!tpu.dma_semaphore, #tpu.memory_space<semaphore_mem>>)
          %dma_start3A_210 = arith.constant 0 : i32
          %dma_start3A_211 = arith.constant 0 : i32
          %dma_start3A_212 = tpu.memref_slice %arg4[%arg0, %arg1, %dma_start3A_210, %dma_start3A_211] : memref<2x16x157x128xi32, #tpu.memory_space<hbm>> -> memref<1x1x157x128xi32, #tpu.memory_space<hbm>>
          %dma_start3A_213 = tpu.memref_squeeze %dma_start3A_212 : memref<1x1x157x128xi32, #tpu.memory_space<hbm>> -> memref<157x128xi32, #tpu.memory_space<hbm>>
          %dma_start3A_214 = arith.constant 0 : i32
          %dma_start3A_215 = tpu.memref_slice %dma_start3A_213[%add3A_195, %dma_start3A_214] : memref<157x128xi32, #tpu.memory_space<hbm>> -> memref<1x128xi32, #tpu.memory_space<hbm>>
          %dma_start3A_216 = tpu.memref_squeeze %dma_start3A_215 : memref<1x128xi32, #tpu.memory_space<hbm>> -> memref<128xi32, #tpu.memory_space<hbm>>
          %dma_start3A_217 = arith.constant 0 : i32
          %dma_start3A_218 = arith.constant 0 : i32
          %dma_start3A_219 = tpu.memref_slice %arg4[%arg0, %arg1, %dma_start3A_217, %dma_start3A_218] : memref<2x16x157x128xi32, #tpu.memory_space<hbm>> -> memref<1x1x157x128xi32, #tpu.memory_space<hbm>>
          %dma_start3A_220 = tpu.memref_squeeze %dma_start3A_219 : memref<1x1x157x128xi32, #tpu.memory_space<hbm>> -> memref<157x128xi32, #tpu.memory_space<hbm>>
          %dma_start3A_221 = arith.constant 0 : i32
          %dma_start3A_222 = tpu.memref_slice %dma_start3A_220[%add3A_195, %dma_start3A_221] : memref<157x128xi32, #tpu.memory_space<hbm>> -> memref<1x128xi32, #tpu.memory_space<hbm>>
          %dma_start3A_223 = tpu.memref_squeeze %dma_start3A_222 : memref<1x128xi32, #tpu.memory_space<hbm>> -> memref<128xi32, #tpu.memory_space<hbm>>
          tpu.enqueue_dma source(%dma_start3A_223 : memref<128xi32, #tpu.memory_space<hbm>>) target(%arg11 : memref<128xi32, #tpu.memory_space<vmem>>) target_semaphore(%arg17 : memref<!tpu.dma_semaphore, #tpu.memory_space<semaphore_mem>>)
        } else {
        }
        %dma_wait3A_188 = arith.constant 0 : i32
        %dma_wait3A_189 = arith.constant 0 : i32
        %dma_wait3A_190 = tpu.memref_slice %arg2[%dma_wait3A_188, %dma_wait3A_189] : memref<20480x128xf32, #tpu.memory_space<hbm>> -> memref<20480x128xf32, #tpu.memory_space<hbm>>
        tpu.wait_indirect_dma semaphore(%arg22 : memref<!tpu.dma_semaphore, #tpu.memory_space<semaphore_mem>>) src(%dma_wait3A_190 : memref<20480x128xf32, #tpu.memory_space<hbm>>) dst(%arg16 : memref<128x128xf32, #tpu.memory_space<vmem>>)
        %dma_start3A_191 = arith.constant 0 : i32
        %dma_start3A_192 = arith.constant 0 : i32
        %dma_start3A_193 = tpu.memref_slice %arg6[%dma_start3A_191, %dma_start3A_192] : memref<10240x128xf32, #tpu.memory_space<vmem_shared>> -> memref<10240x128xf32, #tpu.memory_space<vmem_shared>>
        tpu.enqueue_indirect_dma source(%arg16 : memref<128x128xf32, #tpu.memory_space<vmem>>) target(%dma_start3A_193 : memref<10240x128xf32, #tpu.memory_space<vmem_shared>>) offsets(%arg12 : memref<128xi32, #tpu.memory_space<vmem>>) semaphore(%arg24 : memref<!tpu.dma_semaphore, #tpu.memory_space<semaphore_mem>>) {add = true}
      } else {
      }
      %add3A_160 = arith.constant 2 : i32
      %add3A_161 = arith.addi %add3A_148, %add3A_160 : i32
      %lt3A_162 = arith.constant 157 : i32
      %lt3A_163 = arith.cmpi slt, %add3A_161, %lt3A_162 : i32
      %convert_element_type3A_164 = arith.extui %lt3A_163 : i1 to i32
      %cond3A_165 = arith.constant 0 : i32
      %cond3A_166 = arith.cmpi ne, %convert_element_type3A_164, %cond3A_165 : i32
      scf.if %cond3A_166 {
        %add3A_174 = arith.constant 1 : i32
        %add3A_175 = arith.addi %add3A_161, %add3A_174 : i32
        %lt3A_176 = arith.constant 157 : i32
        %lt3A_177 = arith.cmpi slt, %add3A_175, %lt3A_176 : i32
        %convert_element_type3A_178 = arith.extui %lt3A_177 : i1 to i32
        %cond3A_179 = arith.constant 0 : i32
        %cond3A_180 = arith.cmpi ne, %convert_element_type3A_178, %cond3A_179 : i32
        scf.if %cond3A_180 {
          %add3A_194 = arith.constant 1 : i32
          %add3A_195 = arith.addi %add3A_161, %add3A_194 : i32
          %dma_wait3A_196 = arith.constant 0 : i32
          %dma_wait3A_197 = arith.constant 0 : i32
          %dma_wait3A_198 = tpu.memref_slice %arg3[%arg0, %arg1, %dma_wait3A_196, %dma_wait3A_197] : memref<2x16x157x128xi32, #tpu.memory_space<hbm>> -> memref<1x1x157x128xi32, #tpu.memory_space<hbm>>
          %dma_wait3A_199 = tpu.memref_squeeze %dma_wait3A_198 : memref<1x1x157x128xi32, #tpu.memory_space<hbm>> -> memref<157x128xi32, #tpu.memory_space<hbm>>
          %dma_wait3A_200 = arith.constant 0 : i32
          %dma_wait3A_201 = tpu.memref_slice %dma_wait3A_199[%add3A_195, %dma_wait3A_200] : memref<157x128xi32, #tpu.memory_space<hbm>> -> memref<1x128xi32, #tpu.memory_space<hbm>>
          %dma_wait3A_202 = tpu.memref_squeeze %dma_wait3A_201 : memref<1x128xi32, #tpu.memory_space<hbm>> -> memref<128xi32, #tpu.memory_space<hbm>>
          %dma_wait3A_203 = arith.constant 0 : i32
          %dma_wait3A_204 = arith.constant 0 : i32
          %dma_wait3A_205 = tpu.memref_slice %arg3[%arg0, %arg1, %dma_wait3A_203, %dma_wait3A_204] : memref<2x16x157x128xi32, #tpu.memory_space<hbm>> -> memref<1x1x157x128xi32, #tpu.memory_space<hbm>>
          %dma_wait3A_206 = tpu.memref_squeeze %dma_wait3A_205 : memref<1x1x157x128xi32, #tpu.memory_space<hbm>> -> memref<157x128xi32, #tpu.memory_space<hbm>>
          %dma_wait3A_207 = arith.constant 0 : i32
          %dma_wait3A_208 = tpu.memref_slice %dma_wait3A_206[%add3A_195, %dma_wait3A_207] : memref<157x128xi32, #tpu.memory_space<hbm>> -> memref<1x128xi32, #tpu.memory_space<hbm>>
          %dma_wait3A_209 = tpu.memref_squeeze %dma_wait3A_208 : memref<1x128xi32, #tpu.memory_space<hbm>> -> memref<128xi32, #tpu.memory_space<hbm>>
          tpu.wait_dma2 semaphore(%arg20 : memref<!tpu.dma_semaphore, #tpu.memory_space<semaphore_mem>>) src(%dma_wait3A_209 : memref<128xi32, #tpu.memory_space<hbm>>) dst(%arg10 : memref<128xi32, #tpu.memory_space<vmem>>)
          %dma_wait3A_210 = arith.constant 0 : i32
          %dma_wait3A_211 = arith.constant 0 : i32
          %dma_wait3A_212 = tpu.memref_slice %arg4[%arg0, %arg1, %dma_wait3A_210, %dma_wait3A_211] : memref<2x16x157x128xi32, #tpu.memory_space<hbm>> -> memref<1x1x157x128xi32, #tpu.memory_space<hbm>>
          %dma_wait3A_213 = tpu.memref_squeeze %dma_wait3A_212 : memref<1x1x157x128xi32, #tpu.memory_space<hbm>> -> memref<157x128xi32, #tpu.memory_space<hbm>>
          %dma_wait3A_214 = arith.constant 0 : i32
          %dma_wait3A_215 = tpu.memref_slice %dma_wait3A_213[%add3A_195, %dma_wait3A_214] : memref<157x128xi32, #tpu.memory_space<hbm>> -> memref<1x128xi32, #tpu.memory_space<hbm>>
          %dma_wait3A_216 = tpu.memref_squeeze %dma_wait3A_215 : memref<1x128xi32, #tpu.memory_space<hbm>> -> memref<128xi32, #tpu.memory_space<hbm>>
          %dma_wait3A_217 = arith.constant 0 : i32
          %dma_wait3A_218 = arith.constant 0 : i32
          %dma_wait3A_219 = tpu.memref_slice %arg4[%arg0, %arg1, %dma_wait3A_217, %dma_wait3A_218] : memref<2x16x157x128xi32, #tpu.memory_space<hbm>> -> memref<1x1x157x128xi32, #tpu.memory_space<hbm>>
          %dma_wait3A_220 = tpu.memref_squeeze %dma_wait3A_219 : memref<1x1x157x128xi32, #tpu.memory_space<hbm>> -> memref<157x128xi32, #tpu.memory_space<hbm>>
          %dma_wait3A_221 = arith.constant 0 : i32
          %dma_wait3A_222 = tpu.memref_slice %dma_wait3A_220[%add3A_195, %dma_wait3A_221] : memref<157x128xi32, #tpu.memory_space<hbm>> -> memref<1x128xi32, #tpu.memory_space<hbm>>
          %dma_wait3A_223 = tpu.memref_squeeze %dma_wait3A_222 : memref<1x128xi32, #tpu.memory_space<hbm>> -> memref<128xi32, #tpu.memory_space<hbm>>
          tpu.wait_dma2 semaphore(%arg20 : memref<!tpu.dma_semaphore, #tpu.memory_space<semaphore_mem>>) src(%dma_wait3A_223 : memref<128xi32, #tpu.memory_space<hbm>>) dst(%arg14 : memref<128xi32, #tpu.memory_space<vmem>>)
          %ge3A = arith.constant 1 : i32
          %ge3A_224 = arith.cmpi sge, %add3A_161, %ge3A : i32
          %convert_element_type3A_225 = arith.extui %ge3A_224 : i1 to i32
          %cond3A_226 = arith.constant 0 : i32
          %cond3A_227 = arith.cmpi ne, %convert_element_type3A_225, %cond3A_226 : i32
          scf.if %cond3A_227 {
            %dma_wait3A_231 = arith.constant 0 : i32
            %dma_wait3A_232 = arith.constant 0 : i32
            %dma_wait3A_233 = tpu.memref_slice %arg6[%dma_wait3A_231, %dma_wait3A_232] : memref<10240x128xf32, #tpu.memory_space<vmem_shared>> -> memref<10240x128xf32, #tpu.memory_space<vmem_shared>>
            tpu.wait_indirect_dma semaphore(%arg24 : memref<!tpu.dma_semaphore, #tpu.memory_space<semaphore_mem>>) src(%arg16 : memref<128x128xf32, #tpu.memory_space<vmem>>) dst(%dma_wait3A_233 : memref<10240x128xf32, #tpu.memory_space<vmem_shared>>)
          } else {
          }
          %dma_start3A_228 = arith.constant 0 : i32
          %dma_start3A_229 = arith.constant 0 : i32
          %dma_start3A_230 = tpu.memref_slice %arg2[%dma_start3A_228, %dma_start3A_229] : memref<20480x128xf32, #tpu.memory_space<hbm>> -> memref<20480x128xf32, #tpu.memory_space<hbm>>
          tpu.enqueue_indirect_dma source(%dma_start3A_230 : memref<20480x128xf32, #tpu.memory_space<hbm>>) target(%arg16 : memref<128x128xf32, #tpu.memory_space<vmem>>) offsets(%arg10 : memref<128xi32, #tpu.memory_space<vmem>>) semaphore(%arg22 : memref<!tpu.dma_semaphore, #tpu.memory_space<semaphore_mem>>)
        } else {
        }
        %add3A_181 = arith.constant 3 : i32
        %add3A_182 = arith.addi %add3A_161, %add3A_181 : i32
        %lt3A_183 = arith.constant 157 : i32
        %lt3A_184 = arith.cmpi slt, %add3A_182, %lt3A_183 : i32
        %convert_element_type3A_185 = arith.extui %lt3A_184 : i1 to i32
        %cond3A_186 = arith.constant 0 : i32
        %cond3A_187 = arith.cmpi ne, %convert_element_type3A_185, %cond3A_186 : i32
        scf.if %cond3A_187 {
          %add3A_194 = arith.constant 3 : i32
          %add3A_195 = arith.addi %add3A_161, %add3A_194 : i32
          %dma_start3A_196 = arith.constant 0 : i32
          %dma_start3A_197 = arith.constant 0 : i32
          %dma_start3A_198 = tpu.memref_slice %arg3[%arg0, %arg1, %dma_start3A_196, %dma_start3A_197] : memref<2x16x157x128xi32, #tpu.memory_space<hbm>> -> memref<1x1x157x128xi32, #tpu.memory_space<hbm>>
          %dma_start3A_199 = tpu.memref_squeeze %dma_start3A_198 : memref<1x1x157x128xi32, #tpu.memory_space<hbm>> -> memref<157x128xi32, #tpu.memory_space<hbm>>
          %dma_start3A_200 = arith.constant 0 : i32
          %dma_start3A_201 = tpu.memref_slice %dma_start3A_199[%add3A_195, %dma_start3A_200] : memref<157x128xi32, #tpu.memory_space<hbm>> -> memref<1x128xi32, #tpu.memory_space<hbm>>
          %dma_start3A_202 = tpu.memref_squeeze %dma_start3A_201 : memref<1x128xi32, #tpu.memory_space<hbm>> -> memref<128xi32, #tpu.memory_space<hbm>>
          %dma_start3A_203 = arith.constant 0 : i32
          %dma_start3A_204 = arith.constant 0 : i32
          %dma_start3A_205 = tpu.memref_slice %arg3[%arg0, %arg1, %dma_start3A_203, %dma_start3A_204] : memref<2x16x157x128xi32, #tpu.memory_space<hbm>> -> memref<1x1x157x128xi32, #tpu.memory_space<hbm>>
          %dma_start3A_206 = tpu.memref_squeeze %dma_start3A_205 : memref<1x1x157x128xi32, #tpu.memory_space<hbm>> -> memref<157x128xi32, #tpu.memory_space<hbm>>
          %dma_start3A_207 = arith.constant 0 : i32
          %dma_start3A_208 = tpu.memref_slice %dma_start3A_206[%add3A_195, %dma_start3A_207] : memref<157x128xi32, #tpu.memory_space<hbm>> -> memref<1x128xi32, #tpu.memory_space<hbm>>
          %dma_start3A_209 = tpu.memref_squeeze %dma_start3A_208 : memref<1x128xi32, #tpu.memory_space<hbm>> -> memref<128xi32, #tpu.memory_space<hbm>>
          tpu.enqueue_dma source(%dma_start3A_209 : memref<128xi32, #tpu.memory_space<hbm>>) target(%arg8 : memref<128xi32, #tpu.memory_space<vmem>>) target_semaphore(%arg18 : memref<!tpu.dma_semaphore, #tpu.memory_space<semaphore_mem>>)
          %dma_start3A_210 = arith.constant 0 : i32
          %dma_start3A_211 = arith.constant 0 : i32
          %dma_start3A_212 = tpu.memref_slice %arg4[%arg0, %arg1, %dma_start3A_210, %dma_start3A_211] : memref<2x16x157x128xi32, #tpu.memory_space<hbm>> -> memref<1x1x157x128xi32, #tpu.memory_space<hbm>>
          %dma_start3A_213 = tpu.memref_squeeze %dma_start3A_212 : memref<1x1x157x128xi32, #tpu.memory_space<hbm>> -> memref<157x128xi32, #tpu.memory_space<hbm>>
          %dma_start3A_214 = arith.constant 0 : i32
          %dma_start3A_215 = tpu.memref_slice %dma_start3A_213[%add3A_195, %dma_start3A_214] : memref<157x128xi32, #tpu.memory_space<hbm>> -> memref<1x128xi32, #tpu.memory_space<hbm>>
          %dma_start3A_216 = tpu.memref_squeeze %dma_start3A_215 : memref<1x128xi32, #tpu.memory_space<hbm>> -> memref<128xi32, #tpu.memory_space<hbm>>
          %dma_start3A_217 = arith.constant 0 : i32
          %dma_start3A_218 = arith.constant 0 : i32
          %dma_start3A_219 = tpu.memref_slice %arg4[%arg0, %arg1, %dma_start3A_217, %dma_start3A_218] : memref<2x16x157x128xi32, #tpu.memory_space<hbm>> -> memref<1x1x157x128xi32, #tpu.memory_space<hbm>>
          %dma_start3A_220 = tpu.memref_squeeze %dma_start3A_219 : memref<1x1x157x128xi32, #tpu.memory_space<hbm>> -> memref<157x128xi32, #tpu.memory_space<hbm>>
          %dma_start3A_221 = arith.constant 0 : i32
          %dma_start3A_222 = tpu.memref_slice %dma_start3A_220[%add3A_195, %dma_start3A_221] : memref<157x128xi32, #tpu.memory_space<hbm>> -> memref<1x128xi32, #tpu.memory_space<hbm>>
          %dma_start3A_223 = tpu.memref_squeeze %dma_start3A_222 : memref<1x128xi32, #tpu.memory_space<hbm>> -> memref<128xi32, #tpu.memory_space<hbm>>
          tpu.enqueue_dma source(%dma_start3A_223 : memref<128xi32, #tpu.memory_space<hbm>>) target(%arg12 : memref<128xi32, #tpu.memory_space<vmem>>) target_semaphore(%arg18 : memref<!tpu.dma_semaphore, #tpu.memory_space<semaphore_mem>>)
        } else {
        }
        %dma_wait3A_188 = arith.constant 0 : i32
        %dma_wait3A_189 = arith.constant 0 : i32
        %dma_wait3A_190 = tpu.memref_slice %arg2[%dma_wait3A_188, %dma_wait3A_189] : memref<20480x128xf32, #tpu.memory_space<hbm>> -> memref<20480x128xf32, #tpu.memory_space<hbm>>
        tpu.wait_indirect_dma semaphore(%arg21 : memref<!tpu.dma_semaphore, #tpu.memory_space<semaphore_mem>>) src(%dma_wait3A_190 : memref<20480x128xf32, #tpu.memory_space<hbm>>) dst(%arg15 : memref<128x128xf32, #tpu.memory_space<vmem>>)
        %dma_start3A_191 = arith.constant 0 : i32
        %dma_start3A_192 = arith.constant 0 : i32
        %dma_start3A_193 = tpu.memref_slice %arg6[%dma_start3A_191, %dma_start3A_192] : memref<10240x128xf32, #tpu.memory_space<vmem_shared>> -> memref<10240x128xf32, #tpu.memory_space<vmem_shared>>
        tpu.enqueue_indirect_dma source(%arg15 : memref<128x128xf32, #tpu.memory_space<vmem>>) target(%dma_start3A_193 : memref<10240x128xf32, #tpu.memory_space<vmem_shared>>) offsets(%arg13 : memref<128xi32, #tpu.memory_space<vmem>>) semaphore(%arg23 : memref<!tpu.dma_semaphore, #tpu.memory_space<semaphore_mem>>) {add = true}
      } else {
      }
      %add3A_167 = arith.constant 3 : i32
      %add3A_168 = arith.addi %add3A_148, %add3A_167 : i32
      %lt3A_169 = arith.constant 157 : i32
      %lt3A_170 = arith.cmpi slt, %add3A_168, %lt3A_169 : i32
      %convert_element_type3A_171 = arith.extui %lt3A_170 : i1 to i32
      %cond3A_172 = arith.constant 0 : i32
      %cond3A_173 = arith.cmpi ne, %convert_element_type3A_171, %cond3A_172 : i32
      scf.if %cond3A_173 {
        %add3A_174 = arith.constant 1 : i32
        %add3A_175 = arith.addi %add3A_168, %add3A_174 : i32
        %lt3A_176 = arith.constant 157 : i32
        %lt3A_177 = arith.cmpi slt, %add3A_175, %lt3A_176 : i32
        %convert_element_type3A_178 = arith.extui %lt3A_177 : i1 to i32
        %cond3A_179 = arith.constant 0 : i32
        %cond3A_180 = arith.cmpi ne, %convert_element_type3A_178, %cond3A_179 : i32
        scf.if %cond3A_180 {
          %add3A_194 = arith.constant 1 : i32
          %add3A_195 = arith.addi %add3A_168, %add3A_194 : i32
          %dma_wait3A_196 = arith.constant 0 : i32
          %dma_wait3A_197 = arith.constant 0 : i32
          %dma_wait3A_198 = tpu.memref_slice %arg3[%arg0, %arg1, %dma_wait3A_196, %dma_wait3A_197] : memref<2x16x157x128xi32, #tpu.memory_space<hbm>> -> memref<1x1x157x128xi32, #tpu.memory_space<hbm>>
          %dma_wait3A_199 = tpu.memref_squeeze %dma_wait3A_198 : memref<1x1x157x128xi32, #tpu.memory_space<hbm>> -> memref<157x128xi32, #tpu.memory_space<hbm>>
          %dma_wait3A_200 = arith.constant 0 : i32
          %dma_wait3A_201 = tpu.memref_slice %dma_wait3A_199[%add3A_195, %dma_wait3A_200] : memref<157x128xi32, #tpu.memory_space<hbm>> -> memref<1x128xi32, #tpu.memory_space<hbm>>
          %dma_wait3A_202 = tpu.memref_squeeze %dma_wait3A_201 : memref<1x128xi32, #tpu.memory_space<hbm>> -> memref<128xi32, #tpu.memory_space<hbm>>
          %dma_wait3A_203 = arith.constant 0 : i32
          %dma_wait3A_204 = arith.constant 0 : i32
          %dma_wait3A_205 = tpu.memref_slice %arg3[%arg0, %arg1, %dma_wait3A_203, %dma_wait3A_204] : memref<2x16x157x128xi32, #tpu.memory_space<hbm>> -> memref<1x1x157x128xi32, #tpu.memory_space<hbm>>
          %dma_wait3A_206 = tpu.memref_squeeze %dma_wait3A_205 : memref<1x1x157x128xi32, #tpu.memory_space<hbm>> -> memref<157x128xi32, #tpu.memory_space<hbm>>
          %dma_wait3A_207 = arith.constant 0 : i32
          %dma_wait3A_208 = tpu.memref_slice %dma_wait3A_206[%add3A_195, %dma_wait3A_207] : memref<157x128xi32, #tpu.memory_space<hbm>> -> memref<1x128xi32, #tpu.memory_space<hbm>>
          %dma_wait3A_209 = tpu.memref_squeeze %dma_wait3A_208 : memref<1x128xi32, #tpu.memory_space<hbm>> -> memref<128xi32, #tpu.memory_space<hbm>>
          tpu.wait_dma2 semaphore(%arg17 : memref<!tpu.dma_semaphore, #tpu.memory_space<semaphore_mem>>) src(%dma_wait3A_209 : memref<128xi32, #tpu.memory_space<hbm>>) dst(%arg7 : memref<128xi32, #tpu.memory_space<vmem>>)
          %dma_wait3A_210 = arith.constant 0 : i32
          %dma_wait3A_211 = arith.constant 0 : i32
          %dma_wait3A_212 = tpu.memref_slice %arg4[%arg0, %arg1, %dma_wait3A_210, %dma_wait3A_211] : memref<2x16x157x128xi32, #tpu.memory_space<hbm>> -> memref<1x1x157x128xi32, #tpu.memory_space<hbm>>
          %dma_wait3A_213 = tpu.memref_squeeze %dma_wait3A_212 : memref<1x1x157x128xi32, #tpu.memory_space<hbm>> -> memref<157x128xi32, #tpu.memory_space<hbm>>
          %dma_wait3A_214 = arith.constant 0 : i32
          %dma_wait3A_215 = tpu.memref_slice %dma_wait3A_213[%add3A_195, %dma_wait3A_214] : memref<157x128xi32, #tpu.memory_space<hbm>> -> memref<1x128xi32, #tpu.memory_space<hbm>>
          %dma_wait3A_216 = tpu.memref_squeeze %dma_wait3A_215 : memref<1x128xi32, #tpu.memory_space<hbm>> -> memref<128xi32, #tpu.memory_space<hbm>>
          %dma_wait3A_217 = arith.constant 0 : i32
          %dma_wait3A_218 = arith.constant 0 : i32
          %dma_wait3A_219 = tpu.memref_slice %arg4[%arg0, %arg1, %dma_wait3A_217, %dma_wait3A_218] : memref<2x16x157x128xi32, #tpu.memory_space<hbm>> -> memref<1x1x157x128xi32, #tpu.memory_space<hbm>>
          %dma_wait3A_220 = tpu.memref_squeeze %dma_wait3A_219 : memref<1x1x157x128xi32, #tpu.memory_space<hbm>> -> memref<157x128xi32, #tpu.memory_space<hbm>>
          %dma_wait3A_221 = arith.constant 0 : i32
          %dma_wait3A_222 = tpu.memref_slice %dma_wait3A_220[%add3A_195, %dma_wait3A_221] : memref<157x128xi32, #tpu.memory_space<hbm>> -> memref<1x128xi32, #tpu.memory_space<hbm>>
          %dma_wait3A_223 = tpu.memref_squeeze %dma_wait3A_222 : memref<1x128xi32, #tpu.memory_space<hbm>> -> memref<128xi32, #tpu.memory_space<hbm>>
          tpu.wait_dma2 semaphore(%arg17 : memref<!tpu.dma_semaphore, #tpu.memory_space<semaphore_mem>>) src(%dma_wait3A_223 : memref<128xi32, #tpu.memory_space<hbm>>) dst(%arg11 : memref<128xi32, #tpu.memory_space<vmem>>)
          %ge3A = arith.constant 1 : i32
          %ge3A_224 = arith.cmpi sge, %add3A_168, %ge3A : i32
          %convert_element_type3A_225 = arith.extui %ge3A_224 : i1 to i32
          %cond3A_226 = arith.constant 0 : i32
          %cond3A_227 = arith.cmpi ne, %convert_element_type3A_225, %cond3A_226 : i32
          scf.if %cond3A_227 {
            %dma_wait3A_231 = arith.constant 0 : i32
            %dma_wait3A_232 = arith.constant 0 : i32
            %dma_wait3A_233 = tpu.memref_slice %arg6[%dma_wait3A_231, %dma_wait3A_232] : memref<10240x128xf32, #tpu.memory_space<vmem_shared>> -> memref<10240x128xf32, #tpu.memory_space<vmem_shared>>
            tpu.wait_indirect_dma semaphore(%arg23 : memref<!tpu.dma_semaphore, #tpu.memory_space<semaphore_mem>>) src(%arg15 : memref<128x128xf32, #tpu.memory_space<vmem>>) dst(%dma_wait3A_233 : memref<10240x128xf32, #tpu.memory_space<vmem_shared>>)
          } else {
          }
          %dma_start3A_228 = arith.constant 0 : i32
          %dma_start3A_229 = arith.constant 0 : i32
          %dma_start3A_230 = tpu.memref_slice %arg2[%dma_start3A_228, %dma_start3A_229] : memref<20480x128xf32, #tpu.memory_space<hbm>> -> memref<20480x128xf32, #tpu.memory_space<hbm>>
          tpu.enqueue_indirect_dma source(%dma_start3A_230 : memref<20480x128xf32, #tpu.memory_space<hbm>>) target(%arg15 : memref<128x128xf32, #tpu.memory_space<vmem>>) offsets(%arg7 : memref<128xi32, #tpu.memory_space<vmem>>) semaphore(%arg21 : memref<!tpu.dma_semaphore, #tpu.memory_space<semaphore_mem>>)
        } else {
        }
        %add3A_181 = arith.constant 3 : i32
        %add3A_182 = arith.addi %add3A_168, %add3A_181 : i32
        %lt3A_183 = arith.constant 157 : i32
        %lt3A_184 = arith.cmpi slt, %add3A_182, %lt3A_183 : i32
        %convert_element_type3A_185 = arith.extui %lt3A_184 : i1 to i32
        %cond3A_186 = arith.constant 0 : i32
        %cond3A_187 = arith.cmpi ne, %convert_element_type3A_185, %cond3A_186 : i32
        scf.if %cond3A_187 {
          %add3A_194 = arith.constant 3 : i32
          %add3A_195 = arith.addi %add3A_168, %add3A_194 : i32
          %dma_start3A_196 = arith.constant 0 : i32
          %dma_start3A_197 = arith.constant 0 : i32
          %dma_start3A_198 = tpu.memref_slice %arg3[%arg0, %arg1, %dma_start3A_196, %dma_start3A_197] : memref<2x16x157x128xi32, #tpu.memory_space<hbm>> -> memref<1x1x157x128xi32, #tpu.memory_space<hbm>>
          %dma_start3A_199 = tpu.memref_squeeze %dma_start3A_198 : memref<1x1x157x128xi32, #tpu.memory_space<hbm>> -> memref<157x128xi32, #tpu.memory_space<hbm>>
          %dma_start3A_200 = arith.constant 0 : i32
          %dma_start3A_201 = tpu.memref_slice %dma_start3A_199[%add3A_195, %dma_start3A_200] : memref<157x128xi32, #tpu.memory_space<hbm>> -> memref<1x128xi32, #tpu.memory_space<hbm>>
          %dma_start3A_202 = tpu.memref_squeeze %dma_start3A_201 : memref<1x128xi32, #tpu.memory_space<hbm>> -> memref<128xi32, #tpu.memory_space<hbm>>
          %dma_start3A_203 = arith.constant 0 : i32
          %dma_start3A_204 = arith.constant 0 : i32
          %dma_start3A_205 = tpu.memref_slice %arg3[%arg0, %arg1, %dma_start3A_203, %dma_start3A_204] : memref<2x16x157x128xi32, #tpu.memory_space<hbm>> -> memref<1x1x157x128xi32, #tpu.memory_space<hbm>>
          %dma_start3A_206 = tpu.memref_squeeze %dma_start3A_205 : memref<1x1x157x128xi32, #tpu.memory_space<hbm>> -> memref<157x128xi32, #tpu.memory_space<hbm>>
          %dma_start3A_207 = arith.constant 0 : i32
          %dma_start3A_208 = tpu.memref_slice %dma_start3A_206[%add3A_195, %dma_start3A_207] : memref<157x128xi32, #tpu.memory_space<hbm>> -> memref<1x128xi32, #tpu.memory_space<hbm>>
          %dma_start3A_209 = tpu.memref_squeeze %dma_start3A_208 : memref<1x128xi32, #tpu.memory_space<hbm>> -> memref<128xi32, #tpu.memory_space<hbm>>
          tpu.enqueue_dma source(%dma_start3A_209 : memref<128xi32, #tpu.memory_space<hbm>>) target(%arg9 : memref<128xi32, #tpu.memory_space<vmem>>) target_semaphore(%arg19 : memref<!tpu.dma_semaphore, #tpu.memory_space<semaphore_mem>>)
          %dma_start3A_210 = arith.constant 0 : i32
          %dma_start3A_211 = arith.constant 0 : i32
          %dma_start3A_212 = tpu.memref_slice %arg4[%arg0, %arg1, %dma_start3A_210, %dma_start3A_211] : memref<2x16x157x128xi32, #tpu.memory_space<hbm>> -> memref<1x1x157x128xi32, #tpu.memory_space<hbm>>
          %dma_start3A_213 = tpu.memref_squeeze %dma_start3A_212 : memref<1x1x157x128xi32, #tpu.memory_space<hbm>> -> memref<157x128xi32, #tpu.memory_space<hbm>>
          %dma_start3A_214 = arith.constant 0 : i32
          %dma_start3A_215 = tpu.memref_slice %dma_start3A_213[%add3A_195, %dma_start3A_214] : memref<157x128xi32, #tpu.memory_space<hbm>> -> memref<1x128xi32, #tpu.memory_space<hbm>>
          %dma_start3A_216 = tpu.memref_squeeze %dma_start3A_215 : memref<1x128xi32, #tpu.memory_space<hbm>> -> memref<128xi32, #tpu.memory_space<hbm>>
          %dma_start3A_217 = arith.constant 0 : i32
          %dma_start3A_218 = arith.constant 0 : i32
          %dma_start3A_219 = tpu.memref_slice %arg4[%arg0, %arg1, %dma_start3A_217, %dma_start3A_218] : memref<2x16x157x128xi32, #tpu.memory_space<hbm>> -> memref<1x1x157x128xi32, #tpu.memory_space<hbm>>
          %dma_start3A_220 = tpu.memref_squeeze %dma_start3A_219 : memref<1x1x157x128xi32, #tpu.memory_space<hbm>> -> memref<157x128xi32, #tpu.memory_space<hbm>>
          %dma_start3A_221 = arith.constant 0 : i32
          %dma_start3A_222 = tpu.memref_slice %dma_start3A_220[%add3A_195, %dma_start3A_221] : memref<157x128xi32, #tpu.memory_space<hbm>> -> memref<1x128xi32, #tpu.memory_space<hbm>>
          %dma_start3A_223 = tpu.memref_squeeze %dma_start3A_222 : memref<1x128xi32, #tpu.memory_space<hbm>> -> memref<128xi32, #tpu.memory_space<hbm>>
          tpu.enqueue_dma source(%dma_start3A_223 : memref<128xi32, #tpu.memory_space<hbm>>) target(%arg13 : memref<128xi32, #tpu.memory_space<vmem>>) target_semaphore(%arg19 : memref<!tpu.dma_semaphore, #tpu.memory_space<semaphore_mem>>)
        } else {
        }
        %dma_wait3A_188 = arith.constant 0 : i32
        %dma_wait3A_189 = arith.constant 0 : i32
        %dma_wait3A_190 = tpu.memref_slice %arg2[%dma_wait3A_188, %dma_wait3A_189] : memref<20480x128xf32, #tpu.memory_space<hbm>> -> memref<20480x128xf32, #tpu.memory_space<hbm>>
        tpu.wait_indirect_dma semaphore(%arg22 : memref<!tpu.dma_semaphore, #tpu.memory_space<semaphore_mem>>) src(%dma_wait3A_190 : memref<20480x128xf32, #tpu.memory_space<hbm>>) dst(%arg16 : memref<128x128xf32, #tpu.memory_space<vmem>>)
        %dma_start3A_191 = arith.constant 0 : i32
        %dma_start3A_192 = arith.constant 0 : i32
        %dma_start3A_193 = tpu.memref_slice %arg6[%dma_start3A_191, %dma_start3A_192] : memref<10240x128xf32, #tpu.memory_space<vmem_shared>> -> memref<10240x128xf32, #tpu.memory_space<vmem_shared>>
        tpu.enqueue_indirect_dma source(%arg16 : memref<128x128xf32, #tpu.memory_space<vmem>>) target(%dma_start3A_193 : memref<10240x128xf32, #tpu.memory_space<vmem_shared>>) offsets(%arg14 : memref<128xi32, #tpu.memory_space<vmem>>) semaphore(%arg24 : memref<!tpu.dma_semaphore, #tpu.memory_space<semaphore_mem>>) {add = true}
      } else {
      }
    }
    %scan3A_129 = arith.constant 40 : i32
    %dma_wait3A_130 = arith.constant 0 : i32
    %dma_wait3A_131 = arith.constant 0 : i32
    %dma_wait3A_132 = tpu.memref_slice %arg6[%dma_wait3A_130, %dma_wait3A_131] : memref<10240x128xf32, #tpu.memory_space<vmem_shared>> -> memref<10240x128xf32, #tpu.memory_space<vmem_shared>>
    tpu.wait_indirect_dma semaphore(%arg24 : memref<!tpu.dma_semaphore, #tpu.memory_space<semaphore_mem>>) src(%arg16 : memref<128x128xf32, #tpu.memory_space<vmem>>) dst(%dma_wait3A_132 : memref<10240x128xf32, #tpu.memory_space<vmem_shared>>)
    %dma_wait3A_133 = arith.constant 0 : i32
    %dma_wait3A_134 = arith.constant 0 : i32
    %dma_wait3A_135 = tpu.memref_slice %arg6[%dma_wait3A_133, %dma_wait3A_134] : memref<10240x128xf32, #tpu.memory_space<vmem_shared>> -> memref<10240x128xf32, #tpu.memory_space<vmem_shared>>
    tpu.wait_indirect_dma semaphore(%arg23 : memref<!tpu.dma_semaphore, #tpu.memory_space<semaphore_mem>>) src(%arg15 : memref<128x128xf32, #tpu.memory_space<vmem>>) dst(%dma_wait3A_135 : memref<10240x128xf32, #tpu.memory_space<vmem_shared>>)
    %barrier3A_136 = arith.constant 0 : index
    tpu.barrier barrier_id(%barrier3A_136)
    %mul3A_137 = arith.constant 640 : i32
    %mul3A_138 = arith.muli %arg1, %mul3A_137 : i32
    %mul3A_139 = arith.constant 10240 : i32
    %mul3A_140 = arith.muli %arg0, %mul3A_139 : i32
    %mul3A_141 = arith.constant 640 : i32
    %mul3A_142 = arith.muli %arg1, %mul3A_141 : i32
    %add3A_143 = arith.addi %mul3A_140, %mul3A_142 : i32
    "tpu.region"() ({
      %run_scoped3A = tpu.sem_alloc : memref<!tpu.dma_semaphore, #tpu.memory_space<semaphore_mem>>
      %dma_start3A_144 = arith.constant 0 : i32
      %dma_start3A_145 = tpu.memref_slice %arg5[%add3A_143, %dma_start3A_144] : memref<20480x128xf32, #tpu.memory_space<hbm>> -> memref<640x128xf32, #tpu.memory_space<hbm>>
      %dma_start3A_146 = arith.constant 0 : i32
      %dma_start3A_147 = tpu.memref_slice %arg6[%mul3A_138, %dma_start3A_146] : memref<10240x128xf32, #tpu.memory_space<vmem_shared>> -> memref<640x128xf32, #tpu.memory_space<vmem_shared>>
      tpu.enqueue_dma source(%dma_start3A_147 : memref<640x128xf32, #tpu.memory_space<vmem_shared>>) target(%dma_start3A_145 : memref<640x128xf32, #tpu.memory_space<hbm>>) target_semaphore(%run_scoped3A : memref<!tpu.dma_semaphore, #tpu.memory_space<semaphore_mem>>)
      %dma_wait3A_148 = arith.constant 0 : i32
      %dma_wait3A_149 = tpu.memref_slice %arg5[%add3A_143, %dma_wait3A_148] : memref<20480x128xf32, #tpu.memory_space<hbm>> -> memref<640x128xf32, #tpu.memory_space<hbm>>
      %dma_wait3A_150 = arith.constant 0 : i32
      %dma_wait3A_151 = tpu.memref_slice %arg6[%mul3A_138, %dma_wait3A_150] : memref<10240x128xf32, #tpu.memory_space<vmem_shared>> -> memref<640x128xf32, #tpu.memory_space<vmem_shared>>
      tpu.wait_dma2 semaphore(%run_scoped3A : memref<!tpu.dma_semaphore, #tpu.memory_space<semaphore_mem>>) src(%dma_wait3A_151 : memref<640x128xf32, #tpu.memory_space<vmem_shared>>) dst(%dma_wait3A_149 : memref<640x128xf32, #tpu.memory_space<hbm>>)
      tpu.yield
    }) : () -> ()
    return
  }
}

#map = affine_map<(d0, d1) -> (0, 0)>
#map1 = affine_map<(d0, d1) -> (0, 0, 0, 0)>
module attributes {stable_mosaic.version = 14 : i64} {
  func.func @edge_kernel(%arg0: i32, %arg1: i32, %arg2: memref<20480x128xf32, #tpu.memory_space<hbm>>, %arg3: memref<2x16x157x128xi32, #tpu.memory_space<hbm>>, %arg4: memref<2x16x157x128xi32, #tpu.memory_space<hbm>>, %arg5: memref<20480x128xf32, #tpu.memory_space<hbm>>, %arg6: memref<10240x128xf32, #tpu.memory_space<vmem_shared>>, %arg7: memref<128xi32, #tpu.memory_space<vmem>>, %arg8: memref<128xi32, #tpu.memory_space<vmem>>, %arg9: memref<128xi32, #tpu.memory_space<vmem>>, %arg10: memref<128xi32, #tpu.memory_space<vmem>>, %arg11: memref<128xi32, #tpu.memory_space<vmem>>, %arg12: memref<128xi32, #tpu.memory_space<vmem>>, %arg13: memref<128xi32, #tpu.memory_space<vmem>>, %arg14: memref<128xi32, #tpu.memory_space<vmem>>, %arg15: memref<128x128xf32, #tpu.memory_space<vmem>>, %arg16: memref<128x128xf32, #tpu.memory_space<vmem>>, %arg17: memref<!tpu.dma_semaphore, #tpu.memory_space<semaphore_mem>>, %arg18: memref<!tpu.dma_semaphore, #tpu.memory_space<semaphore_mem>>, %arg19: memref<!tpu.dma_semaphore, #tpu.memory_space<semaphore_mem>>, %arg20: memref<!tpu.dma_semaphore, #tpu.memory_space<semaphore_mem>>, %arg21: memref<!tpu.dma_semaphore, #tpu.memory_space<semaphore_mem>>, %arg22: memref<!tpu.dma_semaphore, #tpu.memory_space<semaphore_mem>>, %arg23: memref<!tpu.dma_semaphore, #tpu.memory_space<semaphore_mem>>, %arg24: memref<!tpu.dma_semaphore, #tpu.memory_space<semaphore_mem>>) attributes {dimension_semantics = [#tpu.dimension_semantics<core_parallel>, #tpu.dimension_semantics<subcore_parallel>], iteration_bounds = array<i64: 2, 16>, scalar_prefetch = 0 : i64, scratch_operands = 19 : i64, tpu.core_type = #tpu.core_type<sc_vector_subcore>, window_params = [{transform_indices = #map}, {transform_indices = #map1}, {transform_indices = #map1}, {transform_indices = #map}]} {
    %mul3A = arith.constant 10240 : i32
    %mul3A_0 = arith.muli %arg0, %mul3A : i32
    %mul3A_1 = arith.constant 640 : i32
    %mul3A_2 = arith.muli %arg1, %mul3A_1 : i32
    %add3A = arith.addi %mul3A_0, %mul3A_2 : i32
    %mul3A_3 = arith.constant 640 : i32
    %mul3A_4 = arith.muli %arg1, %mul3A_3 : i32
    "tpu.region"() ({
      %run_scoped3A = tpu.sem_alloc : memref<!tpu.dma_semaphore, #tpu.memory_space<semaphore_mem>>
      %dma_start3A_144 = arith.constant 0 : i32
      %dma_start3A_145 = tpu.memref_slice %arg6[%mul3A_4, %dma_start3A_144] : memref<10240x128xf32, #tpu.memory_space<vmem_shared>> -> memref<640x128xf32, #tpu.memory_space<vmem_shared>>
      %dma_start3A_146 = arith.constant 0 : i32
      %dma_start3A_147 = tpu.memref_slice %arg2[%add3A, %dma_start3A_146] : memref<20480x128xf32, #tpu.memory_space<hbm>> -> memref<640x128xf32, #tpu.memory_space<hbm>>
      tpu.enqueue_dma source(%dma_start3A_147 : memref<640x128xf32, #tpu.memory_space<hbm>>) target(%dma_start3A_145 : memref<640x128xf32, #tpu.memory_space<vmem_shared>>) target_semaphore(%run_scoped3A : memref<!tpu.dma_semaphore, #tpu.memory_space<semaphore_mem>>)
      %dma_wait3A_148 = arith.constant 0 : i32
      %dma_wait3A_149 = tpu.memref_slice %arg6[%mul3A_4, %dma_wait3A_148] : memref<10240x128xf32, #tpu.memory_space<vmem_shared>> -> memref<640x128xf32, #tpu.memory_space<vmem_shared>>
      %dma_wait3A_150 = arith.constant 0 : i32
      %dma_wait3A_151 = tpu.memref_slice %arg2[%add3A, %dma_wait3A_150] : memref<20480x128xf32, #tpu.memory_space<hbm>> -> memref<640x128xf32, #tpu.memory_space<hbm>>
      tpu.wait_dma2 semaphore(%run_scoped3A : memref<!tpu.dma_semaphore, #tpu.memory_space<semaphore_mem>>) src(%dma_wait3A_151 : memref<640x128xf32, #tpu.memory_space<hbm>>) dst(%dma_wait3A_149 : memref<640x128xf32, #tpu.memory_space<vmem_shared>>)
      tpu.yield
    }) : () -> ()
    %dma_start3A = arith.constant 0 : i32
    %dma_start3A_5 = arith.constant 0 : i32
    %dma_start3A_6 = arith.constant 0 : i32
    %dma_start3A_7 = tpu.memref_slice %arg3[%arg0, %arg1, %dma_start3A_5, %dma_start3A_6] : memref<2x16x157x128xi32, #tpu.memory_space<hbm>> -> memref<1x1x157x128xi32, #tpu.memory_space<hbm>>
    %dma_start3A_8 = tpu.memref_squeeze %dma_start3A_7 : memref<1x1x157x128xi32, #tpu.memory_space<hbm>> -> memref<157x128xi32, #tpu.memory_space<hbm>>
    %dma_start3A_9 = arith.constant 0 : i32
    %dma_start3A_10 = tpu.memref_slice %dma_start3A_8[%dma_start3A, %dma_start3A_9] : memref<157x128xi32, #tpu.memory_space<hbm>> -> memref<1x128xi32, #tpu.memory_space<hbm>>
    %dma_start3A_11 = tpu.memref_squeeze %dma_start3A_10 : memref<1x128xi32, #tpu.memory_space<hbm>> -> memref<128xi32, #tpu.memory_space<hbm>>
    %dma_start3A_12 = arith.constant 0 : i32
    %dma_start3A_13 = arith.constant 0 : i32
    %dma_start3A_14 = tpu.memref_slice %arg3[%arg0, %arg1, %dma_start3A_12, %dma_start3A_13] : memref<2x16x157x128xi32, #tpu.memory_space<hbm>> -> memref<1x1x157x128xi32, #tpu.memory_space<hbm>>
    %dma_start3A_15 = tpu.memref_squeeze %dma_start3A_14 : memref<1x1x157x128xi32, #tpu.memory_space<hbm>> -> memref<157x128xi32, #tpu.memory_space<hbm>>
    %dma_start3A_16 = arith.constant 0 : i32
    %dma_start3A_17 = tpu.memref_slice %dma_start3A_15[%dma_start3A, %dma_start3A_16] : memref<157x128xi32, #tpu.memory_space<hbm>> -> memref<1x128xi32, #tpu.memory_space<hbm>>
    %dma_start3A_18 = tpu.memref_squeeze %dma_start3A_17 : memref<1x128xi32, #tpu.memory_space<hbm>> -> memref<128xi32, #tpu.memory_space<hbm>>
    tpu.enqueue_dma source(%dma_start3A_18 : memref<128xi32, #tpu.memory_space<hbm>>) target(%arg7 : memref<128xi32, #tpu.memory_space<vmem>>) target_semaphore(%arg17 : memref<!tpu.dma_semaphore, #tpu.memory_space<semaphore_mem>>)
    %dma_start3A_19 = arith.constant 0 : i32
    %dma_start3A_20 = arith.constant 0 : i32
    %dma_start3A_21 = arith.constant 0 : i32
    %dma_start3A_22 = tpu.memref_slice %arg4[%arg0, %arg1, %dma_start3A_20, %dma_start3A_21] : memref<2x16x157x128xi32, #tpu.memory_space<hbm>> -> memref<1x1x157x128xi32, #tpu.memory_space<hbm>>
    %dma_start3A_23 = tpu.memref_squeeze %dma_start3A_22 : memref<1x1x157x128xi32, #tpu.memory_space<hbm>> -> memref<157x128xi32, #tpu.memory_space<hbm>>
    %dma_start3A_24 = arith.constant 0 : i32
    %dma_start3A_25 = tpu.memref_slice %dma_start3A_23[%dma_start3A_19, %dma_start3A_24] : memref<157x128xi32, #tpu.memory_space<hbm>> -> memref<1x128xi32, #tpu.memory_space<hbm>>
    %dma_start3A_26 = tpu.memref_squeeze %dma_start3A_25 : memref<1x128xi32, #tpu.memory_space<hbm>> -> memref<128xi32, #tpu.memory_space<hbm>>
    %dma_start3A_27 = arith.constant 0 : i32
    %dma_start3A_28 = arith.constant 0 : i32
    %dma_start3A_29 = tpu.memref_slice %arg4[%arg0, %arg1, %dma_start3A_27, %dma_start3A_28] : memref<2x16x157x128xi32, #tpu.memory_space<hbm>> -> memref<1x1x157x128xi32, #tpu.memory_space<hbm>>
    %dma_start3A_30 = tpu.memref_squeeze %dma_start3A_29 : memref<1x1x157x128xi32, #tpu.memory_space<hbm>> -> memref<157x128xi32, #tpu.memory_space<hbm>>
    %dma_start3A_31 = arith.constant 0 : i32
    %dma_start3A_32 = tpu.memref_slice %dma_start3A_30[%dma_start3A_19, %dma_start3A_31] : memref<157x128xi32, #tpu.memory_space<hbm>> -> memref<1x128xi32, #tpu.memory_space<hbm>>
    %dma_start3A_33 = tpu.memref_squeeze %dma_start3A_32 : memref<1x128xi32, #tpu.memory_space<hbm>> -> memref<128xi32, #tpu.memory_space<hbm>>
    tpu.enqueue_dma source(%dma_start3A_33 : memref<128xi32, #tpu.memory_space<hbm>>) target(%arg11 : memref<128xi32, #tpu.memory_space<vmem>>) target_semaphore(%arg17 : memref<!tpu.dma_semaphore, #tpu.memory_space<semaphore_mem>>)
    %dma_start3A_34 = arith.constant 1 : i32
    %dma_start3A_35 = arith.constant 0 : i32
    %dma_start3A_36 = arith.constant 0 : i32
    %dma_start3A_37 = tpu.memref_slice %arg3[%arg0, %arg1, %dma_start3A_35, %dma_start3A_36] : memref<2x16x157x128xi32, #tpu.memory_space<hbm>> -> memref<1x1x157x128xi32, #tpu.memory_space<hbm>>
    %dma_start3A_38 = tpu.memref_squeeze %dma_start3A_37 : memref<1x1x157x128xi32, #tpu.memory_space<hbm>> -> memref<157x128xi32, #tpu.memory_space<hbm>>
    %dma_start3A_39 = arith.constant 0 : i32
    %dma_start3A_40 = tpu.memref_slice %dma_start3A_38[%dma_start3A_34, %dma_start3A_39] : memref<157x128xi32, #tpu.memory_space<hbm>> -> memref<1x128xi32, #tpu.memory_space<hbm>>
    %dma_start3A_41 = tpu.memref_squeeze %dma_start3A_40 : memref<1x128xi32, #tpu.memory_space<hbm>> -> memref<128xi32, #tpu.memory_space<hbm>>
    %dma_start3A_42 = arith.constant 0 : i32
    %dma_start3A_43 = arith.constant 0 : i32
    %dma_start3A_44 = tpu.memref_slice %arg3[%arg0, %arg1, %dma_start3A_42, %dma_start3A_43] : memref<2x16x157x128xi32, #tpu.memory_space<hbm>> -> memref<1x1x157x128xi32, #tpu.memory_space<hbm>>
    %dma_start3A_45 = tpu.memref_squeeze %dma_start3A_44 : memref<1x1x157x128xi32, #tpu.memory_space<hbm>> -> memref<157x128xi32, #tpu.memory_space<hbm>>
    %dma_start3A_46 = arith.constant 0 : i32
    %dma_start3A_47 = tpu.memref_slice %dma_start3A_45[%dma_start3A_34, %dma_start3A_46] : memref<157x128xi32, #tpu.memory_space<hbm>> -> memref<1x128xi32, #tpu.memory_space<hbm>>
    %dma_start3A_48 = tpu.memref_squeeze %dma_start3A_47 : memref<1x128xi32, #tpu.memory_space<hbm>> -> memref<128xi32, #tpu.memory_space<hbm>>
    tpu.enqueue_dma source(%dma_start3A_48 : memref<128xi32, #tpu.memory_space<hbm>>) target(%arg8 : memref<128xi32, #tpu.memory_space<vmem>>) target_semaphore(%arg18 : memref<!tpu.dma_semaphore, #tpu.memory_space<semaphore_mem>>)
    %dma_start3A_49 = arith.constant 1 : i32
    %dma_start3A_50 = arith.constant 0 : i32
    %dma_start3A_51 = arith.constant 0 : i32
    %dma_start3A_52 = tpu.memref_slice %arg4[%arg0, %arg1, %dma_start3A_50, %dma_start3A_51] : memref<2x16x157x128xi32, #tpu.memory_space<hbm>> -> memref<1x1x157x128xi32, #tpu.memory_space<hbm>>
    %dma_start3A_53 = tpu.memref_squeeze %dma_start3A_52 : memref<1x1x157x128xi32, #tpu.memory_space<hbm>> -> memref<157x128xi32, #tpu.memory_space<hbm>>
    %dma_start3A_54 = arith.constant 0 : i32
    %dma_start3A_55 = tpu.memref_slice %dma_start3A_53[%dma_start3A_49, %dma_start3A_54] : memref<157x128xi32, #tpu.memory_space<hbm>> -> memref<1x128xi32, #tpu.memory_space<hbm>>
    %dma_start3A_56 = tpu.memref_squeeze %dma_start3A_55 : memref<1x128xi32, #tpu.memory_space<hbm>> -> memref<128xi32, #tpu.memory_space<hbm>>
    %dma_start3A_57 = arith.constant 0 : i32
    %dma_start3A_58 = arith.constant 0 : i32
    %dma_start3A_59 = tpu.memref_slice %arg4[%arg0, %arg1, %dma_start3A_57, %dma_start3A_58] : memref<2x16x157x128xi32, #tpu.memory_space<hbm>> -> memref<1x1x157x128xi32, #tpu.memory_space<hbm>>
    %dma_start3A_60 = tpu.memref_squeeze %dma_start3A_59 : memref<1x1x157x128xi32, #tpu.memory_space<hbm>> -> memref<157x128xi32, #tpu.memory_space<hbm>>
    %dma_start3A_61 = arith.constant 0 : i32
    %dma_start3A_62 = tpu.memref_slice %dma_start3A_60[%dma_start3A_49, %dma_start3A_61] : memref<157x128xi32, #tpu.memory_space<hbm>> -> memref<1x128xi32, #tpu.memory_space<hbm>>
    %dma_start3A_63 = tpu.memref_squeeze %dma_start3A_62 : memref<1x128xi32, #tpu.memory_space<hbm>> -> memref<128xi32, #tpu.memory_space<hbm>>
    tpu.enqueue_dma source(%dma_start3A_63 : memref<128xi32, #tpu.memory_space<hbm>>) target(%arg12 : memref<128xi32, #tpu.memory_space<vmem>>) target_semaphore(%arg18 : memref<!tpu.dma_semaphore, #tpu.memory_space<semaphore_mem>>)
    %dma_start3A_64 = arith.constant 2 : i32
    %dma_start3A_65 = arith.constant 0 : i32
    %dma_start3A_66 = arith.constant 0 : i32
    %dma_start3A_67 = tpu.memref_slice %arg3[%arg0, %arg1, %dma_start3A_65, %dma_start3A_66] : memref<2x16x157x128xi32, #tpu.memory_space<hbm>> -> memref<1x1x157x128xi32, #tpu.memory_space<hbm>>
    %dma_start3A_68 = tpu.memref_squeeze %dma_start3A_67 : memref<1x1x157x128xi32, #tpu.memory_space<hbm>> -> memref<157x128xi32, #tpu.memory_space<hbm>>
    %dma_start3A_69 = arith.constant 0 : i32
    %dma_start3A_70 = tpu.memref_slice %dma_start3A_68[%dma_start3A_64, %dma_start3A_69] : memref<157x128xi32, #tpu.memory_space<hbm>> -> memref<1x128xi32, #tpu.memory_space<hbm>>
    %dma_start3A_71 = tpu.memref_squeeze %dma_start3A_70 : memref<1x128xi32, #tpu.memory_space<hbm>> -> memref<128xi32, #tpu.memory_space<hbm>>
    %dma_start3A_72 = arith.constant 0 : i32
    %dma_start3A_73 = arith.constant 0 : i32
    %dma_start3A_74 = tpu.memref_slice %arg3[%arg0, %arg1, %dma_start3A_72, %dma_start3A_73] : memref<2x16x157x128xi32, #tpu.memory_space<hbm>> -> memref<1x1x157x128xi32, #tpu.memory_space<hbm>>
    %dma_start3A_75 = tpu.memref_squeeze %dma_start3A_74 : memref<1x1x157x128xi32, #tpu.memory_space<hbm>> -> memref<157x128xi32, #tpu.memory_space<hbm>>
    %dma_start3A_76 = arith.constant 0 : i32
    %dma_start3A_77 = tpu.memref_slice %dma_start3A_75[%dma_start3A_64, %dma_start3A_76] : memref<157x128xi32, #tpu.memory_space<hbm>> -> memref<1x128xi32, #tpu.memory_space<hbm>>
    %dma_start3A_78 = tpu.memref_squeeze %dma_start3A_77 : memref<1x128xi32, #tpu.memory_space<hbm>> -> memref<128xi32, #tpu.memory_space<hbm>>
    tpu.enqueue_dma source(%dma_start3A_78 : memref<128xi32, #tpu.memory_space<hbm>>) target(%arg9 : memref<128xi32, #tpu.memory_space<vmem>>) target_semaphore(%arg19 : memref<!tpu.dma_semaphore, #tpu.memory_space<semaphore_mem>>)
    %dma_start3A_79 = arith.constant 2 : i32
    %dma_start3A_80 = arith.constant 0 : i32
    %dma_start3A_81 = arith.constant 0 : i32
    %dma_start3A_82 = tpu.memref_slice %arg4[%arg0, %arg1, %dma_start3A_80, %dma_start3A_81] : memref<2x16x157x128xi32, #tpu.memory_space<hbm>> -> memref<1x1x157x128xi32, #tpu.memory_space<hbm>>
    %dma_start3A_83 = tpu.memref_squeeze %dma_start3A_82 : memref<1x1x157x128xi32, #tpu.memory_space<hbm>> -> memref<157x128xi32, #tpu.memory_space<hbm>>
    %dma_start3A_84 = arith.constant 0 : i32
    %dma_start3A_85 = tpu.memref_slice %dma_start3A_83[%dma_start3A_79, %dma_start3A_84] : memref<157x128xi32, #tpu.memory_space<hbm>> -> memref<1x128xi32, #tpu.memory_space<hbm>>
    %dma_start3A_86 = tpu.memref_squeeze %dma_start3A_85 : memref<1x128xi32, #tpu.memory_space<hbm>> -> memref<128xi32, #tpu.memory_space<hbm>>
    %dma_start3A_87 = arith.constant 0 : i32
    %dma_start3A_88 = arith.constant 0 : i32
    %dma_start3A_89 = tpu.memref_slice %arg4[%arg0, %arg1, %dma_start3A_87, %dma_start3A_88] : memref<2x16x157x128xi32, #tpu.memory_space<hbm>> -> memref<1x1x157x128xi32, #tpu.memory_space<hbm>>
    %dma_start3A_90 = tpu.memref_squeeze %dma_start3A_89 : memref<1x1x157x128xi32, #tpu.memory_space<hbm>> -> memref<157x128xi32, #tpu.memory_space<hbm>>
    %dma_start3A_91 = arith.constant 0 : i32
    %dma_start3A_92 = tpu.memref_slice %dma_start3A_90[%dma_start3A_79, %dma_start3A_91] : memref<157x128xi32, #tpu.memory_space<hbm>> -> memref<1x128xi32, #tpu.memory_space<hbm>>
    %dma_start3A_93 = tpu.memref_squeeze %dma_start3A_92 : memref<1x128xi32, #tpu.memory_space<hbm>> -> memref<128xi32, #tpu.memory_space<hbm>>
    tpu.enqueue_dma source(%dma_start3A_93 : memref<128xi32, #tpu.memory_space<hbm>>) target(%arg13 : memref<128xi32, #tpu.memory_space<vmem>>) target_semaphore(%arg19 : memref<!tpu.dma_semaphore, #tpu.memory_space<semaphore_mem>>)
    %barrier3A = arith.constant 0 : index
    tpu.barrier barrier_id(%barrier3A)
    %dma_wait3A = arith.constant 0 : i32
    %dma_wait3A_94 = arith.constant 0 : i32
    %dma_wait3A_95 = arith.constant 0 : i32
    %dma_wait3A_96 = tpu.memref_slice %arg3[%arg0, %arg1, %dma_wait3A_94, %dma_wait3A_95] : memref<2x16x157x128xi32, #tpu.memory_space<hbm>> -> memref<1x1x157x128xi32, #tpu.memory_space<hbm>>
    %dma_wait3A_97 = tpu.memref_squeeze %dma_wait3A_96 : memref<1x1x157x128xi32, #tpu.memory_space<hbm>> -> memref<157x128xi32, #tpu.memory_space<hbm>>
    %dma_wait3A_98 = arith.constant 0 : i32
    %dma_wait3A_99 = tpu.memref_slice %dma_wait3A_97[%dma_wait3A, %dma_wait3A_98] : memref<157x128xi32, #tpu.memory_space<hbm>> -> memref<1x128xi32, #tpu.memory_space<hbm>>
    %dma_wait3A_100 = tpu.memref_squeeze %dma_wait3A_99 : memref<1x128xi32, #tpu.memory_space<hbm>> -> memref<128xi32, #tpu.memory_space<hbm>>
    %dma_wait3A_101 = arith.constant 0 : i32
    %dma_wait3A_102 = arith.constant 0 : i32
    %dma_wait3A_103 = tpu.memref_slice %arg3[%arg0, %arg1, %dma_wait3A_101, %dma_wait3A_102] : memref<2x16x157x128xi32, #tpu.memory_space<hbm>> -> memref<1x1x157x128xi32, #tpu.memory_space<hbm>>
    %dma_wait3A_104 = tpu.memref_squeeze %dma_wait3A_103 : memref<1x1x157x128xi32, #tpu.memory_space<hbm>> -> memref<157x128xi32, #tpu.memory_space<hbm>>
    %dma_wait3A_105 = arith.constant 0 : i32
    %dma_wait3A_106 = tpu.memref_slice %dma_wait3A_104[%dma_wait3A, %dma_wait3A_105] : memref<157x128xi32, #tpu.memory_space<hbm>> -> memref<1x128xi32, #tpu.memory_space<hbm>>
    %dma_wait3A_107 = tpu.memref_squeeze %dma_wait3A_106 : memref<1x128xi32, #tpu.memory_space<hbm>> -> memref<128xi32, #tpu.memory_space<hbm>>
    tpu.wait_dma2 semaphore(%arg17 : memref<!tpu.dma_semaphore, #tpu.memory_space<semaphore_mem>>) src(%dma_wait3A_107 : memref<128xi32, #tpu.memory_space<hbm>>) dst(%arg7 : memref<128xi32, #tpu.memory_space<vmem>>)
    %dma_wait3A_108 = arith.constant 0 : i32
    %dma_wait3A_109 = arith.constant 0 : i32
    %dma_wait3A_110 = arith.constant 0 : i32
    %dma_wait3A_111 = tpu.memref_slice %arg4[%arg0, %arg1, %dma_wait3A_109, %dma_wait3A_110] : memref<2x16x157x128xi32, #tpu.memory_space<hbm>> -> memref<1x1x157x128xi32, #tpu.memory_space<hbm>>
    %dma_wait3A_112 = tpu.memref_squeeze %dma_wait3A_111 : memref<1x1x157x128xi32, #tpu.memory_space<hbm>> -> memref<157x128xi32, #tpu.memory_space<hbm>>
    %dma_wait3A_113 = arith.constant 0 : i32
    %dma_wait3A_114 = tpu.memref_slice %dma_wait3A_112[%dma_wait3A_108, %dma_wait3A_113] : memref<157x128xi32, #tpu.memory_space<hbm>> -> memref<1x128xi32, #tpu.memory_space<hbm>>
    %dma_wait3A_115 = tpu.memref_squeeze %dma_wait3A_114 : memref<1x128xi32, #tpu.memory_space<hbm>> -> memref<128xi32, #tpu.memory_space<hbm>>
    %dma_wait3A_116 = arith.constant 0 : i32
    %dma_wait3A_117 = arith.constant 0 : i32
    %dma_wait3A_118 = tpu.memref_slice %arg4[%arg0, %arg1, %dma_wait3A_116, %dma_wait3A_117] : memref<2x16x157x128xi32, #tpu.memory_space<hbm>> -> memref<1x1x157x128xi32, #tpu.memory_space<hbm>>
    %dma_wait3A_119 = tpu.memref_squeeze %dma_wait3A_118 : memref<1x1x157x128xi32, #tpu.memory_space<hbm>> -> memref<157x128xi32, #tpu.memory_space<hbm>>
    %dma_wait3A_120 = arith.constant 0 : i32
    %dma_wait3A_121 = tpu.memref_slice %dma_wait3A_119[%dma_wait3A_108, %dma_wait3A_120] : memref<157x128xi32, #tpu.memory_space<hbm>> -> memref<1x128xi32, #tpu.memory_space<hbm>>
    %dma_wait3A_122 = tpu.memref_squeeze %dma_wait3A_121 : memref<1x128xi32, #tpu.memory_space<hbm>> -> memref<128xi32, #tpu.memory_space<hbm>>
    tpu.wait_dma2 semaphore(%arg17 : memref<!tpu.dma_semaphore, #tpu.memory_space<semaphore_mem>>) src(%dma_wait3A_122 : memref<128xi32, #tpu.memory_space<hbm>>) dst(%arg11 : memref<128xi32, #tpu.memory_space<vmem>>)
    %dma_start3A_123 = arith.constant 0 : i32
    %dma_start3A_124 = arith.constant 0 : i32
    %dma_start3A_125 = tpu.memref_slice %arg2[%dma_start3A_123, %dma_start3A_124] : memref<20480x128xf32, #tpu.memory_space<hbm>> -> memref<20480x128xf32, #tpu.memory_space<hbm>>
    tpu.enqueue_indirect_dma source(%dma_start3A_125 : memref<20480x128xf32, #tpu.memory_space<hbm>>) target(%arg15 : memref<128x128xf32, #tpu.memory_space<vmem>>) offsets(%arg7 : memref<128xi32, #tpu.memory_space<vmem>>) semaphore(%arg21 : memref<!tpu.dma_semaphore, #tpu.memory_space<semaphore_mem>>)
    %scan3A = arith.constant 0 : i32
    %scan3A_126 = arith.constant 40 : i32
    %scan3A_127 = arith.addi %scan3A, %scan3A_126 : i32
    %scan3A_128 = arith.constant 1 : i32
    scf.for %scan3A_144 = %scan3A to %scan3A_127 step %scan3A_128  : i32 {
      %mul3A_145 = arith.constant 4 : i32
      %mul3A_146 = arith.muli %scan3A_144, %mul3A_145 : i32
      %add3A_147 = arith.constant 0 : i32
      %add3A_148 = arith.addi %add3A_147, %mul3A_146 : i32
      %add3A_149 = arith.constant 0 : i32
      %add3A_150 = arith.addi %add3A_148, %add3A_149 : i32
      %lt3A = arith.constant 157 : i32
      %lt3A_151 = arith.cmpi slt, %add3A_150, %lt3A : i32
      %convert_element_type3A = arith.extui %lt3A_151 : i1 to i32
      %cond3A = arith.constant 0 : i32
      %cond3A_152 = arith.cmpi ne, %convert_element_type3A, %cond3A : i32
      scf.if %cond3A_152 {
        %add3A_174 = arith.constant 1 : i32
        %add3A_175 = arith.addi %add3A_150, %add3A_174 : i32
        %lt3A_176 = arith.constant 157 : i32
        %lt3A_177 = arith.cmpi slt, %add3A_175, %lt3A_176 : i32
        %convert_element_type3A_178 = arith.extui %lt3A_177 : i1 to i32
        %cond3A_179 = arith.constant 0 : i32
        %cond3A_180 = arith.cmpi ne, %convert_element_type3A_178, %cond3A_179 : i32
        scf.if %cond3A_180 {
          %add3A_194 = arith.constant 1 : i32
          %add3A_195 = arith.addi %add3A_150, %add3A_194 : i32
          %dma_wait3A_196 = arith.constant 0 : i32
          %dma_wait3A_197 = arith.constant 0 : i32
          %dma_wait3A_198 = tpu.memref_slice %arg3[%arg0, %arg1, %dma_wait3A_196, %dma_wait3A_197] : memref<2x16x157x128xi32, #tpu.memory_space<hbm>> -> memref<1x1x157x128xi32, #tpu.memory_space<hbm>>
          %dma_wait3A_199 = tpu.memref_squeeze %dma_wait3A_198 : memref<1x1x157x128xi32, #tpu.memory_space<hbm>> -> memref<157x128xi32, #tpu.memory_space<hbm>>
          %dma_wait3A_200 = arith.constant 0 : i32
          %dma_wait3A_201 = tpu.memref_slice %dma_wait3A_199[%add3A_195, %dma_wait3A_200] : memref<157x128xi32, #tpu.memory_space<hbm>> -> memref<1x128xi32, #tpu.memory_space<hbm>>
          %dma_wait3A_202 = tpu.memref_squeeze %dma_wait3A_201 : memref<1x128xi32, #tpu.memory_space<hbm>> -> memref<128xi32, #tpu.memory_space<hbm>>
          %dma_wait3A_203 = arith.constant 0 : i32
          %dma_wait3A_204 = arith.constant 0 : i32
          %dma_wait3A_205 = tpu.memref_slice %arg3[%arg0, %arg1, %dma_wait3A_203, %dma_wait3A_204] : memref<2x16x157x128xi32, #tpu.memory_space<hbm>> -> memref<1x1x157x128xi32, #tpu.memory_space<hbm>>
          %dma_wait3A_206 = tpu.memref_squeeze %dma_wait3A_205 : memref<1x1x157x128xi32, #tpu.memory_space<hbm>> -> memref<157x128xi32, #tpu.memory_space<hbm>>
          %dma_wait3A_207 = arith.constant 0 : i32
          %dma_wait3A_208 = tpu.memref_slice %dma_wait3A_206[%add3A_195, %dma_wait3A_207] : memref<157x128xi32, #tpu.memory_space<hbm>> -> memref<1x128xi32, #tpu.memory_space<hbm>>
          %dma_wait3A_209 = tpu.memref_squeeze %dma_wait3A_208 : memref<1x128xi32, #tpu.memory_space<hbm>> -> memref<128xi32, #tpu.memory_space<hbm>>
          tpu.wait_dma2 semaphore(%arg18 : memref<!tpu.dma_semaphore, #tpu.memory_space<semaphore_mem>>) src(%dma_wait3A_209 : memref<128xi32, #tpu.memory_space<hbm>>) dst(%arg8 : memref<128xi32, #tpu.memory_space<vmem>>)
          %dma_wait3A_210 = arith.constant 0 : i32
          %dma_wait3A_211 = arith.constant 0 : i32
          %dma_wait3A_212 = tpu.memref_slice %arg4[%arg0, %arg1, %dma_wait3A_210, %dma_wait3A_211] : memref<2x16x157x128xi32, #tpu.memory_space<hbm>> -> memref<1x1x157x128xi32, #tpu.memory_space<hbm>>
          %dma_wait3A_213 = tpu.memref_squeeze %dma_wait3A_212 : memref<1x1x157x128xi32, #tpu.memory_space<hbm>> -> memref<157x128xi32, #tpu.memory_space<hbm>>
          %dma_wait3A_214 = arith.constant 0 : i32
          %dma_wait3A_215 = tpu.memref_slice %dma_wait3A_213[%add3A_195, %dma_wait3A_214] : memref<157x128xi32, #tpu.memory_space<hbm>> -> memref<1x128xi32, #tpu.memory_space<hbm>>
          %dma_wait3A_216 = tpu.memref_squeeze %dma_wait3A_215 : memref<1x128xi32, #tpu.memory_space<hbm>> -> memref<128xi32, #tpu.memory_space<hbm>>
          %dma_wait3A_217 = arith.constant 0 : i32
          %dma_wait3A_218 = arith.constant 0 : i32
          %dma_wait3A_219 = tpu.memref_slice %arg4[%arg0, %arg1, %dma_wait3A_217, %dma_wait3A_218] : memref<2x16x157x128xi32, #tpu.memory_space<hbm>> -> memref<1x1x157x128xi32, #tpu.memory_space<hbm>>
          %dma_wait3A_220 = tpu.memref_squeeze %dma_wait3A_219 : memref<1x1x157x128xi32, #tpu.memory_space<hbm>> -> memref<157x128xi32, #tpu.memory_space<hbm>>
          %dma_wait3A_221 = arith.constant 0 : i32
          %dma_wait3A_222 = tpu.memref_slice %dma_wait3A_220[%add3A_195, %dma_wait3A_221] : memref<157x128xi32, #tpu.memory_space<hbm>> -> memref<1x128xi32, #tpu.memory_space<hbm>>
          %dma_wait3A_223 = tpu.memref_squeeze %dma_wait3A_222 : memref<1x128xi32, #tpu.memory_space<hbm>> -> memref<128xi32, #tpu.memory_space<hbm>>
          tpu.wait_dma2 semaphore(%arg18 : memref<!tpu.dma_semaphore, #tpu.memory_space<semaphore_mem>>) src(%dma_wait3A_223 : memref<128xi32, #tpu.memory_space<hbm>>) dst(%arg12 : memref<128xi32, #tpu.memory_space<vmem>>)
          %ge3A = arith.constant 1 : i32
          %ge3A_224 = arith.cmpi sge, %add3A_150, %ge3A : i32
          %convert_element_type3A_225 = arith.extui %ge3A_224 : i1 to i32
          %cond3A_226 = arith.constant 0 : i32
          %cond3A_227 = arith.cmpi ne, %convert_element_type3A_225, %cond3A_226 : i32
          scf.if %cond3A_227 {
            %dma_wait3A_231 = arith.constant 0 : i32
            %dma_wait3A_232 = arith.constant 0 : i32
            %dma_wait3A_233 = tpu.memref_slice %arg6[%dma_wait3A_231, %dma_wait3A_232] : memref<10240x128xf32, #tpu.memory_space<vmem_shared>> -> memref<10240x128xf32, #tpu.memory_space<vmem_shared>>
            tpu.wait_indirect_dma semaphore(%arg24 : memref<!tpu.dma_semaphore, #tpu.memory_space<semaphore_mem>>) src(%arg16 : memref<128x128xf32, #tpu.memory_space<vmem>>) dst(%dma_wait3A_233 : memref<10240x128xf32, #tpu.memory_space<vmem_shared>>)
          } else {
          }
          %dma_start3A_228 = arith.constant 0 : i32
          %dma_start3A_229 = arith.constant 0 : i32
          %dma_start3A_230 = tpu.memref_slice %arg2[%dma_start3A_228, %dma_start3A_229] : memref<20480x128xf32, #tpu.memory_space<hbm>> -> memref<20480x128xf32, #tpu.memory_space<hbm>>
          tpu.enqueue_indirect_dma source(%dma_start3A_230 : memref<20480x128xf32, #tpu.memory_space<hbm>>) target(%arg16 : memref<128x128xf32, #tpu.memory_space<vmem>>) offsets(%arg8 : memref<128xi32, #tpu.memory_space<vmem>>) semaphore(%arg22 : memref<!tpu.dma_semaphore, #tpu.memory_space<semaphore_mem>>)
        } else {
        }
        %add3A_181 = arith.constant 3 : i32
        %add3A_182 = arith.addi %add3A_150, %add3A_181 : i32
        %lt3A_183 = arith.constant 157 : i32
        %lt3A_184 = arith.cmpi slt, %add3A_182, %lt3A_183 : i32
        %convert_element_type3A_185 = arith.extui %lt3A_184 : i1 to i32
        %cond3A_186 = arith.constant 0 : i32
        %cond3A_187 = arith.cmpi ne, %convert_element_type3A_185, %cond3A_186 : i32
        scf.if %cond3A_187 {
          %add3A_194 = arith.constant 3 : i32
          %add3A_195 = arith.addi %add3A_150, %add3A_194 : i32
          %dma_start3A_196 = arith.constant 0 : i32
          %dma_start3A_197 = arith.constant 0 : i32
          %dma_start3A_198 = tpu.memref_slice %arg3[%arg0, %arg1, %dma_start3A_196, %dma_start3A_197] : memref<2x16x157x128xi32, #tpu.memory_space<hbm>> -> memref<1x1x157x128xi32, #tpu.memory_space<hbm>>
          %dma_start3A_199 = tpu.memref_squeeze %dma_start3A_198 : memref<1x1x157x128xi32, #tpu.memory_space<hbm>> -> memref<157x128xi32, #tpu.memory_space<hbm>>
          %dma_start3A_200 = arith.constant 0 : i32
          %dma_start3A_201 = tpu.memref_slice %dma_start3A_199[%add3A_195, %dma_start3A_200] : memref<157x128xi32, #tpu.memory_space<hbm>> -> memref<1x128xi32, #tpu.memory_space<hbm>>
          %dma_start3A_202 = tpu.memref_squeeze %dma_start3A_201 : memref<1x128xi32, #tpu.memory_space<hbm>> -> memref<128xi32, #tpu.memory_space<hbm>>
          %dma_start3A_203 = arith.constant 0 : i32
          %dma_start3A_204 = arith.constant 0 : i32
          %dma_start3A_205 = tpu.memref_slice %arg3[%arg0, %arg1, %dma_start3A_203, %dma_start3A_204] : memref<2x16x157x128xi32, #tpu.memory_space<hbm>> -> memref<1x1x157x128xi32, #tpu.memory_space<hbm>>
          %dma_start3A_206 = tpu.memref_squeeze %dma_start3A_205 : memref<1x1x157x128xi32, #tpu.memory_space<hbm>> -> memref<157x128xi32, #tpu.memory_space<hbm>>
          %dma_start3A_207 = arith.constant 0 : i32
          %dma_start3A_208 = tpu.memref_slice %dma_start3A_206[%add3A_195, %dma_start3A_207] : memref<157x128xi32, #tpu.memory_space<hbm>> -> memref<1x128xi32, #tpu.memory_space<hbm>>
          %dma_start3A_209 = tpu.memref_squeeze %dma_start3A_208 : memref<1x128xi32, #tpu.memory_space<hbm>> -> memref<128xi32, #tpu.memory_space<hbm>>
          tpu.enqueue_dma source(%dma_start3A_209 : memref<128xi32, #tpu.memory_space<hbm>>) target(%arg10 : memref<128xi32, #tpu.memory_space<vmem>>) target_semaphore(%arg20 : memref<!tpu.dma_semaphore, #tpu.memory_space<semaphore_mem>>)
          %dma_start3A_210 = arith.constant 0 : i32
          %dma_start3A_211 = arith.constant 0 : i32
          %dma_start3A_212 = tpu.memref_slice %arg4[%arg0, %arg1, %dma_start3A_210, %dma_start3A_211] : memref<2x16x157x128xi32, #tpu.memory_space<hbm>> -> memref<1x1x157x128xi32, #tpu.memory_space<hbm>>
          %dma_start3A_213 = tpu.memref_squeeze %dma_start3A_212 : memref<1x1x157x128xi32, #tpu.memory_space<hbm>> -> memref<157x128xi32, #tpu.memory_space<hbm>>
          %dma_start3A_214 = arith.constant 0 : i32
          %dma_start3A_215 = tpu.memref_slice %dma_start3A_213[%add3A_195, %dma_start3A_214] : memref<157x128xi32, #tpu.memory_space<hbm>> -> memref<1x128xi32, #tpu.memory_space<hbm>>
          %dma_start3A_216 = tpu.memref_squeeze %dma_start3A_215 : memref<1x128xi32, #tpu.memory_space<hbm>> -> memref<128xi32, #tpu.memory_space<hbm>>
          %dma_start3A_217 = arith.constant 0 : i32
          %dma_start3A_218 = arith.constant 0 : i32
          %dma_start3A_219 = tpu.memref_slice %arg4[%arg0, %arg1, %dma_start3A_217, %dma_start3A_218] : memref<2x16x157x128xi32, #tpu.memory_space<hbm>> -> memref<1x1x157x128xi32, #tpu.memory_space<hbm>>
          %dma_start3A_220 = tpu.memref_squeeze %dma_start3A_219 : memref<1x1x157x128xi32, #tpu.memory_space<hbm>> -> memref<157x128xi32, #tpu.memory_space<hbm>>
          %dma_start3A_221 = arith.constant 0 : i32
          %dma_start3A_222 = tpu.memref_slice %dma_start3A_220[%add3A_195, %dma_start3A_221] : memref<157x128xi32, #tpu.memory_space<hbm>> -> memref<1x128xi32, #tpu.memory_space<hbm>>
          %dma_start3A_223 = tpu.memref_squeeze %dma_start3A_222 : memref<1x128xi32, #tpu.memory_space<hbm>> -> memref<128xi32, #tpu.memory_space<hbm>>
          tpu.enqueue_dma source(%dma_start3A_223 : memref<128xi32, #tpu.memory_space<hbm>>) target(%arg14 : memref<128xi32, #tpu.memory_space<vmem>>) target_semaphore(%arg20 : memref<!tpu.dma_semaphore, #tpu.memory_space<semaphore_mem>>)
        } else {
        }
        %dma_wait3A_188 = arith.constant 0 : i32
        %dma_wait3A_189 = arith.constant 0 : i32
        %dma_wait3A_190 = tpu.memref_slice %arg2[%dma_wait3A_188, %dma_wait3A_189] : memref<20480x128xf32, #tpu.memory_space<hbm>> -> memref<20480x128xf32, #tpu.memory_space<hbm>>
        tpu.wait_indirect_dma semaphore(%arg21 : memref<!tpu.dma_semaphore, #tpu.memory_space<semaphore_mem>>) src(%dma_wait3A_190 : memref<20480x128xf32, #tpu.memory_space<hbm>>) dst(%arg15 : memref<128x128xf32, #tpu.memory_space<vmem>>)
        %dma_start3A_191 = arith.constant 0 : i32
        %dma_start3A_192 = arith.constant 0 : i32
        %dma_start3A_193 = tpu.memref_slice %arg6[%dma_start3A_191, %dma_start3A_192] : memref<10240x128xf32, #tpu.memory_space<vmem_shared>> -> memref<10240x128xf32, #tpu.memory_space<vmem_shared>>
        tpu.enqueue_indirect_dma source(%arg15 : memref<128x128xf32, #tpu.memory_space<vmem>>) target(%dma_start3A_193 : memref<10240x128xf32, #tpu.memory_space<vmem_shared>>) offsets(%arg11 : memref<128xi32, #tpu.memory_space<vmem>>) semaphore(%arg23 : memref<!tpu.dma_semaphore, #tpu.memory_space<semaphore_mem>>) {add = true}
      } else {
      }
      %add3A_153 = arith.constant 1 : i32
      %add3A_154 = arith.addi %add3A_148, %add3A_153 : i32
      %lt3A_155 = arith.constant 157 : i32
      %lt3A_156 = arith.cmpi slt, %add3A_154, %lt3A_155 : i32
      %convert_element_type3A_157 = arith.extui %lt3A_156 : i1 to i32
      %cond3A_158 = arith.constant 0 : i32
      %cond3A_159 = arith.cmpi ne, %convert_element_type3A_157, %cond3A_158 : i32
      scf.if %cond3A_159 {
        %add3A_174 = arith.constant 1 : i32
        %add3A_175 = arith.addi %add3A_154, %add3A_174 : i32
        %lt3A_176 = arith.constant 157 : i32
        %lt3A_177 = arith.cmpi slt, %add3A_175, %lt3A_176 : i32
        %convert_element_type3A_178 = arith.extui %lt3A_177 : i1 to i32
        %cond3A_179 = arith.constant 0 : i32
        %cond3A_180 = arith.cmpi ne, %convert_element_type3A_178, %cond3A_179 : i32
        scf.if %cond3A_180 {
          %add3A_194 = arith.constant 1 : i32
          %add3A_195 = arith.addi %add3A_154, %add3A_194 : i32
          %dma_wait3A_196 = arith.constant 0 : i32
          %dma_wait3A_197 = arith.constant 0 : i32
          %dma_wait3A_198 = tpu.memref_slice %arg3[%arg0, %arg1, %dma_wait3A_196, %dma_wait3A_197] : memref<2x16x157x128xi32, #tpu.memory_space<hbm>> -> memref<1x1x157x128xi32, #tpu.memory_space<hbm>>
          %dma_wait3A_199 = tpu.memref_squeeze %dma_wait3A_198 : memref<1x1x157x128xi32, #tpu.memory_space<hbm>> -> memref<157x128xi32, #tpu.memory_space<hbm>>
          %dma_wait3A_200 = arith.constant 0 : i32
          %dma_wait3A_201 = tpu.memref_slice %dma_wait3A_199[%add3A_195, %dma_wait3A_200] : memref<157x128xi32, #tpu.memory_space<hbm>> -> memref<1x128xi32, #tpu.memory_space<hbm>>
          %dma_wait3A_202 = tpu.memref_squeeze %dma_wait3A_201 : memref<1x128xi32, #tpu.memory_space<hbm>> -> memref<128xi32, #tpu.memory_space<hbm>>
          %dma_wait3A_203 = arith.constant 0 : i32
          %dma_wait3A_204 = arith.constant 0 : i32
          %dma_wait3A_205 = tpu.memref_slice %arg3[%arg0, %arg1, %dma_wait3A_203, %dma_wait3A_204] : memref<2x16x157x128xi32, #tpu.memory_space<hbm>> -> memref<1x1x157x128xi32, #tpu.memory_space<hbm>>
          %dma_wait3A_206 = tpu.memref_squeeze %dma_wait3A_205 : memref<1x1x157x128xi32, #tpu.memory_space<hbm>> -> memref<157x128xi32, #tpu.memory_space<hbm>>
          %dma_wait3A_207 = arith.constant 0 : i32
          %dma_wait3A_208 = tpu.memref_slice %dma_wait3A_206[%add3A_195, %dma_wait3A_207] : memref<157x128xi32, #tpu.memory_space<hbm>> -> memref<1x128xi32, #tpu.memory_space<hbm>>
          %dma_wait3A_209 = tpu.memref_squeeze %dma_wait3A_208 : memref<1x128xi32, #tpu.memory_space<hbm>> -> memref<128xi32, #tpu.memory_space<hbm>>
          tpu.wait_dma2 semaphore(%arg19 : memref<!tpu.dma_semaphore, #tpu.memory_space<semaphore_mem>>) src(%dma_wait3A_209 : memref<128xi32, #tpu.memory_space<hbm>>) dst(%arg9 : memref<128xi32, #tpu.memory_space<vmem>>)
          %dma_wait3A_210 = arith.constant 0 : i32
          %dma_wait3A_211 = arith.constant 0 : i32
          %dma_wait3A_212 = tpu.memref_slice %arg4[%arg0, %arg1, %dma_wait3A_210, %dma_wait3A_211] : memref<2x16x157x128xi32, #tpu.memory_space<hbm>> -> memref<1x1x157x128xi32, #tpu.memory_space<hbm>>
          %dma_wait3A_213 = tpu.memref_squeeze %dma_wait3A_212 : memref<1x1x157x128xi32, #tpu.memory_space<hbm>> -> memref<157x128xi32, #tpu.memory_space<hbm>>
          %dma_wait3A_214 = arith.constant 0 : i32
          %dma_wait3A_215 = tpu.memref_slice %dma_wait3A_213[%add3A_195, %dma_wait3A_214] : memref<157x128xi32, #tpu.memory_space<hbm>> -> memref<1x128xi32, #tpu.memory_space<hbm>>
          %dma_wait3A_216 = tpu.memref_squeeze %dma_wait3A_215 : memref<1x128xi32, #tpu.memory_space<hbm>> -> memref<128xi32, #tpu.memory_space<hbm>>
          %dma_wait3A_217 = arith.constant 0 : i32
          %dma_wait3A_218 = arith.constant 0 : i32
          %dma_wait3A_219 = tpu.memref_slice %arg4[%arg0, %arg1, %dma_wait3A_217, %dma_wait3A_218] : memref<2x16x157x128xi32, #tpu.memory_space<hbm>> -> memref<1x1x157x128xi32, #tpu.memory_space<hbm>>
          %dma_wait3A_220 = tpu.memref_squeeze %dma_wait3A_219 : memref<1x1x157x128xi32, #tpu.memory_space<hbm>> -> memref<157x128xi32, #tpu.memory_space<hbm>>
          %dma_wait3A_221 = arith.constant 0 : i32
          %dma_wait3A_222 = tpu.memref_slice %dma_wait3A_220[%add3A_195, %dma_wait3A_221] : memref<157x128xi32, #tpu.memory_space<hbm>> -> memref<1x128xi32, #tpu.memory_space<hbm>>
          %dma_wait3A_223 = tpu.memref_squeeze %dma_wait3A_222 : memref<1x128xi32, #tpu.memory_space<hbm>> -> memref<128xi32, #tpu.memory_space<hbm>>
          tpu.wait_dma2 semaphore(%arg19 : memref<!tpu.dma_semaphore, #tpu.memory_space<semaphore_mem>>) src(%dma_wait3A_223 : memref<128xi32, #tpu.memory_space<hbm>>) dst(%arg13 : memref<128xi32, #tpu.memory_space<vmem>>)
          %ge3A = arith.constant 1 : i32
          %ge3A_224 = arith.cmpi sge, %add3A_154, %ge3A : i32
          %convert_element_type3A_225 = arith.extui %ge3A_224 : i1 to i32
          %cond3A_226 = arith.constant 0 : i32
          %cond3A_227 = arith.cmpi ne, %convert_element_type3A_225, %cond3A_226 : i32
          scf.if %cond3A_227 {
            %dma_wait3A_231 = arith.constant 0 : i32
            %dma_wait3A_232 = arith.constant 0 : i32
            %dma_wait3A_233 = tpu.memref_slice %arg6[%dma_wait3A_231, %dma_wait3A_232] : memref<10240x128xf32, #tpu.memory_space<vmem_shared>> -> memref<10240x128xf32, #tpu.memory_space<vmem_shared>>
            tpu.wait_indirect_dma semaphore(%arg23 : memref<!tpu.dma_semaphore, #tpu.memory_space<semaphore_mem>>) src(%arg15 : memref<128x128xf32, #tpu.memory_space<vmem>>) dst(%dma_wait3A_233 : memref<10240x128xf32, #tpu.memory_space<vmem_shared>>)
          } else {
          }
          %dma_start3A_228 = arith.constant 0 : i32
          %dma_start3A_229 = arith.constant 0 : i32
          %dma_start3A_230 = tpu.memref_slice %arg2[%dma_start3A_228, %dma_start3A_229] : memref<20480x128xf32, #tpu.memory_space<hbm>> -> memref<20480x128xf32, #tpu.memory_space<hbm>>
          tpu.enqueue_indirect_dma source(%dma_start3A_230 : memref<20480x128xf32, #tpu.memory_space<hbm>>) target(%arg15 : memref<128x128xf32, #tpu.memory_space<vmem>>) offsets(%arg9 : memref<128xi32, #tpu.memory_space<vmem>>) semaphore(%arg21 : memref<!tpu.dma_semaphore, #tpu.memory_space<semaphore_mem>>)
        } else {
        }
        %add3A_181 = arith.constant 3 : i32
        %add3A_182 = arith.addi %add3A_154, %add3A_181 : i32
        %lt3A_183 = arith.constant 157 : i32
        %lt3A_184 = arith.cmpi slt, %add3A_182, %lt3A_183 : i32
        %convert_element_type3A_185 = arith.extui %lt3A_184 : i1 to i32
        %cond3A_186 = arith.constant 0 : i32
        %cond3A_187 = arith.cmpi ne, %convert_element_type3A_185, %cond3A_186 : i32
        scf.if %cond3A_187 {
          %add3A_194 = arith.constant 3 : i32
          %add3A_195 = arith.addi %add3A_154, %add3A_194 : i32
          %dma_start3A_196 = arith.constant 0 : i32
          %dma_start3A_197 = arith.constant 0 : i32
          %dma_start3A_198 = tpu.memref_slice %arg3[%arg0, %arg1, %dma_start3A_196, %dma_start3A_197] : memref<2x16x157x128xi32, #tpu.memory_space<hbm>> -> memref<1x1x157x128xi32, #tpu.memory_space<hbm>>
          %dma_start3A_199 = tpu.memref_squeeze %dma_start3A_198 : memref<1x1x157x128xi32, #tpu.memory_space<hbm>> -> memref<157x128xi32, #tpu.memory_space<hbm>>
          %dma_start3A_200 = arith.constant 0 : i32
          %dma_start3A_201 = tpu.memref_slice %dma_start3A_199[%add3A_195, %dma_start3A_200] : memref<157x128xi32, #tpu.memory_space<hbm>> -> memref<1x128xi32, #tpu.memory_space<hbm>>
          %dma_start3A_202 = tpu.memref_squeeze %dma_start3A_201 : memref<1x128xi32, #tpu.memory_space<hbm>> -> memref<128xi32, #tpu.memory_space<hbm>>
          %dma_start3A_203 = arith.constant 0 : i32
          %dma_start3A_204 = arith.constant 0 : i32
          %dma_start3A_205 = tpu.memref_slice %arg3[%arg0, %arg1, %dma_start3A_203, %dma_start3A_204] : memref<2x16x157x128xi32, #tpu.memory_space<hbm>> -> memref<1x1x157x128xi32, #tpu.memory_space<hbm>>
          %dma_start3A_206 = tpu.memref_squeeze %dma_start3A_205 : memref<1x1x157x128xi32, #tpu.memory_space<hbm>> -> memref<157x128xi32, #tpu.memory_space<hbm>>
          %dma_start3A_207 = arith.constant 0 : i32
          %dma_start3A_208 = tpu.memref_slice %dma_start3A_206[%add3A_195, %dma_start3A_207] : memref<157x128xi32, #tpu.memory_space<hbm>> -> memref<1x128xi32, #tpu.memory_space<hbm>>
          %dma_start3A_209 = tpu.memref_squeeze %dma_start3A_208 : memref<1x128xi32, #tpu.memory_space<hbm>> -> memref<128xi32, #tpu.memory_space<hbm>>
          tpu.enqueue_dma source(%dma_start3A_209 : memref<128xi32, #tpu.memory_space<hbm>>) target(%arg7 : memref<128xi32, #tpu.memory_space<vmem>>) target_semaphore(%arg17 : memref<!tpu.dma_semaphore, #tpu.memory_space<semaphore_mem>>)
          %dma_start3A_210 = arith.constant 0 : i32
          %dma_start3A_211 = arith.constant 0 : i32
          %dma_start3A_212 = tpu.memref_slice %arg4[%arg0, %arg1, %dma_start3A_210, %dma_start3A_211] : memref<2x16x157x128xi32, #tpu.memory_space<hbm>> -> memref<1x1x157x128xi32, #tpu.memory_space<hbm>>
          %dma_start3A_213 = tpu.memref_squeeze %dma_start3A_212 : memref<1x1x157x128xi32, #tpu.memory_space<hbm>> -> memref<157x128xi32, #tpu.memory_space<hbm>>
          %dma_start3A_214 = arith.constant 0 : i32
          %dma_start3A_215 = tpu.memref_slice %dma_start3A_213[%add3A_195, %dma_start3A_214] : memref<157x128xi32, #tpu.memory_space<hbm>> -> memref<1x128xi32, #tpu.memory_space<hbm>>
          %dma_start3A_216 = tpu.memref_squeeze %dma_start3A_215 : memref<1x128xi32, #tpu.memory_space<hbm>> -> memref<128xi32, #tpu.memory_space<hbm>>
          %dma_start3A_217 = arith.constant 0 : i32
          %dma_start3A_218 = arith.constant 0 : i32
          %dma_start3A_219 = tpu.memref_slice %arg4[%arg0, %arg1, %dma_start3A_217, %dma_start3A_218] : memref<2x16x157x128xi32, #tpu.memory_space<hbm>> -> memref<1x1x157x128xi32, #tpu.memory_space<hbm>>
          %dma_start3A_220 = tpu.memref_squeeze %dma_start3A_219 : memref<1x1x157x128xi32, #tpu.memory_space<hbm>> -> memref<157x128xi32, #tpu.memory_space<hbm>>
          %dma_start3A_221 = arith.constant 0 : i32
          %dma_start3A_222 = tpu.memref_slice %dma_start3A_220[%add3A_195, %dma_start3A_221] : memref<157x128xi32, #tpu.memory_space<hbm>> -> memref<1x128xi32, #tpu.memory_space<hbm>>
          %dma_start3A_223 = tpu.memref_squeeze %dma_start3A_222 : memref<1x128xi32, #tpu.memory_space<hbm>> -> memref<128xi32, #tpu.memory_space<hbm>>
          tpu.enqueue_dma source(%dma_start3A_223 : memref<128xi32, #tpu.memory_space<hbm>>) target(%arg11 : memref<128xi32, #tpu.memory_space<vmem>>) target_semaphore(%arg17 : memref<!tpu.dma_semaphore, #tpu.memory_space<semaphore_mem>>)
        } else {
        }
        %dma_wait3A_188 = arith.constant 0 : i32
        %dma_wait3A_189 = arith.constant 0 : i32
        %dma_wait3A_190 = tpu.memref_slice %arg2[%dma_wait3A_188, %dma_wait3A_189] : memref<20480x128xf32, #tpu.memory_space<hbm>> -> memref<20480x128xf32, #tpu.memory_space<hbm>>
        tpu.wait_indirect_dma semaphore(%arg22 : memref<!tpu.dma_semaphore, #tpu.memory_space<semaphore_mem>>) src(%dma_wait3A_190 : memref<20480x128xf32, #tpu.memory_space<hbm>>) dst(%arg16 : memref<128x128xf32, #tpu.memory_space<vmem>>)
        %dma_start3A_191 = arith.constant 0 : i32
        %dma_start3A_192 = arith.constant 0 : i32
        %dma_start3A_193 = tpu.memref_slice %arg6[%dma_start3A_191, %dma_start3A_192] : memref<10240x128xf32, #tpu.memory_space<vmem_shared>> -> memref<10240x128xf32, #tpu.memory_space<vmem_shared>>
        tpu.enqueue_indirect_dma source(%arg16 : memref<128x128xf32, #tpu.memory_space<vmem>>) target(%dma_start3A_193 : memref<10240x128xf32, #tpu.memory_space<vmem_shared>>) offsets(%arg12 : memref<128xi32, #tpu.memory_space<vmem>>) semaphore(%arg24 : memref<!tpu.dma_semaphore, #tpu.memory_space<semaphore_mem>>) {add = true}
      } else {
      }
      %add3A_160 = arith.constant 2 : i32
      %add3A_161 = arith.addi %add3A_148, %add3A_160 : i32
      %lt3A_162 = arith.constant 157 : i32
      %lt3A_163 = arith.cmpi slt, %add3A_161, %lt3A_162 : i32
      %convert_element_type3A_164 = arith.extui %lt3A_163 : i1 to i32
      %cond3A_165 = arith.constant 0 : i32
      %cond3A_166 = arith.cmpi ne, %convert_element_type3A_164, %cond3A_165 : i32
      scf.if %cond3A_166 {
        %add3A_174 = arith.constant 1 : i32
        %add3A_175 = arith.addi %add3A_161, %add3A_174 : i32
        %lt3A_176 = arith.constant 157 : i32
        %lt3A_177 = arith.cmpi slt, %add3A_175, %lt3A_176 : i32
        %convert_element_type3A_178 = arith.extui %lt3A_177 : i1 to i32
        %cond3A_179 = arith.constant 0 : i32
        %cond3A_180 = arith.cmpi ne, %convert_element_type3A_178, %cond3A_179 : i32
        scf.if %cond3A_180 {
          %add3A_194 = arith.constant 1 : i32
          %add3A_195 = arith.addi %add3A_161, %add3A_194 : i32
          %dma_wait3A_196 = arith.constant 0 : i32
          %dma_wait3A_197 = arith.constant 0 : i32
          %dma_wait3A_198 = tpu.memref_slice %arg3[%arg0, %arg1, %dma_wait3A_196, %dma_wait3A_197] : memref<2x16x157x128xi32, #tpu.memory_space<hbm>> -> memref<1x1x157x128xi32, #tpu.memory_space<hbm>>
          %dma_wait3A_199 = tpu.memref_squeeze %dma_wait3A_198 : memref<1x1x157x128xi32, #tpu.memory_space<hbm>> -> memref<157x128xi32, #tpu.memory_space<hbm>>
          %dma_wait3A_200 = arith.constant 0 : i32
          %dma_wait3A_201 = tpu.memref_slice %dma_wait3A_199[%add3A_195, %dma_wait3A_200] : memref<157x128xi32, #tpu.memory_space<hbm>> -> memref<1x128xi32, #tpu.memory_space<hbm>>
          %dma_wait3A_202 = tpu.memref_squeeze %dma_wait3A_201 : memref<1x128xi32, #tpu.memory_space<hbm>> -> memref<128xi32, #tpu.memory_space<hbm>>
          %dma_wait3A_203 = arith.constant 0 : i32
          %dma_wait3A_204 = arith.constant 0 : i32
          %dma_wait3A_205 = tpu.memref_slice %arg3[%arg0, %arg1, %dma_wait3A_203, %dma_wait3A_204] : memref<2x16x157x128xi32, #tpu.memory_space<hbm>> -> memref<1x1x157x128xi32, #tpu.memory_space<hbm>>
          %dma_wait3A_206 = tpu.memref_squeeze %dma_wait3A_205 : memref<1x1x157x128xi32, #tpu.memory_space<hbm>> -> memref<157x128xi32, #tpu.memory_space<hbm>>
          %dma_wait3A_207 = arith.constant 0 : i32
          %dma_wait3A_208 = tpu.memref_slice %dma_wait3A_206[%add3A_195, %dma_wait3A_207] : memref<157x128xi32, #tpu.memory_space<hbm>> -> memref<1x128xi32, #tpu.memory_space<hbm>>
          %dma_wait3A_209 = tpu.memref_squeeze %dma_wait3A_208 : memref<1x128xi32, #tpu.memory_space<hbm>> -> memref<128xi32, #tpu.memory_space<hbm>>
          tpu.wait_dma2 semaphore(%arg20 : memref<!tpu.dma_semaphore, #tpu.memory_space<semaphore_mem>>) src(%dma_wait3A_209 : memref<128xi32, #tpu.memory_space<hbm>>) dst(%arg10 : memref<128xi32, #tpu.memory_space<vmem>>)
          %dma_wait3A_210 = arith.constant 0 : i32
          %dma_wait3A_211 = arith.constant 0 : i32
          %dma_wait3A_212 = tpu.memref_slice %arg4[%arg0, %arg1, %dma_wait3A_210, %dma_wait3A_211] : memref<2x16x157x128xi32, #tpu.memory_space<hbm>> -> memref<1x1x157x128xi32, #tpu.memory_space<hbm>>
          %dma_wait3A_213 = tpu.memref_squeeze %dma_wait3A_212 : memref<1x1x157x128xi32, #tpu.memory_space<hbm>> -> memref<157x128xi32, #tpu.memory_space<hbm>>
          %dma_wait3A_214 = arith.constant 0 : i32
          %dma_wait3A_215 = tpu.memref_slice %dma_wait3A_213[%add3A_195, %dma_wait3A_214] : memref<157x128xi32, #tpu.memory_space<hbm>> -> memref<1x128xi32, #tpu.memory_space<hbm>>
          %dma_wait3A_216 = tpu.memref_squeeze %dma_wait3A_215 : memref<1x128xi32, #tpu.memory_space<hbm>> -> memref<128xi32, #tpu.memory_space<hbm>>
          %dma_wait3A_217 = arith.constant 0 : i32
          %dma_wait3A_218 = arith.constant 0 : i32
          %dma_wait3A_219 = tpu.memref_slice %arg4[%arg0, %arg1, %dma_wait3A_217, %dma_wait3A_218] : memref<2x16x157x128xi32, #tpu.memory_space<hbm>> -> memref<1x1x157x128xi32, #tpu.memory_space<hbm>>
          %dma_wait3A_220 = tpu.memref_squeeze %dma_wait3A_219 : memref<1x1x157x128xi32, #tpu.memory_space<hbm>> -> memref<157x128xi32, #tpu.memory_space<hbm>>
          %dma_wait3A_221 = arith.constant 0 : i32
          %dma_wait3A_222 = tpu.memref_slice %dma_wait3A_220[%add3A_195, %dma_wait3A_221] : memref<157x128xi32, #tpu.memory_space<hbm>> -> memref<1x128xi32, #tpu.memory_space<hbm>>
          %dma_wait3A_223 = tpu.memref_squeeze %dma_wait3A_222 : memref<1x128xi32, #tpu.memory_space<hbm>> -> memref<128xi32, #tpu.memory_space<hbm>>
          tpu.wait_dma2 semaphore(%arg20 : memref<!tpu.dma_semaphore, #tpu.memory_space<semaphore_mem>>) src(%dma_wait3A_223 : memref<128xi32, #tpu.memory_space<hbm>>) dst(%arg14 : memref<128xi32, #tpu.memory_space<vmem>>)
          %ge3A = arith.constant 1 : i32
          %ge3A_224 = arith.cmpi sge, %add3A_161, %ge3A : i32
          %convert_element_type3A_225 = arith.extui %ge3A_224 : i1 to i32
          %cond3A_226 = arith.constant 0 : i32
          %cond3A_227 = arith.cmpi ne, %convert_element_type3A_225, %cond3A_226 : i32
          scf.if %cond3A_227 {
            %dma_wait3A_231 = arith.constant 0 : i32
            %dma_wait3A_232 = arith.constant 0 : i32
            %dma_wait3A_233 = tpu.memref_slice %arg6[%dma_wait3A_231, %dma_wait3A_232] : memref<10240x128xf32, #tpu.memory_space<vmem_shared>> -> memref<10240x128xf32, #tpu.memory_space<vmem_shared>>
            tpu.wait_indirect_dma semaphore(%arg24 : memref<!tpu.dma_semaphore, #tpu.memory_space<semaphore_mem>>) src(%arg16 : memref<128x128xf32, #tpu.memory_space<vmem>>) dst(%dma_wait3A_233 : memref<10240x128xf32, #tpu.memory_space<vmem_shared>>)
          } else {
          }
          %dma_start3A_228 = arith.constant 0 : i32
          %dma_start3A_229 = arith.constant 0 : i32
          %dma_start3A_230 = tpu.memref_slice %arg2[%dma_start3A_228, %dma_start3A_229] : memref<20480x128xf32, #tpu.memory_space<hbm>> -> memref<20480x128xf32, #tpu.memory_space<hbm>>
          tpu.enqueue_indirect_dma source(%dma_start3A_230 : memref<20480x128xf32, #tpu.memory_space<hbm>>) target(%arg16 : memref<128x128xf32, #tpu.memory_space<vmem>>) offsets(%arg10 : memref<128xi32, #tpu.memory_space<vmem>>) semaphore(%arg22 : memref<!tpu.dma_semaphore, #tpu.memory_space<semaphore_mem>>)
        } else {
        }
        %add3A_181 = arith.constant 3 : i32
        %add3A_182 = arith.addi %add3A_161, %add3A_181 : i32
        %lt3A_183 = arith.constant 157 : i32
        %lt3A_184 = arith.cmpi slt, %add3A_182, %lt3A_183 : i32
        %convert_element_type3A_185 = arith.extui %lt3A_184 : i1 to i32
        %cond3A_186 = arith.constant 0 : i32
        %cond3A_187 = arith.cmpi ne, %convert_element_type3A_185, %cond3A_186 : i32
        scf.if %cond3A_187 {
          %add3A_194 = arith.constant 3 : i32
          %add3A_195 = arith.addi %add3A_161, %add3A_194 : i32
          %dma_start3A_196 = arith.constant 0 : i32
          %dma_start3A_197 = arith.constant 0 : i32
          %dma_start3A_198 = tpu.memref_slice %arg3[%arg0, %arg1, %dma_start3A_196, %dma_start3A_197] : memref<2x16x157x128xi32, #tpu.memory_space<hbm>> -> memref<1x1x157x128xi32, #tpu.memory_space<hbm>>
          %dma_start3A_199 = tpu.memref_squeeze %dma_start3A_198 : memref<1x1x157x128xi32, #tpu.memory_space<hbm>> -> memref<157x128xi32, #tpu.memory_space<hbm>>
          %dma_start3A_200 = arith.constant 0 : i32
          %dma_start3A_201 = tpu.memref_slice %dma_start3A_199[%add3A_195, %dma_start3A_200] : memref<157x128xi32, #tpu.memory_space<hbm>> -> memref<1x128xi32, #tpu.memory_space<hbm>>
          %dma_start3A_202 = tpu.memref_squeeze %dma_start3A_201 : memref<1x128xi32, #tpu.memory_space<hbm>> -> memref<128xi32, #tpu.memory_space<hbm>>
          %dma_start3A_203 = arith.constant 0 : i32
          %dma_start3A_204 = arith.constant 0 : i32
          %dma_start3A_205 = tpu.memref_slice %arg3[%arg0, %arg1, %dma_start3A_203, %dma_start3A_204] : memref<2x16x157x128xi32, #tpu.memory_space<hbm>> -> memref<1x1x157x128xi32, #tpu.memory_space<hbm>>
          %dma_start3A_206 = tpu.memref_squeeze %dma_start3A_205 : memref<1x1x157x128xi32, #tpu.memory_space<hbm>> -> memref<157x128xi32, #tpu.memory_space<hbm>>
          %dma_start3A_207 = arith.constant 0 : i32
          %dma_start3A_208 = tpu.memref_slice %dma_start3A_206[%add3A_195, %dma_start3A_207] : memref<157x128xi32, #tpu.memory_space<hbm>> -> memref<1x128xi32, #tpu.memory_space<hbm>>
          %dma_start3A_209 = tpu.memref_squeeze %dma_start3A_208 : memref<1x128xi32, #tpu.memory_space<hbm>> -> memref<128xi32, #tpu.memory_space<hbm>>
          tpu.enqueue_dma source(%dma_start3A_209 : memref<128xi32, #tpu.memory_space<hbm>>) target(%arg8 : memref<128xi32, #tpu.memory_space<vmem>>) target_semaphore(%arg18 : memref<!tpu.dma_semaphore, #tpu.memory_space<semaphore_mem>>)
          %dma_start3A_210 = arith.constant 0 : i32
          %dma_start3A_211 = arith.constant 0 : i32
          %dma_start3A_212 = tpu.memref_slice %arg4[%arg0, %arg1, %dma_start3A_210, %dma_start3A_211] : memref<2x16x157x128xi32, #tpu.memory_space<hbm>> -> memref<1x1x157x128xi32, #tpu.memory_space<hbm>>
          %dma_start3A_213 = tpu.memref_squeeze %dma_start3A_212 : memref<1x1x157x128xi32, #tpu.memory_space<hbm>> -> memref<157x128xi32, #tpu.memory_space<hbm>>
          %dma_start3A_214 = arith.constant 0 : i32
          %dma_start3A_215 = tpu.memref_slice %dma_start3A_213[%add3A_195, %dma_start3A_214] : memref<157x128xi32, #tpu.memory_space<hbm>> -> memref<1x128xi32, #tpu.memory_space<hbm>>
          %dma_start3A_216 = tpu.memref_squeeze %dma_start3A_215 : memref<1x128xi32, #tpu.memory_space<hbm>> -> memref<128xi32, #tpu.memory_space<hbm>>
          %dma_start3A_217 = arith.constant 0 : i32
          %dma_start3A_218 = arith.constant 0 : i32
          %dma_start3A_219 = tpu.memref_slice %arg4[%arg0, %arg1, %dma_start3A_217, %dma_start3A_218] : memref<2x16x157x128xi32, #tpu.memory_space<hbm>> -> memref<1x1x157x128xi32, #tpu.memory_space<hbm>>
          %dma_start3A_220 = tpu.memref_squeeze %dma_start3A_219 : memref<1x1x157x128xi32, #tpu.memory_space<hbm>> -> memref<157x128xi32, #tpu.memory_space<hbm>>
          %dma_start3A_221 = arith.constant 0 : i32
          %dma_start3A_222 = tpu.memref_slice %dma_start3A_220[%add3A_195, %dma_start3A_221] : memref<157x128xi32, #tpu.memory_space<hbm>> -> memref<1x128xi32, #tpu.memory_space<hbm>>
          %dma_start3A_223 = tpu.memref_squeeze %dma_start3A_222 : memref<1x128xi32, #tpu.memory_space<hbm>> -> memref<128xi32, #tpu.memory_space<hbm>>
          tpu.enqueue_dma source(%dma_start3A_223 : memref<128xi32, #tpu.memory_space<hbm>>) target(%arg12 : memref<128xi32, #tpu.memory_space<vmem>>) target_semaphore(%arg18 : memref<!tpu.dma_semaphore, #tpu.memory_space<semaphore_mem>>)
        } else {
        }
        %dma_wait3A_188 = arith.constant 0 : i32
        %dma_wait3A_189 = arith.constant 0 : i32
        %dma_wait3A_190 = tpu.memref_slice %arg2[%dma_wait3A_188, %dma_wait3A_189] : memref<20480x128xf32, #tpu.memory_space<hbm>> -> memref<20480x128xf32, #tpu.memory_space<hbm>>
        tpu.wait_indirect_dma semaphore(%arg21 : memref<!tpu.dma_semaphore, #tpu.memory_space<semaphore_mem>>) src(%dma_wait3A_190 : memref<20480x128xf32, #tpu.memory_space<hbm>>) dst(%arg15 : memref<128x128xf32, #tpu.memory_space<vmem>>)
        %dma_start3A_191 = arith.constant 0 : i32
        %dma_start3A_192 = arith.constant 0 : i32
        %dma_start3A_193 = tpu.memref_slice %arg6[%dma_start3A_191, %dma_start3A_192] : memref<10240x128xf32, #tpu.memory_space<vmem_shared>> -> memref<10240x128xf32, #tpu.memory_space<vmem_shared>>
        tpu.enqueue_indirect_dma source(%arg15 : memref<128x128xf32, #tpu.memory_space<vmem>>) target(%dma_start3A_193 : memref<10240x128xf32, #tpu.memory_space<vmem_shared>>) offsets(%arg13 : memref<128xi32, #tpu.memory_space<vmem>>) semaphore(%arg23 : memref<!tpu.dma_semaphore, #tpu.memory_space<semaphore_mem>>) {add = true}
      } else {
      }
      %add3A_167 = arith.constant 3 : i32
      %add3A_168 = arith.addi %add3A_148, %add3A_167 : i32
      %lt3A_169 = arith.constant 157 : i32
      %lt3A_170 = arith.cmpi slt, %add3A_168, %lt3A_169 : i32
      %convert_element_type3A_171 = arith.extui %lt3A_170 : i1 to i32
      %cond3A_172 = arith.constant 0 : i32
      %cond3A_173 = arith.cmpi ne, %convert_element_type3A_171, %cond3A_172 : i32
      scf.if %cond3A_173 {
        %add3A_174 = arith.constant 1 : i32
        %add3A_175 = arith.addi %add3A_168, %add3A_174 : i32
        %lt3A_176 = arith.constant 157 : i32
        %lt3A_177 = arith.cmpi slt, %add3A_175, %lt3A_176 : i32
        %convert_element_type3A_178 = arith.extui %lt3A_177 : i1 to i32
        %cond3A_179 = arith.constant 0 : i32
        %cond3A_180 = arith.cmpi ne, %convert_element_type3A_178, %cond3A_179 : i32
        scf.if %cond3A_180 {
          %add3A_194 = arith.constant 1 : i32
          %add3A_195 = arith.addi %add3A_168, %add3A_194 : i32
          %dma_wait3A_196 = arith.constant 0 : i32
          %dma_wait3A_197 = arith.constant 0 : i32
          %dma_wait3A_198 = tpu.memref_slice %arg3[%arg0, %arg1, %dma_wait3A_196, %dma_wait3A_197] : memref<2x16x157x128xi32, #tpu.memory_space<hbm>> -> memref<1x1x157x128xi32, #tpu.memory_space<hbm>>
          %dma_wait3A_199 = tpu.memref_squeeze %dma_wait3A_198 : memref<1x1x157x128xi32, #tpu.memory_space<hbm>> -> memref<157x128xi32, #tpu.memory_space<hbm>>
          %dma_wait3A_200 = arith.constant 0 : i32
          %dma_wait3A_201 = tpu.memref_slice %dma_wait3A_199[%add3A_195, %dma_wait3A_200] : memref<157x128xi32, #tpu.memory_space<hbm>> -> memref<1x128xi32, #tpu.memory_space<hbm>>
          %dma_wait3A_202 = tpu.memref_squeeze %dma_wait3A_201 : memref<1x128xi32, #tpu.memory_space<hbm>> -> memref<128xi32, #tpu.memory_space<hbm>>
          %dma_wait3A_203 = arith.constant 0 : i32
          %dma_wait3A_204 = arith.constant 0 : i32
          %dma_wait3A_205 = tpu.memref_slice %arg3[%arg0, %arg1, %dma_wait3A_203, %dma_wait3A_204] : memref<2x16x157x128xi32, #tpu.memory_space<hbm>> -> memref<1x1x157x128xi32, #tpu.memory_space<hbm>>
          %dma_wait3A_206 = tpu.memref_squeeze %dma_wait3A_205 : memref<1x1x157x128xi32, #tpu.memory_space<hbm>> -> memref<157x128xi32, #tpu.memory_space<hbm>>
          %dma_wait3A_207 = arith.constant 0 : i32
          %dma_wait3A_208 = tpu.memref_slice %dma_wait3A_206[%add3A_195, %dma_wait3A_207] : memref<157x128xi32, #tpu.memory_space<hbm>> -> memref<1x128xi32, #tpu.memory_space<hbm>>
          %dma_wait3A_209 = tpu.memref_squeeze %dma_wait3A_208 : memref<1x128xi32, #tpu.memory_space<hbm>> -> memref<128xi32, #tpu.memory_space<hbm>>
          tpu.wait_dma2 semaphore(%arg17 : memref<!tpu.dma_semaphore, #tpu.memory_space<semaphore_mem>>) src(%dma_wait3A_209 : memref<128xi32, #tpu.memory_space<hbm>>) dst(%arg7 : memref<128xi32, #tpu.memory_space<vmem>>)
          %dma_wait3A_210 = arith.constant 0 : i32
          %dma_wait3A_211 = arith.constant 0 : i32
          %dma_wait3A_212 = tpu.memref_slice %arg4[%arg0, %arg1, %dma_wait3A_210, %dma_wait3A_211] : memref<2x16x157x128xi32, #tpu.memory_space<hbm>> -> memref<1x1x157x128xi32, #tpu.memory_space<hbm>>
          %dma_wait3A_213 = tpu.memref_squeeze %dma_wait3A_212 : memref<1x1x157x128xi32, #tpu.memory_space<hbm>> -> memref<157x128xi32, #tpu.memory_space<hbm>>
          %dma_wait3A_214 = arith.constant 0 : i32
          %dma_wait3A_215 = tpu.memref_slice %dma_wait3A_213[%add3A_195, %dma_wait3A_214] : memref<157x128xi32, #tpu.memory_space<hbm>> -> memref<1x128xi32, #tpu.memory_space<hbm>>
          %dma_wait3A_216 = tpu.memref_squeeze %dma_wait3A_215 : memref<1x128xi32, #tpu.memory_space<hbm>> -> memref<128xi32, #tpu.memory_space<hbm>>
          %dma_wait3A_217 = arith.constant 0 : i32
          %dma_wait3A_218 = arith.constant 0 : i32
          %dma_wait3A_219 = tpu.memref_slice %arg4[%arg0, %arg1, %dma_wait3A_217, %dma_wait3A_218] : memref<2x16x157x128xi32, #tpu.memory_space<hbm>> -> memref<1x1x157x128xi32, #tpu.memory_space<hbm>>
          %dma_wait3A_220 = tpu.memref_squeeze %dma_wait3A_219 : memref<1x1x157x128xi32, #tpu.memory_space<hbm>> -> memref<157x128xi32, #tpu.memory_space<hbm>>
          %dma_wait3A_221 = arith.constant 0 : i32
          %dma_wait3A_222 = tpu.memref_slice %dma_wait3A_220[%add3A_195, %dma_wait3A_221] : memref<157x128xi32, #tpu.memory_space<hbm>> -> memref<1x128xi32, #tpu.memory_space<hbm>>
          %dma_wait3A_223 = tpu.memref_squeeze %dma_wait3A_222 : memref<1x128xi32, #tpu.memory_space<hbm>> -> memref<128xi32, #tpu.memory_space<hbm>>
          tpu.wait_dma2 semaphore(%arg17 : memref<!tpu.dma_semaphore, #tpu.memory_space<semaphore_mem>>) src(%dma_wait3A_223 : memref<128xi32, #tpu.memory_space<hbm>>) dst(%arg11 : memref<128xi32, #tpu.memory_space<vmem>>)
          %ge3A = arith.constant 1 : i32
          %ge3A_224 = arith.cmpi sge, %add3A_168, %ge3A : i32
          %convert_element_type3A_225 = arith.extui %ge3A_224 : i1 to i32
          %cond3A_226 = arith.constant 0 : i32
          %cond3A_227 = arith.cmpi ne, %convert_element_type3A_225, %cond3A_226 : i32
          scf.if %cond3A_227 {
            %dma_wait3A_231 = arith.constant 0 : i32
            %dma_wait3A_232 = arith.constant 0 : i32
            %dma_wait3A_233 = tpu.memref_slice %arg6[%dma_wait3A_231, %dma_wait3A_232] : memref<10240x128xf32, #tpu.memory_space<vmem_shared>> -> memref<10240x128xf32, #tpu.memory_space<vmem_shared>>
            tpu.wait_indirect_dma semaphore(%arg23 : memref<!tpu.dma_semaphore, #tpu.memory_space<semaphore_mem>>) src(%arg15 : memref<128x128xf32, #tpu.memory_space<vmem>>) dst(%dma_wait3A_233 : memref<10240x128xf32, #tpu.memory_space<vmem_shared>>)
          } else {
          }
          %dma_start3A_228 = arith.constant 0 : i32
          %dma_start3A_229 = arith.constant 0 : i32
          %dma_start3A_230 = tpu.memref_slice %arg2[%dma_start3A_228, %dma_start3A_229] : memref<20480x128xf32, #tpu.memory_space<hbm>> -> memref<20480x128xf32, #tpu.memory_space<hbm>>
          tpu.enqueue_indirect_dma source(%dma_start3A_230 : memref<20480x128xf32, #tpu.memory_space<hbm>>) target(%arg15 : memref<128x128xf32, #tpu.memory_space<vmem>>) offsets(%arg7 : memref<128xi32, #tpu.memory_space<vmem>>) semaphore(%arg21 : memref<!tpu.dma_semaphore, #tpu.memory_space<semaphore_mem>>)
        } else {
        }
        %add3A_181 = arith.constant 3 : i32
        %add3A_182 = arith.addi %add3A_168, %add3A_181 : i32
        %lt3A_183 = arith.constant 157 : i32
        %lt3A_184 = arith.cmpi slt, %add3A_182, %lt3A_183 : i32
        %convert_element_type3A_185 = arith.extui %lt3A_184 : i1 to i32
        %cond3A_186 = arith.constant 0 : i32
        %cond3A_187 = arith.cmpi ne, %convert_element_type3A_185, %cond3A_186 : i32
        scf.if %cond3A_187 {
          %add3A_194 = arith.constant 3 : i32
          %add3A_195 = arith.addi %add3A_168, %add3A_194 : i32
          %dma_start3A_196 = arith.constant 0 : i32
          %dma_start3A_197 = arith.constant 0 : i32
          %dma_start3A_198 = tpu.memref_slice %arg3[%arg0, %arg1, %dma_start3A_196, %dma_start3A_197] : memref<2x16x157x128xi32, #tpu.memory_space<hbm>> -> memref<1x1x157x128xi32, #tpu.memory_space<hbm>>
          %dma_start3A_199 = tpu.memref_squeeze %dma_start3A_198 : memref<1x1x157x128xi32, #tpu.memory_space<hbm>> -> memref<157x128xi32, #tpu.memory_space<hbm>>
          %dma_start3A_200 = arith.constant 0 : i32
          %dma_start3A_201 = tpu.memref_slice %dma_start3A_199[%add3A_195, %dma_start3A_200] : memref<157x128xi32, #tpu.memory_space<hbm>> -> memref<1x128xi32, #tpu.memory_space<hbm>>
          %dma_start3A_202 = tpu.memref_squeeze %dma_start3A_201 : memref<1x128xi32, #tpu.memory_space<hbm>> -> memref<128xi32, #tpu.memory_space<hbm>>
          %dma_start3A_203 = arith.constant 0 : i32
          %dma_start3A_204 = arith.constant 0 : i32
          %dma_start3A_205 = tpu.memref_slice %arg3[%arg0, %arg1, %dma_start3A_203, %dma_start3A_204] : memref<2x16x157x128xi32, #tpu.memory_space<hbm>> -> memref<1x1x157x128xi32, #tpu.memory_space<hbm>>
          %dma_start3A_206 = tpu.memref_squeeze %dma_start3A_205 : memref<1x1x157x128xi32, #tpu.memory_space<hbm>> -> memref<157x128xi32, #tpu.memory_space<hbm>>
          %dma_start3A_207 = arith.constant 0 : i32
          %dma_start3A_208 = tpu.memref_slice %dma_start3A_206[%add3A_195, %dma_start3A_207] : memref<157x128xi32, #tpu.memory_space<hbm>> -> memref<1x128xi32, #tpu.memory_space<hbm>>
          %dma_start3A_209 = tpu.memref_squeeze %dma_start3A_208 : memref<1x128xi32, #tpu.memory_space<hbm>> -> memref<128xi32, #tpu.memory_space<hbm>>
          tpu.enqueue_dma source(%dma_start3A_209 : memref<128xi32, #tpu.memory_space<hbm>>) target(%arg9 : memref<128xi32, #tpu.memory_space<vmem>>) target_semaphore(%arg19 : memref<!tpu.dma_semaphore, #tpu.memory_space<semaphore_mem>>)
          %dma_start3A_210 = arith.constant 0 : i32
          %dma_start3A_211 = arith.constant 0 : i32
          %dma_start3A_212 = tpu.memref_slice %arg4[%arg0, %arg1, %dma_start3A_210, %dma_start3A_211] : memref<2x16x157x128xi32, #tpu.memory_space<hbm>> -> memref<1x1x157x128xi32, #tpu.memory_space<hbm>>
          %dma_start3A_213 = tpu.memref_squeeze %dma_start3A_212 : memref<1x1x157x128xi32, #tpu.memory_space<hbm>> -> memref<157x128xi32, #tpu.memory_space<hbm>>
          %dma_start3A_214 = arith.constant 0 : i32
          %dma_start3A_215 = tpu.memref_slice %dma_start3A_213[%add3A_195, %dma_start3A_214] : memref<157x128xi32, #tpu.memory_space<hbm>> -> memref<1x128xi32, #tpu.memory_space<hbm>>
          %dma_start3A_216 = tpu.memref_squeeze %dma_start3A_215 : memref<1x128xi32, #tpu.memory_space<hbm>> -> memref<128xi32, #tpu.memory_space<hbm>>
          %dma_start3A_217 = arith.constant 0 : i32
          %dma_start3A_218 = arith.constant 0 : i32
          %dma_start3A_219 = tpu.memref_slice %arg4[%arg0, %arg1, %dma_start3A_217, %dma_start3A_218] : memref<2x16x157x128xi32, #tpu.memory_space<hbm>> -> memref<1x1x157x128xi32, #tpu.memory_space<hbm>>
          %dma_start3A_220 = tpu.memref_squeeze %dma_start3A_219 : memref<1x1x157x128xi32, #tpu.memory_space<hbm>> -> memref<157x128xi32, #tpu.memory_space<hbm>>
          %dma_start3A_221 = arith.constant 0 : i32
          %dma_start3A_222 = tpu.memref_slice %dma_start3A_220[%add3A_195, %dma_start3A_221] : memref<157x128xi32, #tpu.memory_space<hbm>> -> memref<1x128xi32, #tpu.memory_space<hbm>>
          %dma_start3A_223 = tpu.memref_squeeze %dma_start3A_222 : memref<1x128xi32, #tpu.memory_space<hbm>> -> memref<128xi32, #tpu.memory_space<hbm>>
          tpu.enqueue_dma source(%dma_start3A_223 : memref<128xi32, #tpu.memory_space<hbm>>) target(%arg13 : memref<128xi32, #tpu.memory_space<vmem>>) target_semaphore(%arg19 : memref<!tpu.dma_semaphore, #tpu.memory_space<semaphore_mem>>)
        } else {
        }
        %dma_wait3A_188 = arith.constant 0 : i32
        %dma_wait3A_189 = arith.constant 0 : i32
        %dma_wait3A_190 = tpu.memref_slice %arg2[%dma_wait3A_188, %dma_wait3A_189] : memref<20480x128xf32, #tpu.memory_space<hbm>> -> memref<20480x128xf32, #tpu.memory_space<hbm>>
        tpu.wait_indirect_dma semaphore(%arg22 : memref<!tpu.dma_semaphore, #tpu.memory_space<semaphore_mem>>) src(%dma_wait3A_190 : memref<20480x128xf32, #tpu.memory_space<hbm>>) dst(%arg16 : memref<128x128xf32, #tpu.memory_space<vmem>>)
        %dma_start3A_191 = arith.constant 0 : i32
        %dma_start3A_192 = arith.constant 0 : i32
        %dma_start3A_193 = tpu.memref_slice %arg6[%dma_start3A_191, %dma_start3A_192] : memref<10240x128xf32, #tpu.memory_space<vmem_shared>> -> memref<10240x128xf32, #tpu.memory_space<vmem_shared>>
        tpu.enqueue_indirect_dma source(%arg16 : memref<128x128xf32, #tpu.memory_space<vmem>>) target(%dma_start3A_193 : memref<10240x128xf32, #tpu.memory_space<vmem_shared>>) offsets(%arg14 : memref<128xi32, #tpu.memory_space<vmem>>) semaphore(%arg24 : memref<!tpu.dma_semaphore, #tpu.memory_space<semaphore_mem>>) {add = true}
      } else {
      }
    }
    %scan3A_129 = arith.constant 40 : i32
    %dma_wait3A_130 = arith.constant 0 : i32
    %dma_wait3A_131 = arith.constant 0 : i32
    %dma_wait3A_132 = tpu.memref_slice %arg6[%dma_wait3A_130, %dma_wait3A_131] : memref<10240x128xf32, #tpu.memory_space<vmem_shared>> -> memref<10240x128xf32, #tpu.memory_space<vmem_shared>>
    tpu.wait_indirect_dma semaphore(%arg24 : memref<!tpu.dma_semaphore, #tpu.memory_space<semaphore_mem>>) src(%arg16 : memref<128x128xf32, #tpu.memory_space<vmem>>) dst(%dma_wait3A_132 : memref<10240x128xf32, #tpu.memory_space<vmem_shared>>)
    %dma_wait3A_133 = arith.constant 0 : i32
    %dma_wait3A_134 = arith.constant 0 : i32
    %dma_wait3A_135 = tpu.memref_slice %arg6[%dma_wait3A_133, %dma_wait3A_134] : memref<10240x128xf32, #tpu.memory_space<vmem_shared>> -> memref<10240x128xf32, #tpu.memory_space<vmem_shared>>
    tpu.wait_indirect_dma semaphore(%arg23 : memref<!tpu.dma_semaphore, #tpu.memory_space<semaphore_mem>>) src(%arg15 : memref<128x128xf32, #tpu.memory_space<vmem>>) dst(%dma_wait3A_135 : memref<10240x128xf32, #tpu.memory_space<vmem_shared>>)
    %barrier3A_136 = arith.constant 0 : index
    tpu.barrier barrier_id(%barrier3A_136)
    %mul3A_137 = arith.constant 640 : i32
    %mul3A_138 = arith.muli %arg1, %mul3A_137 : i32
    %mul3A_139 = arith.constant 10240 : i32
    %mul3A_140 = arith.muli %arg0, %mul3A_139 : i32
    %mul3A_141 = arith.constant 640 : i32
    %mul3A_142 = arith.muli %arg1, %mul3A_141 : i32
    %add3A_143 = arith.addi %mul3A_140, %mul3A_142 : i32
    "tpu.region"() ({
      %run_scoped3A = tpu.sem_alloc : memref<!tpu.dma_semaphore, #tpu.memory_space<semaphore_mem>>
      %dma_start3A_144 = arith.constant 0 : i32
      %dma_start3A_145 = tpu.memref_slice %arg5[%add3A_143, %dma_start3A_144] : memref<20480x128xf32, #tpu.memory_space<hbm>> -> memref<640x128xf32, #tpu.memory_space<hbm>>
      %dma_start3A_146 = arith.constant 0 : i32
      %dma_start3A_147 = tpu.memref_slice %arg6[%mul3A_138, %dma_start3A_146] : memref<10240x128xf32, #tpu.memory_space<vmem_shared>> -> memref<640x128xf32, #tpu.memory_space<vmem_shared>>
      tpu.enqueue_dma source(%dma_start3A_147 : memref<640x128xf32, #tpu.memory_space<vmem_shared>>) target(%dma_start3A_145 : memref<640x128xf32, #tpu.memory_space<hbm>>) target_semaphore(%run_scoped3A : memref<!tpu.dma_semaphore, #tpu.memory_space<semaphore_mem>>)
      %dma_wait3A_148 = arith.constant 0 : i32
      %dma_wait3A_149 = tpu.memref_slice %arg5[%add3A_143, %dma_wait3A_148] : memref<20480x128xf32, #tpu.memory_space<hbm>> -> memref<640x128xf32, #tpu.memory_space<hbm>>
      %dma_wait3A_150 = arith.constant 0 : i32
      %dma_wait3A_151 = tpu.memref_slice %arg6[%mul3A_138, %dma_wait3A_150] : memref<10240x128xf32, #tpu.memory_space<vmem_shared>> -> memref<640x128xf32, #tpu.memory_space<vmem_shared>>
      tpu.wait_dma2 semaphore(%run_scoped3A : memref<!tpu.dma_semaphore, #tpu.memory_space<semaphore_mem>>) src(%dma_wait3A_151 : memref<640x128xf32, #tpu.memory_space<vmem_shared>>) dst(%dma_wait3A_149 : memref<640x128xf32, #tpu.memory_space<hbm>>)
      tpu.yield
    }) : () -> ()
    return
  }
}

module attributes {stable_mosaic.version = 14 : i64} {
  func.func @_h0_tc(%arg0: i32, %arg1: memref<2x640x128xf32, #tpu.memory_space<vmem>>, %arg2: memref<2x128x128xf32, #tpu.memory_space<vmem>>, %arg3: memref<2x640x128xf32, #tpu.memory_space<vmem>>) attributes {dimension_semantics = [#tpu.dimension_semantics<arbitrary>], iteration_bounds = array<i64: 16>, scalar_prefetch = 0 : i64, scratch_operands = 0 : i64, tpu.core_type = #tpu.core_type<tc>, window_params = [{transform_indices = @transform_0, window_bounds = array<i64: 2, 640, 128>}, {pipeline_mode = #tpu.pipeline_mode<synchronous>, transform_indices = @transform_1, window_bounds = array<i64: 2, 128, 128>}, {transform_indices = @transform_2, window_bounds = array<i64: 2, 640, 128>}]} {
    %get3A = arith.constant 0 : index
    %get3A_0 = arith.constant 0 : index
    %get3A_1 = arith.constant 0 : index
    %get3A_2 = vector.load %arg1[%get3A, %get3A_0, %get3A_1] : memref<2x640x128xf32, #tpu.memory_space<vmem>>, vector<1x640x128xf32>
    %get3A_3 = vector.shape_cast %get3A_2 : vector<1x640x128xf32> to vector<640x128xf32>
    %get3A_4 = arith.constant 0 : index
    %get3A_5 = arith.constant 0 : index
    %get3A_6 = arith.constant 0 : index
    %get3A_7 = vector.load %arg2[%get3A_4, %get3A_5, %get3A_6] : memref<2x128x128xf32, #tpu.memory_space<vmem>>, vector<1x128x128xf32>
    %get3A_8 = vector.shape_cast %get3A_7 : vector<1x128x128xf32> to vector<128x128xf32>
    %dot_general3A = arith.constant dense<0.000000e+00> : vector<640x128xf32>
    %dot_general3A_9 = tpu.matmul %get3A_3, %get3A_8, %dot_general3A {dimension_numbers = #tpu.dot_dimension_numbers<[1], [0], [0], [1], [0, 0, 1, 1], [], []>, transpose_lhs_hint = false} : vector<640x128xf32>, vector<128x128xf32>, vector<640x128xf32> -> vector<640x128xf32>
    %swap3A = arith.constant 0 : index
    %swap3A_10 = arith.constant 0 : index
    %swap3A_11 = arith.constant 0 : index
    %swap3A_12 = vector.load %arg3[%swap3A, %swap3A_10, %swap3A_11] : memref<2x640x128xf32, #tpu.memory_space<vmem>>, vector<1x640x128xf32>
    %swap3A_13 = vector.shape_cast %swap3A_12 : vector<1x640x128xf32> to vector<640x128xf32>
    %swap3A_14 = vector.shape_cast %dot_general3A_9 : vector<640x128xf32> to vector<1x640x128xf32>
    tpu.vector_store %arg3[%swap3A, %swap3A_10, %swap3A_11], %swap3A_14 {strides = array<i32>} : memref<2x640x128xf32, #tpu.memory_space<vmem>>, vector<1x640x128xf32>,
    %get3A_15 = arith.constant 1 : index
    %get3A_16 = arith.constant 0 : index
    %get3A_17 = arith.constant 0 : index
    %get3A_18 = vector.load %arg1[%get3A_15, %get3A_16, %get3A_17] : memref<2x640x128xf32, #tpu.memory_space<vmem>>, vector<1x640x128xf32>
    %get3A_19 = vector.shape_cast %get3A_18 : vector<1x640x128xf32> to vector<640x128xf32>
    %get3A_20 = arith.constant 1 : index
    %get3A_21 = arith.constant 0 : index
    %get3A_22 = arith.constant 0 : index
    %get3A_23 = vector.load %arg2[%get3A_20, %get3A_21, %get3A_22] : memref<2x128x128xf32, #tpu.memory_space<vmem>>, vector<1x128x128xf32>
    %get3A_24 = vector.shape_cast %get3A_23 : vector<1x128x128xf32> to vector<128x128xf32>
    %dot_general3A_25 = arith.constant dense<0.000000e+00> : vector<640x128xf32>
    %dot_general3A_26 = tpu.matmul %get3A_19, %get3A_24, %dot_general3A_25 {dimension_numbers = #tpu.dot_dimension_numbers<[1], [0], [0], [1], [0, 0, 1, 1], [], []>, transpose_lhs_hint = false} : vector<640x128xf32>, vector<128x128xf32>, vector<640x128xf32> -> vector<640x128xf32>
    %swap3A_27 = arith.constant 1 : index
    %swap3A_28 = arith.constant 0 : index
    %swap3A_29 = arith.constant 0 : index
    %swap3A_30 = vector.load %arg3[%swap3A_27, %swap3A_28, %swap3A_29] : memref<2x640x128xf32, #tpu.memory_space<vmem>>, vector<1x640x128xf32>
    %swap3A_31 = vector.shape_cast %swap3A_30 : vector<1x640x128xf32> to vector<640x128xf32>
    %swap3A_32 = vector.shape_cast %dot_general3A_26 : vector<640x128xf32> to vector<1x640x128xf32>
    tpu.vector_store %arg3[%swap3A_27, %swap3A_28, %swap3A_29], %swap3A_32 {strides = array<i32>} : memref<2x640x128xf32, #tpu.memory_space<vmem>>, vector<1x640x128xf32>,
    return
  }
  func.func @transform_0(%arg0: i32) -> (i32, i32, i32) {
    %c0_i32 = arith.constant 0 : i32
    %c0_i32_0 = arith.constant 0 : i32
    %c0_i32_1 = arith.constant 0 : i32
    return %c0_i32, %arg0, %c0_i32_0 : i32, i32, i32
  }
  func.func @transform_1(%arg0: i32) -> (i32, i32, i32) {
    %c0_i32 = arith.constant 0 : i32
    %c0_i32_0 = arith.constant 0 : i32
    %c0_i32_1 = arith.constant 0 : i32
    %c0_i32_2 = arith.constant 0 : i32
    return %c0_i32, %c0_i32_0, %c0_i32_1 : i32, i32, i32
  }
  func.func @transform_2(%arg0: i32) -> (i32, i32, i32) {
    %c0_i32 = arith.constant 0 : i32
    %c0_i32_0 = arith.constant 0 : i32
    %c0_i32_1 = arith.constant 0 : i32
    return %c0_i32, %arg0, %c0_i32_0 : i32, i32, i32
  }
}

module attributes {stable_mosaic.version = 14 : i64} {
  func.func @_scale_tc(%arg0: i32, %arg1: memref<2x640x128xf32, #tpu.memory_space<vmem>>, %arg2: memref<2x640x128xf32, #tpu.memory_space<vmem>>, %arg3: memref<2x640x128xf32, #tpu.memory_space<vmem>>, %arg4: memref<2x640x128xf32, #tpu.memory_space<vmem>>) attributes {dimension_semantics = [#tpu.dimension_semantics<arbitrary>], iteration_bounds = array<i64: 16>, scalar_prefetch = 0 : i64, scratch_operands = 0 : i64, tpu.core_type = #tpu.core_type<tc>, window_params = [{transform_indices = @transform_0, window_bounds = array<i64: 2, 640, 128>}, {transform_indices = @transform_1, window_bounds = array<i64: 2, 640, 128>}, {transform_indices = @transform_2, window_bounds = array<i64: 2, 640, 128>}, {transform_indices = @transform_3, window_bounds = array<i64: 2, 640, 128>}]} {
    %iota3A = tpu.iota {dimensions = array<i32: 0>} : vector<640x1xi32>
    %mul3A = arith.constant 640 : i32
    %mul3A_0 = arith.muli %arg0, %mul3A : i32
    %add3A = vector.broadcast %mul3A_0 : i32 to vector<640x1xi32>
    %add3A_1 = arith.addi %iota3A, %add3A : vector<640x1xi32>
    %lt3A = arith.constant 10000 : i32
    %lt3A_2 = vector.broadcast %lt3A : i32 to vector<640x1xi32>
    %lt3A_3 = arith.cmpi slt, %add3A_1, %lt3A_2 : vector<640x1xi32>
    %convert_element_type3A = arith.extui %lt3A_3 : vector<640x1xi1> to vector<640x1xi32>
    %convert_element_type3A_4 = arith.sitofp %convert_element_type3A : vector<640x1xi32> to vector<640x1xf32>
    %get3A = arith.constant 0 : index
    %get3A_5 = arith.constant 0 : index
    %get3A_6 = arith.constant 0 : index
    %get3A_7 = vector.load %arg2[%get3A, %get3A_5, %get3A_6] : memref<2x640x128xf32, #tpu.memory_space<vmem>>, vector<1x640x1xf32>
    %get3A_8 = vector.shape_cast %get3A_7 : vector<1x640x1xf32> to vector<640x1xf32>
    %add3A_9 = arith.constant 1.000000e+00 : f32
    %add3A_10 = vector.broadcast %add3A_9 : f32 to vector<640x1xf32>
    %add3A_11 = arith.addf %get3A_8, %add3A_10 : vector<640x1xf32>
    %rsqrt3A = math.rsqrt %add3A_11 : vector<640x1xf32>
    %mul3A_12 = arith.mulf %convert_element_type3A_4, %rsqrt3A : vector<640x1xf32>
    %broadcast_in_dim3A = vector.shape_cast %mul3A_12 : vector<640x1xf32> to vector<640x1xf32>
    %broadcast_in_dim3A_13 = vector.broadcast %broadcast_in_dim3A : vector<640x1xf32> to vector<640x128xf32>
    %swap3A = arith.constant 0 : index
    %swap3A_14 = arith.constant 0 : index
    %swap3A_15 = arith.constant 0 : index
    %swap3A_16 = vector.load %arg3[%swap3A, %swap3A_14, %swap3A_15] : memref<2x640x128xf32, #tpu.memory_space<vmem>>, vector<1x640x128xf32>
    %swap3A_17 = vector.shape_cast %swap3A_16 : vector<1x640x128xf32> to vector<640x128xf32>
    %swap3A_18 = vector.shape_cast %broadcast_in_dim3A_13 : vector<640x128xf32> to vector<1x640x128xf32>
    tpu.vector_store %arg3[%swap3A, %swap3A_14, %swap3A_15], %swap3A_18 {strides = array<i32>} : memref<2x640x128xf32, #tpu.memory_space<vmem>>, vector<1x640x128xf32>,
    %get3A_19 = arith.constant 0 : index
    %get3A_20 = arith.constant 0 : index
    %get3A_21 = arith.constant 0 : index
    %get3A_22 = vector.load %arg1[%get3A_19, %get3A_20, %get3A_21] : memref<2x640x128xf32, #tpu.memory_space<vmem>>, vector<1x640x128xf32>
    %get3A_23 = vector.shape_cast %get3A_22 : vector<1x640x128xf32> to vector<640x128xf32>
    %mul3A_24 = arith.mulf %get3A_23, %broadcast_in_dim3A_13 : vector<640x128xf32>
    %swap3A_25 = arith.constant 0 : index
    %swap3A_26 = arith.constant 0 : index
    %swap3A_27 = arith.constant 0 : index
    %swap3A_28 = vector.load %arg4[%swap3A_25, %swap3A_26, %swap3A_27] : memref<2x640x128xf32, #tpu.memory_space<vmem>>, vector<1x640x128xf32>
    %swap3A_29 = vector.shape_cast %swap3A_28 : vector<1x640x128xf32> to vector<640x128xf32>
    %swap3A_30 = vector.shape_cast %mul3A_24 : vector<640x128xf32> to vector<1x640x128xf32>
    tpu.vector_store %arg4[%swap3A_25, %swap3A_26, %swap3A_27], %swap3A_30 {strides = array<i32>} : memref<2x640x128xf32, #tpu.memory_space<vmem>>, vector<1x640x128xf32>,
    %get3A_31 = arith.constant 1 : index
    %get3A_32 = arith.constant 0 : index
    %get3A_33 = arith.constant 0 : index
    %get3A_34 = vector.load %arg2[%get3A_31, %get3A_32, %get3A_33] : memref<2x640x128xf32, #tpu.memory_space<vmem>>, vector<1x640x1xf32>
    %get3A_35 = vector.shape_cast %get3A_34 : vector<1x640x1xf32> to vector<640x1xf32>
    %add3A_36 = arith.constant 1.000000e+00 : f32
    %add3A_37 = vector.broadcast %add3A_36 : f32 to vector<640x1xf32>
    %add3A_38 = arith.addf %get3A_35, %add3A_37 : vector<640x1xf32>
    %rsqrt3A_39 = math.rsqrt %add3A_38 : vector<640x1xf32>
    %mul3A_40 = arith.mulf %convert_element_type3A_4, %rsqrt3A_39 : vector<640x1xf32>
    %broadcast_in_dim3A_41 = vector.shape_cast %mul3A_40 : vector<640x1xf32> to vector<640x1xf32>
    %broadcast_in_dim3A_42 = vector.broadcast %broadcast_in_dim3A_41 : vector<640x1xf32> to vector<640x128xf32>
    %swap3A_43 = arith.constant 1 : index
    %swap3A_44 = arith.constant 0 : index
    %swap3A_45 = arith.constant 0 : index
    %swap3A_46 = vector.load %arg3[%swap3A_43, %swap3A_44, %swap3A_45] : memref<2x640x128xf32, #tpu.memory_space<vmem>>, vector<1x640x128xf32>
    %swap3A_47 = vector.shape_cast %swap3A_46 : vector<1x640x128xf32> to vector<640x128xf32>
    %swap3A_48 = vector.shape_cast %broadcast_in_dim3A_42 : vector<640x128xf32> to vector<1x640x128xf32>
    tpu.vector_store %arg3[%swap3A_43, %swap3A_44, %swap3A_45], %swap3A_48 {strides = array<i32>} : memref<2x640x128xf32, #tpu.memory_space<vmem>>, vector<1x640x128xf32>,
    %get3A_49 = arith.constant 1 : index
    %get3A_50 = arith.constant 0 : index
    %get3A_51 = arith.constant 0 : index
    %get3A_52 = vector.load %arg1[%get3A_49, %get3A_50, %get3A_51] : memref<2x640x128xf32, #tpu.memory_space<vmem>>, vector<1x640x128xf32>
    %get3A_53 = vector.shape_cast %get3A_52 : vector<1x640x128xf32> to vector<640x128xf32>
    %mul3A_54 = arith.mulf %get3A_53, %broadcast_in_dim3A_42 : vector<640x128xf32>
    %swap3A_55 = arith.constant 1 : index
    %swap3A_56 = arith.constant 0 : index
    %swap3A_57 = arith.constant 0 : index
    %swap3A_58 = vector.load %arg4[%swap3A_55, %swap3A_56, %swap3A_57] : memref<2x640x128xf32, #tpu.memory_space<vmem>>, vector<1x640x128xf32>
    %swap3A_59 = vector.shape_cast %swap3A_58 : vector<1x640x128xf32> to vector<640x128xf32>
    %swap3A_60 = vector.shape_cast %mul3A_54 : vector<640x128xf32> to vector<1x640x128xf32>
    tpu.vector_store %arg4[%swap3A_55, %swap3A_56, %swap3A_57], %swap3A_60 {strides = array<i32>} : memref<2x640x128xf32, #tpu.memory_space<vmem>>, vector<1x640x128xf32>,
    return
  }
  func.func @transform_0(%arg0: i32) -> (i32, i32, i32) {
    %c0_i32 = arith.constant 0 : i32
    %c0_i32_0 = arith.constant 0 : i32
    %c0_i32_1 = arith.constant 0 : i32
    return %c0_i32, %arg0, %c0_i32_0 : i32, i32, i32
  }
  func.func @transform_1(%arg0: i32) -> (i32, i32, i32) {
    %c0_i32 = arith.constant 0 : i32
    %c0_i32_0 = arith.constant 0 : i32
    %c0_i32_1 = arith.constant 0 : i32
    return %c0_i32, %arg0, %c0_i32_0 : i32, i32, i32
  }
  func.func @transform_2(%arg0: i32) -> (i32, i32, i32) {
    %c0_i32 = arith.constant 0 : i32
    %c0_i32_0 = arith.constant 0 : i32
    %c0_i32_1 = arith.constant 0 : i32
    return %c0_i32, %arg0, %c0_i32_0 : i32, i32, i32
  }
  func.func @transform_3(%arg0: i32) -> (i32, i32, i32) {
    %c0_i32 = arith.constant 0 : i32
    %c0_i32_0 = arith.constant 0 : i32
    %c0_i32_1 = arith.constant 0 : i32
    return %c0_i32, %arg0, %c0_i32_0 : i32, i32, i32
  }
}

module attributes {stable_mosaic.version = 14 : i64} {
  func.func @_layer_tc(%arg0: i32, %arg1: memref<2x640x128xf32, #tpu.memory_space<vmem>>, %arg2: memref<2x640x128xf32, #tpu.memory_space<vmem>>, %arg3: memref<2x640x128xf32, #tpu.memory_space<vmem>>, %arg4: memref<2x128xf32, #tpu.memory_space<vmem>>, %arg5: memref<2x128xf32, #tpu.memory_space<vmem>>, %arg6: memref<2x128xf32, #tpu.memory_space<vmem>>, %arg7: memref<2x128x128xf32, #tpu.memory_space<vmem>>, %arg8: memref<2x640x128xf32, #tpu.memory_space<vmem>>, %arg9: memref<2x640x128xf32, #tpu.memory_space<vmem>>) attributes {dimension_semantics = [#tpu.dimension_semantics<arbitrary>], iteration_bounds = array<i64: 16>, scalar_prefetch = 0 : i64, scratch_operands = 0 : i64, tpu.core_type = #tpu.core_type<tc>, window_params = [{transform_indices = @transform_0, window_bounds = array<i64: 2, 640, 128>}, {transform_indices = @transform_1, window_bounds = array<i64: 2, 640, 128>}, {transform_indices = @transform_2, window_bounds = array<i64: 2, 640, 128>}, {pipeline_mode = #tpu.pipeline_mode<synchronous>, transform_indices = @transform_3, window_bounds = array<i64: 2, 128>}, {pipeline_mode = #tpu.pipeline_mode<synchronous>, transform_indices = @transform_4, window_bounds = array<i64: 2, 128>}, {pipeline_mode = #tpu.pipeline_mode<synchronous>, transform_indices = @transform_5, window_bounds = array<i64: 2, 128>}, {pipeline_mode = #tpu.pipeline_mode<synchronous>, transform_indices = @transform_6, window_bounds = array<i64: 2, 128, 128>}, {transform_indices = @transform_7, window_bounds = array<i64: 2, 640, 128>}, {transform_indices = @transform_8, window_bounds = array<i64: 2, 640, 128>}]} {
    %get3A = arith.constant 0 : index
    %get3A_0 = arith.constant 0 : index
    %get3A_1 = arith.constant 0 : index
    %get3A_2 = vector.load %arg2[%get3A, %get3A_0, %get3A_1] : memref<2x640x128xf32, #tpu.memory_space<vmem>>, vector<1x640x128xf32>
    %get3A_3 = vector.shape_cast %get3A_2 : vector<1x640x128xf32> to vector<640x128xf32>
    %get3A_4 = arith.constant 0 : index
    %get3A_5 = arith.constant 0 : index
    %get3A_6 = arith.constant 0 : index
    %get3A_7 = vector.load %arg3[%get3A_4, %get3A_5, %get3A_6] : memref<2x640x128xf32, #tpu.memory_space<vmem>>, vector<1x640x128xf32>
    %get3A_8 = vector.shape_cast %get3A_7 : vector<1x640x128xf32> to vector<640x128xf32>
    %mul3A = arith.mulf %get3A_3, %get3A_8 : vector<640x128xf32>
    %get3A_9 = arith.constant 0 : index
    %get3A_10 = arith.constant 0 : index
    %get3A_11 = vector.load %arg4[%get3A_9, %get3A_10] : memref<2x128xf32, #tpu.memory_space<vmem>>, vector<1x128xf32>
    %get3A_12 = vector.shape_cast %get3A_11 : vector<1x128xf32> to vector<128xf32>
    %broadcast_in_dim3A = vector.shape_cast %get3A_12 : vector<128xf32> to vector<1x128xf32>
    %add3A = vector.broadcast %broadcast_in_dim3A : vector<1x128xf32> to vector<640x128xf32>
    %add3A_13 = arith.addf %mul3A, %add3A : vector<640x128xf32>
    %reduce_sum3A = arith.constant dense<0.000000e+00> : vector<640xf32>
    %reduce_sum3A_14 = vector.multi_reduction <add>, %add3A_13, %reduce_sum3A [1] : vector<640x128xf32> to vector<640xf32>
    %broadcast_in_dim3A_15 = vector.shape_cast %reduce_sum3A_14 : vector<640xf32> to vector<640x1xf32>
    %div3A = arith.constant 1.280000e+02 : f32
    %div3A_16 = vector.broadcast %div3A : f32 to vector<640x1xf32>
    %div3A_17 = arith.divf %broadcast_in_dim3A_15, %div3A_16 : vector<640x1xf32>
    %sub3A = vector.broadcast %div3A_17 : vector<640x1xf32> to vector<640x128xf32>
    %sub3A_18 = arith.subf %add3A_13, %sub3A : vector<640x128xf32>
    %integer_pow3A = arith.mulf %sub3A_18, %sub3A_18 : vector<640x128xf32>
    %reduce_sum3A_19 = arith.constant dense<0.000000e+00> : vector<640xf32>
    %reduce_sum3A_20 = vector.multi_reduction <add>, %integer_pow3A, %reduce_sum3A_19 [1] : vector<640x128xf32> to vector<640xf32>
    %broadcast_in_dim3A_21 = vector.shape_cast %reduce_sum3A_20 : vector<640xf32> to vector<640x1xf32>
    %div3A_22 = arith.constant 1.280000e+02 : f32
    %div3A_23 = vector.broadcast %div3A_22 : f32 to vector<640x1xf32>
    %div3A_24 = arith.divf %broadcast_in_dim3A_21, %div3A_23 : vector<640x1xf32>
    %sub3A_25 = vector.broadcast %div3A_17 : vector<640x1xf32> to vector<640x128xf32>
    %sub3A_26 = arith.subf %add3A_13, %sub3A_25 : vector<640x128xf32>
    %add3A_27 = arith.constant 9.99999974E-6 : f32
    %add3A_28 = vector.broadcast %add3A_27 : f32 to vector<640x1xf32>
    %add3A_29 = arith.addf %div3A_24, %add3A_28 : vector<640x1xf32>
    %rsqrt3A = math.rsqrt %add3A_29 : vector<640x1xf32>
    %mul3A_30 = vector.broadcast %rsqrt3A : vector<640x1xf32> to vector<640x128xf32>
    %mul3A_31 = arith.mulf %sub3A_26, %mul3A_30 : vector<640x128xf32>
    %get3A_32 = arith.constant 0 : index
    %get3A_33 = arith.constant 0 : index
    %get3A_34 = vector.load %arg5[%get3A_32, %get3A_33] : memref<2x128xf32, #tpu.memory_space<vmem>>, vector<1x128xf32>
    %get3A_35 = vector.shape_cast %get3A_34 : vector<1x128xf32> to vector<128xf32>
    %broadcast_in_dim3A_36 = vector.shape_cast %get3A_35 : vector<128xf32> to vector<1x128xf32>
    %mul3A_37 = vector.broadcast %broadcast_in_dim3A_36 : vector<1x128xf32> to vector<640x128xf32>
    %mul3A_38 = arith.mulf %mul3A_31, %mul3A_37 : vector<640x128xf32>
    %get3A_39 = arith.constant 0 : index
    %get3A_40 = arith.constant 0 : index
    %get3A_41 = vector.load %arg6[%get3A_39, %get3A_40] : memref<2x128xf32, #tpu.memory_space<vmem>>, vector<1x128xf32>
    %get3A_42 = vector.shape_cast %get3A_41 : vector<1x128xf32> to vector<128xf32>
    %broadcast_in_dim3A_43 = vector.shape_cast %get3A_42 : vector<128xf32> to vector<1x128xf32>
    %add3A_44 = vector.broadcast %broadcast_in_dim3A_43 : vector<1x128xf32> to vector<640x128xf32>
    %add3A_45 = arith.addf %mul3A_38, %add3A_44 : vector<640x128xf32>
    %get3A_46 = arith.constant 0 : index
    %get3A_47 = arith.constant 0 : index
    %get3A_48 = arith.constant 0 : index
    %get3A_49 = vector.load %arg1[%get3A_46, %get3A_47, %get3A_48] : memref<2x640x128xf32, #tpu.memory_space<vmem>>, vector<1x640x128xf32>
    %get3A_50 = vector.shape_cast %get3A_49 : vector<1x640x128xf32> to vector<640x128xf32>
    %max3A = arith.constant 0.000000e+00 : f32
    %max3A_51 = vector.broadcast %max3A : f32 to vector<640x128xf32>
    %max3A_52 = arith.maximumf %add3A_45, %max3A_51 : vector<640x128xf32>
    %add3A_53 = arith.addf %get3A_50, %max3A_52 : vector<640x128xf32>
    %swap3A = arith.constant 0 : index
    %swap3A_54 = arith.constant 0 : index
    %swap3A_55 = arith.constant 0 : index
    %swap3A_56 = vector.load %arg8[%swap3A, %swap3A_54, %swap3A_55] : memref<2x640x128xf32, #tpu.memory_space<vmem>>, vector<1x640x128xf32>
    %swap3A_57 = vector.shape_cast %swap3A_56 : vector<1x640x128xf32> to vector<640x128xf32>
    %swap3A_58 = vector.shape_cast %add3A_53 : vector<640x128xf32> to vector<1x640x128xf32>
    tpu.vector_store %arg8[%swap3A, %swap3A_54, %swap3A_55], %swap3A_58 {strides = array<i32>} : memref<2x640x128xf32, #tpu.memory_space<vmem>>, vector<1x640x128xf32>,
    %get3A_59 = arith.constant 0 : index
    %get3A_60 = arith.constant 0 : index
    %get3A_61 = arith.constant 0 : index
    %get3A_62 = vector.load %arg7[%get3A_59, %get3A_60, %get3A_61] : memref<2x128x128xf32, #tpu.memory_space<vmem>>, vector<1x128x128xf32>
    %get3A_63 = vector.shape_cast %get3A_62 : vector<1x128x128xf32> to vector<128x128xf32>
    %dot_general3A = arith.constant dense<0.000000e+00> : vector<640x128xf32>
    %dot_general3A_64 = tpu.matmul %add3A_53, %get3A_63, %dot_general3A {dimension_numbers = #tpu.dot_dimension_numbers<[1], [0], [0], [1], [0, 0, 1, 1], [], []>, transpose_lhs_hint = false} : vector<640x128xf32>, vector<128x128xf32>, vector<640x128xf32> -> vector<640x128xf32>
    %get3A_65 = arith.constant 0 : index
    %get3A_66 = arith.constant 0 : index
    %get3A_67 = arith.constant 0 : index
    %get3A_68 = vector.load %arg3[%get3A_65, %get3A_66, %get3A_67] : memref<2x640x128xf32, #tpu.memory_space<vmem>>, vector<1x640x128xf32>
    %get3A_69 = vector.shape_cast %get3A_68 : vector<1x640x128xf32> to vector<640x128xf32>
    %mul3A_70 = arith.mulf %dot_general3A_64, %get3A_69 : vector<640x128xf32>
    %swap3A_71 = arith.constant 0 : index
    %swap3A_72 = arith.constant 0 : index
    %swap3A_73 = arith.constant 0 : index
    %swap3A_74 = vector.load %arg9[%swap3A_71, %swap3A_72, %swap3A_73] : memref<2x640x128xf32, #tpu.memory_space<vmem>>, vector<1x640x128xf32>
    %swap3A_75 = vector.shape_cast %swap3A_74 : vector<1x640x128xf32> to vector<640x128xf32>
    %swap3A_76 = vector.shape_cast %mul3A_70 : vector<640x128xf32> to vector<1x640x128xf32>
    tpu.vector_store %arg9[%swap3A_71, %swap3A_72, %swap3A_73], %swap3A_76 {strides = array<i32>} : memref<2x640x128xf32, #tpu.memory_space<vmem>>, vector<1x640x128xf32>,
    %get3A_77 = arith.constant 1 : index
    %get3A_78 = arith.constant 0 : index
    %get3A_79 = arith.constant 0 : index
    %get3A_80 = vector.load %arg2[%get3A_77, %get3A_78, %get3A_79] : memref<2x640x128xf32, #tpu.memory_space<vmem>>, vector<1x640x128xf32>
    %get3A_81 = vector.shape_cast %get3A_80 : vector<1x640x128xf32> to vector<640x128xf32>
    %get3A_82 = arith.constant 1 : index
    %get3A_83 = arith.constant 0 : index
    %get3A_84 = arith.constant 0 : index
    %get3A_85 = vector.load %arg3[%get3A_82, %get3A_83, %get3A_84] : memref<2x640x128xf32, #tpu.memory_space<vmem>>, vector<1x640x128xf32>
    %get3A_86 = vector.shape_cast %get3A_85 : vector<1x640x128xf32> to vector<640x128xf32>
    %mul3A_87 = arith.mulf %get3A_81, %get3A_86 : vector<640x128xf32>
    %get3A_88 = arith.constant 1 : index
    %get3A_89 = arith.constant 0 : index
    %get3A_90 = vector.load %arg4[%get3A_88, %get3A_89] : memref<2x128xf32, #tpu.memory_space<vmem>>, vector<1x128xf32>
    %get3A_91 = vector.shape_cast %get3A_90 : vector<1x128xf32> to vector<128xf32>
    %broadcast_in_dim3A_92 = vector.shape_cast %get3A_91 : vector<128xf32> to vector<1x128xf32>
    %add3A_93 = vector.broadcast %broadcast_in_dim3A_92 : vector<1x128xf32> to vector<640x128xf32>
    %add3A_94 = arith.addf %mul3A_87, %add3A_93 : vector<640x128xf32>
    %reduce_sum3A_95 = arith.constant dense<0.000000e+00> : vector<640xf32>
    %reduce_sum3A_96 = vector.multi_reduction <add>, %add3A_94, %reduce_sum3A_95 [1] : vector<640x128xf32> to vector<640xf32>
    %broadcast_in_dim3A_97 = vector.shape_cast %reduce_sum3A_96 : vector<640xf32> to vector<640x1xf32>
    %div3A_98 = arith.constant 1.280000e+02 : f32
    %div3A_99 = vector.broadcast %div3A_98 : f32 to vector<640x1xf32>
    %div3A_100 = arith.divf %broadcast_in_dim3A_97, %div3A_99 : vector<640x1xf32>
    %sub3A_101 = vector.broadcast %div3A_100 : vector<640x1xf32> to vector<640x128xf32>
    %sub3A_102 = arith.subf %add3A_94, %sub3A_101 : vector<640x128xf32>
    %integer_pow3A_103 = arith.mulf %sub3A_102, %sub3A_102 : vector<640x128xf32>
    %reduce_sum3A_104 = arith.constant dense<0.000000e+00> : vector<640xf32>
    %reduce_sum3A_105 = vector.multi_reduction <add>, %integer_pow3A_103, %reduce_sum3A_104 [1] : vector<640x128xf32> to vector<640xf32>
    %broadcast_in_dim3A_106 = vector.shape_cast %reduce_sum3A_105 : vector<640xf32> to vector<640x1xf32>
    %div3A_107 = arith.constant 1.280000e+02 : f32
    %div3A_108 = vector.broadcast %div3A_107 : f32 to vector<640x1xf32>
    %div3A_109 = arith.divf %broadcast_in_dim3A_106, %div3A_108 : vector<640x1xf32>
    %sub3A_110 = vector.broadcast %div3A_100 : vector<640x1xf32> to vector<640x128xf32>
    %sub3A_111 = arith.subf %add3A_94, %sub3A_110 : vector<640x128xf32>
    %add3A_112 = arith.constant 9.99999974E-6 : f32
    %add3A_113 = vector.broadcast %add3A_112 : f32 to vector<640x1xf32>
    %add3A_114 = arith.addf %div3A_109, %add3A_113 : vector<640x1xf32>
    %rsqrt3A_115 = math.rsqrt %add3A_114 : vector<640x1xf32>
    %mul3A_116 = vector.broadcast %rsqrt3A_115 : vector<640x1xf32> to vector<640x128xf32>
    %mul3A_117 = arith.mulf %sub3A_111, %mul3A_116 : vector<640x128xf32>
    %get3A_118 = arith.constant 1 : index
    %get3A_119 = arith.constant 0 : index
    %get3A_120 = vector.load %arg5[%get3A_118, %get3A_119] : memref<2x128xf32, #tpu.memory_space<vmem>>, vector<1x128xf32>
    %get3A_121 = vector.shape_cast %get3A_120 : vector<1x128xf32> to vector<128xf32>
    %broadcast_in_dim3A_122 = vector.shape_cast %get3A_121 : vector<128xf32> to vector<1x128xf32>
    %mul3A_123 = vector.broadcast %broadcast_in_dim3A_122 : vector<1x128xf32> to vector<640x128xf32>
    %mul3A_124 = arith.mulf %mul3A_117, %mul3A_123 : vector<640x128xf32>
    %get3A_125 = arith.constant 1 : index
    %get3A_126 = arith.constant 0 : index
    %get3A_127 = vector.load %arg6[%get3A_125, %get3A_126] : memref<2x128xf32, #tpu.memory_space<vmem>>, vector<1x128xf32>
    %get3A_128 = vector.shape_cast %get3A_127 : vector<1x128xf32> to vector<128xf32>
    %broadcast_in_dim3A_129 = vector.shape_cast %get3A_128 : vector<128xf32> to vector<1x128xf32>
    %add3A_130 = vector.broadcast %broadcast_in_dim3A_129 : vector<1x128xf32> to vector<640x128xf32>
    %add3A_131 = arith.addf %mul3A_124, %add3A_130 : vector<640x128xf32>
    %get3A_132 = arith.constant 1 : index
    %get3A_133 = arith.constant 0 : index
    %get3A_134 = arith.constant 0 : index
    %get3A_135 = vector.load %arg1[%get3A_132, %get3A_133, %get3A_134] : memref<2x640x128xf32, #tpu.memory_space<vmem>>, vector<1x640x128xf32>
    %get3A_136 = vector.shape_cast %get3A_135 : vector<1x640x128xf32> to vector<640x128xf32>
    %max3A_137 = arith.constant 0.000000e+00 : f32
    %max3A_138 = vector.broadcast %max3A_137 : f32 to vector<640x128xf32>
    %max3A_139 = arith.maximumf %add3A_131, %max3A_138 : vector<640x128xf32>
    %add3A_140 = arith.addf %get3A_136, %max3A_139 : vector<640x128xf32>
    %swap3A_141 = arith.constant 1 : index
    %swap3A_142 = arith.constant 0 : index
    %swap3A_143 = arith.constant 0 : index
    %swap3A_144 = vector.load %arg8[%swap3A_141, %swap3A_142, %swap3A_143] : memref<2x640x128xf32, #tpu.memory_space<vmem>>, vector<1x640x128xf32>
    %swap3A_145 = vector.shape_cast %swap3A_144 : vector<1x640x128xf32> to vector<640x128xf32>
    %swap3A_146 = vector.shape_cast %add3A_140 : vector<640x128xf32> to vector<1x640x128xf32>
    tpu.vector_store %arg8[%swap3A_141, %swap3A_142, %swap3A_143], %swap3A_146 {strides = array<i32>} : memref<2x640x128xf32, #tpu.memory_space<vmem>>, vector<1x640x128xf32>,
    %get3A_147 = arith.constant 1 : index
    %get3A_148 = arith.constant 0 : index
    %get3A_149 = arith.constant 0 : index
    %get3A_150 = vector.load %arg7[%get3A_147, %get3A_148, %get3A_149] : memref<2x128x128xf32, #tpu.memory_space<vmem>>, vector<1x128x128xf32>
    %get3A_151 = vector.shape_cast %get3A_150 : vector<1x128x128xf32> to vector<128x128xf32>
    %dot_general3A_152 = arith.constant dense<0.000000e+00> : vector<640x128xf32>
    %dot_general3A_153 = tpu.matmul %add3A_140, %get3A_151, %dot_general3A_152 {dimension_numbers = #tpu.dot_dimension_numbers<[1], [0], [0], [1], [0, 0, 1, 1], [], []>, transpose_lhs_hint = false} : vector<640x128xf32>, vector<128x128xf32>, vector<640x128xf32> -> vector<640x128xf32>
    %get3A_154 = arith.constant 1 : index
    %get3A_155 = arith.constant 0 : index
    %get3A_156 = arith.constant 0 : index
    %get3A_157 = vector.load %arg3[%get3A_154, %get3A_155, %get3A_156] : memref<2x640x128xf32, #tpu.memory_space<vmem>>, vector<1x640x128xf32>
    %get3A_158 = vector.shape_cast %get3A_157 : vector<1x640x128xf32> to vector<640x128xf32>
    %mul3A_159 = arith.mulf %dot_general3A_153, %get3A_158 : vector<640x128xf32>
    %swap3A_160 = arith.constant 1 : index
    %swap3A_161 = arith.constant 0 : index
    %swap3A_162 = arith.constant 0 : index
    %swap3A_163 = vector.load %arg9[%swap3A_160, %swap3A_161, %swap3A_162] : memref<2x640x128xf32, #tpu.memory_space<vmem>>, vector<1x640x128xf32>
    %swap3A_164 = vector.shape_cast %swap3A_163 : vector<1x640x128xf32> to vector<640x128xf32>
    %swap3A_165 = vector.shape_cast %mul3A_159 : vector<640x128xf32> to vector<1x640x128xf32>
    tpu.vector_store %arg9[%swap3A_160, %swap3A_161, %swap3A_162], %swap3A_165 {strides = array<i32>} : memref<2x640x128xf32, #tpu.memory_space<vmem>>, vector<1x640x128xf32>,
    return
  }
  func.func @transform_0(%arg0: i32) -> (i32, i32, i32) {
    %c0_i32 = arith.constant 0 : i32
    %c0_i32_0 = arith.constant 0 : i32
    %c0_i32_1 = arith.constant 0 : i32
    return %c0_i32, %arg0, %c0_i32_0 : i32, i32, i32
  }
  func.func @transform_1(%arg0: i32) -> (i32, i32, i32) {
    %c0_i32 = arith.constant 0 : i32
    %c0_i32_0 = arith.constant 0 : i32
    %c0_i32_1 = arith.constant 0 : i32
    return %c0_i32, %arg0, %c0_i32_0 : i32, i32, i32
  }
  func.func @transform_2(%arg0: i32) -> (i32, i32, i32) {
    %c0_i32 = arith.constant 0 : i32
    %c0_i32_0 = arith.constant 0 : i32
    %c0_i32_1 = arith.constant 0 : i32
    return %c0_i32, %arg0, %c0_i32_0 : i32, i32, i32
  }
  func.func @transform_3(%arg0: i32) -> (i32, i32) {
    %c0_i32 = arith.constant 0 : i32
    %c0_i32_0 = arith.constant 0 : i32
    %c0_i32_1 = arith.constant 0 : i32
    return %c0_i32, %c0_i32_0 : i32, i32
  }
  func.func @transform_4(%arg0: i32) -> (i32, i32) {
    %c0_i32 = arith.constant 0 : i32
    %c0_i32_0 = arith.constant 0 : i32
    %c0_i32_1 = arith.constant 0 : i32
    return %c0_i32, %c0_i32_0 : i32, i32
  }
  func.func @transform_5(%arg0: i32) -> (i32, i32) {
    %c0_i32 = arith.constant 0 : i32
    %c0_i32_0 = arith.constant 0 : i32
    %c0_i32_1 = arith.constant 0 : i32
    return %c0_i32, %c0_i32_0 : i32, i32
  }
  func.func @transform_6(%arg0: i32) -> (i32, i32, i32) {
    %c0_i32 = arith.constant 0 : i32
    %c0_i32_0 = arith.constant 0 : i32
    %c0_i32_1 = arith.constant 0 : i32
    %c0_i32_2 = arith.constant 0 : i32
    return %c0_i32, %c0_i32_0, %c0_i32_1 : i32, i32, i32
  }
  func.func @transform_7(%arg0: i32) -> (i32, i32, i32) {
    %c0_i32 = arith.constant 0 : i32
    %c0_i32_0 = arith.constant 0 : i32
    %c0_i32_1 = arith.constant 0 : i32
    return %c0_i32, %arg0, %c0_i32_0 : i32, i32, i32
  }
  func.func @transform_8(%arg0: i32) -> (i32, i32, i32) {
    %c0_i32 = arith.constant 0 : i32
    %c0_i32_0 = arith.constant 0 : i32
    %c0_i32_1 = arith.constant 0 : i32
    return %c0_i32, %arg0, %c0_i32_0 : i32, i32, i32
  }
}

module attributes {stable_mosaic.version = 14 : i64} {
  func.func @_final_tc(%arg0: i32, %arg1: memref<2x640x128xf32, #tpu.memory_space<vmem>>, %arg2: memref<2x640x128xf32, #tpu.memory_space<vmem>>, %arg3: memref<2x640x128xf32, #tpu.memory_space<vmem>>, %arg4: memref<2x128xf32, #tpu.memory_space<vmem>>, %arg5: memref<2x128xf32, #tpu.memory_space<vmem>>, %arg6: memref<2x128xf32, #tpu.memory_space<vmem>>, %arg7: memref<2x128x10xf32, #tpu.memory_space<vmem>>, %arg8: memref<1x10xf32, #tpu.memory_space<vmem>>, %arg9: memref<640x10xf32, #tpu.memory_space<vmem>>) attributes {dimension_semantics = [#tpu.dimension_semantics<arbitrary>], iteration_bounds = array<i64: 16>, scalar_prefetch = 0 : i64, scratch_operands = 0 : i64, tpu.core_type = #tpu.core_type<tc>, window_params = [{transform_indices = @transform_0, window_bounds = array<i64: 2, 640, 128>}, {transform_indices = @transform_1, window_bounds = array<i64: 2, 640, 128>}, {transform_indices = @transform_2, window_bounds = array<i64: 2, 640, 128>}, {pipeline_mode = #tpu.pipeline_mode<synchronous>, transform_indices = @transform_3, window_bounds = array<i64: 2, 128>}, {pipeline_mode = #tpu.pipeline_mode<synchronous>, transform_indices = @transform_4, window_bounds = array<i64: 2, 128>}, {pipeline_mode = #tpu.pipeline_mode<synchronous>, transform_indices = @transform_5, window_bounds = array<i64: 2, 128>}, {pipeline_mode = #tpu.pipeline_mode<synchronous>, transform_indices = @transform_6, window_bounds = array<i64: 2, 128, 10>}, {pipeline_mode = #tpu.pipeline_mode<synchronous>, transform_indices = @transform_7, window_bounds = array<i64: 1, 10>}, {transform_indices = @transform_8, window_bounds = array<i64: 640, 10>}]} {
    %get3A = arith.constant 0 : index
    %get3A_0 = arith.constant 0 : index
    %get3A_1 = arith.constant 0 : index
    %get3A_2 = vector.load %arg2[%get3A, %get3A_0, %get3A_1] : memref<2x640x128xf32, #tpu.memory_space<vmem>>, vector<1x640x128xf32>
    %get3A_3 = vector.shape_cast %get3A_2 : vector<1x640x128xf32> to vector<640x128xf32>
    %get3A_4 = arith.constant 0 : index
    %get3A_5 = arith.constant 0 : index
    %get3A_6 = arith.constant 0 : index
    %get3A_7 = vector.load %arg3[%get3A_4, %get3A_5, %get3A_6] : memref<2x640x128xf32, #tpu.memory_space<vmem>>, vector<1x640x128xf32>
    %get3A_8 = vector.shape_cast %get3A_7 : vector<1x640x128xf32> to vector<640x128xf32>
    %mul3A = arith.mulf %get3A_3, %get3A_8 : vector<640x128xf32>
    %get3A_9 = arith.constant 0 : index
    %get3A_10 = arith.constant 0 : index
    %get3A_11 = vector.load %arg4[%get3A_9, %get3A_10] : memref<2x128xf32, #tpu.memory_space<vmem>>, vector<1x128xf32>
    %get3A_12 = vector.shape_cast %get3A_11 : vector<1x128xf32> to vector<128xf32>
    %broadcast_in_dim3A = vector.shape_cast %get3A_12 : vector<128xf32> to vector<1x128xf32>
    %add3A = vector.broadcast %broadcast_in_dim3A : vector<1x128xf32> to vector<640x128xf32>
    %add3A_13 = arith.addf %mul3A, %add3A : vector<640x128xf32>
    %reduce_sum3A = arith.constant dense<0.000000e+00> : vector<640xf32>
    %reduce_sum3A_14 = vector.multi_reduction <add>, %add3A_13, %reduce_sum3A [1] : vector<640x128xf32> to vector<640xf32>
    %broadcast_in_dim3A_15 = vector.shape_cast %reduce_sum3A_14 : vector<640xf32> to vector<640x1xf32>
    %div3A = arith.constant 1.280000e+02 : f32
    %div3A_16 = vector.broadcast %div3A : f32 to vector<640x1xf32>
    %div3A_17 = arith.divf %broadcast_in_dim3A_15, %div3A_16 : vector<640x1xf32>
    %sub3A = vector.broadcast %div3A_17 : vector<640x1xf32> to vector<640x128xf32>
    %sub3A_18 = arith.subf %add3A_13, %sub3A : vector<640x128xf32>
    %integer_pow3A = arith.mulf %sub3A_18, %sub3A_18 : vector<640x128xf32>
    %reduce_sum3A_19 = arith.constant dense<0.000000e+00> : vector<640xf32>
    %reduce_sum3A_20 = vector.multi_reduction <add>, %integer_pow3A, %reduce_sum3A_19 [1] : vector<640x128xf32> to vector<640xf32>
    %broadcast_in_dim3A_21 = vector.shape_cast %reduce_sum3A_20 : vector<640xf32> to vector<640x1xf32>
    %div3A_22 = arith.constant 1.280000e+02 : f32
    %div3A_23 = vector.broadcast %div3A_22 : f32 to vector<640x1xf32>
    %div3A_24 = arith.divf %broadcast_in_dim3A_21, %div3A_23 : vector<640x1xf32>
    %sub3A_25 = vector.broadcast %div3A_17 : vector<640x1xf32> to vector<640x128xf32>
    %sub3A_26 = arith.subf %add3A_13, %sub3A_25 : vector<640x128xf32>
    %add3A_27 = arith.constant 9.99999974E-6 : f32
    %add3A_28 = vector.broadcast %add3A_27 : f32 to vector<640x1xf32>
    %add3A_29 = arith.addf %div3A_24, %add3A_28 : vector<640x1xf32>
    %rsqrt3A = math.rsqrt %add3A_29 : vector<640x1xf32>
    %mul3A_30 = vector.broadcast %rsqrt3A : vector<640x1xf32> to vector<640x128xf32>
    %mul3A_31 = arith.mulf %sub3A_26, %mul3A_30 : vector<640x128xf32>
    %get3A_32 = arith.constant 0 : index
    %get3A_33 = arith.constant 0 : index
    %get3A_34 = vector.load %arg5[%get3A_32, %get3A_33] : memref<2x128xf32, #tpu.memory_space<vmem>>, vector<1x128xf32>
    %get3A_35 = vector.shape_cast %get3A_34 : vector<1x128xf32> to vector<128xf32>
    %broadcast_in_dim3A_36 = vector.shape_cast %get3A_35 : vector<128xf32> to vector<1x128xf32>
    %mul3A_37 = vector.broadcast %broadcast_in_dim3A_36 : vector<1x128xf32> to vector<640x128xf32>
    %mul3A_38 = arith.mulf %mul3A_31, %mul3A_37 : vector<640x128xf32>
    %get3A_39 = arith.constant 0 : index
    %get3A_40 = arith.constant 0 : index
    %get3A_41 = vector.load %arg6[%get3A_39, %get3A_40] : memref<2x128xf32, #tpu.memory_space<vmem>>, vector<1x128xf32>
    %get3A_42 = vector.shape_cast %get3A_41 : vector<1x128xf32> to vector<128xf32>
    %broadcast_in_dim3A_43 = vector.shape_cast %get3A_42 : vector<128xf32> to vector<1x128xf32>
    %add3A_44 = vector.broadcast %broadcast_in_dim3A_43 : vector<1x128xf32> to vector<640x128xf32>
    %add3A_45 = arith.addf %mul3A_38, %add3A_44 : vector<640x128xf32>
    %get3A_46 = arith.constant 0 : index
    %get3A_47 = arith.constant 0 : index
    %get3A_48 = arith.constant 0 : index
    %get3A_49 = vector.load %arg1[%get3A_46, %get3A_47, %get3A_48] : memref<2x640x128xf32, #tpu.memory_space<vmem>>, vector<1x640x128xf32>
    %get3A_50 = vector.shape_cast %get3A_49 : vector<1x640x128xf32> to vector<640x128xf32>
    %max3A = arith.constant 0.000000e+00 : f32
    %max3A_51 = vector.broadcast %max3A : f32 to vector<640x128xf32>
    %max3A_52 = arith.maximumf %add3A_45, %max3A_51 : vector<640x128xf32>
    %add3A_53 = arith.addf %get3A_50, %max3A_52 : vector<640x128xf32>
    %get3A_54 = arith.constant 1 : index
    %get3A_55 = arith.constant 0 : index
    %get3A_56 = arith.constant 0 : index
    %get3A_57 = vector.load %arg2[%get3A_54, %get3A_55, %get3A_56] : memref<2x640x128xf32, #tpu.memory_space<vmem>>, vector<1x640x128xf32>
    %get3A_58 = vector.shape_cast %get3A_57 : vector<1x640x128xf32> to vector<640x128xf32>
    %get3A_59 = arith.constant 1 : index
    %get3A_60 = arith.constant 0 : index
    %get3A_61 = arith.constant 0 : index
    %get3A_62 = vector.load %arg3[%get3A_59, %get3A_60, %get3A_61] : memref<2x640x128xf32, #tpu.memory_space<vmem>>, vector<1x640x128xf32>
    %get3A_63 = vector.shape_cast %get3A_62 : vector<1x640x128xf32> to vector<640x128xf32>
    %mul3A_64 = arith.mulf %get3A_58, %get3A_63 : vector<640x128xf32>
    %get3A_65 = arith.constant 1 : index
    %get3A_66 = arith.constant 0 : index
    %get3A_67 = vector.load %arg4[%get3A_65, %get3A_66] : memref<2x128xf32, #tpu.memory_space<vmem>>, vector<1x128xf32>
    %get3A_68 = vector.shape_cast %get3A_67 : vector<1x128xf32> to vector<128xf32>
    %broadcast_in_dim3A_69 = vector.shape_cast %get3A_68 : vector<128xf32> to vector<1x128xf32>
    %add3A_70 = vector.broadcast %broadcast_in_dim3A_69 : vector<1x128xf32> to vector<640x128xf32>
    %add3A_71 = arith.addf %mul3A_64, %add3A_70 : vector<640x128xf32>
    %reduce_sum3A_72 = arith.constant dense<0.000000e+00> : vector<640xf32>
    %reduce_sum3A_73 = vector.multi_reduction <add>, %add3A_71, %reduce_sum3A_72 [1] : vector<640x128xf32> to vector<640xf32>
    %broadcast_in_dim3A_74 = vector.shape_cast %reduce_sum3A_73 : vector<640xf32> to vector<640x1xf32>
    %div3A_75 = arith.constant 1.280000e+02 : f32
    %div3A_76 = vector.broadcast %div3A_75 : f32 to vector<640x1xf32>
    %div3A_77 = arith.divf %broadcast_in_dim3A_74, %div3A_76 : vector<640x1xf32>
    %sub3A_78 = vector.broadcast %div3A_77 : vector<640x1xf32> to vector<640x128xf32>
    %sub3A_79 = arith.subf %add3A_71, %sub3A_78 : vector<640x128xf32>
    %integer_pow3A_80 = arith.mulf %sub3A_79, %sub3A_79 : vector<640x128xf32>
    %reduce_sum3A_81 = arith.constant dense<0.000000e+00> : vector<640xf32>
    %reduce_sum3A_82 = vector.multi_reduction <add>, %integer_pow3A_80, %reduce_sum3A_81 [1] : vector<640x128xf32> to vector<640xf32>
    %broadcast_in_dim3A_83 = vector.shape_cast %reduce_sum3A_82 : vector<640xf32> to vector<640x1xf32>
    %div3A_84 = arith.constant 1.280000e+02 : f32
    %div3A_85 = vector.broadcast %div3A_84 : f32 to vector<640x1xf32>
    %div3A_86 = arith.divf %broadcast_in_dim3A_83, %div3A_85 : vector<640x1xf32>
    %sub3A_87 = vector.broadcast %div3A_77 : vector<640x1xf32> to vector<640x128xf32>
    %sub3A_88 = arith.subf %add3A_71, %sub3A_87 : vector<640x128xf32>
    %add3A_89 = arith.constant 9.99999974E-6 : f32
    %add3A_90 = vector.broadcast %add3A_89 : f32 to vector<640x1xf32>
    %add3A_91 = arith.addf %div3A_86, %add3A_90 : vector<640x1xf32>
    %rsqrt3A_92 = math.rsqrt %add3A_91 : vector<640x1xf32>
    %mul3A_93 = vector.broadcast %rsqrt3A_92 : vector<640x1xf32> to vector<640x128xf32>
    %mul3A_94 = arith.mulf %sub3A_88, %mul3A_93 : vector<640x128xf32>
    %get3A_95 = arith.constant 1 : index
    %get3A_96 = arith.constant 0 : index
    %get3A_97 = vector.load %arg5[%get3A_95, %get3A_96] : memref<2x128xf32, #tpu.memory_space<vmem>>, vector<1x128xf32>
    %get3A_98 = vector.shape_cast %get3A_97 : vector<1x128xf32> to vector<128xf32>
    %broadcast_in_dim3A_99 = vector.shape_cast %get3A_98 : vector<128xf32> to vector<1x128xf32>
    %mul3A_100 = vector.broadcast %broadcast_in_dim3A_99 : vector<1x128xf32> to vector<640x128xf32>
    %mul3A_101 = arith.mulf %mul3A_94, %mul3A_100 : vector<640x128xf32>
    %get3A_102 = arith.constant 1 : index
    %get3A_103 = arith.constant 0 : index
    %get3A_104 = vector.load %arg6[%get3A_102, %get3A_103] : memref<2x128xf32, #tpu.memory_space<vmem>>, vector<1x128xf32>
    %get3A_105 = vector.shape_cast %get3A_104 : vector<1x128xf32> to vector<128xf32>
    %broadcast_in_dim3A_106 = vector.shape_cast %get3A_105 : vector<128xf32> to vector<1x128xf32>
    %add3A_107 = vector.broadcast %broadcast_in_dim3A_106 : vector<1x128xf32> to vector<640x128xf32>
    %add3A_108 = arith.addf %mul3A_101, %add3A_107 : vector<640x128xf32>
    %get3A_109 = arith.constant 1 : index
    %get3A_110 = arith.constant 0 : index
    %get3A_111 = arith.constant 0 : index
    %get3A_112 = vector.load %arg1[%get3A_109, %get3A_110, %get3A_111] : memref<2x640x128xf32, #tpu.memory_space<vmem>>, vector<1x640x128xf32>
    %get3A_113 = vector.shape_cast %get3A_112 : vector<1x640x128xf32> to vector<640x128xf32>
    %max3A_114 = arith.constant 0.000000e+00 : f32
    %max3A_115 = vector.broadcast %max3A_114 : f32 to vector<640x128xf32>
    %max3A_116 = arith.maximumf %add3A_108, %max3A_115 : vector<640x128xf32>
    %add3A_117 = arith.addf %get3A_113, %max3A_116 : vector<640x128xf32>
    %get3A_118 = arith.constant 0 : index
    %get3A_119 = arith.constant 0 : index
    %get3A_120 = arith.constant 0 : index
    %get3A_121 = vector.load %arg7[%get3A_118, %get3A_119, %get3A_120] : memref<2x128x10xf32, #tpu.memory_space<vmem>>, vector<1x128x10xf32>
    %get3A_122 = vector.shape_cast %get3A_121 : vector<1x128x10xf32> to vector<128x10xf32>
    %dot_general3A = arith.constant dense<0.000000e+00> : vector<640x10xf32>
    %dot_general3A_123 = tpu.matmul %add3A_53, %get3A_122, %dot_general3A {dimension_numbers = #tpu.dot_dimension_numbers<[1], [0], [0], [1], [0, 0, 1, 1], [], []>, transpose_lhs_hint = false} : vector<640x128xf32>, vector<128x10xf32>, vector<640x10xf32> -> vector<640x10xf32>
    %get3A_124 = arith.constant 1 : index
    %get3A_125 = arith.constant 0 : index
    %get3A_126 = arith.constant 0 : index
    %get3A_127 = vector.load %arg7[%get3A_124, %get3A_125, %get3A_126] : memref<2x128x10xf32, #tpu.memory_space<vmem>>, vector<1x128x10xf32>
    %get3A_128 = vector.shape_cast %get3A_127 : vector<1x128x10xf32> to vector<128x10xf32>
    %dot_general3A_129 = arith.constant dense<0.000000e+00> : vector<640x10xf32>
    %dot_general3A_130 = tpu.matmul %add3A_117, %get3A_128, %dot_general3A_129 {dimension_numbers = #tpu.dot_dimension_numbers<[1], [0], [0], [1], [0, 0, 1, 1], [], []>, transpose_lhs_hint = false} : vector<640x128xf32>, vector<128x10xf32>, vector<640x10xf32> -> vector<640x10xf32>
    %add3A_131 = arith.addf %dot_general3A_123, %dot_general3A_130 : vector<640x10xf32>
    %get3A_132 = arith.constant 0 : index
    %get3A_133 = arith.constant 0 : index
    %get3A_134 = vector.load %arg8[%get3A_132, %get3A_133] : memref<1x10xf32, #tpu.memory_space<vmem>>, vector<1x10xf32>
    %get3A_135 = vector.shape_cast %get3A_134 : vector<1x10xf32> to vector<10xf32>
    %broadcast_in_dim3A_136 = vector.shape_cast %get3A_135 : vector<10xf32> to vector<1x10xf32>
    %add3A_137 = vector.broadcast %broadcast_in_dim3A_136 : vector<1x10xf32> to vector<640x10xf32>
    %add3A_138 = arith.addf %add3A_131, %add3A_137 : vector<640x10xf32>
    %swap3A = arith.constant 0 : index
    %swap3A_139 = arith.constant 0 : index
    %swap3A_140 = vector.load %arg9[%swap3A, %swap3A_139] : memref<640x10xf32, #tpu.memory_space<vmem>>, vector<640x10xf32>
    tpu.vector_store %arg9[%swap3A, %swap3A_139], %add3A_138 {strides = array<i32>} : memref<640x10xf32, #tpu.memory_space<vmem>>, vector<640x10xf32>,
    return
  }
  func.func @transform_0(%arg0: i32) -> (i32, i32, i32) {
    %c0_i32 = arith.constant 0 : i32
    %c0_i32_0 = arith.constant 0 : i32
    %c0_i32_1 = arith.constant 0 : i32
    return %c0_i32, %arg0, %c0_i32_0 : i32, i32, i32
  }
  func.func @transform_1(%arg0: i32) -> (i32, i32, i32) {
    %c0_i32 = arith.constant 0 : i32
    %c0_i32_0 = arith.constant 0 : i32
    %c0_i32_1 = arith.constant 0 : i32
    return %c0_i32, %arg0, %c0_i32_0 : i32, i32, i32
  }
  func.func @transform_2(%arg0: i32) -> (i32, i32, i32) {
    %c0_i32 = arith.constant 0 : i32
    %c0_i32_0 = arith.constant 0 : i32
    %c0_i32_1 = arith.constant 0 : i32
    return %c0_i32, %arg0, %c0_i32_0 : i32, i32, i32
  }
  func.func @transform_3(%arg0: i32) -> (i32, i32) {
    %c0_i32 = arith.constant 0 : i32
    %c0_i32_0 = arith.constant 0 : i32
    %c0_i32_1 = arith.constant 0 : i32
    return %c0_i32, %c0_i32_0 : i32, i32
  }
  func.func @transform_4(%arg0: i32) -> (i32, i32) {
    %c0_i32 = arith.constant 0 : i32
    %c0_i32_0 = arith.constant 0 : i32
    %c0_i32_1 = arith.constant 0 : i32
    return %c0_i32, %c0_i32_0 : i32, i32
  }
  func.func @transform_5(%arg0: i32) -> (i32, i32) {
    %c0_i32 = arith.constant 0 : i32
    %c0_i32_0 = arith.constant 0 : i32
    %c0_i32_1 = arith.constant 0 : i32
    return %c0_i32, %c0_i32_0 : i32, i32
  }
  func.func @transform_6(%arg0: i32) -> (i32, i32, i32) {
    %c0_i32 = arith.constant 0 : i32
    %c0_i32_0 = arith.constant 0 : i32
    %c0_i32_1 = arith.constant 0 : i32
    %c0_i32_2 = arith.constant 0 : i32
    return %c0_i32, %c0_i32_0, %c0_i32_1 : i32, i32, i32
  }
  func.func @transform_7(%arg0: i32) -> (i32, i32) {
    %c0_i32 = arith.constant 0 : i32
    %c0_i32_0 = arith.constant 0 : i32
    %c0_i32_1 = arith.constant 0 : i32
    return %c0_i32, %c0_i32_0 : i32, i32
  }
  func.func @transform_8(%arg0: i32) -> (i32, i32) {
    %c0_i32 = arith.constant 0 : i32
    %c0_i32_0 = arith.constant 0 : i32
    return %arg0, %c0_i32 : i32, i32
  }
}

</mosaic_0001>

<sc_bundles>
// kernel: kernel.11.cloned.1.call-start
scs
__scs_entry_jumppad:
0x0: {  	(pc) =	sbr.rel $0x88, $3  }
0x1: {  	(tag) =	ssettag $0x0;
	lr =	simm.s32 $0x1  }
0x2: {  	[smem:$0x3F93] =	sst lr;
	_ =	strace $0xD0000000  }
0x3: {  	_ = 	snop  }
0x4: {  	_ = 	snop  }
0x5: {  	_ = 	snop  }
0x6: {  	_ = 	snop  }
0x7: {  	_ = 	snop  }
__scs_overlays_trampoline_lowered:
0x8: {  	[smem:$0x3FA2] =	sst s0  }
0x9: {  	[smem:$0x3FA3] =	sst s1  }
0xa: {  	[smem:$0x3FA4] =	sst s2  }
0xb: {  	[smem:$0x3FA5] =	sst s3  }
0xc: {  	[smem:$0x3FA6] =	sst s4  }
0xd: {  	[smem:$0x3FA7] =	sst s5  }
0xe: {  	[smem:$0x3FA8] =	sst s6  }
0xf: {  	[smem:$0x3FA9] =	sst s7  }
0x10: {  	[smem:$0x3FAA] =	sst s8  }
0x11: {  	[smem:$0x3FAB] =	sst s9;
	s0 =	simm.s32 @!p0 $0x0  }
0x12: {  	s1 =	sld [smem:$0x3F91];
	s0 =	simm.s32 @p0 $0x1  }
0x13: {  	[smem:$0x3FAC] =	sst s0;
	s0 =	simm.s32 @!p1 $0x0  }
0x14: {  	s2 =	sld [smem:$0x3F90];
	s0 =	simm.s32 @p1 $0x1  }
0x15: {  	[smem:$0x3FAD] =	sst s0;
	s0 =	simm.s32 @!p2 $0x0  }
0x16: {  	s3 =	sld [smem:$0x3FDB];
	s0 =	simm.s32 @p2 $0x1  }
0x17: {  	s4 =	simm.s32 $0x1BF5;
	[smem:$0x3FAF] =	sst s0  }
0x18: {  	s0 =	sld [smem:$0x3F92];
	_ =	swait.ge [sflag:s4], $0x0  }
0x19: {  	s7 =	sld [smem:$0x3F93]  }
0x1a: {  	s8 =	sadd.s32 $0xFFFFE003, lr  }
0x1b: {  	s9 =	sadd.s32 $0xFFFFFEF7, lr;
	s5 =	simm.s32 $0xFFFFFFFF;
	p2 =	slt.u32 s8, $0xFFFFF086  }
0x1c: {  	p1 =	slt.u32 s9, $0xF7A;
	s5 =	simm.s32 @!p2 $0x0  }
0x1d: {  	s5 =	simm.s32 @p1 $0x1;
	p0 =	seq.s32 s7, s2  }
0x1e: {  	s7 =	smul.u32 @!p0 $0xF7A, s2;
	p2 =	seq.s32 @!p0 s5, $0x0  }
0x1f: {  	s9 =	smul.u32 $0xF7A, s1;
	s8 =	simm.s32 @!p0 $0x1BF5;
	p2 =	por !p2, p0  }
0x20: {  	[sflag:s8] =	ssyncset.s32 @!p0 $0xFFFFF086;
	s6 =	sadd.s32 @!p0 s3, s7;
	s7 =	simm.s32 @!p0 $0x108  }
0x21: {  	s3 =	sadd.s32 s3, s9;
	s6 =	sadd.s32 @!p0 $0x88, s6;
	s7 =	simm.s32 @p2 $0x1082  }
0x22: {  	[simem:s7], [sflag:s8] =	dma.local @!p0 [hbm:s6], $0xF7A  }
0x23: {  	s9 =	sor.u32 $0xD0000000, s2;
	s6 =	simm.s32 $0x108;
	_ =	swait.ge @!p0 [sflag:s8], $0x0  }
0x24: {  	s3 =	sadd.s32 $0x88, s3;
	s6 =	simm.s32 @!p1 $0x1082;
	[sflag:s4] =	ssyncset.s32 $0xFFFFF086  }
0x25: {  	[simem:s6], [sflag:s4] =	dma.local [hbm:s3], $0xF7A  }
0x26: {  	[smem:$0x3F93] =	sst s1;
	(tag) =	ssettag s2;
	_ =	strace s9  }
0x27: {  	s1 =	sld [smem:$0x3FA3]  }
0x28: {  	s2 =	sld [smem:$0x3FA4]  }
0x29: {  	s4 =	sld [smem:$0x3FA6]  }
0x2a: {  	p0 =	seq.s32 s5, $0x0;
	s5 =	sld [smem:$0x3FA7]  }
0x2b: {  	s6 =	sld [smem:$0x3FA8]  }
0x2c: {  	s7 =	sld [smem:$0x3FA9]  }
0x2d: {  	s3 =	simm.s32 $0x108;
	s8 =	sld [smem:$0x3FAA]  }
0x2e: {  	s3 =	simm.s32 @!p0 $0x1082;
	s9 =	sld [smem:$0x3FAB]  }
0x2f: {  	lr =	sadd.s32 s0, s3;
	s0 =	sld [smem:$0x3FA2]  }
0x30: {  	s3 =	sld [smem:$0x3FA5]  }
0x31: {  	[smem:$0x3FAE] =	sst s10  }
0x32: {  	s10 =	sld [smem:$0x3FAC];
	_ =	sdelay $0x3  }
0x33: {  	p0 =	seq.s32 s10, $0x1;
	s10 =	sld [smem:$0x3FAE];
	_ =	sdelay $0x3  }
0x34: {  	[smem:$0x3FAE] =	sst s10  }
0x35: {  	s10 =	sld [smem:$0x3FAD];
	_ =	sdelay $0x3  }
0x36: {  	p1 =	seq.s32 s10, $0x1;
	s10 =	sld [smem:$0x3FAE];
	_ =	sdelay $0x3  }
0x37: {  	[smem:$0x3FAE] =	sst s10  }
0x38: {  	s10 =	sld [smem:$0x3FAF]  }
0x39: {  	_ = 	snop;
	(pc) =	sbr.ind lr, $3  }
0x3a: {  	_ = 	snop  }
0x3b: {  	_ = 	snop  }
0x3c: {  	p2 =	seq.s32 s10, $0x1;
	s10 =	sld [smem:$0x3FAE]  }
0x3d: {  	_ =	shalt  }
0x3e: {  	_ =	shalt  }
0x3f: {  	_ =	shalt  }
0x40: {  	_ =	shalt  }
0x41: {  	_ =	shalt  }
0x42: {  	_ =	shalt  }
0x43: {  	_ =	shalt  }
0x44: {  	_ =	shalt  }
0x45: {  	_ =	shalt  }
0x46: {  	_ =	shalt  }
0x47: {  	_ =	shalt  }
0x48: {  	_ =	shalt  }
0x49: {  	_ =	shalt  }
0x4a: {  	_ =	shalt  }
0x4b: {  	_ =	shalt  }
0x4c: {  	_ =	shalt  }
0x4d: {  	_ =	shalt  }
0x4e: {  	_ =	shalt  }
0x4f: {  	_ =	shalt  }
0x50: {  	_ =	shalt  }
0x51: {  	_ =	shalt  }
0x52: {  	_ =	shalt  }
0x53: {  	_ =	shalt  }
0x54: {  	_ =	shalt  }
0x55: {  	_ =	shalt  }
0x56: {  	_ =	shalt  }
0x57: {  	_ =	shalt  }
0x58: {  	_ =	shalt  }
0x59: {  	_ =	shalt  }
0x5a: {  	_ =	shalt  }
0x5b: {  	_ =	shalt  }
0x5c: {  	_ =	shalt  }
0x5d: {  	_ =	shalt  }
0x5e: {  	_ =	shalt  }
0x5f: {  	_ =	shalt  }
0x60: {  	_ =	shalt  }
0x61: {  	_ =	shalt  }
0x62: {  	_ =	shalt  }
0x63: {  	_ =	shalt  }
0x64: {  	_ =	shalt  }
0x65: {  	_ =	shalt  }
0x66: {  	_ =	shalt  }
0x67: {  	_ =	shalt  }
0x68: {  	_ =	shalt  }
0x69: {  	_ =	shalt  }
0x6a: {  	_ =	shalt  }
0x6b: {  	_ =	shalt  }
0x6c: {  	_ =	shalt  }
0x6d: {  	_ =	shalt  }
0x6e: {  	_ =	shalt  }
0x6f: {  	_ =	shalt  }
0x70: {  	_ =	shalt  }
0x71: {  	_ =	shalt  }
0x72: {  	_ =	shalt  }
0x73: {  	_ =	shalt  }
0x74: {  	_ =	shalt  }
0x75: {  	_ =	shalt  }
0x76: {  	_ =	shalt  }
0x77: {  	_ =	shalt  }
0x78: {  	_ =	shalt  }
0x79: {  	_ =	shalt  }
0x7a: {  	_ =	shalt  }
0x7b: {  	_ =	shalt  }
0x7c: {  	_ =	shalt  }
0x7d: {  	_ =	shalt  }
0x7e: {  	_ =	shalt  }
0x7f: {  	_ =	shalt  }
0x80: {  	_ =	shalt  }
0x81: {  	_ =	shalt  }
0x82: {  	_ =	shalt  }
0x83: {  	_ =	shalt  }
0x84: {  	_ =	shalt  }
0x85: {  	_ =	shalt  }
0x86: {  	_ =	shalt  }
0x87: {  	_ =	shalt  }
.Lfunc_end0:
.L_simem_size_0:
called_computation_lowered:
.L_overlay_start_0:
0x88: {  	s2 =	sld [smem:$0x3FD9]  }
0x89: {  	s3 =	sld [smem:$0x3FFE];
	_ =	sdelay $0x1  }
0x8a: {  	s1 =	srdreg.scid  }
0x8b: {  	s0 =	sand.u32 $0x1, s1  }
0x8c: {  	s17 =	sshll.u32 s0, $0xA;
	s2 =	sadd.s32 s3, s2  }
0x8d: {  	s2 =	sadd.s32 s2, s17  }
0x8e: {  	[smem:$0x3FBA] =	sst s2  }
0x8f: {  	_ = 	snop  }
0x90: {  	s2 =	sld [smem:$0x3FD0];
	(tm) =	ssettm $0x1  }
0x91: {  	s18 =	sld [smem:$0x3FFB];
	_ =	sdelay $0x3  }
0x92: {  	_ =	strace s18  }
0x93: {  	s3 =	sld [smem:$0x3FFC];
	_ =	sdelay $0x3  }
0x94: {  	_ =	strace s3  }
0x95: {  	s3 =	sld [smem:$0x3FFD];
	_ =	sdelay $0x3  }
0x96: {  	_ =	strace s3  }
0x97: {  	_ =	strace $0x8FFFFFFF  }
0x98: {  	s19 =	sld [smem:$0x3FDB];
	_ =	sdelay $0x1  }
0x99: {  	s4 =	simm.s32 $_scs_section_size  }
0x9a: {  	s5 =	simm.s32 $_size__tile_overlayer_lowered;
	s6 =	simm.s32 $_tile_overlayer_lowered  }
0x9b: {  	s22 =	simm.s32 $0x1BFF;
	s21 =	sshll.u32 s6, $0x1;
	s3 =	sadd.s32 s4, s19  }
0x9c: {  	s7 =	simm.s32 $0x0;
	s20 =	sshll.u32 s5, $0x1;
	s5 =	sadd.s32 s21, s3  }
0x9d: {  	[timem:s7], [sflag:s22] =	dma.local [hbm:s5], s20  }
0x9e: {  	_ =	swait.ge [sflag:s22], s20  }
0x9f: {  	s4 =	ssub.s32 $0x0, s20;
	[sflag:s22] =	ssyncset.done $0x0  }
0xa0: {  	[sflag:s22] =	ssyncadd.s32 s4;
	_ =	sdelay $0x1  }
0xa1: {  	s23 =	simm.s32 $0x1B8B  }
0xa2: {  	_ =	swait.ge [sflag:s23], $0x1  }
0xa3: {  	[sflag:s23] =	ssyncset.done $0x0  }
0xa4: {  	s25 =	simm.s32 $0x1B8E;
	s24 =	sld [smem:$0x3FFE];
	[sflag:s23] =	ssyncadd.s32 $0xFFFFFFFF  }
0xa5: {  	s26 =	simm.s32 $execute0_lowered;
	[smem:$0x3FD2] =	sst s25  }
0xa6: {  	s5 =	sshll.u32 s26, $0x1;
	_ =	strace $0x80000046;
	[dreg:$0x1] =	wrdreg $0xFFFFFFFF  }
0xa7: {  	s28 =	simm.s32 $_size_execute0_lowered;
	s3 =	sadd.s32 s3, s5;
	[dreg:$0x0] =	wrdreg $0x0  }
0xa8: {  	s5 =	sshll.u32 s28, $0x1;
	[dreg:$0x2] =	wrdreg s3  }
0xa9: {  	[dreg:$0x3] =	wrdreg s5  }
0xaa: {  	[dreg:$0x4] =	wrdreg $0xC0  }
0xab: {  	_ =	task [dreg:s7], $0x5FFFF  }
0xac: {  	[dreg:$0x1] =	wrdreg $0xFFFFFFFF  }
0xad: {  	[dreg:$0x0] =	wrdreg $0x60  }
0xae: {  	[dreg:$0x2] =	wrdreg s24  }
0xaf: {  	[dreg:$0x3] =	wrdreg s2  }
0xb0: {  	[dreg:$0x4] =	wrdreg $0x0  }
0xb1: {  	[dreg:$0x5] =	wrdreg $0x9  }
0xb2: {  	_ =	task.clear_ibuf [dreg:s7], $0x6FFFF;
	_ =	strace $0x90000046  }
0xb3: {  	s29 =	simm.s32 $0x9;
	_ =	strace $0x80000048  }
0xb4: {  	_ =	swait.ge [sflag:s29], $0x1  }
0xb5: {  	[sflag:s29] =	ssyncadd.s32 $0xFFFFFFFF  }
0xb6: {  	_ =	strace $0x90000048  }
0xb7: {  	_ =	sfence  }
0xb8: {  	s30 =	sld [smem:$0x0];
	_ =	sdelay $0x2  }
0xb9: {  	s31 =	sshll.u32 s1, $0xD;
	s1 =	sshrl.u32 s1, $0x2  }
0xba: {  	s3 =	sand.u32 $0x4000, s31;
	s1 =	sadd.s32 s1, s30  }
0xbb: {  	s0 =	sor.u32 s3, s0;
	s1 =	sshll.u32 s1, $0x11  }
0xbc: {  	s0 =	sor.u32 s1, s0  }
0xbd: {  	s0 =	sadd.s32 $0x8F2B, s0  }
0xbe: {  	[sflag:s0] =	ssyncadd.remote.s32 $0x1  }
0xbf: {  	_ =	sfence.sel $0xFFFF  }
0xc0: {  	[dreg:$0x0] =	wrdreg $0xFFFFFFFF;
	(pc) =	sbr.abs _section_cstart, $3  }
0xc1: {  	[dreg:$0x1] =	wrdreg $0xFFFFFFFF  }
0xc2: {  	_ =	task.clear_ibuf [dreg:s7], $0x2FFFF;
	_ =	strace $0x9FFFFFFF  }
0xc3: {  	(tm) =	ssettm $0x7FFFFFFF  }
tec
execute0_lowered:
.L_overlay_start_1:
0x0: {  	(tag) =	ssettag $0x1  }
0x1: {  	s5 =	rddreg [dreg:$0x0]  }
0x2: {  	s2 =	rddreg [dreg:$0x1]  }
0x3: {  	s3 =	rddreg [dreg:$0x2]  }
0x4: {  	s0 =	srdreg.scid;
	s1 =	rddreg [dreg:$0x3]  }
0x5: {  	s4 =	simm.s32 $0x0;
	s12 =	simm.s32 $0x14000;
	s13 =	simm.s32 $0x80  }
0x6: {  	s14 =	simm.s32 $0x1;
	s15 =	simm.s32 $0x18C00;
	s6 =	sand.u32 $0x1, s0  }
0x7: {  	s16 =	simm.s32 $0x18C80;
	s0 =	stileid.u32;
	s7 =	smul.u32 $0x50000, s6  }
0x8: {  	s17 =	simm.s32 $0x18D00;
	s18 =	simm.s32 $0x18D80;
	s8 =	smul.u32 $0x5000, s0  }
0x9: {  	s19 =	simm.s32 $0x18E00;
	[smem:$0x7FF] =	sst s4;
	s20 =	smul.u32 $0x2800, s0  }
0xa: {  	s29 =	smul.u32 $0x28000, s6;
	_ =	strace $0x80000047;
	s6 =	ssub.s32 $0x2, s6  }
0xb: {  	s9 =	smul.u32 $0x50000, s0;
	s31 =	sshll.u32 s0, $0x6;
	s30 =	sshrl.u32 s6, $0x1  }
0xc: {  	s7 =	sadd.s32 s8, s7;
	s10 =	sadd.s32 s20, s5;
	s8 =	sadd.s32 s29, s5  }
0xd: {  	s9 =	sshrl.u32 s9, $0x2;
	s11 =	ssub.s32 s6, s30;
	s6 =	sor.u32 $0x1C02, s31  }
0xe: {  	s7 =	sshrl.u32 s7, $0x3;
	s9 =	sadd.s32 s9, s3;
	s21 =	sadd.s32 $0x54800, s8  }
0xf: {  	s8 =	smax.u32 s11, $0x1;
	s11 =	simm.s32 $0x19000;
	s7 =	sadd.s32 s7, s5  }
0x10: {  	s5 =	sadd.s32 $0x2C800, s10;
	s9 =	sshrl.u32 s9, $0x3;
	s10 =	simm.s32 $0x2  }
0x11: {  	s20 =	sadd.s32 s20, s21;
	s21 =	simm.s32 $0x0;
	s7 =	sadd.s32 $0x4800, s7  }
.LBB2_1:
0x12: {  	[spmem:s9], [sflag:s6] =	dma.local [hbm:s5], $0x2800  }
0x13: {  	_ =	swait.ge [sflag:s10], $0x2800  }
0x14: {  	[sflag:s10] =	ssyncset.done $0x0  }
0x15: {  	[sflag:s10] =	ssyncadd.s32 $0xFFFFD800  }
0x16: {  	[tilespmem:s11], [sflag:$0x2] =	stream.linear.gather [hbm4b:s2+s4], $0x4000, $0x38;
	[tilespmem:$0x1D000] =	vst v63  }
0x17: {  	_ =	swait.ge [sflag:s10], $0x4000  }
0x18: {  	[sflag:s10] =	ssyncset.done $0x0  }
0x19: {  	[sflag:s10] =	ssyncadd.s32 $0xFFFFC000  }
0x1a: {  	[tilespmem:s12], [sflag:$0x2] =	stream.linear.gather [hbm4b:s7+s4], $0x4E80, $0x38;
	[tilespmem:$0x1D000] =	vst v63  }
0x1b: {  	_ =	swait.ge [sflag:s10], $0x4E80  }
0x1c: {  	[sflag:s10] =	ssyncset.done $0x0  }
0x1d: {  	[sflag:s10] =	ssyncadd.s32 $0xFFFFB180  }
0x1e: {  	s22 =	simm.s32 $0x14000;
	[bflag:$0x0] =	sbarrier.arrive $0xFFFF  }
0x1f: {  	[spmem:s3] =	stream.indirect.scatter.add.f32 [tilespmem:s11], [sflag:$0x1], $0x80, s22, s13, $0xb8;
	[tilespmem:$0x1D000] =	vst v63  }
0x20: {  	s24 =	simm.s32 $0x14080  }
0x21: {  	[spmem:s3] =	stream.indirect.scatter.add.f32 [tilespmem:s11], [sflag:$0x1], $0x80, s24, s13, $0xb8;
	[tilespmem:$0x1D000] =	vst v63  }
0x22: {  	s25 =	simm.s32 $0x14100  }
0x23: {  	[spmem:s3] =	stream.indirect.scatter.add.f32 [tilespmem:s11], [sflag:$0x1], $0x80, s25, s13, $0xb8;
	[tilespmem:$0x1D000] =	vst v63  }
0x24: {  	s26 =	simm.s32 $0x14180  }
0x25: {  	[spmem:s3] =	stream.indirect.scatter.add.f32 [tilespmem:s11], [sflag:$0x1], $0x80, s26, s13, $0xb8;
	[tilespmem:$0x1D000] =	vst v63  }
0x26: {  	s28 =	simm.s32 $0x14200  }
0x27: {  	[spmem:s3] =	stream.indirect.scatter.add.f32 [tilespmem:s11], [sflag:$0x1], $0x80, s28, s13, $0xb8;
	[tilespmem:$0x1D000] =	vst v63  }
0x28: {  	s29 =	simm.s32 $0x14280  }
0x29: {  	[spmem:s3] =	stream.indirect.scatter.add.f32 [tilespmem:s11], [sflag:$0x1], $0x80, s29, s13, $0xb8;
	[tilespmem:$0x1D000] =	vst v63  }
0x2a: {  	s30 =	simm.s32 $0x14300  }
0x2b: {  	[spmem:s3] =	stream.indirect.scatter.add.f32 [tilespmem:s11], [sflag:$0x1], $0x80, s30, s13, $0xb8;
	[tilespmem:$0x1D000] =	vst v63  }
0x2c: {  	s31 =	simm.s32 $0x14380  }
0x2d: {  	[spmem:s3] =	stream.indirect.scatter.add.f32 [tilespmem:s11], [sflag:$0x1], $0x80, s31, s13, $0xb8;
	[tilespmem:$0x1D000] =	vst v63  }
0x2e: {  	_ =	swait.ge [sflag:s14], $0x4000  }
0x2f: {  	[sflag:s14] =	ssyncset.done $0x0  }
0x30: {  	[sflag:s14] =	ssyncadd.s32 $0xFFFFC000  }
0x31: {  	_ =	swait.ge [sflag:s14], $0x4000  }
0x32: {  	[sflag:s14] =	ssyncset.done $0x0  }
0x33: {  	[sflag:s14] =	ssyncadd.s32 $0xFFFFC000  }
0x34: {  	_ =	swait.ge [sflag:s14], $0x4000  }
0x35: {  	[sflag:s14] =	ssyncset.done $0x0  }
0x36: {  	[sflag:s14] =	ssyncadd.s32 $0xFFFFC000  }
0x37: {  	_ =	swait.ge [sflag:s14], $0x4000  }
0x38: {  	[sflag:s14] =	ssyncset.done $0x0  }
0x39: {  	[sflag:s14] =	ssyncadd.s32 $0xFFFFC000  }
0x3a: {  	_ =	swait.ge [sflag:s14], $0x4000  }
0x3b: {  	[sflag:s14] =	ssyncset.done $0x0  }
0x3c: {  	[sflag:s14] =	ssyncadd.s32 $0xFFFFC000  }
0x3d: {  	_ =	swait.ge [sflag:s14], $0x4000  }
0x3e: {  	[sflag:s14] =	ssyncset.done $0x0  }
0x3f: {  	[sflag:s14] =	ssyncadd.s32 $0xFFFFC000  }
0x40: {  	_ =	swait.ge [sflag:s14], $0x4000  }
0x41: {  	[sflag:s14] =	ssyncset.done $0x0  }
0x42: {  	[sflag:s14] =	ssyncadd.s32 $0xFFFFC000  }
0x43: {  	_ =	swait.ge [sflag:s14], $0x4000  }
0x44: {  	s24 =	simm.s32 $0x400;
	s25 =	simm.s32 $0x2000;
	[sflag:s14] =	ssyncset.done $0x0  }
.LBB2_2:
0x45: {  	s26 =	sadd.s32 $0x14000, s24  }
0x46: {  	[sflag:s14] =	ssyncadd.s32 $0xFFFFC000;
	s23 =	smov.u32 s25;
	s22 =	sadd.s32 $0x1000, s25  }
0x47: {  	[spmem:s3] =	stream.indirect.scatter.add.f32 [tilespmem:s11], [sflag:$0x1], $0x80, s26, s13, $0xb8;
	[tilespmem:$0x1D000] =	vst v63  }
0x48: {  	p0 =	sne.s32 s25, $0x12000;
	s25 =	sadd.s32 $0x14080, s24  }
0x49: {  	[spmem:s3] =	stream.indirect.scatter.add.f32 [tilespmem:s11], [sflag:$0x1], $0x80, s25, s13, $0xb8;
	[tilespmem:$0x1D000] =	vst v63  }
0x4a: {  	s25 =	sadd.s32 $0x14100, s24  }
0x4b: {  	[spmem:s3] =	stream.indirect.scatter.add.f32 [tilespmem:s11], [sflag:$0x1], $0x80, s25, s13, $0xb8;
	[tilespmem:$0x1D000] =	vst v63  }
0x4c: {  	s25 =	sadd.s32 $0x14180, s24  }
0x4d: {  	[spmem:s3] =	stream.indirect.scatter.add.f32 [tilespmem:s11], [sflag:$0x1], $0x80, s25, s13, $0xb8;
	[tilespmem:$0x1D000] =	vst v63  }
0x4e: {  	s25 =	sadd.s32 $0x14200, s24  }
0x4f: {  	[spmem:s3] =	stream.indirect.scatter.add.f32 [tilespmem:s11], [sflag:$0x1], $0x80, s25, s13, $0xb8;
	[tilespmem:$0x1D000] =	vst v63  }
0x50: {  	s25 =	sadd.s32 $0x14280, s24  }
0x51: {  	[spmem:s3] =	stream.indirect.scatter.add.f32 [tilespmem:s11], [sflag:$0x1], $0x80, s25, s13, $0xb8;
	[tilespmem:$0x1D000] =	vst v63  }
0x52: {  	s25 =	sadd.s32 $0x14300, s24  }
0x53: {  	[spmem:s3] =	stream.indirect.scatter.add.f32 [tilespmem:s11], [sflag:$0x1], $0x80, s25, s13, $0xb8;
	[tilespmem:$0x1D000] =	vst v63  }
0x54: {  	s24 =	sadd.s32 $0x14380, s24  }
0x55: {  	[spmem:s3] =	stream.indirect.scatter.add.f32 [tilespmem:s11], [sflag:$0x1], $0x80, s24, s13, $0xb8;
	[tilespmem:$0x1D000] =	vst v63  }
0x56: {  	_ =	swait.ge [sflag:s14], $0x4000  }
0x57: {  	[sflag:s14] =	ssyncset.done $0x0  }
0x58: {  	[sflag:s14] =	ssyncadd.s32 $0xFFFFC000  }
0x59: {  	_ =	swait.ge [sflag:s14], $0x4000  }
0x5a: {  	[sflag:s14] =	ssyncset.done $0x0  }
0x5b: {  	[sflag:s14] =	ssyncadd.s32 $0xFFFFC000  }
0x5c: {  	_ =	swait.ge [sflag:s14], $0x4000  }
0x5d: {  	[sflag:s14] =	ssyncset.done $0x0  }
0x5e: {  	[sflag:s14] =	ssyncadd.s32 $0xFFFFC000  }
0x5f: {  	_ =	swait.ge [sflag:s14], $0x4000  }
0x60: {  	[sflag:s14] =	ssyncset.done $0x0  }
0x61: {  	[sflag:s14] =	ssyncadd.s32 $0xFFFFC000  }
0x62: {  	_ =	swait.ge [sflag:s14], $0x4000  }
0x63: {  	[sflag:s14] =	ssyncset.done $0x0  }
0x64: {  	[sflag:s14] =	ssyncadd.s32 $0xFFFFC000  }
0x65: {  	_ =	swait.ge [sflag:s14], $0x4000  }
0x66: {  	[sflag:s14] =	ssyncset.done $0x0  }
0x67: {  	[sflag:s14] =	ssyncadd.s32 $0xFFFFC000  }
.Ltmp0:
0x68: {  	_ =	swait.ge [sflag:s14], $0x4000;
	(pc) =	sbr.rel @p0 .LBB2_2-.Ltmp0, $4  }
0x69: {  	[sflag:s14] =	ssyncset.done $0x0  }
0x6a: {  	[sflag:s14] =	ssyncadd.s32 $0xFFFFC000  }
0x6b: {  	_ =	swait.ge [sflag:s14], $0x4000  }
0x6c: {  	s25 =	smov.u32 s22;
	s24 =	sshra.s32 s23, $0x2;
	[sflag:s14] =	ssyncset.done $0x0  }
0x6d: {  	s22 =	sadd.s32 $0x14000, s24;
	[sflag:s14] =	ssyncadd.s32 $0xFFFFC000  }
0x6e: {  	[spmem:s3] =	stream.indirect.scatter.add.f32 [tilespmem:s11], [sflag:$0x1], $0x80, s22, s13, $0xb8;
	[tilespmem:$0x1D000] =	vst v63  }
0x6f: {  	s23 =	sadd.s32 $0x14080, s24  }
0x70: {  	[spmem:s3] =	stream.indirect.scatter.add.f32 [tilespmem:s11], [sflag:$0x1], $0x80, s23, s13, $0xb8;
	[tilespmem:$0x1D000] =	vst v63  }
0x71: {  	s25 =	sadd.s32 $0x14100, s24  }
0x72: {  	[spmem:s3] =	stream.indirect.scatter.add.f32 [tilespmem:s11], [sflag:$0x1], $0x80, s25, s13, $0xb8;
	[tilespmem:$0x1D000] =	vst v63  }
0x73: {  	s26 =	sadd.s32 $0x14180, s24  }
0x74: {  	[spmem:s3] =	stream.indirect.scatter.add.f32 [tilespmem:s11], [sflag:$0x1], $0x80, s26, s13, $0xb8;
	[tilespmem:$0x1D000] =	vst v63  }
0x75: {  	s28 =	sadd.s32 $0x14200, s24  }
0x76: {  	[spmem:s3] =	stream.indirect.scatter.add.f32 [tilespmem:s11], [sflag:$0x1], $0x80, s28, s13, $0xb8;
	[tilespmem:$0x1D000] =	vst v63  }
0x77: {  	s29 =	sadd.s32 $0x14280, s24  }
0x78: {  	[spmem:s3] =	stream.indirect.scatter.add.f32 [tilespmem:s11], [sflag:$0x1], $0x80, s29, s13, $0xb8;
	[tilespmem:$0x1D000] =	vst v63  }
0x79: {  	s30 =	sadd.s32 $0x14300, s24  }
0x7a: {  	[spmem:s3] =	stream.indirect.scatter.add.f32 [tilespmem:s11], [sflag:$0x1], $0x80, s30, s13, $0xb8;
	[tilespmem:$0x1D000] =	vst v63  }
0x7b: {  	s31 =	sadd.s32 $0x14380, s24  }
0x7c: {  	[spmem:s3] =	stream.indirect.scatter.add.f32 [tilespmem:s11], [sflag:$0x1], $0x80, s31, s13, $0xb8;
	[tilespmem:$0x1D000] =	vst v63  }
0x7d: {  	_ =	swait.ge [sflag:s14], $0x4000  }
0x7e: {  	[sflag:s14] =	ssyncset.done $0x0  }
0x7f: {  	[sflag:s14] =	ssyncadd.s32 $0xFFFFC000  }
0x80: {  	_ =	swait.ge [sflag:s14], $0x4000  }
0x81: {  	[sflag:s14] =	ssyncset.done $0x0  }
0x82: {  	[sflag:s14] =	ssyncadd.s32 $0xFFFFC000  }
0x83: {  	_ =	swait.ge [sflag:s14], $0x4000  }
0x84: {  	[sflag:s14] =	ssyncset.done $0x0  }
0x85: {  	[sflag:s14] =	ssyncadd.s32 $0xFFFFC000  }
0x86: {  	_ =	swait.ge [sflag:s14], $0x4000  }
0x87: {  	[sflag:s14] =	ssyncset.done $0x0  }
0x88: {  	[sflag:s14] =	ssyncadd.s32 $0xFFFFC000  }
0x89: {  	_ =	swait.ge [sflag:s14], $0x4000  }
0x8a: {  	[sflag:s14] =	ssyncset.done $0x0  }
0x8b: {  	[sflag:s14] =	ssyncadd.s32 $0xFFFFC000  }
0x8c: {  	_ =	swait.ge [sflag:s14], $0x4000  }
0x8d: {  	[sflag:s14] =	ssyncset.done $0x0  }
0x8e: {  	[sflag:s14] =	ssyncadd.s32 $0xFFFFC000  }
0x8f: {  	_ =	swait.ge [sflag:s14], $0x4000  }
0x90: {  	[sflag:s14] =	ssyncset.done $0x0  }
0x91: {  	[sflag:s14] =	ssyncadd.s32 $0xFFFFC000  }
0x92: {  	_ =	swait.ge [sflag:s14], $0x4000  }
0x93: {  	[sflag:s14] =	ssyncset.done $0x0  }
0x94: {  	[sflag:s14] =	ssyncadd.s32 $0xFFFFC000  }
0x95: {  	[spmem:s3] =	stream.indirect.scatter.add.f32 [tilespmem:s11], [sflag:$0x1], $0x80, s15, s13, $0xb8;
	[tilespmem:$0x1D000] =	vst v63  }
0x96: {  	_ = 	snop  }
0x97: {  	[spmem:s3] =	stream.indirect.scatter.add.f32 [tilespmem:s11], [sflag:$0x1], $0x80, s16, s13, $0xb8;
	[tilespmem:$0x1D000] =	vst v63  }
0x98: {  	_ = 	snop  }
0x99: {  	[spmem:s3] =	stream.indirect.scatter.add.f32 [tilespmem:s11], [sflag:$0x1], $0x80, s17, s13, $0xb8;
	[tilespmem:$0x1D000] =	vst v63  }
0x9a: {  	_ = 	snop  }
0x9b: {  	[spmem:s3] =	stream.indirect.scatter.add.f32 [tilespmem:s11], [sflag:$0x1], $0x80, s18, s13, $0xb8;
	[tilespmem:$0x1D000] =	vst v63  }
0x9c: {  	_ = 	snop  }
0x9d: {  	[spmem:s3] =	stream.indirect.scatter.add.f32 [tilespmem:s11], [sflag:$0x1], $0x80, s19, s13, $0xb8;
	[tilespmem:$0x1D000] =	vst v63  }
0x9e: {  	_ =	swait.ge [sflag:s14], $0x4000  }
0x9f: {  	[sflag:s14] =	ssyncset.done $0x0  }
0xa0: {  	[sflag:s14] =	ssyncadd.s32 $0xFFFFC000  }
0xa1: {  	_ =	swait.ge [sflag:s14], $0x4000  }
0xa2: {  	[sflag:s14] =	ssyncset.done $0x0  }
0xa3: {  	[sflag:s14] =	ssyncadd.s32 $0xFFFFC000  }
0xa4: {  	_ =	swait.ge [sflag:s14], $0x4000  }
0xa5: {  	[sflag:s14] =	ssyncset.done $0x0  }
0xa6: {  	[sflag:s14] =	ssyncadd.s32 $0xFFFFC000  }
0xa7: {  	_ =	swait.ge [sflag:s14], $0x4000  }
0xa8: {  	[sflag:s14] =	ssyncset.done $0x0  }
0xa9: {  	[sflag:s14] =	ssyncadd.s32 $0xFFFFC000  }
0xaa: {  	_ =	swait.ge [sflag:s14], $0x4000  }
0xab: {  	s21 =	sadd.s32 $0x1, s21;
	[sflag:s14] =	ssyncset.done $0x0  }
0xac: {  	p0 =	sne.s32 s21, s8;
	[sflag:s14] =	ssyncadd.s32 $0xFFFFC000  }
.Ltmp1:
0xad: {  	[bflag:$0x0] =	sbarrier.arrive $0xFFFF;
	(pc) =	sbr.rel @p0 .LBB2_1-.Ltmp1, $4  }
0xae: {  	[hbm:s20], [sflag:s6] =	dma.local [spmem:s9], $0x2800  }
0xaf: {  	_ =	swait.ge [sflag:s10], $0x2800  }
0xb0: {  	[sflag:s10] =	ssyncset.done $0x0  }
0xb1: {  	[sflag:s10] =	ssyncadd.s32 $0xFFFFD800  }
0xb2: {  	_ =	sfence.sel $0x180000  }
0xb3: {  	[bflag:$0x0] =	sbarrier.arrive $0xFFFF  }
0xb4: {  	p0 =	sne.s32 s0, $0x0;
	_ =	strace $0x90000047  }
0xb5: {  	s0 =	sadd.s32 @!p0 $0x100000, s1;
	[bflag:$0x2] =	sbarrier.arrive $0xFFFF  }
0xb6: {  	[sflag:s0] =	ssyncadd.tile.s32 @!p0 $0x1;
	_ =	shalt  }
.Lfunc_end2:
_tile_overlayer_lowered:
.L_overlay_start_2:
0xb7: {  	(tag) =	ssettag $0x2  }
0xb8: {  	s0 =	rddreg [dreg:$0x0];
	s2 =	stileid.u32  }
0xb9: {  	s1 =	rddreg [dreg:$0x1];
	p0 =	sne.s32 s2, $0x0  }
0xba: {  	s3 =	rddreg [dreg:$0x2];
	[bflag:$0x3] =	sbarrier.arrive $0xFFFF;
	s2 =	simm.s32 @!p0 $0x1C02  }
0xbb: {  	[timem:s3], [sflag:s2] =	dma.local @!p0 [hbm:s0], s1  }
0xbc: {  	s0 =	simm.s32 @!p0 $0x2  }
0xbd: {  	_ =	swait.ge @!p0 [sflag:s0], s1  }
0xbe: {  	s1 =	ssub.s32 @!p0 $0x0, s1;
	[sflag:s0] =	ssyncset.done @!p0 $0x0  }
0xbf: {  	[sflag:s0] =	ssyncadd.s32 @!p0 s1  }
0xc0: {  	[bflag:$0x3] =	sbarrier.arrive $0xFFFF  }
0xc1: {  	_ =	shalt  }

// kernel: kernel.14.cloned.1.call-start
scs
__scs_entry_jumppad:
0x0: {  	(pc) =	sbr.rel $0x88, $3  }
0x1: {  	(tag) =	ssettag $0x0;
	lr =	simm.s32 $0x1  }
0x2: {  	[smem:$0x3F93] =	sst lr;
	_ =	strace $0xD0000000  }
0x3: {  	_ = 	snop  }
0x4: {  	_ = 	snop  }
0x5: {  	_ = 	snop  }
0x6: {  	_ = 	snop  }
0x7: {  	_ = 	snop  }
__scs_overlays_trampoline_lowered:
0x8: {  	[smem:$0x3FA2] =	sst s0  }
0x9: {  	[smem:$0x3FA3] =	sst s1  }
0xa: {  	[smem:$0x3FA4] =	sst s2  }
0xb: {  	[smem:$0x3FA5] =	sst s3  }
0xc: {  	[smem:$0x3FA6] =	sst s4  }
0xd: {  	[smem:$0x3FA7] =	sst s5  }
0xe: {  	[smem:$0x3FA8] =	sst s6  }
0xf: {  	[smem:$0x3FA9] =	sst s7  }
0x10: {  	[smem:$0x3FAA] =	sst s8  }
0x11: {  	[smem:$0x3FAB] =	sst s9;
	s0 =	simm.s32 @!p0 $0x0  }
0x12: {  	s1 =	sld [smem:$0x3F91];
	s0 =	simm.s32 @p0 $0x1  }
0x13: {  	[smem:$0x3FAC] =	sst s0;
	s0 =	simm.s32 @!p1 $0x0  }
0x14: {  	s2 =	sld [smem:$0x3F90];
	s0 =	simm.s32 @p1 $0x1  }
0x15: {  	[smem:$0x3FAD] =	sst s0;
	s0 =	simm.s32 @!p2 $0x0  }
0x16: {  	s3 =	sld [smem:$0x3FDB];
	s0 =	simm.s32 @p2 $0x1  }
0x17: {  	s4 =	simm.s32 $0x1BF5;
	[smem:$0x3FAF] =	sst s0  }
0x18: {  	s0 =	sld [smem:$0x3F92];
	_ =	swait.ge [sflag:s4], $0x0  }
0x19: {  	s7 =	sld [smem:$0x3F93]  }
0x1a: {  	s8 =	sadd.s32 $0xFFFFE003, lr  }
0x1b: {  	s9 =	sadd.s32 $0xFFFFFEF7, lr;
	s5 =	simm.s32 $0xFFFFFFFF;
	p2 =	slt.u32 s8, $0xFFFFF086  }
0x1c: {  	p1 =	slt.u32 s9, $0xF7A;
	s5 =	simm.s32 @!p2 $0x0  }
0x1d: {  	s5 =	simm.s32 @p1 $0x1;
	p0 =	seq.s32 s7, s2  }
0x1e: {  	s7 =	smul.u32 @!p0 $0xF7A, s2;
	p2 =	seq.s32 @!p0 s5, $0x0  }
0x1f: {  	s9 =	smul.u32 $0xF7A, s1;
	s8 =	simm.s32 @!p0 $0x1BF5;
	p2 =	por !p2, p0  }
0x20: {  	[sflag:s8] =	ssyncset.s32 @!p0 $0xFFFFF086;
	s6 =	sadd.s32 @!p0 s3, s7;
	s7 =	simm.s32 @!p0 $0x108  }
0x21: {  	s3 =	sadd.s32 s3, s9;
	s6 =	sadd.s32 @!p0 $0x88, s6;
	s7 =	simm.s32 @p2 $0x1082  }
0x22: {  	[simem:s7], [sflag:s8] =	dma.local @!p0 [hbm:s6], $0xF7A  }
0x23: {  	s9 =	sor.u32 $0xD0000000, s2;
	s6 =	simm.s32 $0x108;
	_ =	swait.ge @!p0 [sflag:s8], $0x0  }
0x24: {  	s3 =	sadd.s32 $0x88, s3;
	s6 =	simm.s32 @!p1 $0x1082;
	[sflag:s4] =	ssyncset.s32 $0xFFFFF086  }
0x25: {  	[simem:s6], [sflag:s4] =	dma.local [hbm:s3], $0xF7A  }
0x26: {  	[smem:$0x3F93] =	sst s1;
	(tag) =	ssettag s2;
	_ =	strace s9  }
0x27: {  	s1 =	sld [smem:$0x3FA3]  }
0x28: {  	s2 =	sld [smem:$0x3FA4]  }
0x29: {  	s4 =	sld [smem:$0x3FA6]  }
0x2a: {  	p0 =	seq.s32 s5, $0x0;
	s5 =	sld [smem:$0x3FA7]  }
0x2b: {  	s6 =	sld [smem:$0x3FA8]  }
0x2c: {  	s7 =	sld [smem:$0x3FA9]  }
0x2d: {  	s3 =	simm.s32 $0x108;
	s8 =	sld [smem:$0x3FAA]  }
0x2e: {  	s3 =	simm.s32 @!p0 $0x1082;
	s9 =	sld [smem:$0x3FAB]  }
0x2f: {  	lr =	sadd.s32 s0, s3;
	s0 =	sld [smem:$0x3FA2]  }
0x30: {  	s3 =	sld [smem:$0x3FA5]  }
0x31: {  	[smem:$0x3FAE] =	sst s10  }
0x32: {  	s10 =	sld [smem:$0x3FAC];
	_ =	sdelay $0x3  }
0x33: {  	p0 =	seq.s32 s10, $0x1;
	s10 =	sld [smem:$0x3FAE];
	_ =	sdelay $0x3  }
0x34: {  	[smem:$0x3FAE] =	sst s10  }
0x35: {  	s10 =	sld [smem:$0x3FAD];
	_ =	sdelay $0x3  }
0x36: {  	p1 =	seq.s32 s10, $0x1;
	s10 =	sld [smem:$0x3FAE];
	_ =	sdelay $0x3  }
0x37: {  	[smem:$0x3FAE] =	sst s10  }
0x38: {  	s10 =	sld [smem:$0x3FAF]  }
0x39: {  	_ = 	snop;
	(pc) =	sbr.ind lr, $3  }
0x3a: {  	_ = 	snop  }
0x3b: {  	_ = 	snop  }
0x3c: {  	p2 =	seq.s32 s10, $0x1;
	s10 =	sld [smem:$0x3FAE]  }
0x3d: {  	_ =	shalt  }
0x3e: {  	_ =	shalt  }
0x3f: {  	_ =	shalt  }
0x40: {  	_ =	shalt  }
0x41: {  	_ =	shalt  }
0x42: {  	_ =	shalt  }
0x43: {  	_ =	shalt  }
0x44: {  	_ =	shalt  }
0x45: {  	_ =	shalt  }
0x46: {  	_ =	shalt  }
0x47: {  	_ =	shalt  }
0x48: {  	_ =	shalt  }
0x49: {  	_ =	shalt  }
0x4a: {  	_ =	shalt  }
0x4b: {  	_ =	shalt  }
0x4c: {  	_ =	shalt  }
0x4d: {  	_ =	shalt  }
0x4e: {  	_ =	shalt  }
0x4f: {  	_ =	shalt  }
0x50: {  	_ =	shalt  }
0x51: {  	_ =	shalt  }
0x52: {  	_ =	shalt  }
0x53: {  	_ =	shalt  }
0x54: {  	_ =	shalt  }
0x55: {  	_ =	shalt  }
0x56: {  	_ =	shalt  }
0x57: {  	_ =	shalt  }
0x58: {  	_ =	shalt  }
0x59: {  	_ =	shalt  }
0x5a: {  	_ =	shalt  }
0x5b: {  	_ =	shalt  }
0x5c: {  	_ =	shalt  }
0x5d: {  	_ =	shalt  }
0x5e: {  	_ =	shalt  }
0x5f: {  	_ =	shalt  }
0x60: {  	_ =	shalt  }
0x61: {  	_ =	shalt  }
0x62: {  	_ =	shalt  }
0x63: {  	_ =	shalt  }
0x64: {  	_ =	shalt  }
0x65: {  	_ =	shalt  }
0x66: {  	_ =	shalt  }
0x67: {  	_ =	shalt  }
0x68: {  	_ =	shalt  }
0x69: {  	_ =	shalt  }
0x6a: {  	_ =	shalt  }
0x6b: {  	_ =	shalt  }
0x6c: {  	_ =	shalt  }
0x6d: {  	_ =	shalt  }
0x6e: {  	_ =	shalt  }
0x6f: {  	_ =	shalt  }
0x70: {  	_ =	shalt  }
0x71: {  	_ =	shalt  }
0x72: {  	_ =	shalt  }
0x73: {  	_ =	shalt  }
0x74: {  	_ =	shalt  }
0x75: {  	_ =	shalt  }
0x76: {  	_ =	shalt  }
0x77: {  	_ =	shalt  }
0x78: {  	_ =	shalt  }
0x79: {  	_ =	shalt  }
0x7a: {  	_ =	shalt  }
0x7b: {  	_ =	shalt  }
0x7c: {  	_ =	shalt  }
0x7d: {  	_ =	shalt  }
0x7e: {  	_ =	shalt  }
0x7f: {  	_ =	shalt  }
0x80: {  	_ =	shalt  }
0x81: {  	_ =	shalt  }
0x82: {  	_ =	shalt  }
0x83: {  	_ =	shalt  }
0x84: {  	_ =	shalt  }
0x85: {  	_ =	shalt  }
0x86: {  	_ =	shalt  }
0x87: {  	_ =	shalt  }
.Lfunc_end0:
.L_simem_size_0:
called_computation.1_lowered:
.L_overlay_start_0:
0x88: {  	s2 =	sld [smem:$0x3FD9]  }
0x89: {  	s3 =	sld [smem:$0x3FFE];
	_ =	sdelay $0x1  }
0x8a: {  	s1 =	srdreg.scid  }
0x8b: {  	s0 =	sand.u32 $0x1, s1  }
0x8c: {  	s16 =	sshll.u32 s0, $0xA;
	s2 =	sadd.s32 s3, s2  }
0x8d: {  	s2 =	sadd.s32 s2, s16  }
0x8e: {  	[smem:$0x3FBA] =	sst s2  }
0x8f: {  	_ = 	snop  }
0x90: {  	(tm) =	ssettm $0x1  }
0x91: {  	s17 =	sld [smem:$0x3FFB];
	_ =	sdelay $0x3  }
0x92: {  	_ =	strace s17  }
0x93: {  	s2 =	sld [smem:$0x3FFC];
	_ =	sdelay $0x3  }
0x94: {  	_ =	strace s2  }
0x95: {  	s2 =	sld [smem:$0x3FFD];
	_ =	sdelay $0x3  }
0x96: {  	_ =	strace s2  }
0x97: {  	_ =	strace $0x8FFFFFFF  }
0x98: {  	s18 =	sld [smem:$0x3FDB];
	_ =	sdelay $0x1  }
0x99: {  	s19 =	simm.s32 $_scs_section_size  }
0x9a: {  	s4 =	simm.s32 $_size__tile_overlayer_lowered;
	s5 =	simm.s32 $_tile_overlayer_lowered  }
0x9b: {  	s22 =	simm.s32 $0x1BFF;
	s21 =	sshll.u32 s5, $0x1;
	s2 =	sadd.s32 s19, s18  }
0x9c: {  	s6 =	simm.s32 $0x0;
	s20 =	sshll.u32 s4, $0x1;
	s4 =	sadd.s32 s21, s2  }
0x9d: {  	[timem:s6], [sflag:s22] =	dma.local [hbm:s4], s20  }
0x9e: {  	_ =	swait.ge [sflag:s22], s20  }
0x9f: {  	s3 =	ssub.s32 $0x0, s20;
	[sflag:s22] =	ssyncset.done $0x0  }
0xa0: {  	[sflag:s22] =	ssyncadd.s32 s3;
	_ =	sdelay $0x1  }
0xa1: {  	s23 =	simm.s32 $0x1B8B  }
0xa2: {  	_ =	swait.ge [sflag:s23], $0x1  }
0xa3: {  	[sflag:s23] =	ssyncset.done $0x0  }
0xa4: {  	s25 =	simm.s32 $0x1B8E;
	s24 =	sld [smem:$0x3FFE];
	[sflag:s23] =	ssyncadd.s32 $0xFFFFFFFF  }
0xa5: {  	s26 =	simm.s32 $execute0_lowered;
	[smem:$0x3FD2] =	sst s25  }
0xa6: {  	s4 =	sshll.u32 s26, $0x1;
	_ =	strace $0x80000049;
	[dreg:$0x1] =	wrdreg $0xFFFFFFFF  }
0xa7: {  	s28 =	simm.s32 $_size_execute0_lowered;
	s2 =	sadd.s32 s2, s4;
	[dreg:$0x0] =	wrdreg $0x0  }
0xa8: {  	s4 =	sshll.u32 s28, $0x1;
	[dreg:$0x2] =	wrdreg s2  }
0xa9: {  	[dreg:$0x3] =	wrdreg s4  }
0xaa: {  	[dreg:$0x4] =	wrdreg $0xC0  }
0xab: {  	_ =	task [dreg:s6], $0x5FFFF  }
0xac: {  	[dreg:$0x1] =	wrdreg $0xFFFFFFFF  }
0xad: {  	[dreg:$0x0] =	wrdreg $0x60  }
0xae: {  	[dreg:$0x2] =	wrdreg s24  }
0xaf: {  	[dreg:$0x3] =	wrdreg $0x0  }
0xb0: {  	[dreg:$0x4] =	wrdreg $0x9  }
0xb1: {  	_ =	task.clear_ibuf [dreg:s6], $0x5FFFF;
	_ =	strace $0x90000049  }
0xb2: {  	s29 =	simm.s32 $0x9;
	_ =	strace $0x8000004B  }
0xb3: {  	_ =	swait.ge [sflag:s29], $0x1  }
0xb4: {  	[sflag:s29] =	ssyncadd.s32 $0xFFFFFFFF  }
0xb5: {  	_ =	strace $0x9000004B  }
0xb6: {  	_ =	sfence  }
0xb7: {  	s30 =	sld [smem:$0x0];
	_ =	sdelay $0x2  }
0xb8: {  	s31 =	sshll.u32 s1, $0xD;
	s1 =	sshrl.u32 s1, $0x2  }
0xb9: {  	s3 =	sand.u32 $0x4000, s31;
	s1 =	sadd.s32 s1, s30  }
0xba: {  	s0 =	sor.u32 s3, s0;
	s1 =	sshll.u32 s1, $0x11  }
0xbb: {  	s0 =	sor.u32 s1, s0  }
0xbc: {  	s0 =	sadd.s32 $0x8F2B, s0  }
0xbd: {  	[sflag:s0] =	ssyncadd.remote.s32 $0x1  }
0xbe: {  	_ =	sfence.sel $0xFFFF  }
0xbf: {  	[dreg:$0x0] =	wrdreg $0xFFFFFFFF;
	(pc) =	sbr.abs _section_cstart, $3  }
0xc0: {  	[dreg:$0x1] =	wrdreg $0xFFFFFFFF  }
0xc1: {  	_ =	task.clear_ibuf [dreg:s6], $0x2FFFF;
	_ =	strace $0x9FFFFFFF  }
0xc2: {  	(tm) =	ssettm $0x7FFFFFFF  }
0xc3: {  	_ =	shalt  }
tec
execute0_lowered:
.L_overlay_start_1:
0x0: {  	(tag) =	ssettag $0x1  }
0x1: {  	s0 =	srdreg.scid  }
0x2: {  	s1 =	rddreg [dreg:$0x0];
	s9 =	stileid.u32  }
0x3: {  	s2 =	rddreg [dreg:$0x1];
	s3 =	simm.s32 $0x0;
	s12 =	simm.s32 $0x9  }
0x4: {  	s14 =	simm.s32 $0x14200;
	s16 =	simm.s32 $0x14080;
	s5 =	smul.u32 $0x5000, s9  }
0x5: {  	s28 =	simm.s32 $0x8;
	s29 =	simm.s32 $0x7;
	s7 =	smul.u32 $0x280, s9  }
0x6: {  	s30 =	simm.s32 $0x2;
	s0 =	sand.u32 $0x1, s0;
	s22 =	smul.u32 $0x50000, s9  }
0x7: {  	s31 =	simm.s32 $0x18400;
	s18 =	simm.s32 $0x0;
	s4 =	smul.u32 $0x50000, s0  }
0x8: {  	[smem:$0x7FF] =	sst s3;
	s6 =	smul.u32 $0x2800, s0;
	s0 =	ssub.s32 $0x2, s0  }
0x9: {  	s23 =	sshll.u32 s9, $0x6;
	_ =	strace $0x8000004A;
	s8 =	sshrl.u32 s0, $0x1  }
0xa: {  	s5 =	sadd.s32 s5, s4;
	s4 =	sadd.s32 $0x2C800, s1;
	s6 =	sadd.s32 s7, s6  }
0xb: {  	s0 =	ssub.s32 s0, s8;
	s7 =	sshrl.u32 s22, $0x2;
	s5 =	sshrl.u32 s5, $0x3  }
0xc: {  	s6 =	sshll.u32 s6, $0x4;
	s24 =	sadd.s32 s7, s2;
	s0 =	smax.u32 s0, $0x1  }
0xd: {  	s5 =	sadd.s32 s5, s1;
	s1 =	sadd.s32 s6, s1;
	s6 =	sadd.s32 s4, s6  }
0xe: {  	[dreg:$0x5] =	wrdreg s0;
	s11 =	sshrl.u32 s24, $0x3;
	s24 =	simm.s32 $0x80  }
0xf: {  	s0 =	simm.s32 $0x14380;
	[dreg:$0x3] =	wrdreg s6;
	s6 =	sor.u32 $0x1C09, s23  }
.Ltmp0:
0x10: {  	s7 =	sadd.s32 $0x18800, s5;
	s1 =	sadd.s32 $0x144800, s1;
	(pc) =	sbr.rel .LBB2_1-.Ltmp0, $4  }
0x11: {  	s8 =	sadd.s32 $0x4800, s5;
	s23 =	simm.s32 $0x1;
	[dreg:$0x4] =	wrdreg s1  }
0x12: {  	s25 =	sadd.s32 $0x10, s7;
	s26 =	sadd.s32 $0x10, s8;
	s19 =	sadd.s32 $0x20, s7  }
0x13: {  	s21 =	sadd.s32 $0x20, s8;
	s1 =	simm.s32 $0x14180;
	[dreg:$0x6] =	wrdreg s25  }
0x14: {  	[dreg:$0x7] =	wrdreg s26;
	s25 =	simm.s32 $0x14400;
	s26 =	simm.s32 $0x5  }
.LBB2_8:
0x15: {  	_ =	swait.ge [sflag:s28], $0x4000  }
0x16: {  	[sflag:s28] =	ssyncset.done $0x0  }
0x17: {  	[sflag:s28] =	ssyncadd.s32 $0xFFFFC000  }
0x18: {  	_ =	swait.ge [sflag:s29], $0x4000  }
0x19: {  	[sflag:s29] =	ssyncset.done $0x0  }
0x1a: {  	[sflag:s29] =	ssyncadd.s32 $0xFFFFC000  }
0x1b: {  	[bflag:$0x0] =	sbarrier.arrive $0xFFFF  }
0x1c: {  	s5 =	rddreg [dreg:$0x4]  }
0x1d: {  	[hbm:s5], [sflag:s6] =	dma.local [spmem:s11], $0x2800  }
0x1e: {  	_ =	swait.ge [sflag:s12], $0x2800  }
0x1f: {  	s18 =	sadd.s32 $0x1, s18;
	s22 =	rddreg [dreg:$0x5]  }
0x20: {  	p0 =	sne.s32 s18, s22  }
.Ltmp1:
0x21: {  	_ = 	snop;
	(pc) =	sbr.rel @!p0 .LBB2_9-.Ltmp1, $3  }
0x22: {  	_ =	sdelay $0x1  }
0x23: {  	[sflag:s12] =	ssyncset.done $0x0  }
0x24: {  	[sflag:s12] =	ssyncadd.s32 $0xFFFFD800  }
.LBB2_1:
0x25: {  	s5 =	rddreg [dreg:$0x3]  }
0x26: {  	[spmem:s11], [sflag:s6] =	dma.local [hbm:s5], $0x2800  }
0x27: {  	_ =	swait.ge [sflag:s12], $0x2800  }
0x28: {  	[sflag:s12] =	ssyncset.done $0x0  }
0x29: {  	s15 =	simm.s32 $0x14000;
	[sflag:s12] =	ssyncadd.s32 $0xFFFFD800  }
0x2a: {  	[tilespmem:s15], [sflag:$0x1] =	stream.linear.gather [hbm4b:s7+s3], $0x80, $0x38;
	[tilespmem:$0x1C400] =	vst v63  }
0x2b: {  	_ = 	snop  }
0x2c: {  	[tilespmem:s14], [sflag:$0x1] =	stream.linear.gather [hbm4b:s8+s3], $0x80, $0x38;
	[tilespmem:$0x1C400] =	vst v63  }
0x2d: {  	s9 =	rddreg [dreg:$0x6]  }
0x2e: {  	[tilespmem:s16], [sflag:$0x2] =	stream.linear.gather [hbm4b:s9+s3], $0x80, $0x38;
	[tilespmem:$0x1C400] =	vst v63  }
0x2f: {  	s10 =	simm.s32 $0x14280;
	s17 =	rddreg [dreg:$0x7]  }
0x30: {  	[tilespmem:s10], [sflag:$0x2] =	stream.linear.gather [hbm4b:s17+s3], $0x80, $0x38;
	[tilespmem:$0x1C400] =	vst v63  }
0x31: {  	s20 =	simm.s32 $0x14100  }
0x32: {  	[tilespmem:s20], [sflag:$0x3] =	stream.linear.gather [hbm4b:s19+s3], $0x80, $0x38;
	[tilespmem:$0x1C400] =	vst v63  }
0x33: {  	s22 =	simm.s32 $0x14300  }
0x34: {  	[tilespmem:s22], [sflag:$0x3] =	stream.linear.gather [hbm4b:s21+s3], $0x80, $0x38;
	[tilespmem:$0x1C400] =	vst v63  }
0x35: {  	[bflag:$0x0] =	sbarrier.arrive $0xFFFF  }
0x36: {  	_ =	swait.ge [sflag:s23], $0x80  }
0x37: {  	[sflag:s23] =	ssyncset.done $0x0  }
.Ltmp2:
0x38: {  	[sflag:s23] =	ssyncadd.s32 $0xFFFFFF80;
	(pc) =	sbr.rel .LBB2_2-.Ltmp2, $4  }
0x39: {  	_ =	swait.ge [sflag:s23], $0x80  }
0x3a: {  	s5 =	simm.s32 $0x0;
	[sflag:s23] =	ssyncset.done $0x0  }
0x3b: {  	s20 =	simm.s32 $0x3;
	s22 =	simm.s32 $0x0;
	[sflag:s23] =	ssyncadd.s32 $0xFFFFFF80  }
0x3c: {  	[tilespmem:s25], [sflag:$0x5] =	stream.indirect.gather [hbm4b:s4+s24], $0x80, s15, s24, $0xb8;
	[tilespmem:$0x1C400] =	vst v63  }
.LBB2_4:
0x3d: {  	[tilespmem:s31], [sflag:$0x6] =	stream.indirect.gather [hbm4b:s4+s24], $0x80, s16, s24, $0xb8;
	[tilespmem:$0x1C400] =	vst v63  }
0x3e: {  	s9 =	simm.s32 $0x3  }
.LBB2_6:
0x3f: {  	s9 =	sshll.u32 s9, $0x4  }
0x40: {  	s13 =	sand.u32 $0xF80, s22;
	s9 =	sand.u32 $0x70, s9  }
0x41: {  	s9 =	sor.u32 s13, s9  }
0x42: {  	s13 =	sadd.s32 s7, s9  }
0x43: {  	[tilespmem:s1], [sflag:$0x4] =	stream.linear.gather [hbm4b:s13+s3], $0x80, $0x38;
	[tilespmem:$0x1C400] =	vst v63  }
0x44: {  	p0 =	por $0x1, $0x1;
	s9 =	sadd.s32 s8, s9  }
0x45: {  	[tilespmem:s0], [sflag:$0x4] =	stream.linear.gather [hbm4b:s9+s3], $0x80, $0x38;
	[tilespmem:$0x1C400] =	vst v63  }
.LBB2_7:
0x46: {  	_ =	swait.ge [sflag:s26], $0x4000  }
0x47: {  	p1 =	sgt.u32 s5, $0x26;
	[sflag:s26] =	ssyncset.done $0x0  }
0x48: {  	s9 =	simm.s32 @!p1 $0x3;
	[sflag:s26] =	ssyncadd.s32 $0xFFFFC000  }
0x49: {  	[spmem:s2] =	stream.indirect.scatter.add.f32 [tilespmem:s25], [sflag:$0x7], $0x80, s14, s24, $0xb8;
	[tilespmem:$0x1C400] =	vst v63  }
0x4a: {  	_ =	swait.ge @!p1 [sflag:s9], $0x80  }
0x4b: {  	[sflag:s9] =	ssyncset.done @!p1 $0x0  }
0x4c: {  	[sflag:s9] =	ssyncadd.s32 @!p1 $0xFFFFFF80  }
0x4d: {  	_ =	swait.ge @!p1 [sflag:s9], $0x80  }
0x4e: {  	[sflag:s9] =	ssyncset.done @!p1 $0x0  }
0x4f: {  	[sflag:s9] =	ssyncadd.s32 @!p1 $0xFFFFFF80;
	s9 =	simm.s32 @!p1 $0x7  }
0x50: {  	_ =	swait.ge @!p1 [sflag:s9], $0x4000  }
0x51: {  	s13 =	simm.s32 @!p1 $0x14100;
	[sflag:s9] =	ssyncset.done @!p1 $0x0  }
0x52: {  	s10 =	simm.s32 @!p1 $0x14400;
	[sflag:s9] =	ssyncadd.s32 @!p1 $0xFFFFC000;
	s9 =	simm.s32 @!p1 $0x80  }
0x53: {  	[tilespmem:s10], [sflag:$0x5] =	stream.indirect.gather @!p1 [hbm4b:s4+s9], $0x80, s13, s9, $0xb8;
	[tilespmem:$0x1C400] =	vst v63  }
0x54: {  	s13 =	sadd.s32 @!p1 s22, s7  }
0x55: {  	s15 =	simm.s32 @!p1 $0x0;
	s17 =	simm.s32 @!p1 $0x14000;
	s13 =	sadd.s32 @!p1 $0x40, s13  }
0x56: {  	[tilespmem:s17], [sflag:$0x1] =	stream.linear.gather @!p1 [hbm4b:s13+s15], $0x80, $0x38;
	[tilespmem:$0x1C400] =	vst v63  }
0x57: {  	s13 =	sadd.s32 @!p1 s22, s8  }
0x58: {  	s17 =	simm.s32 @!p1 $0x14200;
	s13 =	sadd.s32 @!p1 $0x40, s13  }
0x59: {  	[tilespmem:s17], [sflag:$0x1] =	stream.linear.gather @!p1 [hbm4b:s13+s15], $0x80, $0x38;
	[tilespmem:$0x1C400] =	vst v63  }
0x5a: {  	s13 =	simm.s32 @!p1 $0x6  }
0x5b: {  	_ =	swait.ge @!p1 [sflag:s13], $0x4000  }
0x5c: {  	p2 =	por !p0, p1;
	[sflag:s13] =	ssyncset.done @!p1 $0x0  }
0x5d: {  	s15 =	simm.s32 @!p1 $0x18400;
	[sflag:s13] =	ssyncadd.s32 @!p1 $0xFFFFC000;
	s13 =	simm.s32 @!p1 $0x14280  }
0x5e: {  	[spmem:s2] =	stream.indirect.scatter.add.f32 @!p1 [tilespmem:s15], [sflag:$0x8], $0x80, s13, s9, $0xb8;
	[tilespmem:$0x1C400] =	vst v63  }
0x5f: {  	s13 =	simm.s32 @!p2 $0x4  }
0x60: {  	_ =	swait.ge @!p2 [sflag:s13], $0x80  }
0x61: {  	[sflag:s13] =	ssyncset.done @!p2 $0x0  }
0x62: {  	[sflag:s13] =	ssyncadd.s32 @!p2 $0xFFFFFF80  }
0x63: {  	_ =	swait.ge @!p2 [sflag:s13], $0x80  }
0x64: {  	[sflag:s13] =	ssyncset.done @!p2 $0x0  }
0x65: {  	[sflag:s13] =	ssyncadd.s32 @!p2 $0xFFFFFF80;
	s13 =	simm.s32 @!p2 $0x8  }
0x66: {  	_ =	swait.ge @!p2 [sflag:s13], $0x4000  }
0x67: {  	s17 =	simm.s32 @!p2 $0x18400;
	[sflag:s13] =	ssyncset.done @!p2 $0x0  }
0x68: {  	s15 =	simm.s32 @!p2 $0x14180;
	[sflag:s13] =	ssyncadd.s32 @!p2 $0xFFFFC000;
	s13 =	simm.s32 @!p2 $0x80  }
0x69: {  	[tilespmem:s17], [sflag:$0x6] =	stream.indirect.gather @!p2 [hbm4b:s4+s13], $0x80, s15, s13, $0xb8;
	[tilespmem:$0x1C400] =	vst v63  }
0x6a: {  	p2 =	seq.s32 @!p1 s22, $0x980  }
0x6b: {  	p2 =	por p2, p1  }
0x6c: {  	s13 =	sadd.s32 @!p2 s22, s7  }
0x6d: {  	s15 =	simm.s32 @!p2 $0x0;
	s17 =	simm.s32 @!p2 $0x14080;
	s13 =	sadd.s32 @!p2 $0x50, s13  }
0x6e: {  	[tilespmem:s17], [sflag:$0x2] =	stream.linear.gather @!p2 [hbm4b:s13+s15], $0x80, $0x38;
	[tilespmem:$0x1C400] =	vst v63  }
0x6f: {  	s13 =	sadd.s32 @!p2 s22, s8  }
0x70: {  	s17 =	simm.s32 @!p2 $0x14280;
	s13 =	sadd.s32 @!p2 $0x50, s13  }
0x71: {  	[tilespmem:s17], [sflag:$0x2] =	stream.linear.gather @!p2 [hbm4b:s13+s15], $0x80, $0x38;
	[tilespmem:$0x1C400] =	vst v63  }
0x72: {  	s13 =	simm.s32 @!p1 $0x5  }
0x73: {  	_ =	swait.ge @!p1 [sflag:s13], $0x4000  }
0x74: {  	[sflag:s13] =	ssyncset.done @!p1 $0x0  }
0x75: {  	[sflag:s13] =	ssyncadd.s32 @!p1 $0xFFFFC000;
	s13 =	simm.s32 @!p1 $0x14300  }
0x76: {  	[spmem:s2] =	stream.indirect.scatter.add.f32 @!p1 [tilespmem:s10], [sflag:$0x7], $0x80, s13, s9, $0xb8;
	[tilespmem:$0x1C400] =	vst v63  }
0x77: {  	p1 =	seq.s32 @p0 s22, $0x9C0  }
0x78: {  	p2 =	por p1, !p0  }
0x79: {  	s9 =	simm.s32 @!p2 $0x1  }
0x7a: {  	_ =	swait.ge @!p2 [sflag:s9], $0x80  }
0x7b: {  	[sflag:s9] =	ssyncset.done @!p2 $0x0  }
0x7c: {  	[sflag:s9] =	ssyncadd.s32 @!p2 $0xFFFFFF80  }
0x7d: {  	_ =	swait.ge @!p2 [sflag:s9], $0x80  }
0x7e: {  	[sflag:s9] =	ssyncset.done @!p2 $0x0  }
0x7f: {  	[sflag:s9] =	ssyncadd.s32 @!p2 $0xFFFFFF80;
	s9 =	simm.s32 @!p2 $0x7  }
0x80: {  	_ =	swait.ge @!p2 [sflag:s9], $0x4000  }
0x81: {  	s10 =	simm.s32 @!p2 $0x14000;
	[sflag:s9] =	ssyncset.done @!p2 $0x0  }
0x82: {  	s13 =	simm.s32 @!p2 $0x14400;
	[sflag:s9] =	ssyncadd.s32 @!p2 $0xFFFFC000;
	s9 =	simm.s32 @!p2 $0x80  }
0x83: {  	[tilespmem:s13], [sflag:$0x5] =	stream.indirect.gather @!p2 [hbm4b:s4+s9], $0x80, s10, s9, $0xb8;
	[tilespmem:$0x1C400] =	vst v63  }
0x84: {  	p2 =	sgt.u32 @!p2 s5, $0x25  }
0x85: {  	p1 =	por @p0 p2, p1  }
0x86: {  	p1 =	por p1, !p0  }
0x87: {  	s9 =	sadd.s32 @!p1 s22, s7  }
0x88: {  	s10 =	simm.s32 @!p1 $0x0;
	s13 =	simm.s32 @!p1 $0x14100;
	s9 =	sadd.s32 @!p1 $0x60, s9  }
0x89: {  	[tilespmem:s13], [sflag:$0x3] =	stream.linear.gather @!p1 [hbm4b:s9+s10], $0x80, $0x38;
	[tilespmem:$0x1C400] =	vst v63  }
0x8a: {  	s9 =	sadd.s32 @!p1 s22, s8  }
0x8b: {  	s13 =	simm.s32 @!p1 $0x14300;
	s9 =	sadd.s32 @!p1 $0x60, s9  }
0x8c: {  	[tilespmem:s13], [sflag:$0x3] =	stream.linear.gather @!p1 [hbm4b:s9+s10], $0x80, $0x38;
	[tilespmem:$0x1C400] =	vst v63  }
0x8d: {  	s9 =	simm.s32 @p0 $0x6  }
0x8e: {  	_ =	swait.ge @p0 [sflag:s9], $0x4000  }
0x8f: {  	s22 =	sadd.s32 $0x40, s22;
	s10 =	simm.s32 @p0 $0x14380;
	[sflag:s9] =	ssyncset.done @p0 $0x0  }
0x90: {  	s13 =	simm.s32 @p0 $0x18400;
	[sflag:s9] =	ssyncadd.s32 @p0 $0xFFFFC000;
	s9 =	simm.s32 @p0 $0x80  }
0x91: {  	[spmem:s2] =	stream.indirect.scatter.add.f32 @p0 [tilespmem:s13], [sflag:$0x8], $0x80, s10, s9, $0xb8;
	[tilespmem:$0x1C400] =	vst v63  }
0x92: {  	p0 =	sne.s32 s22, $0xA00  }
.Ltmp3:
0x93: {  	_ = 	snop;
	(pc) =	sbr.rel @!p0 .LBB2_8-.Ltmp3, $2  }
0x94: {  	_ =	sdelay $0x2  }
0x95: {  	s20 =	sadd.s32 $0x4, s20;
	s5 =	sadd.s32 $0x1, s5  }
.LBB2_2:
0x96: {  	p1 =	seq.s32 s22, $0x9C0  }
.Ltmp4:
0x97: {  	_ = 	snop;
	(pc) =	sbr.rel @p1 .LBB2_7-.Ltmp4, $2  }
0x98: {  	_ =	sdelay $0x2  }
0x99: {  	p0 =	por $0x0, $0x0  }
0x9a: {  	_ =	swait.ge [sflag:s30], $0x80;
	p1 =	sne.s32 s22, $0x0  }
.Ltmp5:
0x9b: {  	[sflag:s30] =	ssyncset.done $0x0;
	(pc) =	sbr.rel @!p1 .LBB2_4-.Ltmp5, $4  }
0x9c: {  	[sflag:s30] =	ssyncadd.s32 $0xFFFFFF80  }
0x9d: {  	_ =	swait.ge [sflag:s30], $0x80  }
0x9e: {  	[sflag:s30] =	ssyncset.done $0x0  }
0x9f: {  	[sflag:s30] =	ssyncadd.s32 $0xFFFFFF80  }
0xa0: {  	p1 =	sgt.u32 s20, $0x9C  }
.Ltmp6:
0xa1: {  	_ = 	snop;
	(pc) =	sbr.rel @p1 .LBB2_7-.Ltmp6, $4  }
.Ltmp7:
0xa2: {  	_ =	swait.ge [sflag:s28], $0x4000;
	(pc) =	sbr.rel @!p1 .LBB2_6-.Ltmp7, $4  }
0xa3: {  	[sflag:s28] =	ssyncset.done $0x0  }
0xa4: {  	s9 =	smov.u32 s20;
	[sflag:s28] =	ssyncadd.s32 $0xFFFFC000  }
0xa5: {  	[tilespmem:s31], [sflag:$0x6] =	stream.indirect.gather [hbm4b:s4+s24], $0x80, s16, s24, $0xb8;
	[tilespmem:$0x1C400] =	vst v63  }
0xa6: {  	_ = 	snop  }
.LBB2_9:
0xa7: {  	_ =	sfence.sel $0x180000  }
0xa8: {  	[bflag:$0x0] =	sbarrier.arrive $0xFFFF  }
0xa9: {  	_ =	strace $0x9000004A  }
0xaa: {  	s0 =	stileid.u32;
	[bflag:$0x2] =	sbarrier.arrive $0xFFFF  }
0xab: {  	p0 =	sne.s32 s0, $0x0;
	s0 =	rddreg [dreg:$0x2]  }
0xac: {  	s0 =	sadd.s32 @!p0 $0x100000, s0  }
0xad: {  	[sflag:s0] =	ssyncadd.tile.s32 @!p0 $0x1;
	_ =	shalt  }
.Lfunc_end2:
_tile_overlayer_lowered:
.L_overlay_start_2:
0xae: {  	(tag) =	ssettag $0x2  }
0xaf: {  	s0 =	rddreg [dreg:$0x0];
	s2 =	stileid.u32  }
0xb0: {  	s1 =	rddreg [dreg:$0x1];
	p0 =	sne.s32 s2, $0x0  }
0xb1: {  	s3 =	rddreg [dreg:$0x2];
	[bflag:$0x3] =	sbarrier.arrive $0xFFFF;
	s2 =	simm.s32 @!p0 $0x1C09  }
0xb2: {  	[timem:s3], [sflag:s2] =	dma.local @!p0 [hbm:s0], s1  }
0xb3: {  	s0 =	simm.s32 @!p0 $0x9  }
0xb4: {  	_ =	swait.ge @!p0 [sflag:s0], s1  }
0xb5: {  	s1 =	ssub.s32 @!p0 $0x0, s1;
	[sflag:s0] =	ssyncset.done @!p0 $0x0  }
0xb6: {  	[sflag:s0] =	ssyncadd.s32 @!p0 s1  }
0xb7: {  	[bflag:$0x3] =	sbarrier.arrive $0xFFFF  }
0xb8: {  	_ =	shalt  }

// kernel: kernel.17.cloned.1.call-start
scs
__scs_entry_jumppad:
0x0: {  	(pc) =	sbr.rel $0x88, $3  }
0x1: {  	(tag) =	ssettag $0x0;
	lr =	simm.s32 $0x1  }
0x2: {  	[smem:$0x3F93] =	sst lr;
	_ =	strace $0xD0000000  }
0x3: {  	_ = 	snop  }
0x4: {  	_ = 	snop  }
0x5: {  	_ = 	snop  }
0x6: {  	_ = 	snop  }
0x7: {  	_ = 	snop  }
__scs_overlays_trampoline_lowered:
0x8: {  	[smem:$0x3FA2] =	sst s0  }
0x9: {  	[smem:$0x3FA3] =	sst s1  }
0xa: {  	[smem:$0x3FA4] =	sst s2  }
0xb: {  	[smem:$0x3FA5] =	sst s3  }
0xc: {  	[smem:$0x3FA6] =	sst s4  }
0xd: {  	[smem:$0x3FA7] =	sst s5  }
0xe: {  	[smem:$0x3FA8] =	sst s6  }
0xf: {  	[smem:$0x3FA9] =	sst s7  }
0x10: {  	[smem:$0x3FAA] =	sst s8  }
0x11: {  	[smem:$0x3FAB] =	sst s9;
	s0 =	simm.s32 @!p0 $0x0  }
0x12: {  	s1 =	sld [smem:$0x3F91];
	s0 =	simm.s32 @p0 $0x1  }
0x13: {  	[smem:$0x3FAC] =	sst s0;
	s0 =	simm.s32 @!p1 $0x0  }
0x14: {  	s2 =	sld [smem:$0x3F90];
	s0 =	simm.s32 @p1 $0x1  }
0x15: {  	[smem:$0x3FAD] =	sst s0;
	s0 =	simm.s32 @!p2 $0x0  }
0x16: {  	s3 =	sld [smem:$0x3FDB];
	s0 =	simm.s32 @p2 $0x1  }
0x17: {  	s4 =	simm.s32 $0x1BF5;
	[smem:$0x3FAF] =	sst s0  }
0x18: {  	s0 =	sld [smem:$0x3F92];
	_ =	swait.ge [sflag:s4], $0x0  }
0x19: {  	s7 =	sld [smem:$0x3F93]  }
0x1a: {  	s8 =	sadd.s32 $0xFFFFE003, lr  }
0x1b: {  	s9 =	sadd.s32 $0xFFFFFEF7, lr;
	s5 =	simm.s32 $0xFFFFFFFF;
	p2 =	slt.u32 s8, $0xFFFFF086  }
0x1c: {  	p1 =	slt.u32 s9, $0xF7A;
	s5 =	simm.s32 @!p2 $0x0  }
0x1d: {  	s5 =	simm.s32 @p1 $0x1;
	p0 =	seq.s32 s7, s2  }
0x1e: {  	s7 =	smul.u32 @!p0 $0xF7A, s2;
	p2 =	seq.s32 @!p0 s5, $0x0  }
0x1f: {  	s9 =	smul.u32 $0xF7A, s1;
	s8 =	simm.s32 @!p0 $0x1BF5;
	p2 =	por !p2, p0  }
0x20: {  	[sflag:s8] =	ssyncset.s32 @!p0 $0xFFFFF086;
	s6 =	sadd.s32 @!p0 s3, s7;
	s7 =	simm.s32 @!p0 $0x108  }
0x21: {  	s3 =	sadd.s32 s3, s9;
	s6 =	sadd.s32 @!p0 $0x88, s6;
	s7 =	simm.s32 @p2 $0x1082  }
0x22: {  	[simem:s7], [sflag:s8] =	dma.local @!p0 [hbm:s6], $0xF7A  }
0x23: {  	s9 =	sor.u32 $0xD0000000, s2;
	s6 =	simm.s32 $0x108;
	_ =	swait.ge @!p0 [sflag:s8], $0x0  }
0x24: {  	s3 =	sadd.s32 $0x88, s3;
	s6 =	simm.s32 @!p1 $0x1082;
	[sflag:s4] =	ssyncset.s32 $0xFFFFF086  }
0x25: {  	[simem:s6], [sflag:s4] =	dma.local [hbm:s3], $0xF7A  }
0x26: {  	[smem:$0x3F93] =	sst s1;
	(tag) =	ssettag s2;
	_ =	strace s9  }
0x27: {  	s1 =	sld [smem:$0x3FA3]  }
0x28: {  	s2 =	sld [smem:$0x3FA4]  }
0x29: {  	s4 =	sld [smem:$0x3FA6]  }
0x2a: {  	p0 =	seq.s32 s5, $0x0;
	s5 =	sld [smem:$0x3FA7]  }
0x2b: {  	s6 =	sld [smem:$0x3FA8]  }
0x2c: {  	s7 =	sld [smem:$0x3FA9]  }
0x2d: {  	s3 =	simm.s32 $0x108;
	s8 =	sld [smem:$0x3FAA]  }
0x2e: {  	s3 =	simm.s32 @!p0 $0x1082;
	s9 =	sld [smem:$0x3FAB]  }
0x2f: {  	lr =	sadd.s32 s0, s3;
	s0 =	sld [smem:$0x3FA2]  }
0x30: {  	s3 =	sld [smem:$0x3FA5]  }
0x31: {  	[smem:$0x3FAE] =	sst s10  }
0x32: {  	s10 =	sld [smem:$0x3FAC];
	_ =	sdelay $0x3  }
0x33: {  	p0 =	seq.s32 s10, $0x1;
	s10 =	sld [smem:$0x3FAE];
	_ =	sdelay $0x3  }
0x34: {  	[smem:$0x3FAE] =	sst s10  }
0x35: {  	s10 =	sld [smem:$0x3FAD];
	_ =	sdelay $0x3  }
0x36: {  	p1 =	seq.s32 s10, $0x1;
	s10 =	sld [smem:$0x3FAE];
	_ =	sdelay $0x3  }
0x37: {  	[smem:$0x3FAE] =	sst s10  }
0x38: {  	s10 =	sld [smem:$0x3FAF]  }
0x39: {  	_ = 	snop;
	(pc) =	sbr.ind lr, $3  }
0x3a: {  	_ = 	snop  }
0x3b: {  	_ = 	snop  }
0x3c: {  	p2 =	seq.s32 s10, $0x1;
	s10 =	sld [smem:$0x3FAE]  }
0x3d: {  	_ =	shalt  }
0x3e: {  	_ =	shalt  }
0x3f: {  	_ =	shalt  }
0x40: {  	_ =	shalt  }
0x41: {  	_ =	shalt  }
0x42: {  	_ =	shalt  }
0x43: {  	_ =	shalt  }
0x44: {  	_ =	shalt  }
0x45: {  	_ =	shalt  }
0x46: {  	_ =	shalt  }
0x47: {  	_ =	shalt  }
0x48: {  	_ =	shalt  }
0x49: {  	_ =	shalt  }
0x4a: {  	_ =	shalt  }
0x4b: {  	_ =	shalt  }
0x4c: {  	_ =	shalt  }
0x4d: {  	_ =	shalt  }
0x4e: {  	_ =	shalt  }
0x4f: {  	_ =	shalt  }
0x50: {  	_ =	shalt  }
0x51: {  	_ =	shalt  }
0x52: {  	_ =	shalt  }
0x53: {  	_ =	shalt  }
0x54: {  	_ =	shalt  }
0x55: {  	_ =	shalt  }
0x56: {  	_ =	shalt  }
0x57: {  	_ =	shalt  }
0x58: {  	_ =	shalt  }
0x59: {  	_ =	shalt  }
0x5a: {  	_ =	shalt  }
0x5b: {  	_ =	shalt  }
0x5c: {  	_ =	shalt  }
0x5d: {  	_ =	shalt  }
0x5e: {  	_ =	shalt  }
0x5f: {  	_ =	shalt  }
0x60: {  	_ =	shalt  }
0x61: {  	_ =	shalt  }
0x62: {  	_ =	shalt  }
0x63: {  	_ =	shalt  }
0x64: {  	_ =	shalt  }
0x65: {  	_ =	shalt  }
0x66: {  	_ =	shalt  }
0x67: {  	_ =	shalt  }
0x68: {  	_ =	shalt  }
0x69: {  	_ =	shalt  }
0x6a: {  	_ =	shalt  }
0x6b: {  	_ =	shalt  }
0x6c: {  	_ =	shalt  }
0x6d: {  	_ =	shalt  }
0x6e: {  	_ =	shalt  }
0x6f: {  	_ =	shalt  }
0x70: {  	_ =	shalt  }
0x71: {  	_ =	shalt  }
0x72: {  	_ =	shalt  }
0x73: {  	_ =	shalt  }
0x74: {  	_ =	shalt  }
0x75: {  	_ =	shalt  }
0x76: {  	_ =	shalt  }
0x77: {  	_ =	shalt  }
0x78: {  	_ =	shalt  }
0x79: {  	_ =	shalt  }
0x7a: {  	_ =	shalt  }
0x7b: {  	_ =	shalt  }
0x7c: {  	_ =	shalt  }
0x7d: {  	_ =	shalt  }
0x7e: {  	_ =	shalt  }
0x7f: {  	_ =	shalt  }
0x80: {  	_ =	shalt  }
0x81: {  	_ =	shalt  }
0x82: {  	_ =	shalt  }
0x83: {  	_ =	shalt  }
0x84: {  	_ =	shalt  }
0x85: {  	_ =	shalt  }
0x86: {  	_ =	shalt  }
0x87: {  	_ =	shalt  }
.Lfunc_end0:
.L_simem_size_0:
called_computation.2_lowered:
.L_overlay_start_0:
0x88: {  	s2 =	sld [smem:$0x3FD9]  }
0x89: {  	s3 =	sld [smem:$0x3FFE];
	_ =	sdelay $0x1  }
0x8a: {  	s1 =	srdreg.scid  }
0x8b: {  	s0 =	sand.u32 $0x1, s1  }
0x8c: {  	s16 =	sshll.u32 s0, $0xA;
	s2 =	sadd.s32 s3, s2  }
0x8d: {  	s2 =	sadd.s32 s2, s16  }
0x8e: {  	[smem:$0x3FBA] =	sst s2  }
0x8f: {  	_ = 	snop  }
0x90: {  	(tm) =	ssettm $0x1  }
0x91: {  	s17 =	sld [smem:$0x3FFB];
	_ =	sdelay $0x3  }
0x92: {  	_ =	strace s17  }
0x93: {  	s2 =	sld [smem:$0x3FFC];
	_ =	sdelay $0x3  }
0x94: {  	_ =	strace s2  }
0x95: {  	s2 =	sld [smem:$0x3FFD];
	_ =	sdelay $0x3  }
0x96: {  	_ =	strace s2  }
0x97: {  	_ =	strace $0x8FFFFFFF  }
0x98: {  	s18 =	sld [smem:$0x3FDB];
	_ =	sdelay $0x1  }
0x99: {  	s19 =	simm.s32 $_scs_section_size  }
0x9a: {  	s4 =	simm.s32 $_size__tile_overlayer_lowered;
	s5 =	simm.s32 $_tile_overlayer_lowered  }
0x9b: {  	s22 =	simm.s32 $0x1BFF;
	s21 =	sshll.u32 s5, $0x1;
	s2 =	sadd.s32 s19, s18  }
0x9c: {  	s6 =	simm.s32 $0x0;
	s20 =	sshll.u32 s4, $0x1;
	s4 =	sadd.s32 s21, s2  }
0x9d: {  	[timem:s6], [sflag:s22] =	dma.local [hbm:s4], s20  }
0x9e: {  	_ =	swait.ge [sflag:s22], s20  }
0x9f: {  	s3 =	ssub.s32 $0x0, s20;
	[sflag:s22] =	ssyncset.done $0x0  }
0xa0: {  	[sflag:s22] =	ssyncadd.s32 s3;
	_ =	sdelay $0x1  }
0xa1: {  	s23 =	simm.s32 $0x1B8B  }
0xa2: {  	_ =	swait.ge [sflag:s23], $0x1  }
0xa3: {  	[sflag:s23] =	ssyncset.done $0x0  }
0xa4: {  	s25 =	simm.s32 $0x1B8E;
	s24 =	sld [smem:$0x3FFE];
	[sflag:s23] =	ssyncadd.s32 $0xFFFFFFFF  }
0xa5: {  	s26 =	simm.s32 $execute0_lowered;
	[smem:$0x3FD2] =	sst s25  }
0xa6: {  	s4 =	sshll.u32 s26, $0x1;
	_ =	strace $0x8000004C;
	[dreg:$0x1] =	wrdreg $0xFFFFFFFF  }
0xa7: {  	s28 =	simm.s32 $_size_execute0_lowered;
	s2 =	sadd.s32 s2, s4;
	[dreg:$0x0] =	wrdreg $0x0  }
0xa8: {  	s4 =	sshll.u32 s28, $0x1;
	[dreg:$0x2] =	wrdreg s2  }
0xa9: {  	[dreg:$0x3] =	wrdreg s4  }
0xaa: {  	[dreg:$0x4] =	wrdreg $0xC0  }
0xab: {  	_ =	task [dreg:s6], $0x5FFFF  }
0xac: {  	[dreg:$0x1] =	wrdreg $0xFFFFFFFF  }
0xad: {  	[dreg:$0x0] =	wrdreg $0x60  }
0xae: {  	[dreg:$0x2] =	wrdreg s24  }
0xaf: {  	[dreg:$0x3] =	wrdreg $0x0  }
0xb0: {  	[dreg:$0x4] =	wrdreg $0x9  }
0xb1: {  	_ =	task.clear_ibuf [dreg:s6], $0x5FFFF;
	_ =	strace $0x9000004C  }
0xb2: {  	s29 =	simm.s32 $0x9;
	_ =	strace $0x8000004E  }
0xb3: {  	_ =	swait.ge [sflag:s29], $0x1  }
0xb4: {  	[sflag:s29] =	ssyncadd.s32 $0xFFFFFFFF  }
0xb5: {  	_ =	strace $0x9000004E  }
0xb6: {  	_ =	sfence  }
0xb7: {  	s30 =	sld [smem:$0x0];
	_ =	sdelay $0x2  }
0xb8: {  	s31 =	sshll.u32 s1, $0xD;
	s1 =	sshrl.u32 s1, $0x2  }
0xb9: {  	s3 =	sand.u32 $0x4000, s31;
	s1 =	sadd.s32 s1, s30  }
0xba: {  	s0 =	sor.u32 s3, s0;
	s1 =	sshll.u32 s1, $0x11  }
0xbb: {  	s0 =	sor.u32 s1, s0  }
0xbc: {  	s0 =	sadd.s32 $0x8F2B, s0  }
0xbd: {  	[sflag:s0] =	ssyncadd.remote.s32 $0x1  }
0xbe: {  	_ =	sfence.sel $0xFFFF  }
0xbf: {  	[dreg:$0x0] =	wrdreg $0xFFFFFFFF;
	(pc) =	sbr.abs _section_cstart, $3  }
0xc0: {  	[dreg:$0x1] =	wrdreg $0xFFFFFFFF  }
0xc1: {  	_ =	task.clear_ibuf [dreg:s6], $0x2FFFF;
	_ =	strace $0x9FFFFFFF  }
0xc2: {  	(tm) =	ssettm $0x7FFFFFFF  }
0xc3: {  	_ =	shalt  }
tec
execute0_lowered:
.L_overlay_start_1:
0x0: {  	(tag) =	ssettag $0x1  }
0x1: {  	s0 =	srdreg.scid  }
0x2: {  	s1 =	rddreg [dreg:$0x0];
	s9 =	stileid.u32  }
0x3: {  	s2 =	rddreg [dreg:$0x1];
	s3 =	simm.s32 $0x0;
	s12 =	simm.s32 $0x9  }
0x4: {  	s14 =	simm.s32 $0x14200;
	s16 =	simm.s32 $0x14080;
	s5 =	smul.u32 $0x5000, s9  }
0x5: {  	s28 =	simm.s32 $0x8;
	s29 =	simm.s32 $0x7;
	s7 =	smul.u32 $0x280, s9  }
0x6: {  	s30 =	simm.s32 $0x2;
	s0 =	sand.u32 $0x1, s0;
	s22 =	smul.u32 $0x50000, s9  }
0x7: {  	s31 =	simm.s32 $0x18400;
	s18 =	simm.s32 $0x0;
	s4 =	smul.u32 $0x50000, s0  }
0x8: {  	[smem:$0x7FF] =	sst s3;
	s6 =	smul.u32 $0x2800, s0;
	s0 =	ssub.s32 $0x2, s0  }
0x9: {  	s23 =	sshll.u32 s9, $0x6;
	_ =	strace $0x8000004D;
	s8 =	sshrl.u32 s0, $0x1  }
0xa: {  	s5 =	sadd.s32 s5, s4;
	s4 =	sadd.s32 $0x2C800, s1;
	s6 =	sadd.s32 s7, s6  }
0xb: {  	s0 =	ssub.s32 s0, s8;
	s7 =	sshrl.u32 s22, $0x2;
	s5 =	sshrl.u32 s5, $0x3  }
0xc: {  	s6 =	sshll.u32 s6, $0x4;
	s24 =	sadd.s32 s7, s2;
	s0 =	smax.u32 s0, $0x1  }
0xd: {  	s5 =	sadd.s32 s5, s1;
	s1 =	sadd.s32 s6, s1;
	s6 =	sadd.s32 s4, s6  }
0xe: {  	[dreg:$0x5] =	wrdreg s0;
	s11 =	sshrl.u32 s24, $0x3;
	s24 =	simm.s32 $0x80  }
0xf: {  	s0 =	simm.s32 $0x14380;
	[dreg:$0x3] =	wrdreg s6;
	s6 =	sor.u32 $0x1C09, s23  }
.Ltmp0:
0x10: {  	s7 =	sadd.s32 $0x18800, s5;
	s1 =	sadd.s32 $0x144800, s1;
	(pc) =	sbr.rel .LBB2_1-.Ltmp0, $4  }
0x11: {  	s8 =	sadd.s32 $0x4800, s5;
	s23 =	simm.s32 $0x1;
	[dreg:$0x4] =	wrdreg s1  }
0x12: {  	s25 =	sadd.s32 $0x10, s7;
	s26 =	sadd.s32 $0x10, s8;
	s19 =	sadd.s32 $0x20, s7  }
0x13: {  	s21 =	sadd.s32 $0x20, s8;
	s1 =	simm.s32 $0x14180;
	[dreg:$0x6] =	wrdreg s25  }
0x14: {  	[dreg:$0x7] =	wrdreg s26;
	s25 =	simm.s32 $0x14400;
	s26 =	simm.s32 $0x5  }
.LBB2_8:
0x15: {  	_ =	swait.ge [sflag:s28], $0x4000  }
0x16: {  	[sflag:s28] =	ssyncset.done $0x0  }
0x17: {  	[sflag:s28] =	ssyncadd.s32 $0xFFFFC000  }
0x18: {  	_ =	swait.ge [sflag:s29], $0x4000  }
0x19: {  	[sflag:s29] =	ssyncset.done $0x0  }
0x1a: {  	[sflag:s29] =	ssyncadd.s32 $0xFFFFC000  }
0x1b: {  	[bflag:$0x0] =	sbarrier.arrive $0xFFFF  }
0x1c: {  	s5 =	rddreg [dreg:$0x4]  }
0x1d: {  	[hbm:s5], [sflag:s6] =	dma.local [spmem:s11], $0x2800  }
0x1e: {  	_ =	swait.ge [sflag:s12], $0x2800  }
0x1f: {  	s18 =	sadd.s32 $0x1, s18;
	s22 =	rddreg [dreg:$0x5]  }
0x20: {  	p0 =	sne.s32 s18, s22  }
.Ltmp1:
0x21: {  	_ = 	snop;
	(pc) =	sbr.rel @!p0 .LBB2_9-.Ltmp1, $3  }
0x22: {  	_ =	sdelay $0x1  }
0x23: {  	[sflag:s12] =	ssyncset.done $0x0  }
0x24: {  	[sflag:s12] =	ssyncadd.s32 $0xFFFFD800  }
.LBB2_1:
0x25: {  	s5 =	rddreg [dreg:$0x3]  }
0x26: {  	[spmem:s11], [sflag:s6] =	dma.local [hbm:s5], $0x2800  }
0x27: {  	_ =	swait.ge [sflag:s12], $0x2800  }
0x28: {  	[sflag:s12] =	ssyncset.done $0x0  }
0x29: {  	s15 =	simm.s32 $0x14000;
	[sflag:s12] =	ssyncadd.s32 $0xFFFFD800  }
0x2a: {  	[tilespmem:s15], [sflag:$0x1] =	stream.linear.gather [hbm4b:s7+s3], $0x80, $0x38;
	[tilespmem:$0x1C400] =	vst v63  }
0x2b: {  	_ = 	snop  }
0x2c: {  	[tilespmem:s14], [sflag:$0x1] =	stream.linear.gather [hbm4b:s8+s3], $0x80, $0x38;
	[tilespmem:$0x1C400] =	vst v63  }
0x2d: {  	s9 =	rddreg [dreg:$0x6]  }
0x2e: {  	[tilespmem:s16], [sflag:$0x2] =	stream.linear.gather [hbm4b:s9+s3], $0x80, $0x38;
	[tilespmem:$0x1C400] =	vst v63  }
0x2f: {  	s10 =	simm.s32 $0x14280;
	s17 =	rddreg [dreg:$0x7]  }
0x30: {  	[tilespmem:s10], [sflag:$0x2] =	stream.linear.gather [hbm4b:s17+s3], $0x80, $0x38;
	[tilespmem:$0x1C400] =	vst v63  }
0x31: {  	s20 =	simm.s32 $0x14100  }
0x32: {  	[tilespmem:s20], [sflag:$0x3] =	stream.linear.gather [hbm4b:s19+s3], $0x80, $0x38;
	[tilespmem:$0x1C400] =	vst v63  }
0x33: {  	s22 =	simm.s32 $0x14300  }
0x34: {  	[tilespmem:s22], [sflag:$0x3] =	stream.linear.gather [hbm4b:s21+s3], $0x80, $0x38;
	[tilespmem:$0x1C400] =	vst v63  }
0x35: {  	[bflag:$0x0] =	sbarrier.arrive $0xFFFF  }
0x36: {  	_ =	swait.ge [sflag:s23], $0x80  }
0x37: {  	[sflag:s23] =	ssyncset.done $0x0  }
.Ltmp2:
0x38: {  	[sflag:s23] =	ssyncadd.s32 $0xFFFFFF80;
	(pc) =	sbr.rel .LBB2_2-.Ltmp2, $4  }
0x39: {  	_ =	swait.ge [sflag:s23], $0x80  }
0x3a: {  	s5 =	simm.s32 $0x0;
	[sflag:s23] =	ssyncset.done $0x0  }
0x3b: {  	s20 =	simm.s32 $0x3;
	s22 =	simm.s32 $0x0;
	[sflag:s23] =	ssyncadd.s32 $0xFFFFFF80  }
0x3c: {  	[tilespmem:s25], [sflag:$0x5] =	stream.indirect.gather [hbm4b:s4+s24], $0x80, s15, s24, $0xb8;
	[tilespmem:$0x1C400] =	vst v63  }
.LBB2_4:
0x3d: {  	[tilespmem:s31], [sflag:$0x6] =	stream.indirect.gather [hbm4b:s4+s24], $0x80, s16, s24, $0xb8;
	[tilespmem:$0x1C400] =	vst v63  }
0x3e: {  	s9 =	simm.s32 $0x3  }
.LBB2_6:
0x3f: {  	s9 =	sshll.u32 s9, $0x4  }
0x40: {  	s13 =	sand.u32 $0xF80, s22;
	s9 =	sand.u32 $0x70, s9  }
0x41: {  	s9 =	sor.u32 s13, s9  }
0x42: {  	s13 =	sadd.s32 s7, s9  }
0x43: {  	[tilespmem:s1], [sflag:$0x4] =	stream.linear.gather [hbm4b:s13+s3], $0x80, $0x38;
	[tilespmem:$0x1C400] =	vst v63  }
0x44: {  	p0 =	por $0x1, $0x1;
	s9 =	sadd.s32 s8, s9  }
0x45: {  	[tilespmem:s0], [sflag:$0x4] =	stream.linear.gather [hbm4b:s9+s3], $0x80, $0x38;
	[tilespmem:$0x1C400] =	vst v63  }
.LBB2_7:
0x46: {  	_ =	swait.ge [sflag:s26], $0x4000  }
0x47: {  	p1 =	sgt.u32 s5, $0x26;
	[sflag:s26] =	ssyncset.done $0x0  }
0x48: {  	s9 =	simm.s32 @!p1 $0x3;
	[sflag:s26] =	ssyncadd.s32 $0xFFFFC000  }
0x49: {  	[spmem:s2] =	stream.indirect.scatter.add.f32 [tilespmem:s25], [sflag:$0x7], $0x80, s14, s24, $0xb8;
	[tilespmem:$0x1C400] =	vst v63  }
0x4a: {  	_ =	swait.ge @!p1 [sflag:s9], $0x80  }
0x4b: {  	[sflag:s9] =	ssyncset.done @!p1 $0x0  }
0x4c: {  	[sflag:s9] =	ssyncadd.s32 @!p1 $0xFFFFFF80  }
0x4d: {  	_ =	swait.ge @!p1 [sflag:s9], $0x80  }
0x4e: {  	[sflag:s9] =	ssyncset.done @!p1 $0x0  }
0x4f: {  	[sflag:s9] =	ssyncadd.s32 @!p1 $0xFFFFFF80;
	s9 =	simm.s32 @!p1 $0x7  }
0x50: {  	_ =	swait.ge @!p1 [sflag:s9], $0x4000  }
0x51: {  	s13 =	simm.s32 @!p1 $0x14100;
	[sflag:s9] =	ssyncset.done @!p1 $0x0  }
0x52: {  	s10 =	simm.s32 @!p1 $0x14400;
	[sflag:s9] =	ssyncadd.s32 @!p1 $0xFFFFC000;
	s9 =	simm.s32 @!p1 $0x80  }
0x53: {  	[tilespmem:s10], [sflag:$0x5] =	stream.indirect.gather @!p1 [hbm4b:s4+s9], $0x80, s13, s9, $0xb8;
	[tilespmem:$0x1C400] =	vst v63  }
0x54: {  	s13 =	sadd.s32 @!p1 s22, s7  }
0x55: {  	s15 =	simm.s32 @!p1 $0x0;
	s17 =	simm.s32 @!p1 $0x14000;
	s13 =	sadd.s32 @!p1 $0x40, s13  }
0x56: {  	[tilespmem:s17], [sflag:$0x1] =	stream.linear.gather @!p1 [hbm4b:s13+s15], $0x80, $0x38;
	[tilespmem:$0x1C400] =	vst v63  }
0x57: {  	s13 =	sadd.s32 @!p1 s22, s8  }
0x58: {  	s17 =	simm.s32 @!p1 $0x14200;
	s13 =	sadd.s32 @!p1 $0x40, s13  }
0x59: {  	[tilespmem:s17], [sflag:$0x1] =	stream.linear.gather @!p1 [hbm4b:s13+s15], $0x80, $0x38;
	[tilespmem:$0x1C400] =	vst v63  }
0x5a: {  	s13 =	simm.s32 @!p1 $0x6  }
0x5b: {  	_ =	swait.ge @!p1 [sflag:s13], $0x4000  }
0x5c: {  	p2 =	por !p0, p1;
	[sflag:s13] =	ssyncset.done @!p1 $0x0  }
0x5d: {  	s15 =	simm.s32 @!p1 $0x18400;
	[sflag:s13] =	ssyncadd.s32 @!p1 $0xFFFFC000;
	s13 =	simm.s32 @!p1 $0x14280  }
0x5e: {  	[spmem:s2] =	stream.indirect.scatter.add.f32 @!p1 [tilespmem:s15], [sflag:$0x8], $0x80, s13, s9, $0xb8;
	[tilespmem:$0x1C400] =	vst v63  }
0x5f: {  	s13 =	simm.s32 @!p2 $0x4  }
0x60: {  	_ =	swait.ge @!p2 [sflag:s13], $0x80  }
0x61: {  	[sflag:s13] =	ssyncset.done @!p2 $0x0  }
0x62: {  	[sflag:s13] =	ssyncadd.s32 @!p2 $0xFFFFFF80  }
0x63: {  	_ =	swait.ge @!p2 [sflag:s13], $0x80  }
0x64: {  	[sflag:s13] =	ssyncset.done @!p2 $0x0  }
0x65: {  	[sflag:s13] =	ssyncadd.s32 @!p2 $0xFFFFFF80;
	s13 =	simm.s32 @!p2 $0x8  }
0x66: {  	_ =	swait.ge @!p2 [sflag:s13], $0x4000  }
0x67: {  	s17 =	simm.s32 @!p2 $0x18400;
	[sflag:s13] =	ssyncset.done @!p2 $0x0  }
0x68: {  	s15 =	simm.s32 @!p2 $0x14180;
	[sflag:s13] =	ssyncadd.s32 @!p2 $0xFFFFC000;
	s13 =	simm.s32 @!p2 $0x80  }
0x69: {  	[tilespmem:s17], [sflag:$0x6] =	stream.indirect.gather @!p2 [hbm4b:s4+s13], $0x80, s15, s13, $0xb8;
	[tilespmem:$0x1C400] =	vst v63  }
0x6a: {  	p2 =	seq.s32 @!p1 s22, $0x980  }
0x6b: {  	p2 =	por p2, p1  }
0x6c: {  	s13 =	sadd.s32 @!p2 s22, s7  }
0x6d: {  	s15 =	simm.s32 @!p2 $0x0;
	s17 =	simm.s32 @!p2 $0x14080;
	s13 =	sadd.s32 @!p2 $0x50, s13  }
0x6e: {  	[tilespmem:s17], [sflag:$0x2] =	stream.linear.gather @!p2 [hbm4b:s13+s15], $0x80, $0x38;
	[tilespmem:$0x1C400] =	vst v63  }
0x6f: {  	s13 =	sadd.s32 @!p2 s22, s8  }
0x70: {  	s17 =	simm.s32 @!p2 $0x14280;
	s13 =	sadd.s32 @!p2 $0x50, s13  }
0x71: {  	[tilespmem:s17], [sflag:$0x2] =	stream.linear.gather @!p2 [hbm4b:s13+s15], $0x80, $0x38;
	[tilespmem:$0x1C400] =	vst v63  }
0x72: {  	s13 =	simm.s32 @!p1 $0x5  }
0x73: {  	_ =	swait.ge @!p1 [sflag:s13], $0x4000  }
0x74: {  	[sflag:s13] =	ssyncset.done @!p1 $0x0  }
0x75: {  	[sflag:s13] =	ssyncadd.s32 @!p1 $0xFFFFC000;
	s13 =	simm.s32 @!p1 $0x14300  }
0x76: {  	[spmem:s2] =	stream.indirect.scatter.add.f32 @!p1 [tilespmem:s10], [sflag:$0x7], $0x80, s13, s9, $0xb8;
	[tilespmem:$0x1C400] =	vst v63  }
0x77: {  	p1 =	seq.s32 @p0 s22, $0x9C0  }
0x78: {  	p2 =	por p1, !p0  }
0x79: {  	s9 =	simm.s32 @!p2 $0x1  }
0x7a: {  	_ =	swait.ge @!p2 [sflag:s9], $0x80  }
0x7b: {  	[sflag:s9] =	ssyncset.done @!p2 $0x0  }
0x7c: {  	[sflag:s9] =	ssyncadd.s32 @!p2 $0xFFFFFF80  }
0x7d: {  	_ =	swait.ge @!p2 [sflag:s9], $0x80  }
0x7e: {  	[sflag:s9] =	ssyncset.done @!p2 $0x0  }
0x7f: {  	[sflag:s9] =	ssyncadd.s32 @!p2 $0xFFFFFF80;
	s9 =	simm.s32 @!p2 $0x7  }
0x80: {  	_ =	swait.ge @!p2 [sflag:s9], $0x4000  }
0x81: {  	s10 =	simm.s32 @!p2 $0x14000;
	[sflag:s9] =	ssyncset.done @!p2 $0x0  }
0x82: {  	s13 =	simm.s32 @!p2 $0x14400;
	[sflag:s9] =	ssyncadd.s32 @!p2 $0xFFFFC000;
	s9 =	simm.s32 @!p2 $0x80  }
0x83: {  	[tilespmem:s13], [sflag:$0x5] =	stream.indirect.gather @!p2 [hbm4b:s4+s9], $0x80, s10, s9, $0xb8;
	[tilespmem:$0x1C400] =	vst v63  }
0x84: {  	p2 =	sgt.u32 @!p2 s5, $0x25  }
0x85: {  	p1 =	por @p0 p2, p1  }
0x86: {  	p1 =	por p1, !p0  }
0x87: {  	s9 =	sadd.s32 @!p1 s22, s7  }
0x88: {  	s10 =	simm.s32 @!p1 $0x0;
	s13 =	simm.s32 @!p1 $0x14100;
	s9 =	sadd.s32 @!p1 $0x60, s9  }
0x89: {  	[tilespmem:s13], [sflag:$0x3] =	stream.linear.gather @!p1 [hbm4b:s9+s10], $0x80, $0x38;
	[tilespmem:$0x1C400] =	vst v63  }
0x8a: {  	s9 =	sadd.s32 @!p1 s22, s8  }
0x8b: {  	s13 =	simm.s32 @!p1 $0x14300;
	s9 =	sadd.s32 @!p1 $0x60, s9  }
0x8c: {  	[tilespmem:s13], [sflag:$0x3] =	stream.linear.gather @!p1 [hbm4b:s9+s10], $0x80, $0x38;
	[tilespmem:$0x1C400] =	vst v63  }
0x8d: {  	s9 =	simm.s32 @p0 $0x6  }
0x8e: {  	_ =	swait.ge @p0 [sflag:s9], $0x4000  }
0x8f: {  	s22 =	sadd.s32 $0x40, s22;
	s10 =	simm.s32 @p0 $0x14380;
	[sflag:s9] =	ssyncset.done @p0 $0x0  }
0x90: {  	s13 =	simm.s32 @p0 $0x18400;
	[sflag:s9] =	ssyncadd.s32 @p0 $0xFFFFC000;
	s9 =	simm.s32 @p0 $0x80  }
0x91: {  	[spmem:s2] =	stream.indirect.scatter.add.f32 @p0 [tilespmem:s13], [sflag:$0x8], $0x80, s10, s9, $0xb8;
	[tilespmem:$0x1C400] =	vst v63  }
0x92: {  	p0 =	sne.s32 s22, $0xA00  }
.Ltmp3:
0x93: {  	_ = 	snop;
	(pc) =	sbr.rel @!p0 .LBB2_8-.Ltmp3, $2  }
0x94: {  	_ =	sdelay $0x2  }
0x95: {  	s20 =	sadd.s32 $0x4, s20;
	s5 =	sadd.s32 $0x1, s5  }
.LBB2_2:
0x96: {  	p1 =	seq.s32 s22, $0x9C0  }
.Ltmp4:
0x97: {  	_ = 	snop;
	(pc) =	sbr.rel @p1 .LBB2_7-.Ltmp4, $2  }
0x98: {  	_ =	sdelay $0x2  }
0x99: {  	p0 =	por $0x0, $0x0  }
0x9a: {  	_ =	swait.ge [sflag:s30], $0x80;
	p1 =	sne.s32 s22, $0x0  }
.Ltmp5:
0x9b: {  	[sflag:s30] =	ssyncset.done $0x0;
	(pc) =	sbr.rel @!p1 .LBB2_4-.Ltmp5, $4  }
0x9c: {  	[sflag:s30] =	ssyncadd.s32 $0xFFFFFF80  }
0x9d: {  	_ =	swait.ge [sflag:s30], $0x80  }
0x9e: {  	[sflag:s30] =	ssyncset.done $0x0  }
0x9f: {  	[sflag:s30] =	ssyncadd.s32 $0xFFFFFF80  }
0xa0: {  	p1 =	sgt.u32 s20, $0x9C  }
.Ltmp6:
0xa1: {  	_ = 	snop;
	(pc) =	sbr.rel @p1 .LBB2_7-.Ltmp6, $4  }
.Ltmp7:
0xa2: {  	_ =	swait.ge [sflag:s28], $0x4000;
	(pc) =	sbr.rel @!p1 .LBB2_6-.Ltmp7, $4  }
0xa3: {  	[sflag:s28] =	ssyncset.done $0x0  }
0xa4: {  	s9 =	smov.u32 s20;
	[sflag:s28] =	ssyncadd.s32 $0xFFFFC000  }
0xa5: {  	[tilespmem:s31], [sflag:$0x6] =	stream.indirect.gather [hbm4b:s4+s24], $0x80, s16, s24, $0xb8;
	[tilespmem:$0x1C400] =	vst v63  }
0xa6: {  	_ = 	snop  }
.LBB2_9:
0xa7: {  	_ =	sfence.sel $0x180000  }
0xa8: {  	[bflag:$0x0] =	sbarrier.arrive $0xFFFF  }
0xa9: {  	_ =	strace $0x9000004D  }
0xaa: {  	s0 =	stileid.u32;
	[bflag:$0x2] =	sbarrier.arrive $0xFFFF  }
0xab: {  	p0 =	sne.s32 s0, $0x0;
	s0 =	rddreg [dreg:$0x2]  }
0xac: {  	s0 =	sadd.s32 @!p0 $0x100000, s0  }
0xad: {  	[sflag:s0] =	ssyncadd.tile.s32 @!p0 $0x1;
	_ =	shalt  }
.Lfunc_end2:
_tile_overlayer_lowered:
.L_overlay_start_2:
0xae: {  	(tag) =	ssettag $0x2  }
0xaf: {  	s0 =	rddreg [dreg:$0x0];
	s2 =	stileid.u32  }
0xb0: {  	s1 =	rddreg [dreg:$0x1];
	p0 =	sne.s32 s2, $0x0  }
0xb1: {  	s3 =	rddreg [dreg:$0x2];
	[bflag:$0x3] =	sbarrier.arrive $0xFFFF;
	s2 =	simm.s32 @!p0 $0x1C09  }
0xb2: {  	[timem:s3], [sflag:s2] =	dma.local @!p0 [hbm:s0], s1  }
0xb3: {  	s0 =	simm.s32 @!p0 $0x9  }
0xb4: {  	_ =	swait.ge @!p0 [sflag:s0], s1  }
0xb5: {  	s1 =	ssub.s32 @!p0 $0x0, s1;
	[sflag:s0] =	ssyncset.done @!p0 $0x0  }
0xb6: {  	[sflag:s0] =	ssyncadd.s32 @!p0 s1  }
0xb7: {  	[bflag:$0x3] =	sbarrier.arrive $0xFFFF  }
0xb8: {  	_ =	shalt  }

// kernel: kernel.20.cloned.1.call-start
scs
__scs_entry_jumppad:
0x0: {  	(pc) =	sbr.rel $0x88, $3  }
0x1: {  	(tag) =	ssettag $0x0;
	lr =	simm.s32 $0x1  }
0x2: {  	[smem:$0x3F93] =	sst lr;
	_ =	strace $0xD0000000  }
0x3: {  	_ = 	snop  }
0x4: {  	_ = 	snop  }
0x5: {  	_ = 	snop  }
0x6: {  	_ = 	snop  }
0x7: {  	_ = 	snop  }
__scs_overlays_trampoline_lowered:
0x8: {  	[smem:$0x3FA2] =	sst s0  }
0x9: {  	[smem:$0x3FA3] =	sst s1  }
0xa: {  	[smem:$0x3FA4] =	sst s2  }
0xb: {  	[smem:$0x3FA5] =	sst s3  }
0xc: {  	[smem:$0x3FA6] =	sst s4  }
0xd: {  	[smem:$0x3FA7] =	sst s5  }
0xe: {  	[smem:$0x3FA8] =	sst s6  }
0xf: {  	[smem:$0x3FA9] =	sst s7  }
0x10: {  	[smem:$0x3FAA] =	sst s8  }
0x11: {  	[smem:$0x3FAB] =	sst s9;
	s0 =	simm.s32 @!p0 $0x0  }
0x12: {  	s1 =	sld [smem:$0x3F91];
	s0 =	simm.s32 @p0 $0x1  }
0x13: {  	[smem:$0x3FAC] =	sst s0;
	s0 =	simm.s32 @!p1 $0x0  }
0x14: {  	s2 =	sld [smem:$0x3F90];
	s0 =	simm.s32 @p1 $0x1  }
0x15: {  	[smem:$0x3FAD] =	sst s0;
	s0 =	simm.s32 @!p2 $0x0  }
0x16: {  	s3 =	sld [smem:$0x3FDB];
	s0 =	simm.s32 @p2 $0x1  }
0x17: {  	s4 =	simm.s32 $0x1BF5;
	[smem:$0x3FAF] =	sst s0  }
0x18: {  	s0 =	sld [smem:$0x3F92];
	_ =	swait.ge [sflag:s4], $0x0  }
0x19: {  	s7 =	sld [smem:$0x3F93]  }
0x1a: {  	s8 =	sadd.s32 $0xFFFFE003, lr  }
0x1b: {  	s9 =	sadd.s32 $0xFFFFFEF7, lr;
	s5 =	simm.s32 $0xFFFFFFFF;
	p2 =	slt.u32 s8, $0xFFFFF086  }
0x1c: {  	p1 =	slt.u32 s9, $0xF7A;
	s5 =	simm.s32 @!p2 $0x0  }
0x1d: {  	s5 =	simm.s32 @p1 $0x1;
	p0 =	seq.s32 s7, s2  }
0x1e: {  	s7 =	smul.u32 @!p0 $0xF7A, s2;
	p2 =	seq.s32 @!p0 s5, $0x0  }
0x1f: {  	s9 =	smul.u32 $0xF7A, s1;
	s8 =	simm.s32 @!p0 $0x1BF5;
	p2 =	por !p2, p0  }
0x20: {  	[sflag:s8] =	ssyncset.s32 @!p0 $0xFFFFF086;
	s6 =	sadd.s32 @!p0 s3, s7;
	s7 =	simm.s32 @!p0 $0x108  }
0x21: {  	s3 =	sadd.s32 s3, s9;
	s6 =	sadd.s32 @!p0 $0x88, s6;
	s7 =	simm.s32 @p2 $0x1082  }
0x22: {  	[simem:s7], [sflag:s8] =	dma.local @!p0 [hbm:s6], $0xF7A  }
0x23: {  	s9 =	sor.u32 $0xD0000000, s2;
	s6 =	simm.s32 $0x108;
	_ =	swait.ge @!p0 [sflag:s8], $0x0  }
0x24: {  	s3 =	sadd.s32 $0x88, s3;
	s6 =	simm.s32 @!p1 $0x1082;
	[sflag:s4] =	ssyncset.s32 $0xFFFFF086  }
0x25: {  	[simem:s6], [sflag:s4] =	dma.local [hbm:s3], $0xF7A  }
0x26: {  	[smem:$0x3F93] =	sst s1;
	(tag) =	ssettag s2;
	_ =	strace s9  }
0x27: {  	s1 =	sld [smem:$0x3FA3]  }
0x28: {  	s2 =	sld [smem:$0x3FA4]  }
0x29: {  	s4 =	sld [smem:$0x3FA6]  }
0x2a: {  	p0 =	seq.s32 s5, $0x0;
	s5 =	sld [smem:$0x3FA7]  }
0x2b: {  	s6 =	sld [smem:$0x3FA8]  }
0x2c: {  	s7 =	sld [smem:$0x3FA9]  }
0x2d: {  	s3 =	simm.s32 $0x108;
	s8 =	sld [smem:$0x3FAA]  }
0x2e: {  	s3 =	simm.s32 @!p0 $0x1082;
	s9 =	sld [smem:$0x3FAB]  }
0x2f: {  	lr =	sadd.s32 s0, s3;
	s0 =	sld [smem:$0x3FA2]  }
0x30: {  	s3 =	sld [smem:$0x3FA5]  }
0x31: {  	[smem:$0x3FAE] =	sst s10  }
0x32: {  	s10 =	sld [smem:$0x3FAC];
	_ =	sdelay $0x3  }
0x33: {  	p0 =	seq.s32 s10, $0x1;
	s10 =	sld [smem:$0x3FAE];
	_ =	sdelay $0x3  }
0x34: {  	[smem:$0x3FAE] =	sst s10  }
0x35: {  	s10 =	sld [smem:$0x3FAD];
	_ =	sdelay $0x3  }
0x36: {  	p1 =	seq.s32 s10, $0x1;
	s10 =	sld [smem:$0x3FAE];
	_ =	sdelay $0x3  }
0x37: {  	[smem:$0x3FAE] =	sst s10  }
0x38: {  	s10 =	sld [smem:$0x3FAF]  }
0x39: {  	_ = 	snop;
	(pc) =	sbr.ind lr, $3  }
0x3a: {  	_ = 	snop  }
0x3b: {  	_ = 	snop  }
0x3c: {  	p2 =	seq.s32 s10, $0x1;
	s10 =	sld [smem:$0x3FAE]  }
0x3d: {  	_ =	shalt  }
0x3e: {  	_ =	shalt  }
0x3f: {  	_ =	shalt  }
0x40: {  	_ =	shalt  }
0x41: {  	_ =	shalt  }
0x42: {  	_ =	shalt  }
0x43: {  	_ =	shalt  }
0x44: {  	_ =	shalt  }
0x45: {  	_ =	shalt  }
0x46: {  	_ =	shalt  }
0x47: {  	_ =	shalt  }
0x48: {  	_ =	shalt  }
0x49: {  	_ =	shalt  }
0x4a: {  	_ =	shalt  }
0x4b: {  	_ =	shalt  }
0x4c: {  	_ =	shalt  }
0x4d: {  	_ =	shalt  }
0x4e: {  	_ =	shalt  }
0x4f: {  	_ =	shalt  }
0x50: {  	_ =	shalt  }
0x51: {  	_ =	shalt  }
0x52: {  	_ =	shalt  }
0x53: {  	_ =	shalt  }
0x54: {  	_ =	shalt  }
0x55: {  	_ =	shalt  }
0x56: {  	_ =	shalt  }
0x57: {  	_ =	shalt  }
0x58: {  	_ =	shalt  }
0x59: {  	_ =	shalt  }
0x5a: {  	_ =	shalt  }
0x5b: {  	_ =	shalt  }
0x5c: {  	_ =	shalt  }
0x5d: {  	_ =	shalt  }
0x5e: {  	_ =	shalt  }
0x5f: {  	_ =	shalt  }
0x60: {  	_ =	shalt  }
0x61: {  	_ =	shalt  }
0x62: {  	_ =	shalt  }
0x63: {  	_ =	shalt  }
0x64: {  	_ =	shalt  }
0x65: {  	_ =	shalt  }
0x66: {  	_ =	shalt  }
0x67: {  	_ =	shalt  }
0x68: {  	_ =	shalt  }
0x69: {  	_ =	shalt  }
0x6a: {  	_ =	shalt  }
0x6b: {  	_ =	shalt  }
0x6c: {  	_ =	shalt  }
0x6d: {  	_ =	shalt  }
0x6e: {  	_ =	shalt  }
0x6f: {  	_ =	shalt  }
0x70: {  	_ =	shalt  }
0x71: {  	_ =	shalt  }
0x72: {  	_ =	shalt  }
0x73: {  	_ =	shalt  }
0x74: {  	_ =	shalt  }
0x75: {  	_ =	shalt  }
0x76: {  	_ =	shalt  }
0x77: {  	_ =	shalt  }
0x78: {  	_ =	shalt  }
0x79: {  	_ =	shalt  }
0x7a: {  	_ =	shalt  }
0x7b: {  	_ =	shalt  }
0x7c: {  	_ =	shalt  }
0x7d: {  	_ =	shalt  }
0x7e: {  	_ =	shalt  }
0x7f: {  	_ =	shalt  }
0x80: {  	_ =	shalt  }
0x81: {  	_ =	shalt  }
0x82: {  	_ =	shalt  }
0x83: {  	_ =	shalt  }
0x84: {  	_ =	shalt  }
0x85: {  	_ =	shalt  }
0x86: {  	_ =	shalt  }
0x87: {  	_ =	shalt  }
.Lfunc_end0:
.L_simem_size_0:
called_computation.3_lowered:
.L_overlay_start_0:
0x88: {  	s2 =	sld [smem:$0x3FD9]  }
0x89: {  	s3 =	sld [smem:$0x3FFE];
	_ =	sdelay $0x1  }
0x8a: {  	s1 =	srdreg.scid  }
0x8b: {  	s0 =	sand.u32 $0x1, s1  }
0x8c: {  	s16 =	sshll.u32 s0, $0xA;
	s2 =	sadd.s32 s3, s2  }
0x8d: {  	s2 =	sadd.s32 s2, s16  }
0x8e: {  	[smem:$0x3FBA] =	sst s2  }
0x8f: {  	_ = 	snop  }
0x90: {  	(tm) =	ssettm $0x1  }
0x91: {  	s17 =	sld [smem:$0x3FFB];
	_ =	sdelay $0x3  }
0x92: {  	_ =	strace s17  }
0x93: {  	s2 =	sld [smem:$0x3FFC];
	_ =	sdelay $0x3  }
0x94: {  	_ =	strace s2  }
0x95: {  	s2 =	sld [smem:$0x3FFD];
	_ =	sdelay $0x3  }
0x96: {  	_ =	strace s2  }
0x97: {  	_ =	strace $0x8FFFFFFF  }
0x98: {  	s18 =	sld [smem:$0x3FDB];
	_ =	sdelay $0x1  }
0x99: {  	s19 =	simm.s32 $_scs_section_size  }
0x9a: {  	s4 =	simm.s32 $_size__tile_overlayer_lowered;
	s5 =	simm.s32 $_tile_overlayer_lowered  }
0x9b: {  	s22 =	simm.s32 $0x1BFF;
	s21 =	sshll.u32 s5, $0x1;
	s2 =	sadd.s32 s19, s18  }
0x9c: {  	s6 =	simm.s32 $0x0;
	s20 =	sshll.u32 s4, $0x1;
	s4 =	sadd.s32 s21, s2  }
0x9d: {  	[timem:s6], [sflag:s22] =	dma.local [hbm:s4], s20  }
0x9e: {  	_ =	swait.ge [sflag:s22], s20  }
0x9f: {  	s3 =	ssub.s32 $0x0, s20;
	[sflag:s22] =	ssyncset.done $0x0  }
0xa0: {  	[sflag:s22] =	ssyncadd.s32 s3;
	_ =	sdelay $0x1  }
0xa1: {  	s23 =	simm.s32 $0x1B8B  }
0xa2: {  	_ =	swait.ge [sflag:s23], $0x1  }
0xa3: {  	[sflag:s23] =	ssyncset.done $0x0  }
0xa4: {  	s25 =	simm.s32 $0x1B8E;
	s24 =	sld [smem:$0x3FFE];
	[sflag:s23] =	ssyncadd.s32 $0xFFFFFFFF  }
0xa5: {  	s26 =	simm.s32 $execute0_lowered;
	[smem:$0x3FD2] =	sst s25  }
0xa6: {  	s4 =	sshll.u32 s26, $0x1;
	_ =	strace $0x8000004F;
	[dreg:$0x1] =	wrdreg $0xFFFFFFFF  }
0xa7: {  	s28 =	simm.s32 $_size_execute0_lowered;
	s2 =	sadd.s32 s2, s4;
	[dreg:$0x0] =	wrdreg $0x0  }
0xa8: {  	s4 =	sshll.u32 s28, $0x1;
	[dreg:$0x2] =	wrdreg s2  }
0xa9: {  	[dreg:$0x3] =	wrdreg s4  }
0xaa: {  	[dreg:$0x4] =	wrdreg $0xC0  }
0xab: {  	_ =	task [dreg:s6], $0x5FFFF  }
0xac: {  	[dreg:$0x1] =	wrdreg $0xFFFFFFFF  }
0xad: {  	[dreg:$0x0] =	wrdreg $0x60  }
0xae: {  	[dreg:$0x2] =	wrdreg s24  }
0xaf: {  	[dreg:$0x3] =	wrdreg $0x0  }
0xb0: {  	[dreg:$0x4] =	wrdreg $0x9  }
0xb1: {  	_ =	task.clear_ibuf [dreg:s6], $0x5FFFF;
	_ =	strace $0x9000004F  }
0xb2: {  	s29 =	simm.s32 $0x9;
	_ =	strace $0x80000051  }
0xb3: {  	_ =	swait.ge [sflag:s29], $0x1  }
0xb4: {  	[sflag:s29] =	ssyncadd.s32 $0xFFFFFFFF  }
0xb5: {  	_ =	strace $0x90000051  }
0xb6: {  	_ =	sfence  }
0xb7: {  	s30 =	sld [smem:$0x0];
	_ =	sdelay $0x2  }
0xb8: {  	s31 =	sshll.u32 s1, $0xD;
	s1 =	sshrl.u32 s1, $0x2  }
0xb9: {  	s3 =	sand.u32 $0x4000, s31;
	s1 =	sadd.s32 s1, s30  }
0xba: {  	s0 =	sor.u32 s3, s0;
	s1 =	sshll.u32 s1, $0x11  }
0xbb: {  	s0 =	sor.u32 s1, s0  }
0xbc: {  	s0 =	sadd.s32 $0x8F2B, s0  }
0xbd: {  	[sflag:s0] =	ssyncadd.remote.s32 $0x1  }
0xbe: {  	_ =	sfence.sel $0xFFFF  }
0xbf: {  	[dreg:$0x0] =	wrdreg $0xFFFFFFFF;
	(pc) =	sbr.abs _section_cstart, $3  }
0xc0: {  	[dreg:$0x1] =	wrdreg $0xFFFFFFFF  }
0xc1: {  	_ =	task.clear_ibuf [dreg:s6], $0x2FFFF;
	_ =	strace $0x9FFFFFFF  }
0xc2: {  	(tm) =	ssettm $0x7FFFFFFF  }
0xc3: {  	_ =	shalt  }
tec
execute0_lowered:
.L_overlay_start_1:
0x0: {  	(tag) =	ssettag $0x1  }
0x1: {  	s0 =	srdreg.scid  }
0x2: {  	s1 =	rddreg [dreg:$0x0];
	s9 =	stileid.u32  }
0x3: {  	s2 =	rddreg [dreg:$0x1];
	s3 =	simm.s32 $0x0;
	s12 =	simm.s32 $0x9  }
0x4: {  	s14 =	simm.s32 $0x14200;
	s16 =	simm.s32 $0x14080;
	s5 =	smul.u32 $0x5000, s9  }
0x5: {  	s28 =	simm.s32 $0x8;
	s29 =	simm.s32 $0x7;
	s7 =	smul.u32 $0x280, s9  }
0x6: {  	s30 =	simm.s32 $0x2;
	s0 =	sand.u32 $0x1, s0;
	s22 =	smul.u32 $0x50000, s9  }
0x7: {  	s31 =	simm.s32 $0x18400;
	s18 =	simm.s32 $0x0;
	s4 =	smul.u32 $0x50000, s0  }
0x8: {  	[smem:$0x7FF] =	sst s3;
	s6 =	smul.u32 $0x2800, s0;
	s0 =	ssub.s32 $0x2, s0  }
0x9: {  	s23 =	sshll.u32 s9, $0x6;
	_ =	strace $0x80000050;
	s8 =	sshrl.u32 s0, $0x1  }
0xa: {  	s5 =	sadd.s32 s5, s4;
	s4 =	sadd.s32 $0x2C800, s1;
	s6 =	sadd.s32 s7, s6  }
0xb: {  	s0 =	ssub.s32 s0, s8;
	s7 =	sshrl.u32 s22, $0x2;
	s5 =	sshrl.u32 s5, $0x3  }
0xc: {  	s6 =	sshll.u32 s6, $0x4;
	s24 =	sadd.s32 s7, s2;
	s0 =	smax.u32 s0, $0x1  }
0xd: {  	s5 =	sadd.s32 s5, s1;
	s1 =	sadd.s32 s6, s1;
	s6 =	sadd.s32 s4, s6  }
0xe: {  	[dreg:$0x5] =	wrdreg s0;
	s11 =	sshrl.u32 s24, $0x3;
	s24 =	simm.s32 $0x80  }
0xf: {  	s0 =	simm.s32 $0x14380;
	[dreg:$0x3] =	wrdreg s6;
	s6 =	sor.u32 $0x1C09, s23  }
.Ltmp0:
0x10: {  	s7 =	sadd.s32 $0x18800, s5;
	s1 =	sadd.s32 $0x7C800, s1;
	(pc) =	sbr.rel .LBB2_1-.Ltmp0, $4  }
0x11: {  	s8 =	sadd.s32 $0x4800, s5;
	s23 =	simm.s32 $0x1;
	[dreg:$0x4] =	wrdreg s1  }
0x12: {  	s25 =	sadd.s32 $0x10, s7;
	s26 =	sadd.s32 $0x10, s8;
	s19 =	sadd.s32 $0x20, s7  }
0x13: {  	s21 =	sadd.s32 $0x20, s8;
	s1 =	simm.s32 $0x14180;
	[dreg:$0x6] =	wrdreg s25  }
0x14: {  	[dreg:$0x7] =	wrdreg s26;
	s25 =	simm.s32 $0x14400;
	s26 =	simm.s32 $0x5  }
.LBB2_8:
0x15: {  	_ =	swait.ge [sflag:s28], $0x4000  }
0x16: {  	[sflag:s28] =	ssyncset.done $0x0  }
0x17: {  	[sflag:s28] =	ssyncadd.s32 $0xFFFFC000  }
0x18: {  	_ =	swait.ge [sflag:s29], $0x4000  }
0x19: {  	[sflag:s29] =	ssyncset.done $0x0  }
0x1a: {  	[sflag:s29] =	ssyncadd.s32 $0xFFFFC000  }
0x1b: {  	[bflag:$0x0] =	sbarrier.arrive $0xFFFF  }
0x1c: {  	s5 =	rddreg [dreg:$0x4]  }
0x1d: {  	[hbm:s5], [sflag:s6] =	dma.local [spmem:s11], $0x2800  }
0x1e: {  	_ =	swait.ge [sflag:s12], $0x2800  }
0x1f: {  	s18 =	sadd.s32 $0x1, s18;
	s22 =	rddreg [dreg:$0x5]  }
0x20: {  	p0 =	sne.s32 s18, s22  }
.Ltmp1:
0x21: {  	_ = 	snop;
	(pc) =	sbr.rel @!p0 .LBB2_9-.Ltmp1, $3  }
0x22: {  	_ =	sdelay $0x1  }
0x23: {  	[sflag:s12] =	ssyncset.done $0x0  }
0x24: {  	[sflag:s12] =	ssyncadd.s32 $0xFFFFD800  }
.LBB2_1:
0x25: {  	s5 =	rddreg [dreg:$0x3]  }
0x26: {  	[spmem:s11], [sflag:s6] =	dma.local [hbm:s5], $0x2800  }
0x27: {  	_ =	swait.ge [sflag:s12], $0x2800  }
0x28: {  	[sflag:s12] =	ssyncset.done $0x0  }
0x29: {  	s15 =	simm.s32 $0x14000;
	[sflag:s12] =	ssyncadd.s32 $0xFFFFD800  }
0x2a: {  	[tilespmem:s15], [sflag:$0x1] =	stream.linear.gather [hbm4b:s7+s3], $0x80, $0x38;
	[tilespmem:$0x1C400] =	vst v63  }
0x2b: {  	_ = 	snop  }
0x2c: {  	[tilespmem:s14], [sflag:$0x1] =	stream.linear.gather [hbm4b:s8+s3], $0x80, $0x38;
	[tilespmem:$0x1C400] =	vst v63  }
0x2d: {  	s9 =	rddreg [dreg:$0x6]  }
0x2e: {  	[tilespmem:s16], [sflag:$0x2] =	stream.linear.gather [hbm4b:s9+s3], $0x80, $0x38;
	[tilespmem:$0x1C400] =	vst v63  }
0x2f: {  	s10 =	simm.s32 $0x14280;
	s17 =	rddreg [dreg:$0x7]  }
0x30: {  	[tilespmem:s10], [sflag:$0x2] =	stream.linear.gather [hbm4b:s17+s3], $0x80, $0x38;
	[tilespmem:$0x1C400] =	vst v63  }
0x31: {  	s20 =	simm.s32 $0x14100  }
0x32: {  	[tilespmem:s20], [sflag:$0x3] =	stream.linear.gather [hbm4b:s19+s3], $0x80, $0x38;
	[tilespmem:$0x1C400] =	vst v63  }
0x33: {  	s22 =	simm.s32 $0x14300  }
0x34: {  	[tilespmem:s22], [sflag:$0x3] =	stream.linear.gather [hbm4b:s21+s3], $0x80, $0x38;
	[tilespmem:$0x1C400] =	vst v63  }
0x35: {  	[bflag:$0x0] =	sbarrier.arrive $0xFFFF  }
0x36: {  	_ =	swait.ge [sflag:s23], $0x80  }
0x37: {  	[sflag:s23] =	ssyncset.done $0x0  }
.Ltmp2:
0x38: {  	[sflag:s23] =	ssyncadd.s32 $0xFFFFFF80;
	(pc) =	sbr.rel .LBB2_2-.Ltmp2, $4  }
0x39: {  	_ =	swait.ge [sflag:s23], $0x80  }
0x3a: {  	s5 =	simm.s32 $0x0;
	[sflag:s23] =	ssyncset.done $0x0  }
0x3b: {  	s20 =	simm.s32 $0x3;
	s22 =	simm.s32 $0x0;
	[sflag:s23] =	ssyncadd.s32 $0xFFFFFF80  }
0x3c: {  	[tilespmem:s25], [sflag:$0x5] =	stream.indirect.gather [hbm4b:s4+s24], $0x80, s15, s24, $0xb8;
	[tilespmem:$0x1C400] =	vst v63  }
.LBB2_4:
0x3d: {  	[tilespmem:s31], [sflag:$0x6] =	stream.indirect.gather [hbm4b:s4+s24], $0x80, s16, s24, $0xb8;
	[tilespmem:$0x1C400] =	vst v63  }
0x3e: {  	s9 =	simm.s32 $0x3  }
.LBB2_6:
0x3f: {  	s9 =	sshll.u32 s9, $0x4  }
0x40: {  	s13 =	sand.u32 $0xF80, s22;
	s9 =	sand.u32 $0x70, s9  }
0x41: {  	s9 =	sor.u32 s13, s9  }
0x42: {  	s13 =	sadd.s32 s7, s9  }
0x43: {  	[tilespmem:s1], [sflag:$0x4] =	stream.linear.gather [hbm4b:s13+s3], $0x80, $0x38;
	[tilespmem:$0x1C400] =	vst v63  }
0x44: {  	p0 =	por $0x1, $0x1;
	s9 =	sadd.s32 s8, s9  }
0x45: {  	[tilespmem:s0], [sflag:$0x4] =	stream.linear.gather [hbm4b:s9+s3], $0x80, $0x38;
	[tilespmem:$0x1C400] =	vst v63  }
.LBB2_7:
0x46: {  	_ =	swait.ge [sflag:s26], $0x4000  }
0x47: {  	p1 =	sgt.u32 s5, $0x26;
	[sflag:s26] =	ssyncset.done $0x0  }
0x48: {  	s9 =	simm.s32 @!p1 $0x3;
	[sflag:s26] =	ssyncadd.s32 $0xFFFFC000  }
0x49: {  	[spmem:s2] =	stream.indirect.scatter.add.f32 [tilespmem:s25], [sflag:$0x7], $0x80, s14, s24, $0xb8;
	[tilespmem:$0x1C400] =	vst v63  }
0x4a: {  	_ =	swait.ge @!p1 [sflag:s9], $0x80  }
0x4b: {  	[sflag:s9] =	ssyncset.done @!p1 $0x0  }
0x4c: {  	[sflag:s9] =	ssyncadd.s32 @!p1 $0xFFFFFF80  }
0x4d: {  	_ =	swait.ge @!p1 [sflag:s9], $0x80  }
0x4e: {  	[sflag:s9] =	ssyncset.done @!p1 $0x0  }
0x4f: {  	[sflag:s9] =	ssyncadd.s32 @!p1 $0xFFFFFF80;
	s9 =	simm.s32 @!p1 $0x7  }
0x50: {  	_ =	swait.ge @!p1 [sflag:s9], $0x4000  }
0x51: {  	s13 =	simm.s32 @!p1 $0x14100;
	[sflag:s9] =	ssyncset.done @!p1 $0x0  }
0x52: {  	s10 =	simm.s32 @!p1 $0x14400;
	[sflag:s9] =	ssyncadd.s32 @!p1 $0xFFFFC000;
	s9 =	simm.s32 @!p1 $0x80  }
0x53: {  	[tilespmem:s10], [sflag:$0x5] =	stream.indirect.gather @!p1 [hbm4b:s4+s9], $0x80, s13, s9, $0xb8;
	[tilespmem:$0x1C400] =	vst v63  }
0x54: {  	s13 =	sadd.s32 @!p1 s22, s7  }
0x55: {  	s15 =	simm.s32 @!p1 $0x0;
	s17 =	simm.s32 @!p1 $0x14000;
	s13 =	sadd.s32 @!p1 $0x40, s13  }
0x56: {  	[tilespmem:s17], [sflag:$0x1] =	stream.linear.gather @!p1 [hbm4b:s13+s15], $0x80, $0x38;
	[tilespmem:$0x1C400] =	vst v63  }
0x57: {  	s13 =	sadd.s32 @!p1 s22, s8  }
0x58: {  	s17 =	simm.s32 @!p1 $0x14200;
	s13 =	sadd.s32 @!p1 $0x40, s13  }
0x59: {  	[tilespmem:s17], [sflag:$0x1] =	stream.linear.gather @!p1 [hbm4b:s13+s15], $0x80, $0x38;
	[tilespmem:$0x1C400] =	vst v63  }
0x5a: {  	s13 =	simm.s32 @!p1 $0x6  }
0x5b: {  	_ =	swait.ge @!p1 [sflag:s13], $0x4000  }
0x5c: {  	p2 =	por !p0, p1;
	[sflag:s13] =	ssyncset.done @!p1 $0x0  }
0x5d: {  	s15 =	simm.s32 @!p1 $0x18400;
	[sflag:s13] =	ssyncadd.s32 @!p1 $0xFFFFC000;
	s13 =	simm.s32 @!p1 $0x14280  }
0x5e: {  	[spmem:s2] =	stream.indirect.scatter.add.f32 @!p1 [tilespmem:s15], [sflag:$0x8], $0x80, s13, s9, $0xb8;
	[tilespmem:$0x1C400] =	vst v63  }
0x5f: {  	s13 =	simm.s32 @!p2 $0x4  }
0x60: {  	_ =	swait.ge @!p2 [sflag:s13], $0x80  }
0x61: {  	[sflag:s13] =	ssyncset.done @!p2 $0x0  }
0x62: {  	[sflag:s13] =	ssyncadd.s32 @!p2 $0xFFFFFF80  }
0x63: {  	_ =	swait.ge @!p2 [sflag:s13], $0x80  }
0x64: {  	[sflag:s13] =	ssyncset.done @!p2 $0x0  }
0x65: {  	[sflag:s13] =	ssyncadd.s32 @!p2 $0xFFFFFF80;
	s13 =	simm.s32 @!p2 $0x8  }
0x66: {  	_ =	swait.ge @!p2 [sflag:s13], $0x4000  }
0x67: {  	s17 =	simm.s32 @!p2 $0x18400;
	[sflag:s13] =	ssyncset.done @!p2 $0x0  }
0x68: {  	s15 =	simm.s32 @!p2 $0x14180;
	[sflag:s13] =	ssyncadd.s32 @!p2 $0xFFFFC000;
	s13 =	simm.s32 @!p2 $0x80  }
0x69: {  	[tilespmem:s17], [sflag:$0x6] =	stream.indirect.gather @!p2 [hbm4b:s4+s13], $0x80, s15, s13, $0xb8;
	[tilespmem:$0x1C400] =	vst v63  }
0x6a: {  	p2 =	seq.s32 @!p1 s22, $0x980  }
0x6b: {  	p2 =	por p2, p1  }
0x6c: {  	s13 =	sadd.s32 @!p2 s22, s7  }
0x6d: {  	s15 =	simm.s32 @!p2 $0x0;
	s17 =	simm.s32 @!p2 $0x14080;
	s13 =	sadd.s32 @!p2 $0x50, s13  }
0x6e: {  	[tilespmem:s17], [sflag:$0x2] =	stream.linear.gather @!p2 [hbm4b:s13+s15], $0x80, $0x38;
	[tilespmem:$0x1C400] =	vst v63  }
0x6f: {  	s13 =	sadd.s32 @!p2 s22, s8  }
0x70: {  	s17 =	simm.s32 @!p2 $0x14280;
	s13 =	sadd.s32 @!p2 $0x50, s13  }
0x71: {  	[tilespmem:s17], [sflag:$0x2] =	stream.linear.gather @!p2 [hbm4b:s13+s15], $0x80, $0x38;
	[tilespmem:$0x1C400] =	vst v63  }
0x72: {  	s13 =	simm.s32 @!p1 $0x5  }
0x73: {  	_ =	swait.ge @!p1 [sflag:s13], $0x4000  }
0x74: {  	[sflag:s13] =	ssyncset.done @!p1 $0x0  }
0x75: {  	[sflag:s13] =	ssyncadd.s32 @!p1 $0xFFFFC000;
	s13 =	simm.s32 @!p1 $0x14300  }
0x76: {  	[spmem:s2] =	stream.indirect.scatter.add.f32 @!p1 [tilespmem:s10], [sflag:$0x7], $0x80, s13, s9, $0xb8;
	[tilespmem:$0x1C400] =	vst v63  }
0x77: {  	p1 =	seq.s32 @p0 s22, $0x9C0  }
0x78: {  	p2 =	por p1, !p0  }
0x79: {  	s9 =	simm.s32 @!p2 $0x1  }
0x7a: {  	_ =	swait.ge @!p2 [sflag:s9], $0x80  }
0x7b: {  	[sflag:s9] =	ssyncset.done @!p2 $0x0  }
0x7c: {  	[sflag:s9] =	ssyncadd.s32 @!p2 $0xFFFFFF80  }
0x7d: {  	_ =	swait.ge @!p2 [sflag:s9], $0x80  }
0x7e: {  	[sflag:s9] =	ssyncset.done @!p2 $0x0  }
0x7f: {  	[sflag:s9] =	ssyncadd.s32 @!p2 $0xFFFFFF80;
	s9 =	simm.s32 @!p2 $0x7  }
0x80: {  	_ =	swait.ge @!p2 [sflag:s9], $0x4000  }
0x81: {  	s10 =	simm.s32 @!p2 $0x14000;
	[sflag:s9] =	ssyncset.done @!p2 $0x0  }
0x82: {  	s13 =	simm.s32 @!p2 $0x14400;
	[sflag:s9] =	ssyncadd.s32 @!p2 $0xFFFFC000;
	s9 =	simm.s32 @!p2 $0x80  }
0x83: {  	[tilespmem:s13], [sflag:$0x5] =	stream.indirect.gather @!p2 [hbm4b:s4+s9], $0x80, s10, s9, $0xb8;
	[tilespmem:$0x1C400] =	vst v63  }
0x84: {  	p2 =	sgt.u32 @!p2 s5, $0x25  }
0x85: {  	p1 =	por @p0 p2, p1  }
0x86: {  	p1 =	por p1, !p0  }
0x87: {  	s9 =	sadd.s32 @!p1 s22, s7  }
0x88: {  	s10 =	simm.s32 @!p1 $0x0;
	s13 =	simm.s32 @!p1 $0x14100;
	s9 =	sadd.s32 @!p1 $0x60, s9  }
0x89: {  	[tilespmem:s13], [sflag:$0x3] =	stream.linear.gather @!p1 [hbm4b:s9+s10], $0x80, $0x38;
	[tilespmem:$0x1C400] =	vst v63  }
0x8a: {  	s9 =	sadd.s32 @!p1 s22, s8  }
0x8b: {  	s13 =	simm.s32 @!p1 $0x14300;
	s9 =	sadd.s32 @!p1 $0x60, s9  }
0x8c: {  	[tilespmem:s13], [sflag:$0x3] =	stream.linear.gather @!p1 [hbm4b:s9+s10], $0x80, $0x38;
	[tilespmem:$0x1C400] =	vst v63  }
0x8d: {  	s9 =	simm.s32 @p0 $0x6  }
0x8e: {  	_ =	swait.ge @p0 [sflag:s9], $0x4000  }
0x8f: {  	s22 =	sadd.s32 $0x40, s22;
	s10 =	simm.s32 @p0 $0x14380;
	[sflag:s9] =	ssyncset.done @p0 $0x0  }
0x90: {  	s13 =	simm.s32 @p0 $0x18400;
	[sflag:s9] =	ssyncadd.s32 @p0 $0xFFFFC000;
	s9 =	simm.s32 @p0 $0x80  }
0x91: {  	[spmem:s2] =	stream.indirect.scatter.add.f32 @p0 [tilespmem:s13], [sflag:$0x8], $0x80, s10, s9, $0xb8;
	[tilespmem:$0x1C400] =	vst v63  }
0x92: {  	p0 =	sne.s32 s22, $0xA00  }
.Ltmp3:
0x93: {  	_ = 	snop;
	(pc) =	sbr.rel @!p0 .LBB2_8-.Ltmp3, $2  }
0x94: {  	_ =	sdelay $0x2  }
0x95: {  	s20 =	sadd.s32 $0x4, s20;
	s5 =	sadd.s32 $0x1, s5  }
.LBB2_2:
0x96: {  	p1 =	seq.s32 s22, $0x9C0  }
.Ltmp4:
0x97: {  	_ = 	snop;
	(pc) =	sbr.rel @p1 .LBB2_7-.Ltmp4, $2  }
0x98: {  	_ =	sdelay $0x2  }
0x99: {  	p0 =	por $0x0, $0x0  }
0x9a: {  	_ =	swait.ge [sflag:s30], $0x80;
	p1 =	sne.s32 s22, $0x0  }
.Ltmp5:
0x9b: {  	[sflag:s30] =	ssyncset.done $0x0;
	(pc) =	sbr.rel @!p1 .LBB2_4-.Ltmp5, $4  }
0x9c: {  	[sflag:s30] =	ssyncadd.s32 $0xFFFFFF80  }
0x9d: {  	_ =	swait.ge [sflag:s30], $0x80  }
0x9e: {  	[sflag:s30] =	ssyncset.done $0x0  }
0x9f: {  	[sflag:s30] =	ssyncadd.s32 $0xFFFFFF80  }
0xa0: {  	p1 =	sgt.u32 s20, $0x9C  }
.Ltmp6:
0xa1: {  	_ = 	snop;
	(pc) =	sbr.rel @p1 .LBB2_7-.Ltmp6, $4  }
.Ltmp7:
0xa2: {  	_ =	swait.ge [sflag:s28], $0x4000;
	(pc) =	sbr.rel @!p1 .LBB2_6-.Ltmp7, $4  }
0xa3: {  	[sflag:s28] =	ssyncset.done $0x0  }
0xa4: {  	s9 =	smov.u32 s20;
	[sflag:s28] =	ssyncadd.s32 $0xFFFFC000  }
0xa5: {  	[tilespmem:s31], [sflag:$0x6] =	stream.indirect.gather [hbm4b:s4+s24], $0x80, s16, s24, $0xb8;
	[tilespmem:$0x1C400] =	vst v63  }
0xa6: {  	_ = 	snop  }
.LBB2_9:
0xa7: {  	_ =	sfence.sel $0x180000  }
0xa8: {  	[bflag:$0x0] =	sbarrier.arrive $0xFFFF  }
0xa9: {  	_ =	strace $0x90000050  }
0xaa: {  	s0 =	stileid.u32;
	[bflag:$0x2] =	sbarrier.arrive $0xFFFF  }
0xab: {  	p0 =	sne.s32 s0, $0x0;
	s0 =	rddreg [dreg:$0x2]  }
0xac: {  	s0 =	sadd.s32 @!p0 $0x100000, s0  }
0xad: {  	[sflag:s0] =	ssyncadd.tile.s32 @!p0 $0x1;
	_ =	shalt  }
.Lfunc_end2:
_tile_overlayer_lowered:
.L_overlay_start_2:
0xae: {  	(tag) =	ssettag $0x2  }
0xaf: {  	s0 =	rddreg [dreg:$0x0];
	s2 =	stileid.u32  }
0xb0: {  	s1 =	rddreg [dreg:$0x1];
	p0 =	sne.s32 s2, $0x0  }
0xb1: {  	s3 =	rddreg [dreg:$0x2];
	[bflag:$0x3] =	sbarrier.arrive $0xFFFF;
	s2 =	simm.s32 @!p0 $0x1C09  }
0xb2: {  	[timem:s3], [sflag:s2] =	dma.local @!p0 [hbm:s0], s1  }
0xb3: {  	s0 =	simm.s32 @!p0 $0x9  }
0xb4: {  	_ =	swait.ge @!p0 [sflag:s0], s1  }
0xb5: {  	s1 =	ssub.s32 @!p0 $0x0, s1;
	[sflag:s0] =	ssyncset.done @!p0 $0x0  }
0xb6: {  	[sflag:s0] =	ssyncadd.s32 @!p0 s1  }
0xb7: {  	[bflag:$0x3] =	sbarrier.arrive $0xFFFF  }
0xb8: {  	_ =	shalt  }

</sc_bundles>
